<compile_context>
chip_gen: v7x
topology: tpu7x:2x2x1
jax: 0.10.2.dev20260603
libtpu: 0.0.44.dev20260713+nightly
codegen_flags: <defaults>
</compile_context>

<pallas_src>
import functools

import jax
import jax.numpy as jnp
from jax import lax
from jax.experimental import pallas as pl
from jax.experimental.pallas import tpu as pltpu
from jax.experimental.pallas import tpu_sc as plsc

N = 10000
NP = 10240
E = 160000
CHUNK = 128
CCNT = 128
NSUB = 16
CPS = 80
EPSC = NSUB * CPS * CHUNK
RPS = NP // NSUB
BM = 512
NBLK = NP // BM


def _make_sc_segsum():
    scratch = [
        pltpu.VMEM((1, CHUNK), jnp.int32),
        pltpu.VMEM((1, CHUNK), jnp.int32),
        pltpu.VMEM((CHUNK, 128), jnp.float32),
        pltpu.VMEM_SHARED((NP, 128), jnp.float32),
        pltpu.SemaphoreType.DMA,
    ]
    mesh = plsc.VectorSubcoreMesh(core_axis_name="c", subcore_axis_name="s")

    def body(src2, dst2, h, zrows, agg_out, sv, dv, rows, acc, sem):
        c = lax.axis_index("c")
        s = lax.axis_index("s")
        base = s * RPS
        pltpu.sync_copy(zrows.at[pl.ds(0, CHUNK)], rows)
        for k in range(RPS // CHUNK):
            pltpu.sync_copy(rows, acc.at[pl.ds(base + k * CHUNK, CHUNK)])
        plsc.subcore_barrier()

        nreal = EPSC // CHUNK - (EPSC - E) // CHUNK
        lo = (nreal * s) // NSUB
        hi = (nreal * (s + 1)) // NSUB

        def step(q, carry):
            r = c * (NSUB * CPS) + q
            pltpu.sync_copy(src2.at[r], sv)
            pltpu.sync_copy(dst2.at[r], dv)
            pltpu.async_copy(h.at[sv.at[0]], rows, sem).wait()
            pltpu.sync_copy(rows, acc.at[dv.at[0]], add=True)
            return carry

        lax.fori_loop(lo, hi, step, 0)
        plsc.subcore_barrier()

        for k in range(RPS // CHUNK):
            pltpu.sync_copy(acc.at[pl.ds(base + k * CHUNK, CHUNK)], rows)
            pltpu.sync_copy(rows, agg_out.at[pl.ds(c * NP + base + k * CHUNK, CHUNK)])

    return functools.partial(
        pl.kernel, mesh=mesh,
        out_type=jax.ShapeDtypeStruct((2 * NP, 128), jnp.float32),
        scratch_types=scratch,
    )(body)


CCPS = EPSC // CCNT // NSUB


def _make_sc_count():
    scratch = [
        pltpu.VMEM((CCPS, 1, CCNT), jnp.int32),
        pltpu.VMEM((CCNT, 128), jnp.float32),
        pltpu.VMEM_SHARED((NP, 128), jnp.float32),
        pltpu.SemaphoreType.DMA,
    ]
    mesh = plsc.VectorSubcoreMesh(core_axis_name="c", subcore_axis_name="s")

    def body(dst2, zrows, ones, cnt_out, dv, rows, acc, sem_s):
        c = lax.axis_index("c")
        s = lax.axis_index("s")
        base = s * RPS
        pltpu.sync_copy(dst2.at[pl.ds((c * NSUB + s) * CCPS, CCPS)], dv)
        pltpu.sync_copy(zrows.at[pl.ds(0, CCNT)], rows)
        for k in range(RPS // CCNT):
            pltpu.sync_copy(rows, acc.at[pl.ds(base + k * CCNT, CCNT)])
        pltpu.sync_copy(ones, rows)
        plsc.subcore_barrier()

        FIRE = 8

        def step(t, carry):
            for j in range(FIRE):
                pltpu.make_async_copy(rows, acc.at[dv.at[FIRE * t + j, 0]],
                                      sem_s).start(add=True)
            for j in range(FIRE):
                pltpu.make_async_copy(rows, acc.at[pl.ds(0, CCNT)], sem_s).wait()
            return carry

        lax.fori_loop(0, CCPS // FIRE, step, 0)
        plsc.subcore_barrier()

        for k in range(RPS // CCNT):
            pltpu.sync_copy(acc.at[pl.ds(base + k * CCNT, CCNT)], rows)
            pltpu.sync_copy(rows, cnt_out.at[pl.ds(c * NP + base + k * CCNT, CCNT)])

    return functools.partial(
        pl.kernel, mesh=mesh,
        out_type=jax.ShapeDtypeStruct((2 * NP, 128), jnp.float32),
        scratch_types=scratch,
    )(body)


@functools.lru_cache(maxsize=None)
def _sc_segsum():
    return _make_sc_segsum()


@functools.lru_cache(maxsize=None)
def _sc_count():
    return _make_sc_count()


def _tc_first_body(x_ref, w_ref, b_ref, h_ref, z_ref, *, O):
    x = x_ref[...]
    y = jnp.dot(x, w_ref[0], preferred_element_type=jnp.float32)
    h_ref[...] = y[:, :O]
    z_ref[...] = y[:, O:] + b_ref[0]


def _tc_mid_body(agg_ref, cnt_ref, zin_ref, w_ref, b_ref, h_ref, z_ref, *, O, HW):
    cnt = jnp.maximum(cnt_ref[...][:, 0:1], 1.0)
    x = jnp.maximum(agg_ref[...][:, :zin_ref.shape[1]] / cnt + zin_ref[...], 0.0)
    y = jnp.dot(x, w_ref[0], preferred_element_type=jnp.float32)
    h_ref[...] = y if HW == 2 * O else y[:, :O]
    z_ref[...] = y[:, O:] + b_ref[0]


def _tc_final_body(agg_ref, cnt_ref, zin_ref, out_ref):
    cnt = jnp.maximum(cnt_ref[...][:, 0:1], 1.0)
    out_ref[...] = agg_ref[...][:, :zin_ref.shape[1]] / cnt + zin_ref[...]


def _rows_spec(width):
    return pl.BlockSpec((BM, width), lambda i: (i, 0))


def _tc_first(X, W, b, O):
    return pl.pallas_call(
        functools.partial(_tc_first_body, O=O),
        grid=(2 * NP // BM,),
        in_specs=[
            _rows_spec(X.shape[1]),
            pl.BlockSpec((1,) + W.shape[1:], lambda i: (i // NBLK, 0, 0)),
            pl.BlockSpec((1, 1, O), lambda i: (i // NBLK, 0, 0)),
        ],
        out_specs=[_rows_spec(O), _rows_spec(O)],
        out_shape=[jax.ShapeDtypeStruct((2 * NP, O), jnp.float32)] * 2,
    )(X, W, b)


def _tc_mid(AGG, CNT, Z, W, b, O):
    HW = O if O >= 128 else 2 * O
    return pl.pallas_call(
        functools.partial(_tc_mid_body, O=O, HW=HW),
        grid=(2 * NP // BM,),
        in_specs=[
            _rows_spec(AGG.shape[1]),
            _rows_spec(CNT.shape[1]),
            _rows_spec(Z.shape[1]),
            pl.BlockSpec((1,) + W.shape[1:], lambda i: (i // NBLK, 0, 0)),
            pl.BlockSpec((1, 1, O), lambda i: (i // NBLK, 0, 0)),
        ],
        out_specs=[_rows_spec(HW), _rows_spec(O)],
        out_shape=[jax.ShapeDtypeStruct((2 * NP, HW), jnp.float32),
                   jax.ShapeDtypeStruct((2 * NP, O), jnp.float32)],
    )(AGG, CNT, Z, W, b)


def _tc_final(AGG, CNT, Z):
    O = Z.shape[1]
    return pl.pallas_call(
        _tc_final_body,
        grid=(2 * NP // BM,),
        in_specs=[_rows_spec(AGG.shape[1]), _rows_spec(CNT.shape[1]),
                  _rows_spec(O)],
        out_specs=_rows_spec(O),
        out_shape=jax.ShapeDtypeStruct((2 * NP, O), jnp.float32),
    )(AGG, CNT, Z)


def kernel(x_user, x_product, edge_index_rates, edge_index_rated_by, Wl_0_user_rates_product, bl_0_user_rates_product, Wr_0_user_rates_product, etW_0_user_rates_product, etb_0_user_rates_product, Wl_0_product_rated_by_user, bl_0_product_rated_by_user, Wr_0_product_rated_by_user, etW_0_product_rated_by_user, etb_0_product_rated_by_user, Wl_1_user_rates_product, bl_1_user_rates_product, Wr_1_user_rates_product, etW_1_user_rates_product, etb_1_user_rates_product, Wl_1_product_rated_by_user, bl_1_product_rated_by_user, Wr_1_product_rated_by_user, etW_1_product_rated_by_user, etb_1_product_rated_by_user, Wl_2_user_rates_product, bl_2_user_rates_product, Wr_2_user_rates_product, etW_2_user_rates_product, etb_2_user_rates_product, Wl_2_product_rated_by_user, bl_2_product_rated_by_user, Wr_2_product_rated_by_user, etW_2_product_rated_by_user, etb_2_product_rated_by_user):
    prm = dict(locals())

    def fold(l):
        r = "user_rates_product"
        rb = "product_rated_by_user"
        A_r = prm[f"etW_{l}_{r}"] @ prm[f"Wl_{l}_{r}"]
        B_r = prm[f"etW_{l}_{r}"] @ prm[f"Wr_{l}_{r}"]
        c_r = prm[f"etW_{l}_{r}"] @ prm[f"bl_{l}_{r}"] + prm[f"etb_{l}_{r}"]
        A_rb = prm[f"etW_{l}_{rb}"] @ prm[f"Wl_{l}_{rb}"]
        B_rb = prm[f"etW_{l}_{rb}"] @ prm[f"Wr_{l}_{rb}"]
        c_rb = prm[f"etW_{l}_{rb}"] @ prm[f"bl_{l}_{rb}"] + prm[f"etb_{l}_{rb}"]
        W = jnp.stack([
            jnp.concatenate([A_r.T, B_rb.T], axis=1),
            jnp.concatenate([A_rb.T, B_r.T], axis=1),
        ])
        b = jnp.stack([c_rb, c_r])[:, None, :]
        return W, b

    W0, b0 = fold(0)
    W1, b1 = fold(1)
    W2, b2 = fold(2)

    n_pad = EPSC - E
    pad_src = jnp.zeros((n_pad,), jnp.int32)
    pad_dst = jnp.full((n_pad,), NP - 1, jnp.int32)
    src_flat = jnp.concatenate(
        [edge_index_rated_by[0] + NP, pad_src, edge_index_rates[0], pad_src])
    dst_flat = jnp.concatenate(
        [edge_index_rated_by[1], pad_dst, edge_index_rates[1], pad_dst])
    src2 = src_flat.reshape(-1, 1, CHUNK)
    dst2 = dst_flat.reshape(-1, 1, CHUNK)

    zrows = jnp.zeros((NP, 128), jnp.float32)
    ones = jnp.ones((CCNT, 128), jnp.float32)
    pad = jnp.zeros((NP - N, 128), jnp.float32)
    X0 = jnp.concatenate([x_user, pad, x_product, pad])

    CNT = _sc_count()(dst2, zrows, ones)
    H, Z = _tc_first(X0, W0, b0, 128)
    AGG = _sc_segsum()(src2, dst2, H, zrows)
    H, Z = _tc_mid(AGG, CNT, Z, W1, b1, 128)
    AGG = _sc_segsum()(src2, dst2, H, zrows)
    H, Z = _tc_mid(AGG, CNT, Z, W2, b2, 64)
    AGG = _sc_segsum()(src2, dst2, H, zrows)
    OUT = _tc_final(AGG, CNT, Z)
    return OUT[:N], OUT[NP:NP + N]

# --- scband reference (transcript-rebuilt; emitter-appended) ---
"""Pipeline reference for scband-relational-gnn-75247827026322 (READ-ONLY COPY).

The authoritative reference and input builder live on the scoring server;
editing this copy changes nothing except your own understanding.
"""

import jax, jax.numpy as jnp
import numpy as np

N_USER = 10000
N_PRODUCT = 10000
D_FEAT = 128
HIDDEN = 128
OUT = 64
NUM_LAYERS = 3
E = 160000
EDGE_TYPES = [("user", "rates", "product"), ("product", "rated_by", "user")]
NODE_TYPES = ["user", "product"]
INS = [D_FEAT, HIDDEN, HIDDEN]
OUTS = [HIDDEN, HIDDEN, OUT]


def _init_params(key):
    params = {}
    for l in range(NUM_LAYERS):
        for (s, r, d) in EDGE_TYPES:
            ek = f"{s}_{r}_{d}"
            key, k1, k2, k3 = jax.random.split(key, 4)
            params[f"Wl_{l}_{ek}"] = jax.random.normal(k1, (OUTS[l], INS[l]), jnp.float32) * 0.05
            params[f"bl_{l}_{ek}"] = jnp.zeros((OUTS[l],), jnp.float32)
            params[f"Wr_{l}_{ek}"] = jax.random.normal(k2, (OUTS[l], INS[l]), jnp.float32) * 0.05
            params[f"etW_{l}_{ek}"] = jax.random.normal(k3, (OUTS[l], OUTS[l]), jnp.float32) * 0.05
            params[f"etb_{l}_{ek}"] = jnp.zeros((OUTS[l],), jnp.float32)
    return params


def setup_inputs(seed=0):
    key = jax.random.key(seed)
    k1, k2, k3, k4, kp = jax.random.split(key, 5)
    inp = {}
    inp["x_user"] = jax.random.normal(k1, (N_USER, D_FEAT), jnp.float32)
    inp["x_product"] = jax.random.normal(k2, (N_PRODUCT, D_FEAT), jnp.float32)
    inp["edge_index_rates"] = jax.random.randint(k3, (2, E), 0, N_USER, jnp.int32)
    inp["edge_index_rated_by"] = jax.random.randint(k4, (2, E), 0, N_PRODUCT, jnp.int32)
    inp.update(_init_params(kp))
    return inp


def _sage(x_src, x_dst, ei, Wl, bl, Wr):
    # PyG SAGEConv with aggr='mean': out = lin_l(mean_j x_src[j]) + lin_r(x_dst)
    msgs = jnp.take(x_src, ei[0], axis=0)
    agg = jax.ops.segment_sum(msgs, ei[1], num_segments=x_dst.shape[0])
    cnt = jax.ops.segment_sum(jnp.ones((ei.shape[1],), x_src.dtype), ei[1], num_segments=x_dst.shape[0])
    mean = agg / jnp.clip(cnt, 1.0)[:, None]
    return mean @ Wl.T + bl + x_dst @ Wr.T


def _forward(floats, ei_dict):
    x = {"user": floats["x_user"], "product": floats["x_product"]}
    for l in range(NUM_LAYERS):
        # HeteroConv with aggr='mean' over edge types sharing a dst node type
        outs = {nt: [] for nt in NODE_TYPES}
        for (s, r, d) in EDGE_TYPES:
            ek = f"{s}_{r}_{d}"
            o = _sage(x[s], x[d], ei_dict[(s, r, d)], floats[f"Wl_{l}_{ek}"], floats[f"bl_{l}_{ek}"], floats[f"Wr_{l}_{ek}"])
            outs[d].append(o)
        x_new = {nt: jnp.mean(jnp.stack(outs[nt]), axis=0) for nt in NODE_TYPES}
        # per-edge-type linear transforms applied to dst node features, then mean
        x_t = {}
        for nt in NODE_TYPES:
            ts = []
            for (s, r, d) in EDGE_TYPES:
                if d == nt:
                    ek = f"{s}_{r}_{d}"
                    ts.append(x_new[nt] @ floats[f"etW_{l}_{ek}"].T + floats[f"etb_{l}_{ek}"])
            x_t[nt] = jnp.mean(jnp.stack(ts), axis=0) if ts else x_new[nt]
        x = x_t
        if l < NUM_LAYERS - 1:
            x = {k: jax.nn.relu(v) for k, v in x.items()}
            # dropout is identity in eval mode
    return (x["user"], x["product"])


def reference(
    x_user,
    x_product,
    edge_index_rates,
    edge_index_rated_by,
    Wl_0_user_rates_product,
    bl_0_user_rates_product,
    Wr_0_user_rates_product,
    etW_0_user_rates_product,
    etb_0_user_rates_product,
    Wl_0_product_rated_by_user,
    bl_0_product_rated_by_user,
    Wr_0_product_rated_by_user,
    etW_0_product_rated_by_user,
    etb_0_product_rated_by_user,
    Wl_1_user_rates_product,
    bl_1_user_rates_product,
    Wr_1_user_rates_product,
    etW_1_user_rates_product,
    etb_1_user_rates_product,
    Wl_1_product_rated_by_user,
    bl_1_product_rated_by_user,
    Wr_1_product_rated_by_user,
    etW_1_product_rated_by_user,
    etb_1_product_rated_by_user,
    Wl_2_user_rates_product,
    bl_2_user_rates_product,
    Wr_2_user_rates_product,
    etW_2_user_rates_product,
    etb_2_user_rates_product,
    Wl_2_product_rated_by_user,
    bl_2_product_rated_by_user,
    Wr_2_product_rated_by_user,
    etW_2_product_rated_by_user,
    etb_2_product_rated_by_user,
):
    floats = {k: v for k, v in dict(locals()).items() if not k.startswith("edge_index")}
    ei = {
        ("user", "rates", "product"): edge_index_rates,
        ("product", "rated_by", "user"): edge_index_rated_by,
    }
    return _forward(floats, ei)

if __name__ == "__main__":
    import jax
    _d = setup_inputs()
    print(jax.jit(kernel)(*tuple(_d.values())))

</pallas_src>

<mosaic_0001>
#map = affine_map<(d0, d1) -> (0, 0, 0)>
#map1 = affine_map<(d0, d1) -> (0, 0)>
module attributes {stable_mosaic.version = 14 : i64} {
  func.func @body(%arg0: i32, %arg1: i32, %arg2: memref<2560x1x128xi32, #tpu.memory_space<hbm>>, %arg3: memref<2560x1x128xi32, #tpu.memory_space<hbm>>, %arg4: memref<20480x128xf32, #tpu.memory_space<hbm>>, %arg5: memref<10240x128xf32, #tpu.memory_space<hbm>>, %arg6: memref<20480x128xf32, #tpu.memory_space<hbm>>, %arg7: memref<1x128xi32, #tpu.memory_space<vmem>>, %arg8: memref<1x128xi32, #tpu.memory_space<vmem>>, %arg9: memref<128x128xf32, #tpu.memory_space<vmem>>, %arg10: memref<10240x128xf32, #tpu.memory_space<vmem_shared>>, %arg11: memref<!tpu.dma_semaphore, #tpu.memory_space<semaphore_mem>>) attributes {dimension_semantics = [#tpu.dimension_semantics<core_parallel>, #tpu.dimension_semantics<subcore_parallel>], iteration_bounds = array<i64: 2, 16>, scalar_prefetch = 0 : i64, scratch_operands = 5 : i64, tpu.core_type = #tpu.core_type<sc_vector_subcore>, window_params = [{transform_indices = #map}, {transform_indices = #map}, {transform_indices = #map1}, {transform_indices = #map1}, {transform_indices = #map1}]} {
    %mul3A = arith.constant 640 : i32
    %mul3A_0 = arith.muli %arg1, %mul3A : i32
    "tpu.region"() ({
      %run_scoped3A = tpu.sem_alloc : memref<!tpu.dma_semaphore, #tpu.memory_space<semaphore_mem>>
      %dma_start3A = arith.constant 0 : i32
      %dma_start3A_100 = arith.constant 0 : i32
      %dma_start3A_101 = tpu.memref_slice %arg5[%dma_start3A, %dma_start3A_100] : memref<10240x128xf32, #tpu.memory_space<hbm>> -> memref<128x128xf32, #tpu.memory_space<hbm>>
      %dma_start3A_102 = arith.constant 0 : i32
      %dma_start3A_103 = arith.constant 0 : i32
      %dma_start3A_104 = tpu.memref_slice %arg5[%dma_start3A_102, %dma_start3A_103] : memref<10240x128xf32, #tpu.memory_space<hbm>> -> memref<128x128xf32, #tpu.memory_space<hbm>>
      tpu.enqueue_dma source(%dma_start3A_104 : memref<128x128xf32, #tpu.memory_space<hbm>>) target(%arg9 : memref<128x128xf32, #tpu.memory_space<vmem>>) target_semaphore(%run_scoped3A : memref<!tpu.dma_semaphore, #tpu.memory_space<semaphore_mem>>)
      %dma_wait3A = arith.constant 0 : i32
      %dma_wait3A_105 = arith.constant 0 : i32
      %dma_wait3A_106 = tpu.memref_slice %arg5[%dma_wait3A, %dma_wait3A_105] : memref<10240x128xf32, #tpu.memory_space<hbm>> -> memref<128x128xf32, #tpu.memory_space<hbm>>
      %dma_wait3A_107 = arith.constant 0 : i32
      %dma_wait3A_108 = arith.constant 0 : i32
      %dma_wait3A_109 = tpu.memref_slice %arg5[%dma_wait3A_107, %dma_wait3A_108] : memref<10240x128xf32, #tpu.memory_space<hbm>> -> memref<128x128xf32, #tpu.memory_space<hbm>>
      tpu.wait_dma2 semaphore(%run_scoped3A : memref<!tpu.dma_semaphore, #tpu.memory_space<semaphore_mem>>) src(%dma_wait3A_109 : memref<128x128xf32, #tpu.memory_space<hbm>>) dst(%arg9 : memref<128x128xf32, #tpu.memory_space<vmem>>)
      tpu.yield
    }) : () -> ()
    %add3A = arith.constant 0 : i32
    %add3A_1 = arith.addi %mul3A_0, %add3A : i32
    "tpu.region"() ({
      %run_scoped3A = tpu.sem_alloc : memref<!tpu.dma_semaphore, #tpu.memory_space<semaphore_mem>>
      %dma_start3A = arith.constant 0 : i32
      %dma_start3A_100 = tpu.memref_slice %arg10[%add3A_1, %dma_start3A] : memref<10240x128xf32, #tpu.memory_space<vmem_shared>> -> memref<128x128xf32, #tpu.memory_space<vmem_shared>>
      %dma_start3A_101 = arith.constant 0 : i32
      %dma_start3A_102 = tpu.memref_slice %arg10[%add3A_1, %dma_start3A_101] : memref<10240x128xf32, #tpu.memory_space<vmem_shared>> -> memref<128x128xf32, #tpu.memory_space<vmem_shared>>
      tpu.enqueue_dma source(%arg9 : memref<128x128xf32, #tpu.memory_space<vmem>>) target(%dma_start3A_102 : memref<128x128xf32, #tpu.memory_space<vmem_shared>>) target_semaphore(%run_scoped3A : memref<!tpu.dma_semaphore, #tpu.memory_space<semaphore_mem>>)
      %dma_wait3A = arith.constant 0 : i32
      %dma_wait3A_103 = tpu.memref_slice %arg10[%add3A_1, %dma_wait3A] : memref<10240x128xf32, #tpu.memory_space<vmem_shared>> -> memref<128x128xf32, #tpu.memory_space<vmem_shared>>
      %dma_wait3A_104 = arith.constant 0 : i32
      %dma_wait3A_105 = tpu.memref_slice %arg10[%add3A_1, %dma_wait3A_104] : memref<10240x128xf32, #tpu.memory_space<vmem_shared>> -> memref<128x128xf32, #tpu.memory_space<vmem_shared>>
      tpu.wait_dma2 semaphore(%run_scoped3A : memref<!tpu.dma_semaphore, #tpu.memory_space<semaphore_mem>>) src(%arg9 : memref<128x128xf32, #tpu.memory_space<vmem>>) dst(%dma_wait3A_105 : memref<128x128xf32, #tpu.memory_space<vmem_shared>>)
      tpu.yield
    }) : () -> ()
    %add3A_2 = arith.constant 128 : i32
    %add3A_3 = arith.addi %mul3A_0, %add3A_2 : i32
    "tpu.region"() ({
      %run_scoped3A = tpu.sem_alloc : memref<!tpu.dma_semaphore, #tpu.memory_space<semaphore_mem>>
      %dma_start3A = arith.constant 0 : i32
      %dma_start3A_100 = tpu.memref_slice %arg10[%add3A_3, %dma_start3A] : memref<10240x128xf32, #tpu.memory_space<vmem_shared>> -> memref<128x128xf32, #tpu.memory_space<vmem_shared>>
      %dma_start3A_101 = arith.constant 0 : i32
      %dma_start3A_102 = tpu.memref_slice %arg10[%add3A_3, %dma_start3A_101] : memref<10240x128xf32, #tpu.memory_space<vmem_shared>> -> memref<128x128xf32, #tpu.memory_space<vmem_shared>>
      tpu.enqueue_dma source(%arg9 : memref<128x128xf32, #tpu.memory_space<vmem>>) target(%dma_start3A_102 : memref<128x128xf32, #tpu.memory_space<vmem_shared>>) target_semaphore(%run_scoped3A : memref<!tpu.dma_semaphore, #tpu.memory_space<semaphore_mem>>)
      %dma_wait3A = arith.constant 0 : i32
      %dma_wait3A_103 = tpu.memref_slice %arg10[%add3A_3, %dma_wait3A] : memref<10240x128xf32, #tpu.memory_space<vmem_shared>> -> memref<128x128xf32, #tpu.memory_space<vmem_shared>>
      %dma_wait3A_104 = arith.constant 0 : i32
      %dma_wait3A_105 = tpu.memref_slice %arg10[%add3A_3, %dma_wait3A_104] : memref<10240x128xf32, #tpu.memory_space<vmem_shared>> -> memref<128x128xf32, #tpu.memory_space<vmem_shared>>
      tpu.wait_dma2 semaphore(%run_scoped3A : memref<!tpu.dma_semaphore, #tpu.memory_space<semaphore_mem>>) src(%arg9 : memref<128x128xf32, #tpu.memory_space<vmem>>) dst(%dma_wait3A_105 : memref<128x128xf32, #tpu.memory_space<vmem_shared>>)
      tpu.yield
    }) : () -> ()
    %add3A_4 = arith.constant 256 : i32
    %add3A_5 = arith.addi %mul3A_0, %add3A_4 : i32
    "tpu.region"() ({
      %run_scoped3A = tpu.sem_alloc : memref<!tpu.dma_semaphore, #tpu.memory_space<semaphore_mem>>
      %dma_start3A = arith.constant 0 : i32
      %dma_start3A_100 = tpu.memref_slice %arg10[%add3A_5, %dma_start3A] : memref<10240x128xf32, #tpu.memory_space<vmem_shared>> -> memref<128x128xf32, #tpu.memory_space<vmem_shared>>
      %dma_start3A_101 = arith.constant 0 : i32
      %dma_start3A_102 = tpu.memref_slice %arg10[%add3A_5, %dma_start3A_101] : memref<10240x128xf32, #tpu.memory_space<vmem_shared>> -> memref<128x128xf32, #tpu.memory_space<vmem_shared>>
      tpu.enqueue_dma source(%arg9 : memref<128x128xf32, #tpu.memory_space<vmem>>) target(%dma_start3A_102 : memref<128x128xf32, #tpu.memory_space<vmem_shared>>) target_semaphore(%run_scoped3A : memref<!tpu.dma_semaphore, #tpu.memory_space<semaphore_mem>>)
      %dma_wait3A = arith.constant 0 : i32
      %dma_wait3A_103 = tpu.memref_slice %arg10[%add3A_5, %dma_wait3A] : memref<10240x128xf32, #tpu.memory_space<vmem_shared>> -> memref<128x128xf32, #tpu.memory_space<vmem_shared>>
      %dma_wait3A_104 = arith.constant 0 : i32
      %dma_wait3A_105 = tpu.memref_slice %arg10[%add3A_5, %dma_wait3A_104] : memref<10240x128xf32, #tpu.memory_space<vmem_shared>> -> memref<128x128xf32, #tpu.memory_space<vmem_shared>>
      tpu.wait_dma2 semaphore(%run_scoped3A : memref<!tpu.dma_semaphore, #tpu.memory_space<semaphore_mem>>) src(%arg9 : memref<128x128xf32, #tpu.memory_space<vmem>>) dst(%dma_wait3A_105 : memref<128x128xf32, #tpu.memory_space<vmem_shared>>)
      tpu.yield
    }) : () -> ()
    %add3A_6 = arith.constant 384 : i32
    %add3A_7 = arith.addi %mul3A_0, %add3A_6 : i32
    "tpu.region"() ({
      %run_scoped3A = tpu.sem_alloc : memref<!tpu.dma_semaphore, #tpu.memory_space<semaphore_mem>>
      %dma_start3A = arith.constant 0 : i32
      %dma_start3A_100 = tpu.memref_slice %arg10[%add3A_7, %dma_start3A] : memref<10240x128xf32, #tpu.memory_space<vmem_shared>> -> memref<128x128xf32, #tpu.memory_space<vmem_shared>>
      %dma_start3A_101 = arith.constant 0 : i32
      %dma_start3A_102 = tpu.memref_slice %arg10[%add3A_7, %dma_start3A_101] : memref<10240x128xf32, #tpu.memory_space<vmem_shared>> -> memref<128x128xf32, #tpu.memory_space<vmem_shared>>
      tpu.enqueue_dma source(%arg9 : memref<128x128xf32, #tpu.memory_space<vmem>>) target(%dma_start3A_102 : memref<128x128xf32, #tpu.memory_space<vmem_shared>>) target_semaphore(%run_scoped3A : memref<!tpu.dma_semaphore, #tpu.memory_space<semaphore_mem>>)
      %dma_wait3A = arith.constant 0 : i32
      %dma_wait3A_103 = tpu.memref_slice %arg10[%add3A_7, %dma_wait3A] : memref<10240x128xf32, #tpu.memory_space<vmem_shared>> -> memref<128x128xf32, #tpu.memory_space<vmem_shared>>
      %dma_wait3A_104 = arith.constant 0 : i32
      %dma_wait3A_105 = tpu.memref_slice %arg10[%add3A_7, %dma_wait3A_104] : memref<10240x128xf32, #tpu.memory_space<vmem_shared>> -> memref<128x128xf32, #tpu.memory_space<vmem_shared>>
      tpu.wait_dma2 semaphore(%run_scoped3A : memref<!tpu.dma_semaphore, #tpu.memory_space<semaphore_mem>>) src(%arg9 : memref<128x128xf32, #tpu.memory_space<vmem>>) dst(%dma_wait3A_105 : memref<128x128xf32, #tpu.memory_space<vmem_shared>>)
      tpu.yield
    }) : () -> ()
    %add3A_8 = arith.constant 512 : i32
    %add3A_9 = arith.addi %mul3A_0, %add3A_8 : i32
    "tpu.region"() ({
      %run_scoped3A = tpu.sem_alloc : memref<!tpu.dma_semaphore, #tpu.memory_space<semaphore_mem>>
      %dma_start3A = arith.constant 0 : i32
      %dma_start3A_100 = tpu.memref_slice %arg10[%add3A_9, %dma_start3A] : memref<10240x128xf32, #tpu.memory_space<vmem_shared>> -> memref<128x128xf32, #tpu.memory_space<vmem_shared>>
      %dma_start3A_101 = arith.constant 0 : i32
      %dma_start3A_102 = tpu.memref_slice %arg10[%add3A_9, %dma_start3A_101] : memref<10240x128xf32, #tpu.memory_space<vmem_shared>> -> memref<128x128xf32, #tpu.memory_space<vmem_shared>>
      tpu.enqueue_dma source(%arg9 : memref<128x128xf32, #tpu.memory_space<vmem>>) target(%dma_start3A_102 : memref<128x128xf32, #tpu.memory_space<vmem_shared>>) target_semaphore(%run_scoped3A : memref<!tpu.dma_semaphore, #tpu.memory_space<semaphore_mem>>)
      %dma_wait3A = arith.constant 0 : i32
      %dma_wait3A_103 = tpu.memref_slice %arg10[%add3A_9, %dma_wait3A] : memref<10240x128xf32, #tpu.memory_space<vmem_shared>> -> memref<128x128xf32, #tpu.memory_space<vmem_shared>>
      %dma_wait3A_104 = arith.constant 0 : i32
      %dma_wait3A_105 = tpu.memref_slice %arg10[%add3A_9, %dma_wait3A_104] : memref<10240x128xf32, #tpu.memory_space<vmem_shared>> -> memref<128x128xf32, #tpu.memory_space<vmem_shared>>
      tpu.wait_dma2 semaphore(%run_scoped3A : memref<!tpu.dma_semaphore, #tpu.memory_space<semaphore_mem>>) src(%arg9 : memref<128x128xf32, #tpu.memory_space<vmem>>) dst(%dma_wait3A_105 : memref<128x128xf32, #tpu.memory_space<vmem_shared>>)
      tpu.yield
    }) : () -> ()
    %barrier3A = arith.constant 0 : index
    tpu.barrier barrier_id(%barrier3A)
    %mul3A_10 = arith.constant 1250 : i32
    %mul3A_11 = arith.muli %mul3A_10, %arg1 : i32
    %jit3A = arith.constant 16 : i32
    %div3A = arith.divsi %mul3A_11, %jit3A : i32
    %sign3A = arith.constant 0 : i32
    %sign3A_12 = arith.cmpi sgt, %mul3A_11, %sign3A : i32
    %sign3A_13 = arith.extui %sign3A_12 : i1 to i32
    %sign3A_14 = arith.constant 0 : i32
    %sign3A_15 = arith.cmpi slt, %mul3A_11, %sign3A_14 : i32
    %sign3A_16 = arith.extui %sign3A_15 : i1 to i32
    %sign3A_17 = arith.subi %sign3A_13, %sign3A_16 : i32
    %sign3A_18 = arith.constant 0 : i32
    %sign3A_19 = arith.cmpi sgt, %jit3A, %sign3A_18 : i32
    %sign3A_20 = arith.extui %sign3A_19 : i1 to i32
    %sign3A_21 = arith.constant 0 : i32
    %sign3A_22 = arith.cmpi slt, %jit3A, %sign3A_21 : i32
    %sign3A_23 = arith.extui %sign3A_22 : i1 to i32
    %sign3A_24 = arith.subi %sign3A_20, %sign3A_23 : i32
    %ne3A = arith.cmpi ne, %sign3A_17, %sign3A_24 : i32
    %rem3A = arith.remsi %mul3A_11, %jit3A : i32
    %ne3A_25 = arith.constant 0 : i32
    %ne3A_26 = arith.cmpi ne, %rem3A, %ne3A_25 : i32
    %and3A = arith.andi %ne3A, %ne3A_26 : i1
    %sub3A = arith.constant 1 : i32
    %sub3A_27 = arith.subi %div3A, %sub3A : i32
    %select_n3A = arith.select %and3A, %sub3A_27, %div3A : i32
    %add3A_28 = arith.constant 1 : i32
    %add3A_29 = arith.addi %arg1, %add3A_28 : i32
    %mul3A_30 = arith.constant 1250 : i32
    %mul3A_31 = arith.muli %mul3A_30, %add3A_29 : i32
    %jit3A_32 = arith.constant 16 : i32
    %div3A_33 = arith.divsi %mul3A_31, %jit3A_32 : i32
    %sign3A_34 = arith.constant 0 : i32
    %sign3A_35 = arith.cmpi sgt, %mul3A_31, %sign3A_34 : i32
    %sign3A_36 = arith.extui %sign3A_35 : i1 to i32
    %sign3A_37 = arith.constant 0 : i32
    %sign3A_38 = arith.cmpi slt, %mul3A_31, %sign3A_37 : i32
    %sign3A_39 = arith.extui %sign3A_38 : i1 to i32
    %sign3A_40 = arith.subi %sign3A_36, %sign3A_39 : i32
    %sign3A_41 = arith.constant 0 : i32
    %sign3A_42 = arith.cmpi sgt, %jit3A_32, %sign3A_41 : i32
    %sign3A_43 = arith.extui %sign3A_42 : i1 to i32
    %sign3A_44 = arith.constant 0 : i32
    %sign3A_45 = arith.cmpi slt, %jit3A_32, %sign3A_44 : i32
    %sign3A_46 = arith.extui %sign3A_45 : i1 to i32
    %sign3A_47 = arith.subi %sign3A_43, %sign3A_46 : i32
    %ne3A_48 = arith.cmpi ne, %sign3A_40, %sign3A_47 : i32
    %rem3A_49 = arith.remsi %mul3A_31, %jit3A_32 : i32
    %ne3A_50 = arith.constant 0 : i32
    %ne3A_51 = arith.cmpi ne, %rem3A_49, %ne3A_50 : i32
    %and3A_52 = arith.andi %ne3A_48, %ne3A_51 : i1
    %sub3A_53 = arith.constant 1 : i32
    %sub3A_54 = arith.subi %div3A_33, %sub3A_53 : i32
    %select_n3A_55 = arith.select %and3A_52, %sub3A_54, %div3A_33 : i32
    %while3A = arith.constant 0 : i32
    %while3A_56 = arith.subi %select_n3A_55, %select_n3A : i32
    %while3A_57 = arith.addi %select_n3A, %while3A_56 : i32
    %while3A_58 = arith.constant 1 : i32
    %while3A_59 = arith.divsi %while3A_56, %while3A_58 : i32
    %while3A_60 = arith.muli %while3A_59, %while3A_58 : i32
    %while3A_61 = arith.addi %select_n3A, %while3A_60 : i32
    %while3A_62 = arith.constant 1 : i32
    scf.for %while3A_100 = %select_n3A to %while3A_61 step %while3A_62  : i32 {
      %mul3A_101 = arith.constant 1280 : i32
      %mul3A_102 = arith.muli %arg0, %mul3A_101 : i32
      %add3A_103 = arith.addi %mul3A_102, %while3A_100 : i32
      "tpu.region"() ({
        %run_scoped3A_116 = tpu.sem_alloc : memref<!tpu.dma_semaphore, #tpu.memory_space<semaphore_mem>>
        %dma_start3A_117 = arith.constant 0 : i32
        %dma_start3A_118 = arith.constant 0 : i32
        %dma_start3A_119 = tpu.memref_slice %arg2[%add3A_103, %dma_start3A_117, %dma_start3A_118] : memref<2560x1x128xi32, #tpu.memory_space<hbm>> -> memref<1x1x128xi32, #tpu.memory_space<hbm>>
        %dma_start3A_120 = tpu.memref_squeeze %dma_start3A_119 : memref<1x1x128xi32, #tpu.memory_space<hbm>> -> memref<1x128xi32, #tpu.memory_space<hbm>>
        %dma_start3A_121 = arith.constant 0 : i32
        %dma_start3A_122 = arith.constant 0 : i32
        %dma_start3A_123 = tpu.memref_slice %arg2[%add3A_103, %dma_start3A_121, %dma_start3A_122] : memref<2560x1x128xi32, #tpu.memory_space<hbm>> -> memref<1x1x128xi32, #tpu.memory_space<hbm>>
        %dma_start3A_124 = tpu.memref_squeeze %dma_start3A_123 : memref<1x1x128xi32, #tpu.memory_space<hbm>> -> memref<1x128xi32, #tpu.memory_space<hbm>>
        tpu.enqueue_dma source(%dma_start3A_124 : memref<1x128xi32, #tpu.memory_space<hbm>>) target(%arg7 : memref<1x128xi32, #tpu.memory_space<vmem>>) target_semaphore(%run_scoped3A_116 : memref<!tpu.dma_semaphore, #tpu.memory_space<semaphore_mem>>)
        %dma_wait3A_125 = arith.constant 0 : i32
        %dma_wait3A_126 = arith.constant 0 : i32
        %dma_wait3A_127 = tpu.memref_slice %arg2[%add3A_103, %dma_wait3A_125, %dma_wait3A_126] : memref<2560x1x128xi32, #tpu.memory_space<hbm>> -> memref<1x1x128xi32, #tpu.memory_space<hbm>>
        %dma_wait3A_128 = tpu.memref_squeeze %dma_wait3A_127 : memref<1x1x128xi32, #tpu.memory_space<hbm>> -> memref<1x128xi32, #tpu.memory_space<hbm>>
        %dma_wait3A_129 = arith.constant 0 : i32
        %dma_wait3A_130 = arith.constant 0 : i32
        %dma_wait3A_131 = tpu.memref_slice %arg2[%add3A_103, %dma_wait3A_129, %dma_wait3A_130] : memref<2560x1x128xi32, #tpu.memory_space<hbm>> -> memref<1x1x128xi32, #tpu.memory_space<hbm>>
        %dma_wait3A_132 = tpu.memref_squeeze %dma_wait3A_131 : memref<1x1x128xi32, #tpu.memory_space<hbm>> -> memref<1x128xi32, #tpu.memory_space<hbm>>
        tpu.wait_dma2 semaphore(%run_scoped3A_116 : memref<!tpu.dma_semaphore, #tpu.memory_space<semaphore_mem>>) src(%dma_wait3A_132 : memref<1x128xi32, #tpu.memory_space<hbm>>) dst(%arg7 : memref<1x128xi32, #tpu.memory_space<vmem>>)
        tpu.yield
      }) : () -> ()
      "tpu.region"() ({
        %run_scoped3A_116 = tpu.sem_alloc : memref<!tpu.dma_semaphore, #tpu.memory_space<semaphore_mem>>
        %dma_start3A_117 = arith.constant 0 : i32
        %dma_start3A_118 = arith.constant 0 : i32
        %dma_start3A_119 = tpu.memref_slice %arg3[%add3A_103, %dma_start3A_117, %dma_start3A_118] : memref<2560x1x128xi32, #tpu.memory_space<hbm>> -> memref<1x1x128xi32, #tpu.memory_space<hbm>>
        %dma_start3A_120 = tpu.memref_squeeze %dma_start3A_119 : memref<1x1x128xi32, #tpu.memory_space<hbm>> -> memref<1x128xi32, #tpu.memory_space<hbm>>
        %dma_start3A_121 = arith.constant 0 : i32
        %dma_start3A_122 = arith.constant 0 : i32
        %dma_start3A_123 = tpu.memref_slice %arg3[%add3A_103, %dma_start3A_121, %dma_start3A_122] : memref<2560x1x128xi32, #tpu.memory_space<hbm>> -> memref<1x1x128xi32, #tpu.memory_space<hbm>>
        %dma_start3A_124 = tpu.memref_squeeze %dma_start3A_123 : memref<1x1x128xi32, #tpu.memory_space<hbm>> -> memref<1x128xi32, #tpu.memory_space<hbm>>
        tpu.enqueue_dma source(%dma_start3A_124 : memref<1x128xi32, #tpu.memory_space<hbm>>) target(%arg8 : memref<1x128xi32, #tpu.memory_space<vmem>>) target_semaphore(%run_scoped3A_116 : memref<!tpu.dma_semaphore, #tpu.memory_space<semaphore_mem>>)
        %dma_wait3A_125 = arith.constant 0 : i32
        %dma_wait3A_126 = arith.constant 0 : i32
        %dma_wait3A_127 = tpu.memref_slice %arg3[%add3A_103, %dma_wait3A_125, %dma_wait3A_126] : memref<2560x1x128xi32, #tpu.memory_space<hbm>> -> memref<1x1x128xi32, #tpu.memory_space<hbm>>
        %dma_wait3A_128 = tpu.memref_squeeze %dma_wait3A_127 : memref<1x1x128xi32, #tpu.memory_space<hbm>> -> memref<1x128xi32, #tpu.memory_space<hbm>>
        %dma_wait3A_129 = arith.constant 0 : i32
        %dma_wait3A_130 = arith.constant 0 : i32
        %dma_wait3A_131 = tpu.memref_slice %arg3[%add3A_103, %dma_wait3A_129, %dma_wait3A_130] : memref<2560x1x128xi32, #tpu.memory_space<hbm>> -> memref<1x1x128xi32, #tpu.memory_space<hbm>>
        %dma_wait3A_132 = tpu.memref_squeeze %dma_wait3A_131 : memref<1x1x128xi32, #tpu.memory_space<hbm>> -> memref<1x128xi32, #tpu.memory_space<hbm>>
        tpu.wait_dma2 semaphore(%run_scoped3A_116 : memref<!tpu.dma_semaphore, #tpu.memory_space<semaphore_mem>>) src(%dma_wait3A_132 : memref<1x128xi32, #tpu.memory_space<hbm>>) dst(%arg8 : memref<1x128xi32, #tpu.memory_space<vmem>>)
        tpu.yield
      }) : () -> ()
      %dma_start3A = arith.constant 0 : i32
      %dma_start3A_104 = arith.constant 0 : i32
      %dma_start3A_105 = tpu.memref_slice %arg7[%dma_start3A, %dma_start3A_104] : memref<1x128xi32, #tpu.memory_space<vmem>> -> memref<1x128xi32, #tpu.memory_space<vmem>>
      %dma_start3A_106 = tpu.memref_squeeze %dma_start3A_105 : memref<1x128xi32, #tpu.memory_space<vmem>> -> memref<128xi32, #tpu.memory_space<vmem>>
      %dma_start3A_107 = arith.constant 0 : i32
      %dma_start3A_108 = arith.constant 0 : i32
      %dma_start3A_109 = tpu.memref_slice %arg4[%dma_start3A_107, %dma_start3A_108] : memref<20480x128xf32, #tpu.memory_space<hbm>> -> memref<20480x128xf32, #tpu.memory_space<hbm>>
      tpu.enqueue_indirect_dma source(%dma_start3A_109 : memref<20480x128xf32, #tpu.memory_space<hbm>>) target(%arg9 : memref<128x128xf32, #tpu.memory_space<vmem>>) offsets(%dma_start3A_106 : memref<128xi32, #tpu.memory_space<vmem>>) semaphore(%arg11 : memref<!tpu.dma_semaphore, #tpu.memory_space<semaphore_mem>>)
      %dma_wait3A = arith.constant 0 : i32
      %dma_wait3A_110 = arith.constant 0 : i32
      %dma_wait3A_111 = tpu.memref_slice %arg7[%dma_wait3A, %dma_wait3A_110] : memref<1x128xi32, #tpu.memory_space<vmem>> -> memref<1x128xi32, #tpu.memory_space<vmem>>
      %dma_wait3A_112 = tpu.memref_squeeze %dma_wait3A_111 : memref<1x128xi32, #tpu.memory_space<vmem>> -> memref<128xi32, #tpu.memory_space<vmem>>
      %dma_wait3A_113 = arith.constant 0 : i32
      %dma_wait3A_114 = arith.constant 0 : i32
      %dma_wait3A_115 = tpu.memref_slice %arg4[%dma_wait3A_113, %dma_wait3A_114] : memref<20480x128xf32, #tpu.memory_space<hbm>> -> memref<20480x128xf32, #tpu.memory_space<hbm>>
      tpu.wait_indirect_dma semaphore(%arg11 : memref<!tpu.dma_semaphore, #tpu.memory_space<semaphore_mem>>) src(%dma_wait3A_115 : memref<20480x128xf32, #tpu.memory_space<hbm>>) dst(%arg9 : memref<128x128xf32, #tpu.memory_space<vmem>>)
      %run_scoped3A = arith.constant 0 : i32
      "tpu.region"() ({
        %run_scoped3A_116 = tpu.sem_alloc : memref<!tpu.dma_semaphore, #tpu.memory_space<semaphore_mem>>
        %dma_start3A_117 = arith.constant 0 : i32
        %dma_start3A_118 = tpu.memref_slice %arg8[%run_scoped3A, %dma_start3A_117] : memref<1x128xi32, #tpu.memory_space<vmem>> -> memref<1x128xi32, #tpu.memory_space<vmem>>
        %dma_start3A_119 = tpu.memref_squeeze %dma_start3A_118 : memref<1x128xi32, #tpu.memory_space<vmem>> -> memref<128xi32, #tpu.memory_space<vmem>>
        %dma_start3A_120 = arith.constant 0 : i32
        %dma_start3A_121 = arith.constant 0 : i32
        %dma_start3A_122 = tpu.memref_slice %arg10[%dma_start3A_120, %dma_start3A_121] : memref<10240x128xf32, #tpu.memory_space<vmem_shared>> -> memref<10240x128xf32, #tpu.memory_space<vmem_shared>>
        tpu.enqueue_indirect_dma source(%arg9 : memref<128x128xf32, #tpu.memory_space<vmem>>) target(%dma_start3A_122 : memref<10240x128xf32, #tpu.memory_space<vmem_shared>>) offsets(%dma_start3A_119 : memref<128xi32, #tpu.memory_space<vmem>>) semaphore(%run_scoped3A_116 : memref<!tpu.dma_semaphore, #tpu.memory_space<semaphore_mem>>) {add = true}
        %dma_wait3A_123 = arith.constant 0 : i32
        %dma_wait3A_124 = tpu.memref_slice %arg8[%run_scoped3A, %dma_wait3A_123] : memref<1x128xi32, #tpu.memory_space<vmem>> -> memref<1x128xi32, #tpu.memory_space<vmem>>
        %dma_wait3A_125 = tpu.memref_squeeze %dma_wait3A_124 : memref<1x128xi32, #tpu.memory_space<vmem>> -> memref<128xi32, #tpu.memory_space<vmem>>
        %dma_wait3A_126 = arith.constant 0 : i32
        %dma_wait3A_127 = arith.constant 0 : i32
        %dma_wait3A_128 = tpu.memref_slice %arg10[%dma_wait3A_126, %dma_wait3A_127] : memref<10240x128xf32, #tpu.memory_space<vmem_shared>> -> memref<10240x128xf32, #tpu.memory_space<vmem_shared>>
        tpu.wait_indirect_dma semaphore(%run_scoped3A_116 : memref<!tpu.dma_semaphore, #tpu.memory_space<semaphore_mem>>) src(%arg9 : memref<128x128xf32, #tpu.memory_space<vmem>>) dst(%dma_wait3A_128 : memref<10240x128xf32, #tpu.memory_space<vmem_shared>>)
        tpu.yield
      }) : () -> ()
    }
    %while3A_63 = arith.constant 1 : i32
    scf.for %while3A_100 = %while3A_61 to %while3A_57 step %while3A_63  : i32 {
      %mul3A_101 = arith.constant 1280 : i32
      %mul3A_102 = arith.muli %arg0, %mul3A_101 : i32
      %add3A_103 = arith.addi %mul3A_102, %while3A_100 : i32
      "tpu.region"() ({
        %run_scoped3A_116 = tpu.sem_alloc : memref<!tpu.dma_semaphore, #tpu.memory_space<semaphore_mem>>
        %dma_start3A_117 = arith.constant 0 : i32
        %dma_start3A_118 = arith.constant 0 : i32
        %dma_start3A_119 = tpu.memref_slice %arg2[%add3A_103, %dma_start3A_117, %dma_start3A_118] : memref<2560x1x128xi32, #tpu.memory_space<hbm>> -> memref<1x1x128xi32, #tpu.memory_space<hbm>>
        %dma_start3A_120 = tpu.memref_squeeze %dma_start3A_119 : memref<1x1x128xi32, #tpu.memory_space<hbm>> -> memref<1x128xi32, #tpu.memory_space<hbm>>
        %dma_start3A_121 = arith.constant 0 : i32
        %dma_start3A_122 = arith.constant 0 : i32
        %dma_start3A_123 = tpu.memref_slice %arg2[%add3A_103, %dma_start3A_121, %dma_start3A_122] : memref<2560x1x128xi32, #tpu.memory_space<hbm>> -> memref<1x1x128xi32, #tpu.memory_space<hbm>>
        %dma_start3A_124 = tpu.memref_squeeze %dma_start3A_123 : memref<1x1x128xi32, #tpu.memory_space<hbm>> -> memref<1x128xi32, #tpu.memory_space<hbm>>
        tpu.enqueue_dma source(%dma_start3A_124 : memref<1x128xi32, #tpu.memory_space<hbm>>) target(%arg7 : memref<1x128xi32, #tpu.memory_space<vmem>>) target_semaphore(%run_scoped3A_116 : memref<!tpu.dma_semaphore, #tpu.memory_space<semaphore_mem>>)
        %dma_wait3A_125 = arith.constant 0 : i32
        %dma_wait3A_126 = arith.constant 0 : i32
        %dma_wait3A_127 = tpu.memref_slice %arg2[%add3A_103, %dma_wait3A_125, %dma_wait3A_126] : memref<2560x1x128xi32, #tpu.memory_space<hbm>> -> memref<1x1x128xi32, #tpu.memory_space<hbm>>
        %dma_wait3A_128 = tpu.memref_squeeze %dma_wait3A_127 : memref<1x1x128xi32, #tpu.memory_space<hbm>> -> memref<1x128xi32, #tpu.memory_space<hbm>>
        %dma_wait3A_129 = arith.constant 0 : i32
        %dma_wait3A_130 = arith.constant 0 : i32
        %dma_wait3A_131 = tpu.memref_slice %arg2[%add3A_103, %dma_wait3A_129, %dma_wait3A_130] : memref<2560x1x128xi32, #tpu.memory_space<hbm>> -> memref<1x1x128xi32, #tpu.memory_space<hbm>>
        %dma_wait3A_132 = tpu.memref_squeeze %dma_wait3A_131 : memref<1x1x128xi32, #tpu.memory_space<hbm>> -> memref<1x128xi32, #tpu.memory_space<hbm>>
        tpu.wait_dma2 semaphore(%run_scoped3A_116 : memref<!tpu.dma_semaphore, #tpu.memory_space<semaphore_mem>>) src(%dma_wait3A_132 : memref<1x128xi32, #tpu.memory_space<hbm>>) dst(%arg7 : memref<1x128xi32, #tpu.memory_space<vmem>>)
        tpu.yield
      }) : () -> ()
      "tpu.region"() ({
        %run_scoped3A_116 = tpu.sem_alloc : memref<!tpu.dma_semaphore, #tpu.memory_space<semaphore_mem>>
        %dma_start3A_117 = arith.constant 0 : i32
        %dma_start3A_118 = arith.constant 0 : i32
        %dma_start3A_119 = tpu.memref_slice %arg3[%add3A_103, %dma_start3A_117, %dma_start3A_118] : memref<2560x1x128xi32, #tpu.memory_space<hbm>> -> memref<1x1x128xi32, #tpu.memory_space<hbm>>
        %dma_start3A_120 = tpu.memref_squeeze %dma_start3A_119 : memref<1x1x128xi32, #tpu.memory_space<hbm>> -> memref<1x128xi32, #tpu.memory_space<hbm>>
        %dma_start3A_121 = arith.constant 0 : i32
        %dma_start3A_122 = arith.constant 0 : i32
        %dma_start3A_123 = tpu.memref_slice %arg3[%add3A_103, %dma_start3A_121, %dma_start3A_122] : memref<2560x1x128xi32, #tpu.memory_space<hbm>> -> memref<1x1x128xi32, #tpu.memory_space<hbm>>
        %dma_start3A_124 = tpu.memref_squeeze %dma_start3A_123 : memref<1x1x128xi32, #tpu.memory_space<hbm>> -> memref<1x128xi32, #tpu.memory_space<hbm>>
        tpu.enqueue_dma source(%dma_start3A_124 : memref<1x128xi32, #tpu.memory_space<hbm>>) target(%arg8 : memref<1x128xi32, #tpu.memory_space<vmem>>) target_semaphore(%run_scoped3A_116 : memref<!tpu.dma_semaphore, #tpu.memory_space<semaphore_mem>>)
        %dma_wait3A_125 = arith.constant 0 : i32
        %dma_wait3A_126 = arith.constant 0 : i32
        %dma_wait3A_127 = tpu.memref_slice %arg3[%add3A_103, %dma_wait3A_125, %dma_wait3A_126] : memref<2560x1x128xi32, #tpu.memory_space<hbm>> -> memref<1x1x128xi32, #tpu.memory_space<hbm>>
        %dma_wait3A_128 = tpu.memref_squeeze %dma_wait3A_127 : memref<1x1x128xi32, #tpu.memory_space<hbm>> -> memref<1x128xi32, #tpu.memory_space<hbm>>
        %dma_wait3A_129 = arith.constant 0 : i32
        %dma_wait3A_130 = arith.constant 0 : i32
        %dma_wait3A_131 = tpu.memref_slice %arg3[%add3A_103, %dma_wait3A_129, %dma_wait3A_130] : memref<2560x1x128xi32, #tpu.memory_space<hbm>> -> memref<1x1x128xi32, #tpu.memory_space<hbm>>
        %dma_wait3A_132 = tpu.memref_squeeze %dma_wait3A_131 : memref<1x1x128xi32, #tpu.memory_space<hbm>> -> memref<1x128xi32, #tpu.memory_space<hbm>>
        tpu.wait_dma2 semaphore(%run_scoped3A_116 : memref<!tpu.dma_semaphore, #tpu.memory_space<semaphore_mem>>) src(%dma_wait3A_132 : memref<1x128xi32, #tpu.memory_space<hbm>>) dst(%arg8 : memref<1x128xi32, #tpu.memory_space<vmem>>)
        tpu.yield
      }) : () -> ()
      %dma_start3A = arith.constant 0 : i32
      %dma_start3A_104 = arith.constant 0 : i32
      %dma_start3A_105 = tpu.memref_slice %arg7[%dma_start3A, %dma_start3A_104] : memref<1x128xi32, #tpu.memory_space<vmem>> -> memref<1x128xi32, #tpu.memory_space<vmem>>
      %dma_start3A_106 = tpu.memref_squeeze %dma_start3A_105 : memref<1x128xi32, #tpu.memory_space<vmem>> -> memref<128xi32, #tpu.memory_space<vmem>>
      %dma_start3A_107 = arith.constant 0 : i32
      %dma_start3A_108 = arith.constant 0 : i32
      %dma_start3A_109 = tpu.memref_slice %arg4[%dma_start3A_107, %dma_start3A_108] : memref<20480x128xf32, #tpu.memory_space<hbm>> -> memref<20480x128xf32, #tpu.memory_space<hbm>>
      tpu.enqueue_indirect_dma source(%dma_start3A_109 : memref<20480x128xf32, #tpu.memory_space<hbm>>) target(%arg9 : memref<128x128xf32, #tpu.memory_space<vmem>>) offsets(%dma_start3A_106 : memref<128xi32, #tpu.memory_space<vmem>>) semaphore(%arg11 : memref<!tpu.dma_semaphore, #tpu.memory_space<semaphore_mem>>)
      %dma_wait3A = arith.constant 0 : i32
      %dma_wait3A_110 = arith.constant 0 : i32
      %dma_wait3A_111 = tpu.memref_slice %arg7[%dma_wait3A, %dma_wait3A_110] : memref<1x128xi32, #tpu.memory_space<vmem>> -> memref<1x128xi32, #tpu.memory_space<vmem>>
      %dma_wait3A_112 = tpu.memref_squeeze %dma_wait3A_111 : memref<1x128xi32, #tpu.memory_space<vmem>> -> memref<128xi32, #tpu.memory_space<vmem>>
      %dma_wait3A_113 = arith.constant 0 : i32
      %dma_wait3A_114 = arith.constant 0 : i32
      %dma_wait3A_115 = tpu.memref_slice %arg4[%dma_wait3A_113, %dma_wait3A_114] : memref<20480x128xf32, #tpu.memory_space<hbm>> -> memref<20480x128xf32, #tpu.memory_space<hbm>>
      tpu.wait_indirect_dma semaphore(%arg11 : memref<!tpu.dma_semaphore, #tpu.memory_space<semaphore_mem>>) src(%dma_wait3A_115 : memref<20480x128xf32, #tpu.memory_space<hbm>>) dst(%arg9 : memref<128x128xf32, #tpu.memory_space<vmem>>)
      %run_scoped3A = arith.constant 0 : i32
      "tpu.region"() ({
        %run_scoped3A_116 = tpu.sem_alloc : memref<!tpu.dma_semaphore, #tpu.memory_space<semaphore_mem>>
        %dma_start3A_117 = arith.constant 0 : i32
        %dma_start3A_118 = tpu.memref_slice %arg8[%run_scoped3A, %dma_start3A_117] : memref<1x128xi32, #tpu.memory_space<vmem>> -> memref<1x128xi32, #tpu.memory_space<vmem>>
        %dma_start3A_119 = tpu.memref_squeeze %dma_start3A_118 : memref<1x128xi32, #tpu.memory_space<vmem>> -> memref<128xi32, #tpu.memory_space<vmem>>
        %dma_start3A_120 = arith.constant 0 : i32
        %dma_start3A_121 = arith.constant 0 : i32
        %dma_start3A_122 = tpu.memref_slice %arg10[%dma_start3A_120, %dma_start3A_121] : memref<10240x128xf32, #tpu.memory_space<vmem_shared>> -> memref<10240x128xf32, #tpu.memory_space<vmem_shared>>
        tpu.enqueue_indirect_dma source(%arg9 : memref<128x128xf32, #tpu.memory_space<vmem>>) target(%dma_start3A_122 : memref<10240x128xf32, #tpu.memory_space<vmem_shared>>) offsets(%dma_start3A_119 : memref<128xi32, #tpu.memory_space<vmem>>) semaphore(%run_scoped3A_116 : memref<!tpu.dma_semaphore, #tpu.memory_space<semaphore_mem>>) {add = true}
        %dma_wait3A_123 = arith.constant 0 : i32
        %dma_wait3A_124 = tpu.memref_slice %arg8[%run_scoped3A, %dma_wait3A_123] : memref<1x128xi32, #tpu.memory_space<vmem>> -> memref<1x128xi32, #tpu.memory_space<vmem>>
        %dma_wait3A_125 = tpu.memref_squeeze %dma_wait3A_124 : memref<1x128xi32, #tpu.memory_space<vmem>> -> memref<128xi32, #tpu.memory_space<vmem>>
        %dma_wait3A_126 = arith.constant 0 : i32
        %dma_wait3A_127 = arith.constant 0 : i32
        %dma_wait3A_128 = tpu.memref_slice %arg10[%dma_wait3A_126, %dma_wait3A_127] : memref<10240x128xf32, #tpu.memory_space<vmem_shared>> -> memref<10240x128xf32, #tpu.memory_space<vmem_shared>>
        tpu.wait_indirect_dma semaphore(%run_scoped3A_116 : memref<!tpu.dma_semaphore, #tpu.memory_space<semaphore_mem>>) src(%arg9 : memref<128x128xf32, #tpu.memory_space<vmem>>) dst(%dma_wait3A_128 : memref<10240x128xf32, #tpu.memory_space<vmem_shared>>)
        tpu.yield
      }) : () -> ()
    }
    %barrier3A_64 = arith.constant 0 : index
    tpu.barrier barrier_id(%barrier3A_64)
    %add3A_65 = arith.constant 0 : i32
    %add3A_66 = arith.addi %mul3A_0, %add3A_65 : i32
    "tpu.region"() ({
      %run_scoped3A = tpu.sem_alloc : memref<!tpu.dma_semaphore, #tpu.memory_space<semaphore_mem>>
      %dma_start3A = arith.constant 0 : i32
      %dma_start3A_100 = tpu.memref_slice %arg10[%add3A_66, %dma_start3A] : memref<10240x128xf32, #tpu.memory_space<vmem_shared>> -> memref<128x128xf32, #tpu.memory_space<vmem_shared>>
      %dma_start3A_101 = arith.constant 0 : i32
      %dma_start3A_102 = tpu.memref_slice %arg10[%add3A_66, %dma_start3A_101] : memref<10240x128xf32, #tpu.memory_space<vmem_shared>> -> memref<128x128xf32, #tpu.memory_space<vmem_shared>>
      tpu.enqueue_dma source(%dma_start3A_102 : memref<128x128xf32, #tpu.memory_space<vmem_shared>>) target(%arg9 : memref<128x128xf32, #tpu.memory_space<vmem>>) target_semaphore(%run_scoped3A : memref<!tpu.dma_semaphore, #tpu.memory_space<semaphore_mem>>)
      %dma_wait3A = arith.constant 0 : i32
      %dma_wait3A_103 = tpu.memref_slice %arg10[%add3A_66, %dma_wait3A] : memref<10240x128xf32, #tpu.memory_space<vmem_shared>> -> memref<128x128xf32, #tpu.memory_space<vmem_shared>>
      %dma_wait3A_104 = arith.constant 0 : i32
      %dma_wait3A_105 = tpu.memref_slice %arg10[%add3A_66, %dma_wait3A_104] : memref<10240x128xf32, #tpu.memory_space<vmem_shared>> -> memref<128x128xf32, #tpu.memory_space<vmem_shared>>
      tpu.wait_dma2 semaphore(%run_scoped3A : memref<!tpu.dma_semaphore, #tpu.memory_space<semaphore_mem>>) src(%dma_wait3A_105 : memref<128x128xf32, #tpu.memory_space<vmem_shared>>) dst(%arg9 : memref<128x128xf32, #tpu.memory_space<vmem>>)
      tpu.yield
    }) : () -> ()
    %mul3A_67 = arith.constant 10240 : i32
    %mul3A_68 = arith.muli %arg0, %mul3A_67 : i32
    %add3A_69 = arith.addi %mul3A_68, %mul3A_0 : i32
    %add3A_70 = arith.constant 0 : i32
    %add3A_71 = arith.addi %add3A_69, %add3A_70 : i32
    "tpu.region"() ({
      %run_scoped3A = tpu.sem_alloc : memref<!tpu.dma_semaphore, #tpu.memory_space<semaphore_mem>>
      %dma_start3A = arith.constant 0 : i32
      %dma_start3A_100 = tpu.memref_slice %arg6[%add3A_71, %dma_start3A] : memref<20480x128xf32, #tpu.memory_space<hbm>> -> memref<128x128xf32, #tpu.memory_space<hbm>>
      %dma_start3A_101 = arith.constant 0 : i32
      %dma_start3A_102 = tpu.memref_slice %arg6[%add3A_71, %dma_start3A_101] : memref<20480x128xf32, #tpu.memory_space<hbm>> -> memref<128x128xf32, #tpu.memory_space<hbm>>
      tpu.enqueue_dma source(%arg9 : memref<128x128xf32, #tpu.memory_space<vmem>>) target(%dma_start3A_102 : memref<128x128xf32, #tpu.memory_space<hbm>>) target_semaphore(%run_scoped3A : memref<!tpu.dma_semaphore, #tpu.memory_space<semaphore_mem>>)
      %dma_wait3A = arith.constant 0 : i32
      %dma_wait3A_103 = tpu.memref_slice %arg6[%add3A_71, %dma_wait3A] : memref<20480x128xf32, #tpu.memory_space<hbm>> -> memref<128x128xf32, #tpu.memory_space<hbm>>
      %dma_wait3A_104 = arith.constant 0 : i32
      %dma_wait3A_105 = tpu.memref_slice %arg6[%add3A_71, %dma_wait3A_104] : memref<20480x128xf32, #tpu.memory_space<hbm>> -> memref<128x128xf32, #tpu.memory_space<hbm>>
      tpu.wait_dma2 semaphore(%run_scoped3A : memref<!tpu.dma_semaphore, #tpu.memory_space<semaphore_mem>>) src(%arg9 : memref<128x128xf32, #tpu.memory_space<vmem>>) dst(%dma_wait3A_105 : memref<128x128xf32, #tpu.memory_space<hbm>>)
      tpu.yield
    }) : () -> ()
    %add3A_72 = arith.constant 128 : i32
    %add3A_73 = arith.addi %mul3A_0, %add3A_72 : i32
    "tpu.region"() ({
      %run_scoped3A = tpu.sem_alloc : memref<!tpu.dma_semaphore, #tpu.memory_space<semaphore_mem>>
      %dma_start3A = arith.constant 0 : i32
      %dma_start3A_100 = tpu.memref_slice %arg10[%add3A_73, %dma_start3A] : memref<10240x128xf32, #tpu.memory_space<vmem_shared>> -> memref<128x128xf32, #tpu.memory_space<vmem_shared>>
      %dma_start3A_101 = arith.constant 0 : i32
      %dma_start3A_102 = tpu.memref_slice %arg10[%add3A_73, %dma_start3A_101] : memref<10240x128xf32, #tpu.memory_space<vmem_shared>> -> memref<128x128xf32, #tpu.memory_space<vmem_shared>>
      tpu.enqueue_dma source(%dma_start3A_102 : memref<128x128xf32, #tpu.memory_space<vmem_shared>>) target(%arg9 : memref<128x128xf32, #tpu.memory_space<vmem>>) target_semaphore(%run_scoped3A : memref<!tpu.dma_semaphore, #tpu.memory_space<semaphore_mem>>)
      %dma_wait3A = arith.constant 0 : i32
      %dma_wait3A_103 = tpu.memref_slice %arg10[%add3A_73, %dma_wait3A] : memref<10240x128xf32, #tpu.memory_space<vmem_shared>> -> memref<128x128xf32, #tpu.memory_space<vmem_shared>>
      %dma_wait3A_104 = arith.constant 0 : i32
      %dma_wait3A_105 = tpu.memref_slice %arg10[%add3A_73, %dma_wait3A_104] : memref<10240x128xf32, #tpu.memory_space<vmem_shared>> -> memref<128x128xf32, #tpu.memory_space<vmem_shared>>
      tpu.wait_dma2 semaphore(%run_scoped3A : memref<!tpu.dma_semaphore, #tpu.memory_space<semaphore_mem>>) src(%dma_wait3A_105 : memref<128x128xf32, #tpu.memory_space<vmem_shared>>) dst(%arg9 : memref<128x128xf32, #tpu.memory_space<vmem>>)
      tpu.yield
    }) : () -> ()
    %mul3A_74 = arith.constant 10240 : i32
    %mul3A_75 = arith.muli %arg0, %mul3A_74 : i32
    %add3A_76 = arith.addi %mul3A_75, %mul3A_0 : i32
    %add3A_77 = arith.constant 128 : i32
    %add3A_78 = arith.addi %add3A_76, %add3A_77 : i32
    "tpu.region"() ({
      %run_scoped3A = tpu.sem_alloc : memref<!tpu.dma_semaphore, #tpu.memory_space<semaphore_mem>>
      %dma_start3A = arith.constant 0 : i32
      %dma_start3A_100 = tpu.memref_slice %arg6[%add3A_78, %dma_start3A] : memref<20480x128xf32, #tpu.memory_space<hbm>> -> memref<128x128xf32, #tpu.memory_space<hbm>>
      %dma_start3A_101 = arith.constant 0 : i32
      %dma_start3A_102 = tpu.memref_slice %arg6[%add3A_78, %dma_start3A_101] : memref<20480x128xf32, #tpu.memory_space<hbm>> -> memref<128x128xf32, #tpu.memory_space<hbm>>
      tpu.enqueue_dma source(%arg9 : memref<128x128xf32, #tpu.memory_space<vmem>>) target(%dma_start3A_102 : memref<128x128xf32, #tpu.memory_space<hbm>>) target_semaphore(%run_scoped3A : memref<!tpu.dma_semaphore, #tpu.memory_space<semaphore_mem>>)
      %dma_wait3A = arith.constant 0 : i32
      %dma_wait3A_103 = tpu.memref_slice %arg6[%add3A_78, %dma_wait3A] : memref<20480x128xf32, #tpu.memory_space<hbm>> -> memref<128x128xf32, #tpu.memory_space<hbm>>
      %dma_wait3A_104 = arith.constant 0 : i32
      %dma_wait3A_105 = tpu.memref_slice %arg6[%add3A_78, %dma_wait3A_104] : memref<20480x128xf32, #tpu.memory_space<hbm>> -> memref<128x128xf32, #tpu.memory_space<hbm>>
      tpu.wait_dma2 semaphore(%run_scoped3A : memref<!tpu.dma_semaphore, #tpu.memory_space<semaphore_mem>>) src(%arg9 : memref<128x128xf32, #tpu.memory_space<vmem>>) dst(%dma_wait3A_105 : memref<128x128xf32, #tpu.memory_space<hbm>>)
      tpu.yield
    }) : () -> ()
    %add3A_79 = arith.constant 256 : i32
    %add3A_80 = arith.addi %mul3A_0, %add3A_79 : i32
    "tpu.region"() ({
      %run_scoped3A = tpu.sem_alloc : memref<!tpu.dma_semaphore, #tpu.memory_space<semaphore_mem>>
      %dma_start3A = arith.constant 0 : i32
      %dma_start3A_100 = tpu.memref_slice %arg10[%add3A_80, %dma_start3A] : memref<10240x128xf32, #tpu.memory_space<vmem_shared>> -> memref<128x128xf32, #tpu.memory_space<vmem_shared>>
      %dma_start3A_101 = arith.constant 0 : i32
      %dma_start3A_102 = tpu.memref_slice %arg10[%add3A_80, %dma_start3A_101] : memref<10240x128xf32, #tpu.memory_space<vmem_shared>> -> memref<128x128xf32, #tpu.memory_space<vmem_shared>>
      tpu.enqueue_dma source(%dma_start3A_102 : memref<128x128xf32, #tpu.memory_space<vmem_shared>>) target(%arg9 : memref<128x128xf32, #tpu.memory_space<vmem>>) target_semaphore(%run_scoped3A : memref<!tpu.dma_semaphore, #tpu.memory_space<semaphore_mem>>)
      %dma_wait3A = arith.constant 0 : i32
      %dma_wait3A_103 = tpu.memref_slice %arg10[%add3A_80, %dma_wait3A] : memref<10240x128xf32, #tpu.memory_space<vmem_shared>> -> memref<128x128xf32, #tpu.memory_space<vmem_shared>>
      %dma_wait3A_104 = arith.constant 0 : i32
      %dma_wait3A_105 = tpu.memref_slice %arg10[%add3A_80, %dma_wait3A_104] : memref<10240x128xf32, #tpu.memory_space<vmem_shared>> -> memref<128x128xf32, #tpu.memory_space<vmem_shared>>
      tpu.wait_dma2 semaphore(%run_scoped3A : memref<!tpu.dma_semaphore, #tpu.memory_space<semaphore_mem>>) src(%dma_wait3A_105 : memref<128x128xf32, #tpu.memory_space<vmem_shared>>) dst(%arg9 : memref<128x128xf32, #tpu.memory_space<vmem>>)
      tpu.yield
    }) : () -> ()
    %mul3A_81 = arith.constant 10240 : i32
    %mul3A_82 = arith.muli %arg0, %mul3A_81 : i32
    %add3A_83 = arith.addi %mul3A_82, %mul3A_0 : i32
    %add3A_84 = arith.constant 256 : i32
    %add3A_85 = arith.addi %add3A_83, %add3A_84 : i32
    "tpu.region"() ({
      %run_scoped3A = tpu.sem_alloc : memref<!tpu.dma_semaphore, #tpu.memory_space<semaphore_mem>>
      %dma_start3A = arith.constant 0 : i32
      %dma_start3A_100 = tpu.memref_slice %arg6[%add3A_85, %dma_start3A] : memref<20480x128xf32, #tpu.memory_space<hbm>> -> memref<128x128xf32, #tpu.memory_space<hbm>>
      %dma_start3A_101 = arith.constant 0 : i32
      %dma_start3A_102 = tpu.memref_slice %arg6[%add3A_85, %dma_start3A_101] : memref<20480x128xf32, #tpu.memory_space<hbm>> -> memref<128x128xf32, #tpu.memory_space<hbm>>
      tpu.enqueue_dma source(%arg9 : memref<128x128xf32, #tpu.memory_space<vmem>>) target(%dma_start3A_102 : memref<128x128xf32, #tpu.memory_space<hbm>>) target_semaphore(%run_scoped3A : memref<!tpu.dma_semaphore, #tpu.memory_space<semaphore_mem>>)
      %dma_wait3A = arith.constant 0 : i32
      %dma_wait3A_103 = tpu.memref_slice %arg6[%add3A_85, %dma_wait3A] : memref<20480x128xf32, #tpu.memory_space<hbm>> -> memref<128x128xf32, #tpu.memory_space<hbm>>
      %dma_wait3A_104 = arith.constant 0 : i32
      %dma_wait3A_105 = tpu.memref_slice %arg6[%add3A_85, %dma_wait3A_104] : memref<20480x128xf32, #tpu.memory_space<hbm>> -> memref<128x128xf32, #tpu.memory_space<hbm>>
      tpu.wait_dma2 semaphore(%run_scoped3A : memref<!tpu.dma_semaphore, #tpu.memory_space<semaphore_mem>>) src(%arg9 : memref<128x128xf32, #tpu.memory_space<vmem>>) dst(%dma_wait3A_105 : memref<128x128xf32, #tpu.memory_space<hbm>>)
      tpu.yield
    }) : () -> ()
    %add3A_86 = arith.constant 384 : i32
    %add3A_87 = arith.addi %mul3A_0, %add3A_86 : i32
    "tpu.region"() ({
      %run_scoped3A = tpu.sem_alloc : memref<!tpu.dma_semaphore, #tpu.memory_space<semaphore_mem>>
      %dma_start3A = arith.constant 0 : i32
      %dma_start3A_100 = tpu.memref_slice %arg10[%add3A_87, %dma_start3A] : memref<10240x128xf32, #tpu.memory_space<vmem_shared>> -> memref<128x128xf32, #tpu.memory_space<vmem_shared>>
      %dma_start3A_101 = arith.constant 0 : i32
      %dma_start3A_102 = tpu.memref_slice %arg10[%add3A_87, %dma_start3A_101] : memref<10240x128xf32, #tpu.memory_space<vmem_shared>> -> memref<128x128xf32, #tpu.memory_space<vmem_shared>>
      tpu.enqueue_dma source(%dma_start3A_102 : memref<128x128xf32, #tpu.memory_space<vmem_shared>>) target(%arg9 : memref<128x128xf32, #tpu.memory_space<vmem>>) target_semaphore(%run_scoped3A : memref<!tpu.dma_semaphore, #tpu.memory_space<semaphore_mem>>)
      %dma_wait3A = arith.constant 0 : i32
      %dma_wait3A_103 = tpu.memref_slice %arg10[%add3A_87, %dma_wait3A] : memref<10240x128xf32, #tpu.memory_space<vmem_shared>> -> memref<128x128xf32, #tpu.memory_space<vmem_shared>>
      %dma_wait3A_104 = arith.constant 0 : i32
      %dma_wait3A_105 = tpu.memref_slice %arg10[%add3A_87, %dma_wait3A_104] : memref<10240x128xf32, #tpu.memory_space<vmem_shared>> -> memref<128x128xf32, #tpu.memory_space<vmem_shared>>
      tpu.wait_dma2 semaphore(%run_scoped3A : memref<!tpu.dma_semaphore, #tpu.memory_space<semaphore_mem>>) src(%dma_wait3A_105 : memref<128x128xf32, #tpu.memory_space<vmem_shared>>) dst(%arg9 : memref<128x128xf32, #tpu.memory_space<vmem>>)
      tpu.yield
    }) : () -> ()
    %mul3A_88 = arith.constant 10240 : i32
    %mul3A_89 = arith.muli %arg0, %mul3A_88 : i32
    %add3A_90 = arith.addi %mul3A_89, %mul3A_0 : i32
    %add3A_91 = arith.constant 384 : i32
    %add3A_92 = arith.addi %add3A_90, %add3A_91 : i32
    "tpu.region"() ({
      %run_scoped3A = tpu.sem_alloc : memref<!tpu.dma_semaphore, #tpu.memory_space<semaphore_mem>>
      %dma_start3A = arith.constant 0 : i32
      %dma_start3A_100 = tpu.memref_slice %arg6[%add3A_92, %dma_start3A] : memref<20480x128xf32, #tpu.memory_space<hbm>> -> memref<128x128xf32, #tpu.memory_space<hbm>>
      %dma_start3A_101 = arith.constant 0 : i32
      %dma_start3A_102 = tpu.memref_slice %arg6[%add3A_92, %dma_start3A_101] : memref<20480x128xf32, #tpu.memory_space<hbm>> -> memref<128x128xf32, #tpu.memory_space<hbm>>
      tpu.enqueue_dma source(%arg9 : memref<128x128xf32, #tpu.memory_space<vmem>>) target(%dma_start3A_102 : memref<128x128xf32, #tpu.memory_space<hbm>>) target_semaphore(%run_scoped3A : memref<!tpu.dma_semaphore, #tpu.memory_space<semaphore_mem>>)
      %dma_wait3A = arith.constant 0 : i32
      %dma_wait3A_103 = tpu.memref_slice %arg6[%add3A_92, %dma_wait3A] : memref<20480x128xf32, #tpu.memory_space<hbm>> -> memref<128x128xf32, #tpu.memory_space<hbm>>
      %dma_wait3A_104 = arith.constant 0 : i32
      %dma_wait3A_105 = tpu.memref_slice %arg6[%add3A_92, %dma_wait3A_104] : memref<20480x128xf32, #tpu.memory_space<hbm>> -> memref<128x128xf32, #tpu.memory_space<hbm>>
      tpu.wait_dma2 semaphore(%run_scoped3A : memref<!tpu.dma_semaphore, #tpu.memory_space<semaphore_mem>>) src(%arg9 : memref<128x128xf32, #tpu.memory_space<vmem>>) dst(%dma_wait3A_105 : memref<128x128xf32, #tpu.memory_space<hbm>>)
      tpu.yield
    }) : () -> ()
    %add3A_93 = arith.constant 512 : i32
    %add3A_94 = arith.addi %mul3A_0, %add3A_93 : i32
    "tpu.region"() ({
      %run_scoped3A = tpu.sem_alloc : memref<!tpu.dma_semaphore, #tpu.memory_space<semaphore_mem>>
      %dma_start3A = arith.constant 0 : i32
      %dma_start3A_100 = tpu.memref_slice %arg10[%add3A_94, %dma_start3A] : memref<10240x128xf32, #tpu.memory_space<vmem_shared>> -> memref<128x128xf32, #tpu.memory_space<vmem_shared>>
      %dma_start3A_101 = arith.constant 0 : i32
      %dma_start3A_102 = tpu.memref_slice %arg10[%add3A_94, %dma_start3A_101] : memref<10240x128xf32, #tpu.memory_space<vmem_shared>> -> memref<128x128xf32, #tpu.memory_space<vmem_shared>>
      tpu.enqueue_dma source(%dma_start3A_102 : memref<128x128xf32, #tpu.memory_space<vmem_shared>>) target(%arg9 : memref<128x128xf32, #tpu.memory_space<vmem>>) target_semaphore(%run_scoped3A : memref<!tpu.dma_semaphore, #tpu.memory_space<semaphore_mem>>)
      %dma_wait3A = arith.constant 0 : i32
      %dma_wait3A_103 = tpu.memref_slice %arg10[%add3A_94, %dma_wait3A] : memref<10240x128xf32, #tpu.memory_space<vmem_shared>> -> memref<128x128xf32, #tpu.memory_space<vmem_shared>>
      %dma_wait3A_104 = arith.constant 0 : i32
      %dma_wait3A_105 = tpu.memref_slice %arg10[%add3A_94, %dma_wait3A_104] : memref<10240x128xf32, #tpu.memory_space<vmem_shared>> -> memref<128x128xf32, #tpu.memory_space<vmem_shared>>
      tpu.wait_dma2 semaphore(%run_scoped3A : memref<!tpu.dma_semaphore, #tpu.memory_space<semaphore_mem>>) src(%dma_wait3A_105 : memref<128x128xf32, #tpu.memory_space<vmem_shared>>) dst(%arg9 : memref<128x128xf32, #tpu.memory_space<vmem>>)
      tpu.yield
    }) : () -> ()
    %mul3A_95 = arith.constant 10240 : i32
    %mul3A_96 = arith.muli %arg0, %mul3A_95 : i32
    %add3A_97 = arith.addi %mul3A_96, %mul3A_0 : i32
    %add3A_98 = arith.constant 512 : i32
    %add3A_99 = arith.addi %add3A_97, %add3A_98 : i32
    "tpu.region"() ({
      %run_scoped3A = tpu.sem_alloc : memref<!tpu.dma_semaphore, #tpu.memory_space<semaphore_mem>>
      %dma_start3A = arith.constant 0 : i32
      %dma_start3A_100 = tpu.memref_slice %arg6[%add3A_99, %dma_start3A] : memref<20480x128xf32, #tpu.memory_space<hbm>> -> memref<128x128xf32, #tpu.memory_space<hbm>>
      %dma_start3A_101 = arith.constant 0 : i32
      %dma_start3A_102 = tpu.memref_slice %arg6[%add3A_99, %dma_start3A_101] : memref<20480x128xf32, #tpu.memory_space<hbm>> -> memref<128x128xf32, #tpu.memory_space<hbm>>
      tpu.enqueue_dma source(%arg9 : memref<128x128xf32, #tpu.memory_space<vmem>>) target(%dma_start3A_102 : memref<128x128xf32, #tpu.memory_space<hbm>>) target_semaphore(%run_scoped3A : memref<!tpu.dma_semaphore, #tpu.memory_space<semaphore_mem>>)
      %dma_wait3A = arith.constant 0 : i32
      %dma_wait3A_103 = tpu.memref_slice %arg6[%add3A_99, %dma_wait3A] : memref<20480x128xf32, #tpu.memory_space<hbm>> -> memref<128x128xf32, #tpu.memory_space<hbm>>
      %dma_wait3A_104 = arith.constant 0 : i32
      %dma_wait3A_105 = tpu.memref_slice %arg6[%add3A_99, %dma_wait3A_104] : memref<20480x128xf32, #tpu.memory_space<hbm>> -> memref<128x128xf32, #tpu.memory_space<hbm>>
      tpu.wait_dma2 semaphore(%run_scoped3A : memref<!tpu.dma_semaphore, #tpu.memory_space<semaphore_mem>>) src(%arg9 : memref<128x128xf32, #tpu.memory_space<vmem>>) dst(%dma_wait3A_105 : memref<128x128xf32, #tpu.memory_space<hbm>>)
      tpu.yield
    }) : () -> ()
    return
  }
}

#map = affine_map<(d0, d1) -> (0, 0, 0)>
#map1 = affine_map<(d0, d1) -> (0, 0)>
module attributes {stable_mosaic.version = 14 : i64} {
  func.func @body(%arg0: i32, %arg1: i32, %arg2: memref<2560x1x128xi32, #tpu.memory_space<hbm>>, %arg3: memref<2560x1x128xi32, #tpu.memory_space<hbm>>, %arg4: memref<20480x128xf32, #tpu.memory_space<hbm>>, %arg5: memref<10240x128xf32, #tpu.memory_space<hbm>>, %arg6: memref<20480x128xf32, #tpu.memory_space<hbm>>, %arg7: memref<1x128xi32, #tpu.memory_space<vmem>>, %arg8: memref<1x128xi32, #tpu.memory_space<vmem>>, %arg9: memref<128x128xf32, #tpu.memory_space<vmem>>, %arg10: memref<10240x128xf32, #tpu.memory_space<vmem_shared>>, %arg11: memref<!tpu.dma_semaphore, #tpu.memory_space<semaphore_mem>>) attributes {dimension_semantics = [#tpu.dimension_semantics<core_parallel>, #tpu.dimension_semantics<subcore_parallel>], iteration_bounds = array<i64: 2, 16>, scalar_prefetch = 0 : i64, scratch_operands = 5 : i64, tpu.core_type = #tpu.core_type<sc_vector_subcore>, window_params = [{transform_indices = #map}, {transform_indices = #map}, {transform_indices = #map1}, {transform_indices = #map1}, {transform_indices = #map1}]} {
    %mul3A = arith.constant 640 : i32
    %mul3A_0 = arith.muli %arg1, %mul3A : i32
    "tpu.region"() ({
      %run_scoped3A = tpu.sem_alloc : memref<!tpu.dma_semaphore, #tpu.memory_space<semaphore_mem>>
      %dma_start3A = arith.constant 0 : i32
      %dma_start3A_100 = arith.constant 0 : i32
      %dma_start3A_101 = tpu.memref_slice %arg5[%dma_start3A, %dma_start3A_100] : memref<10240x128xf32, #tpu.memory_space<hbm>> -> memref<128x128xf32, #tpu.memory_space<hbm>>
      %dma_start3A_102 = arith.constant 0 : i32
      %dma_start3A_103 = arith.constant 0 : i32
      %dma_start3A_104 = tpu.memref_slice %arg5[%dma_start3A_102, %dma_start3A_103] : memref<10240x128xf32, #tpu.memory_space<hbm>> -> memref<128x128xf32, #tpu.memory_space<hbm>>
      tpu.enqueue_dma source(%dma_start3A_104 : memref<128x128xf32, #tpu.memory_space<hbm>>) target(%arg9 : memref<128x128xf32, #tpu.memory_space<vmem>>) target_semaphore(%run_scoped3A : memref<!tpu.dma_semaphore, #tpu.memory_space<semaphore_mem>>)
      %dma_wait3A = arith.constant 0 : i32
      %dma_wait3A_105 = arith.constant 0 : i32
      %dma_wait3A_106 = tpu.memref_slice %arg5[%dma_wait3A, %dma_wait3A_105] : memref<10240x128xf32, #tpu.memory_space<hbm>> -> memref<128x128xf32, #tpu.memory_space<hbm>>
      %dma_wait3A_107 = arith.constant 0 : i32
      %dma_wait3A_108 = arith.constant 0 : i32
      %dma_wait3A_109 = tpu.memref_slice %arg5[%dma_wait3A_107, %dma_wait3A_108] : memref<10240x128xf32, #tpu.memory_space<hbm>> -> memref<128x128xf32, #tpu.memory_space<hbm>>
      tpu.wait_dma2 semaphore(%run_scoped3A : memref<!tpu.dma_semaphore, #tpu.memory_space<semaphore_mem>>) src(%dma_wait3A_109 : memref<128x128xf32, #tpu.memory_space<hbm>>) dst(%arg9 : memref<128x128xf32, #tpu.memory_space<vmem>>)
      tpu.yield
    }) : () -> ()
    %add3A = arith.constant 0 : i32
    %add3A_1 = arith.addi %mul3A_0, %add3A : i32
    "tpu.region"() ({
      %run_scoped3A = tpu.sem_alloc : memref<!tpu.dma_semaphore, #tpu.memory_space<semaphore_mem>>
      %dma_start3A = arith.constant 0 : i32
      %dma_start3A_100 = tpu.memref_slice %arg10[%add3A_1, %dma_start3A] : memref<10240x128xf32, #tpu.memory_space<vmem_shared>> -> memref<128x128xf32, #tpu.memory_space<vmem_shared>>
      %dma_start3A_101 = arith.constant 0 : i32
      %dma_start3A_102 = tpu.memref_slice %arg10[%add3A_1, %dma_start3A_101] : memref<10240x128xf32, #tpu.memory_space<vmem_shared>> -> memref<128x128xf32, #tpu.memory_space<vmem_shared>>
      tpu.enqueue_dma source(%arg9 : memref<128x128xf32, #tpu.memory_space<vmem>>) target(%dma_start3A_102 : memref<128x128xf32, #tpu.memory_space<vmem_shared>>) target_semaphore(%run_scoped3A : memref<!tpu.dma_semaphore, #tpu.memory_space<semaphore_mem>>)
      %dma_wait3A = arith.constant 0 : i32
      %dma_wait3A_103 = tpu.memref_slice %arg10[%add3A_1, %dma_wait3A] : memref<10240x128xf32, #tpu.memory_space<vmem_shared>> -> memref<128x128xf32, #tpu.memory_space<vmem_shared>>
      %dma_wait3A_104 = arith.constant 0 : i32
      %dma_wait3A_105 = tpu.memref_slice %arg10[%add3A_1, %dma_wait3A_104] : memref<10240x128xf32, #tpu.memory_space<vmem_shared>> -> memref<128x128xf32, #tpu.memory_space<vmem_shared>>
      tpu.wait_dma2 semaphore(%run_scoped3A : memref<!tpu.dma_semaphore, #tpu.memory_space<semaphore_mem>>) src(%arg9 : memref<128x128xf32, #tpu.memory_space<vmem>>) dst(%dma_wait3A_105 : memref<128x128xf32, #tpu.memory_space<vmem_shared>>)
      tpu.yield
    }) : () -> ()
    %add3A_2 = arith.constant 128 : i32
    %add3A_3 = arith.addi %mul3A_0, %add3A_2 : i32
    "tpu.region"() ({
      %run_scoped3A = tpu.sem_alloc : memref<!tpu.dma_semaphore, #tpu.memory_space<semaphore_mem>>
      %dma_start3A = arith.constant 0 : i32
      %dma_start3A_100 = tpu.memref_slice %arg10[%add3A_3, %dma_start3A] : memref<10240x128xf32, #tpu.memory_space<vmem_shared>> -> memref<128x128xf32, #tpu.memory_space<vmem_shared>>
      %dma_start3A_101 = arith.constant 0 : i32
      %dma_start3A_102 = tpu.memref_slice %arg10[%add3A_3, %dma_start3A_101] : memref<10240x128xf32, #tpu.memory_space<vmem_shared>> -> memref<128x128xf32, #tpu.memory_space<vmem_shared>>
      tpu.enqueue_dma source(%arg9 : memref<128x128xf32, #tpu.memory_space<vmem>>) target(%dma_start3A_102 : memref<128x128xf32, #tpu.memory_space<vmem_shared>>) target_semaphore(%run_scoped3A : memref<!tpu.dma_semaphore, #tpu.memory_space<semaphore_mem>>)
      %dma_wait3A = arith.constant 0 : i32
      %dma_wait3A_103 = tpu.memref_slice %arg10[%add3A_3, %dma_wait3A] : memref<10240x128xf32, #tpu.memory_space<vmem_shared>> -> memref<128x128xf32, #tpu.memory_space<vmem_shared>>
      %dma_wait3A_104 = arith.constant 0 : i32
      %dma_wait3A_105 = tpu.memref_slice %arg10[%add3A_3, %dma_wait3A_104] : memref<10240x128xf32, #tpu.memory_space<vmem_shared>> -> memref<128x128xf32, #tpu.memory_space<vmem_shared>>
      tpu.wait_dma2 semaphore(%run_scoped3A : memref<!tpu.dma_semaphore, #tpu.memory_space<semaphore_mem>>) src(%arg9 : memref<128x128xf32, #tpu.memory_space<vmem>>) dst(%dma_wait3A_105 : memref<128x128xf32, #tpu.memory_space<vmem_shared>>)
      tpu.yield
    }) : () -> ()
    %add3A_4 = arith.constant 256 : i32
    %add3A_5 = arith.addi %mul3A_0, %add3A_4 : i32
    "tpu.region"() ({
      %run_scoped3A = tpu.sem_alloc : memref<!tpu.dma_semaphore, #tpu.memory_space<semaphore_mem>>
      %dma_start3A = arith.constant 0 : i32
      %dma_start3A_100 = tpu.memref_slice %arg10[%add3A_5, %dma_start3A] : memref<10240x128xf32, #tpu.memory_space<vmem_shared>> -> memref<128x128xf32, #tpu.memory_space<vmem_shared>>
      %dma_start3A_101 = arith.constant 0 : i32
      %dma_start3A_102 = tpu.memref_slice %arg10[%add3A_5, %dma_start3A_101] : memref<10240x128xf32, #tpu.memory_space<vmem_shared>> -> memref<128x128xf32, #tpu.memory_space<vmem_shared>>
      tpu.enqueue_dma source(%arg9 : memref<128x128xf32, #tpu.memory_space<vmem>>) target(%dma_start3A_102 : memref<128x128xf32, #tpu.memory_space<vmem_shared>>) target_semaphore(%run_scoped3A : memref<!tpu.dma_semaphore, #tpu.memory_space<semaphore_mem>>)
      %dma_wait3A = arith.constant 0 : i32
      %dma_wait3A_103 = tpu.memref_slice %arg10[%add3A_5, %dma_wait3A] : memref<10240x128xf32, #tpu.memory_space<vmem_shared>> -> memref<128x128xf32, #tpu.memory_space<vmem_shared>>
      %dma_wait3A_104 = arith.constant 0 : i32
      %dma_wait3A_105 = tpu.memref_slice %arg10[%add3A_5, %dma_wait3A_104] : memref<10240x128xf32, #tpu.memory_space<vmem_shared>> -> memref<128x128xf32, #tpu.memory_space<vmem_shared>>
      tpu.wait_dma2 semaphore(%run_scoped3A : memref<!tpu.dma_semaphore, #tpu.memory_space<semaphore_mem>>) src(%arg9 : memref<128x128xf32, #tpu.memory_space<vmem>>) dst(%dma_wait3A_105 : memref<128x128xf32, #tpu.memory_space<vmem_shared>>)
      tpu.yield
    }) : () -> ()
    %add3A_6 = arith.constant 384 : i32
    %add3A_7 = arith.addi %mul3A_0, %add3A_6 : i32
    "tpu.region"() ({
      %run_scoped3A = tpu.sem_alloc : memref<!tpu.dma_semaphore, #tpu.memory_space<semaphore_mem>>
      %dma_start3A = arith.constant 0 : i32
      %dma_start3A_100 = tpu.memref_slice %arg10[%add3A_7, %dma_start3A] : memref<10240x128xf32, #tpu.memory_space<vmem_shared>> -> memref<128x128xf32, #tpu.memory_space<vmem_shared>>
      %dma_start3A_101 = arith.constant 0 : i32
      %dma_start3A_102 = tpu.memref_slice %arg10[%add3A_7, %dma_start3A_101] : memref<10240x128xf32, #tpu.memory_space<vmem_shared>> -> memref<128x128xf32, #tpu.memory_space<vmem_shared>>
      tpu.enqueue_dma source(%arg9 : memref<128x128xf32, #tpu.memory_space<vmem>>) target(%dma_start3A_102 : memref<128x128xf32, #tpu.memory_space<vmem_shared>>) target_semaphore(%run_scoped3A : memref<!tpu.dma_semaphore, #tpu.memory_space<semaphore_mem>>)
      %dma_wait3A = arith.constant 0 : i32
      %dma_wait3A_103 = tpu.memref_slice %arg10[%add3A_7, %dma_wait3A] : memref<10240x128xf32, #tpu.memory_space<vmem_shared>> -> memref<128x128xf32, #tpu.memory_space<vmem_shared>>
      %dma_wait3A_104 = arith.constant 0 : i32
      %dma_wait3A_105 = tpu.memref_slice %arg10[%add3A_7, %dma_wait3A_104] : memref<10240x128xf32, #tpu.memory_space<vmem_shared>> -> memref<128x128xf32, #tpu.memory_space<vmem_shared>>
      tpu.wait_dma2 semaphore(%run_scoped3A : memref<!tpu.dma_semaphore, #tpu.memory_space<semaphore_mem>>) src(%arg9 : memref<128x128xf32, #tpu.memory_space<vmem>>) dst(%dma_wait3A_105 : memref<128x128xf32, #tpu.memory_space<vmem_shared>>)
      tpu.yield
    }) : () -> ()
    %add3A_8 = arith.constant 512 : i32
    %add3A_9 = arith.addi %mul3A_0, %add3A_8 : i32
    "tpu.region"() ({
      %run_scoped3A = tpu.sem_alloc : memref<!tpu.dma_semaphore, #tpu.memory_space<semaphore_mem>>
      %dma_start3A = arith.constant 0 : i32
      %dma_start3A_100 = tpu.memref_slice %arg10[%add3A_9, %dma_start3A] : memref<10240x128xf32, #tpu.memory_space<vmem_shared>> -> memref<128x128xf32, #tpu.memory_space<vmem_shared>>
      %dma_start3A_101 = arith.constant 0 : i32
      %dma_start3A_102 = tpu.memref_slice %arg10[%add3A_9, %dma_start3A_101] : memref<10240x128xf32, #tpu.memory_space<vmem_shared>> -> memref<128x128xf32, #tpu.memory_space<vmem_shared>>
      tpu.enqueue_dma source(%arg9 : memref<128x128xf32, #tpu.memory_space<vmem>>) target(%dma_start3A_102 : memref<128x128xf32, #tpu.memory_space<vmem_shared>>) target_semaphore(%run_scoped3A : memref<!tpu.dma_semaphore, #tpu.memory_space<semaphore_mem>>)
      %dma_wait3A = arith.constant 0 : i32
      %dma_wait3A_103 = tpu.memref_slice %arg10[%add3A_9, %dma_wait3A] : memref<10240x128xf32, #tpu.memory_space<vmem_shared>> -> memref<128x128xf32, #tpu.memory_space<vmem_shared>>
      %dma_wait3A_104 = arith.constant 0 : i32
      %dma_wait3A_105 = tpu.memref_slice %arg10[%add3A_9, %dma_wait3A_104] : memref<10240x128xf32, #tpu.memory_space<vmem_shared>> -> memref<128x128xf32, #tpu.memory_space<vmem_shared>>
      tpu.wait_dma2 semaphore(%run_scoped3A : memref<!tpu.dma_semaphore, #tpu.memory_space<semaphore_mem>>) src(%arg9 : memref<128x128xf32, #tpu.memory_space<vmem>>) dst(%dma_wait3A_105 : memref<128x128xf32, #tpu.memory_space<vmem_shared>>)
      tpu.yield
    }) : () -> ()
    %barrier3A = arith.constant 0 : index
    tpu.barrier barrier_id(%barrier3A)
    %mul3A_10 = arith.constant 1250 : i32
    %mul3A_11 = arith.muli %mul3A_10, %arg1 : i32
    %jit3A = arith.constant 16 : i32
    %div3A = arith.divsi %mul3A_11, %jit3A : i32
    %sign3A = arith.constant 0 : i32
    %sign3A_12 = arith.cmpi sgt, %mul3A_11, %sign3A : i32
    %sign3A_13 = arith.extui %sign3A_12 : i1 to i32
    %sign3A_14 = arith.constant 0 : i32
    %sign3A_15 = arith.cmpi slt, %mul3A_11, %sign3A_14 : i32
    %sign3A_16 = arith.extui %sign3A_15 : i1 to i32
    %sign3A_17 = arith.subi %sign3A_13, %sign3A_16 : i32
    %sign3A_18 = arith.constant 0 : i32
    %sign3A_19 = arith.cmpi sgt, %jit3A, %sign3A_18 : i32
    %sign3A_20 = arith.extui %sign3A_19 : i1 to i32
    %sign3A_21 = arith.constant 0 : i32
    %sign3A_22 = arith.cmpi slt, %jit3A, %sign3A_21 : i32
    %sign3A_23 = arith.extui %sign3A_22 : i1 to i32
    %sign3A_24 = arith.subi %sign3A_20, %sign3A_23 : i32
    %ne3A = arith.cmpi ne, %sign3A_17, %sign3A_24 : i32
    %rem3A = arith.remsi %mul3A_11, %jit3A : i32
    %ne3A_25 = arith.constant 0 : i32
    %ne3A_26 = arith.cmpi ne, %rem3A, %ne3A_25 : i32
    %and3A = arith.andi %ne3A, %ne3A_26 : i1
    %sub3A = arith.constant 1 : i32
    %sub3A_27 = arith.subi %div3A, %sub3A : i32
    %select_n3A = arith.select %and3A, %sub3A_27, %div3A : i32
    %add3A_28 = arith.constant 1 : i32
    %add3A_29 = arith.addi %arg1, %add3A_28 : i32
    %mul3A_30 = arith.constant 1250 : i32
    %mul3A_31 = arith.muli %mul3A_30, %add3A_29 : i32
    %jit3A_32 = arith.constant 16 : i32
    %div3A_33 = arith.divsi %mul3A_31, %jit3A_32 : i32
    %sign3A_34 = arith.constant 0 : i32
    %sign3A_35 = arith.cmpi sgt, %mul3A_31, %sign3A_34 : i32
    %sign3A_36 = arith.extui %sign3A_35 : i1 to i32
    %sign3A_37 = arith.constant 0 : i32
    %sign3A_38 = arith.cmpi slt, %mul3A_31, %sign3A_37 : i32
    %sign3A_39 = arith.extui %sign3A_38 : i1 to i32
    %sign3A_40 = arith.subi %sign3A_36, %sign3A_39 : i32
    %sign3A_41 = arith.constant 0 : i32
    %sign3A_42 = arith.cmpi sgt, %jit3A_32, %sign3A_41 : i32
    %sign3A_43 = arith.extui %sign3A_42 : i1 to i32
    %sign3A_44 = arith.constant 0 : i32
    %sign3A_45 = arith.cmpi slt, %jit3A_32, %sign3A_44 : i32
    %sign3A_46 = arith.extui %sign3A_45 : i1 to i32
    %sign3A_47 = arith.subi %sign3A_43, %sign3A_46 : i32
    %ne3A_48 = arith.cmpi ne, %sign3A_40, %sign3A_47 : i32
    %rem3A_49 = arith.remsi %mul3A_31, %jit3A_32 : i32
    %ne3A_50 = arith.constant 0 : i32
    %ne3A_51 = arith.cmpi ne, %rem3A_49, %ne3A_50 : i32
    %and3A_52 = arith.andi %ne3A_48, %ne3A_51 : i1
    %sub3A_53 = arith.constant 1 : i32
    %sub3A_54 = arith.subi %div3A_33, %sub3A_53 : i32
    %select_n3A_55 = arith.select %and3A_52, %sub3A_54, %div3A_33 : i32
    %while3A = arith.constant 0 : i32
    %while3A_56 = arith.subi %select_n3A_55, %select_n3A : i32
    %while3A_57 = arith.addi %select_n3A, %while3A_56 : i32
    %while3A_58 = arith.constant 1 : i32
    %while3A_59 = arith.divsi %while3A_56, %while3A_58 : i32
    %while3A_60 = arith.muli %while3A_59, %while3A_58 : i32
    %while3A_61 = arith.addi %select_n3A, %while3A_60 : i32
    %while3A_62 = arith.constant 1 : i32
    scf.for %while3A_100 = %select_n3A to %while3A_61 step %while3A_62  : i32 {
      %mul3A_101 = arith.constant 1280 : i32
      %mul3A_102 = arith.muli %arg0, %mul3A_101 : i32
      %add3A_103 = arith.addi %mul3A_102, %while3A_100 : i32
      "tpu.region"() ({
        %run_scoped3A_116 = tpu.sem_alloc : memref<!tpu.dma_semaphore, #tpu.memory_space<semaphore_mem>>
        %dma_start3A_117 = arith.constant 0 : i32
        %dma_start3A_118 = arith.constant 0 : i32
        %dma_start3A_119 = tpu.memref_slice %arg2[%add3A_103, %dma_start3A_117, %dma_start3A_118] : memref<2560x1x128xi32, #tpu.memory_space<hbm>> -> memref<1x1x128xi32, #tpu.memory_space<hbm>>
        %dma_start3A_120 = tpu.memref_squeeze %dma_start3A_119 : memref<1x1x128xi32, #tpu.memory_space<hbm>> -> memref<1x128xi32, #tpu.memory_space<hbm>>
        %dma_start3A_121 = arith.constant 0 : i32
        %dma_start3A_122 = arith.constant 0 : i32
        %dma_start3A_123 = tpu.memref_slice %arg2[%add3A_103, %dma_start3A_121, %dma_start3A_122] : memref<2560x1x128xi32, #tpu.memory_space<hbm>> -> memref<1x1x128xi32, #tpu.memory_space<hbm>>
        %dma_start3A_124 = tpu.memref_squeeze %dma_start3A_123 : memref<1x1x128xi32, #tpu.memory_space<hbm>> -> memref<1x128xi32, #tpu.memory_space<hbm>>
        tpu.enqueue_dma source(%dma_start3A_124 : memref<1x128xi32, #tpu.memory_space<hbm>>) target(%arg7 : memref<1x128xi32, #tpu.memory_space<vmem>>) target_semaphore(%run_scoped3A_116 : memref<!tpu.dma_semaphore, #tpu.memory_space<semaphore_mem>>)
        %dma_wait3A_125 = arith.constant 0 : i32
        %dma_wait3A_126 = arith.constant 0 : i32
        %dma_wait3A_127 = tpu.memref_slice %arg2[%add3A_103, %dma_wait3A_125, %dma_wait3A_126] : memref<2560x1x128xi32, #tpu.memory_space<hbm>> -> memref<1x1x128xi32, #tpu.memory_space<hbm>>
        %dma_wait3A_128 = tpu.memref_squeeze %dma_wait3A_127 : memref<1x1x128xi32, #tpu.memory_space<hbm>> -> memref<1x128xi32, #tpu.memory_space<hbm>>
        %dma_wait3A_129 = arith.constant 0 : i32
        %dma_wait3A_130 = arith.constant 0 : i32
        %dma_wait3A_131 = tpu.memref_slice %arg2[%add3A_103, %dma_wait3A_129, %dma_wait3A_130] : memref<2560x1x128xi32, #tpu.memory_space<hbm>> -> memref<1x1x128xi32, #tpu.memory_space<hbm>>
        %dma_wait3A_132 = tpu.memref_squeeze %dma_wait3A_131 : memref<1x1x128xi32, #tpu.memory_space<hbm>> -> memref<1x128xi32, #tpu.memory_space<hbm>>
        tpu.wait_dma2 semaphore(%run_scoped3A_116 : memref<!tpu.dma_semaphore, #tpu.memory_space<semaphore_mem>>) src(%dma_wait3A_132 : memref<1x128xi32, #tpu.memory_space<hbm>>) dst(%arg7 : memref<1x128xi32, #tpu.memory_space<vmem>>)
        tpu.yield
      }) : () -> ()
      "tpu.region"() ({
        %run_scoped3A_116 = tpu.sem_alloc : memref<!tpu.dma_semaphore, #tpu.memory_space<semaphore_mem>>
        %dma_start3A_117 = arith.constant 0 : i32
        %dma_start3A_118 = arith.constant 0 : i32
        %dma_start3A_119 = tpu.memref_slice %arg3[%add3A_103, %dma_start3A_117, %dma_start3A_118] : memref<2560x1x128xi32, #tpu.memory_space<hbm>> -> memref<1x1x128xi32, #tpu.memory_space<hbm>>
        %dma_start3A_120 = tpu.memref_squeeze %dma_start3A_119 : memref<1x1x128xi32, #tpu.memory_space<hbm>> -> memref<1x128xi32, #tpu.memory_space<hbm>>
        %dma_start3A_121 = arith.constant 0 : i32
        %dma_start3A_122 = arith.constant 0 : i32
        %dma_start3A_123 = tpu.memref_slice %arg3[%add3A_103, %dma_start3A_121, %dma_start3A_122] : memref<2560x1x128xi32, #tpu.memory_space<hbm>> -> memref<1x1x128xi32, #tpu.memory_space<hbm>>
        %dma_start3A_124 = tpu.memref_squeeze %dma_start3A_123 : memref<1x1x128xi32, #tpu.memory_space<hbm>> -> memref<1x128xi32, #tpu.memory_space<hbm>>
        tpu.enqueue_dma source(%dma_start3A_124 : memref<1x128xi32, #tpu.memory_space<hbm>>) target(%arg8 : memref<1x128xi32, #tpu.memory_space<vmem>>) target_semaphore(%run_scoped3A_116 : memref<!tpu.dma_semaphore, #tpu.memory_space<semaphore_mem>>)
        %dma_wait3A_125 = arith.constant 0 : i32
        %dma_wait3A_126 = arith.constant 0 : i32
        %dma_wait3A_127 = tpu.memref_slice %arg3[%add3A_103, %dma_wait3A_125, %dma_wait3A_126] : memref<2560x1x128xi32, #tpu.memory_space<hbm>> -> memref<1x1x128xi32, #tpu.memory_space<hbm>>
        %dma_wait3A_128 = tpu.memref_squeeze %dma_wait3A_127 : memref<1x1x128xi32, #tpu.memory_space<hbm>> -> memref<1x128xi32, #tpu.memory_space<hbm>>
        %dma_wait3A_129 = arith.constant 0 : i32
        %dma_wait3A_130 = arith.constant 0 : i32
        %dma_wait3A_131 = tpu.memref_slice %arg3[%add3A_103, %dma_wait3A_129, %dma_wait3A_130] : memref<2560x1x128xi32, #tpu.memory_space<hbm>> -> memref<1x1x128xi32, #tpu.memory_space<hbm>>
        %dma_wait3A_132 = tpu.memref_squeeze %dma_wait3A_131 : memref<1x1x128xi32, #tpu.memory_space<hbm>> -> memref<1x128xi32, #tpu.memory_space<hbm>>
        tpu.wait_dma2 semaphore(%run_scoped3A_116 : memref<!tpu.dma_semaphore, #tpu.memory_space<semaphore_mem>>) src(%dma_wait3A_132 : memref<1x128xi32, #tpu.memory_space<hbm>>) dst(%arg8 : memref<1x128xi32, #tpu.memory_space<vmem>>)
        tpu.yield
      }) : () -> ()
      %dma_start3A = arith.constant 0 : i32
      %dma_start3A_104 = arith.constant 0 : i32
      %dma_start3A_105 = tpu.memref_slice %arg7[%dma_start3A, %dma_start3A_104] : memref<1x128xi32, #tpu.memory_space<vmem>> -> memref<1x128xi32, #tpu.memory_space<vmem>>
      %dma_start3A_106 = tpu.memref_squeeze %dma_start3A_105 : memref<1x128xi32, #tpu.memory_space<vmem>> -> memref<128xi32, #tpu.memory_space<vmem>>
      %dma_start3A_107 = arith.constant 0 : i32
      %dma_start3A_108 = arith.constant 0 : i32
      %dma_start3A_109 = tpu.memref_slice %arg4[%dma_start3A_107, %dma_start3A_108] : memref<20480x128xf32, #tpu.memory_space<hbm>> -> memref<20480x128xf32, #tpu.memory_space<hbm>>
      tpu.enqueue_indirect_dma source(%dma_start3A_109 : memref<20480x128xf32, #tpu.memory_space<hbm>>) target(%arg9 : memref<128x128xf32, #tpu.memory_space<vmem>>) offsets(%dma_start3A_106 : memref<128xi32, #tpu.memory_space<vmem>>) semaphore(%arg11 : memref<!tpu.dma_semaphore, #tpu.memory_space<semaphore_mem>>)
      %dma_wait3A = arith.constant 0 : i32
      %dma_wait3A_110 = arith.constant 0 : i32
      %dma_wait3A_111 = tpu.memref_slice %arg7[%dma_wait3A, %dma_wait3A_110] : memref<1x128xi32, #tpu.memory_space<vmem>> -> memref<1x128xi32, #tpu.memory_space<vmem>>
      %dma_wait3A_112 = tpu.memref_squeeze %dma_wait3A_111 : memref<1x128xi32, #tpu.memory_space<vmem>> -> memref<128xi32, #tpu.memory_space<vmem>>
      %dma_wait3A_113 = arith.constant 0 : i32
      %dma_wait3A_114 = arith.constant 0 : i32
      %dma_wait3A_115 = tpu.memref_slice %arg4[%dma_wait3A_113, %dma_wait3A_114] : memref<20480x128xf32, #tpu.memory_space<hbm>> -> memref<20480x128xf32, #tpu.memory_space<hbm>>
      tpu.wait_indirect_dma semaphore(%arg11 : memref<!tpu.dma_semaphore, #tpu.memory_space<semaphore_mem>>) src(%dma_wait3A_115 : memref<20480x128xf32, #tpu.memory_space<hbm>>) dst(%arg9 : memref<128x128xf32, #tpu.memory_space<vmem>>)
      %run_scoped3A = arith.constant 0 : i32
      "tpu.region"() ({
        %run_scoped3A_116 = tpu.sem_alloc : memref<!tpu.dma_semaphore, #tpu.memory_space<semaphore_mem>>
        %dma_start3A_117 = arith.constant 0 : i32
        %dma_start3A_118 = tpu.memref_slice %arg8[%run_scoped3A, %dma_start3A_117] : memref<1x128xi32, #tpu.memory_space<vmem>> -> memref<1x128xi32, #tpu.memory_space<vmem>>
        %dma_start3A_119 = tpu.memref_squeeze %dma_start3A_118 : memref<1x128xi32, #tpu.memory_space<vmem>> -> memref<128xi32, #tpu.memory_space<vmem>>
        %dma_start3A_120 = arith.constant 0 : i32
        %dma_start3A_121 = arith.constant 0 : i32
        %dma_start3A_122 = tpu.memref_slice %arg10[%dma_start3A_120, %dma_start3A_121] : memref<10240x128xf32, #tpu.memory_space<vmem_shared>> -> memref<10240x128xf32, #tpu.memory_space<vmem_shared>>
        tpu.enqueue_indirect_dma source(%arg9 : memref<128x128xf32, #tpu.memory_space<vmem>>) target(%dma_start3A_122 : memref<10240x128xf32, #tpu.memory_space<vmem_shared>>) offsets(%dma_start3A_119 : memref<128xi32, #tpu.memory_space<vmem>>) semaphore(%run_scoped3A_116 : memref<!tpu.dma_semaphore, #tpu.memory_space<semaphore_mem>>) {add = true}
        %dma_wait3A_123 = arith.constant 0 : i32
        %dma_wait3A_124 = tpu.memref_slice %arg8[%run_scoped3A, %dma_wait3A_123] : memref<1x128xi32, #tpu.memory_space<vmem>> -> memref<1x128xi32, #tpu.memory_space<vmem>>
        %dma_wait3A_125 = tpu.memref_squeeze %dma_wait3A_124 : memref<1x128xi32, #tpu.memory_space<vmem>> -> memref<128xi32, #tpu.memory_space<vmem>>
        %dma_wait3A_126 = arith.constant 0 : i32
        %dma_wait3A_127 = arith.constant 0 : i32
        %dma_wait3A_128 = tpu.memref_slice %arg10[%dma_wait3A_126, %dma_wait3A_127] : memref<10240x128xf32, #tpu.memory_space<vmem_shared>> -> memref<10240x128xf32, #tpu.memory_space<vmem_shared>>
        tpu.wait_indirect_dma semaphore(%run_scoped3A_116 : memref<!tpu.dma_semaphore, #tpu.memory_space<semaphore_mem>>) src(%arg9 : memref<128x128xf32, #tpu.memory_space<vmem>>) dst(%dma_wait3A_128 : memref<10240x128xf32, #tpu.memory_space<vmem_shared>>)
        tpu.yield
      }) : () -> ()
    }
    %while3A_63 = arith.constant 1 : i32
    scf.for %while3A_100 = %while3A_61 to %while3A_57 step %while3A_63  : i32 {
      %mul3A_101 = arith.constant 1280 : i32
      %mul3A_102 = arith.muli %arg0, %mul3A_101 : i32
      %add3A_103 = arith.addi %mul3A_102, %while3A_100 : i32
      "tpu.region"() ({
        %run_scoped3A_116 = tpu.sem_alloc : memref<!tpu.dma_semaphore, #tpu.memory_space<semaphore_mem>>
        %dma_start3A_117 = arith.constant 0 : i32
        %dma_start3A_118 = arith.constant 0 : i32
        %dma_start3A_119 = tpu.memref_slice %arg2[%add3A_103, %dma_start3A_117, %dma_start3A_118] : memref<2560x1x128xi32, #tpu.memory_space<hbm>> -> memref<1x1x128xi32, #tpu.memory_space<hbm>>
        %dma_start3A_120 = tpu.memref_squeeze %dma_start3A_119 : memref<1x1x128xi32, #tpu.memory_space<hbm>> -> memref<1x128xi32, #tpu.memory_space<hbm>>
        %dma_start3A_121 = arith.constant 0 : i32
        %dma_start3A_122 = arith.constant 0 : i32
        %dma_start3A_123 = tpu.memref_slice %arg2[%add3A_103, %dma_start3A_121, %dma_start3A_122] : memref<2560x1x128xi32, #tpu.memory_space<hbm>> -> memref<1x1x128xi32, #tpu.memory_space<hbm>>
        %dma_start3A_124 = tpu.memref_squeeze %dma_start3A_123 : memref<1x1x128xi32, #tpu.memory_space<hbm>> -> memref<1x128xi32, #tpu.memory_space<hbm>>
        tpu.enqueue_dma source(%dma_start3A_124 : memref<1x128xi32, #tpu.memory_space<hbm>>) target(%arg7 : memref<1x128xi32, #tpu.memory_space<vmem>>) target_semaphore(%run_scoped3A_116 : memref<!tpu.dma_semaphore, #tpu.memory_space<semaphore_mem>>)
        %dma_wait3A_125 = arith.constant 0 : i32
        %dma_wait3A_126 = arith.constant 0 : i32
        %dma_wait3A_127 = tpu.memref_slice %arg2[%add3A_103, %dma_wait3A_125, %dma_wait3A_126] : memref<2560x1x128xi32, #tpu.memory_space<hbm>> -> memref<1x1x128xi32, #tpu.memory_space<hbm>>
        %dma_wait3A_128 = tpu.memref_squeeze %dma_wait3A_127 : memref<1x1x128xi32, #tpu.memory_space<hbm>> -> memref<1x128xi32, #tpu.memory_space<hbm>>
        %dma_wait3A_129 = arith.constant 0 : i32
        %dma_wait3A_130 = arith.constant 0 : i32
        %dma_wait3A_131 = tpu.memref_slice %arg2[%add3A_103, %dma_wait3A_129, %dma_wait3A_130] : memref<2560x1x128xi32, #tpu.memory_space<hbm>> -> memref<1x1x128xi32, #tpu.memory_space<hbm>>
        %dma_wait3A_132 = tpu.memref_squeeze %dma_wait3A_131 : memref<1x1x128xi32, #tpu.memory_space<hbm>> -> memref<1x128xi32, #tpu.memory_space<hbm>>
        tpu.wait_dma2 semaphore(%run_scoped3A_116 : memref<!tpu.dma_semaphore, #tpu.memory_space<semaphore_mem>>) src(%dma_wait3A_132 : memref<1x128xi32, #tpu.memory_space<hbm>>) dst(%arg7 : memref<1x128xi32, #tpu.memory_space<vmem>>)
        tpu.yield
      }) : () -> ()
      "tpu.region"() ({
        %run_scoped3A_116 = tpu.sem_alloc : memref<!tpu.dma_semaphore, #tpu.memory_space<semaphore_mem>>
        %dma_start3A_117 = arith.constant 0 : i32
        %dma_start3A_118 = arith.constant 0 : i32
        %dma_start3A_119 = tpu.memref_slice %arg3[%add3A_103, %dma_start3A_117, %dma_start3A_118] : memref<2560x1x128xi32, #tpu.memory_space<hbm>> -> memref<1x1x128xi32, #tpu.memory_space<hbm>>
        %dma_start3A_120 = tpu.memref_squeeze %dma_start3A_119 : memref<1x1x128xi32, #tpu.memory_space<hbm>> -> memref<1x128xi32, #tpu.memory_space<hbm>>
        %dma_start3A_121 = arith.constant 0 : i32
        %dma_start3A_122 = arith.constant 0 : i32
        %dma_start3A_123 = tpu.memref_slice %arg3[%add3A_103, %dma_start3A_121, %dma_start3A_122] : memref<2560x1x128xi32, #tpu.memory_space<hbm>> -> memref<1x1x128xi32, #tpu.memory_space<hbm>>
        %dma_start3A_124 = tpu.memref_squeeze %dma_start3A_123 : memref<1x1x128xi32, #tpu.memory_space<hbm>> -> memref<1x128xi32, #tpu.memory_space<hbm>>
        tpu.enqueue_dma source(%dma_start3A_124 : memref<1x128xi32, #tpu.memory_space<hbm>>) target(%arg8 : memref<1x128xi32, #tpu.memory_space<vmem>>) target_semaphore(%run_scoped3A_116 : memref<!tpu.dma_semaphore, #tpu.memory_space<semaphore_mem>>)
        %dma_wait3A_125 = arith.constant 0 : i32
        %dma_wait3A_126 = arith.constant 0 : i32
        %dma_wait3A_127 = tpu.memref_slice %arg3[%add3A_103, %dma_wait3A_125, %dma_wait3A_126] : memref<2560x1x128xi32, #tpu.memory_space<hbm>> -> memref<1x1x128xi32, #tpu.memory_space<hbm>>
        %dma_wait3A_128 = tpu.memref_squeeze %dma_wait3A_127 : memref<1x1x128xi32, #tpu.memory_space<hbm>> -> memref<1x128xi32, #tpu.memory_space<hbm>>
        %dma_wait3A_129 = arith.constant 0 : i32
        %dma_wait3A_130 = arith.constant 0 : i32
        %dma_wait3A_131 = tpu.memref_slice %arg3[%add3A_103, %dma_wait3A_129, %dma_wait3A_130] : memref<2560x1x128xi32, #tpu.memory_space<hbm>> -> memref<1x1x128xi32, #tpu.memory_space<hbm>>
        %dma_wait3A_132 = tpu.memref_squeeze %dma_wait3A_131 : memref<1x1x128xi32, #tpu.memory_space<hbm>> -> memref<1x128xi32, #tpu.memory_space<hbm>>
        tpu.wait_dma2 semaphore(%run_scoped3A_116 : memref<!tpu.dma_semaphore, #tpu.memory_space<semaphore_mem>>) src(%dma_wait3A_132 : memref<1x128xi32, #tpu.memory_space<hbm>>) dst(%arg8 : memref<1x128xi32, #tpu.memory_space<vmem>>)
        tpu.yield
      }) : () -> ()
      %dma_start3A = arith.constant 0 : i32
      %dma_start3A_104 = arith.constant 0 : i32
      %dma_start3A_105 = tpu.memref_slice %arg7[%dma_start3A, %dma_start3A_104] : memref<1x128xi32, #tpu.memory_space<vmem>> -> memref<1x128xi32, #tpu.memory_space<vmem>>
      %dma_start3A_106 = tpu.memref_squeeze %dma_start3A_105 : memref<1x128xi32, #tpu.memory_space<vmem>> -> memref<128xi32, #tpu.memory_space<vmem>>
      %dma_start3A_107 = arith.constant 0 : i32
      %dma_start3A_108 = arith.constant 0 : i32
      %dma_start3A_109 = tpu.memref_slice %arg4[%dma_start3A_107, %dma_start3A_108] : memref<20480x128xf32, #tpu.memory_space<hbm>> -> memref<20480x128xf32, #tpu.memory_space<hbm>>
      tpu.enqueue_indirect_dma source(%dma_start3A_109 : memref<20480x128xf32, #tpu.memory_space<hbm>>) target(%arg9 : memref<128x128xf32, #tpu.memory_space<vmem>>) offsets(%dma_start3A_106 : memref<128xi32, #tpu.memory_space<vmem>>) semaphore(%arg11 : memref<!tpu.dma_semaphore, #tpu.memory_space<semaphore_mem>>)
      %dma_wait3A = arith.constant 0 : i32
      %dma_wait3A_110 = arith.constant 0 : i32
      %dma_wait3A_111 = tpu.memref_slice %arg7[%dma_wait3A, %dma_wait3A_110] : memref<1x128xi32, #tpu.memory_space<vmem>> -> memref<1x128xi32, #tpu.memory_space<vmem>>
      %dma_wait3A_112 = tpu.memref_squeeze %dma_wait3A_111 : memref<1x128xi32, #tpu.memory_space<vmem>> -> memref<128xi32, #tpu.memory_space<vmem>>
      %dma_wait3A_113 = arith.constant 0 : i32
      %dma_wait3A_114 = arith.constant 0 : i32
      %dma_wait3A_115 = tpu.memref_slice %arg4[%dma_wait3A_113, %dma_wait3A_114] : memref<20480x128xf32, #tpu.memory_space<hbm>> -> memref<20480x128xf32, #tpu.memory_space<hbm>>
      tpu.wait_indirect_dma semaphore(%arg11 : memref<!tpu.dma_semaphore, #tpu.memory_space<semaphore_mem>>) src(%dma_wait3A_115 : memref<20480x128xf32, #tpu.memory_space<hbm>>) dst(%arg9 : memref<128x128xf32, #tpu.memory_space<vmem>>)
      %run_scoped3A = arith.constant 0 : i32
      "tpu.region"() ({
        %run_scoped3A_116 = tpu.sem_alloc : memref<!tpu.dma_semaphore, #tpu.memory_space<semaphore_mem>>
        %dma_start3A_117 = arith.constant 0 : i32
        %dma_start3A_118 = tpu.memref_slice %arg8[%run_scoped3A, %dma_start3A_117] : memref<1x128xi32, #tpu.memory_space<vmem>> -> memref<1x128xi32, #tpu.memory_space<vmem>>
        %dma_start3A_119 = tpu.memref_squeeze %dma_start3A_118 : memref<1x128xi32, #tpu.memory_space<vmem>> -> memref<128xi32, #tpu.memory_space<vmem>>
        %dma_start3A_120 = arith.constant 0 : i32
        %dma_start3A_121 = arith.constant 0 : i32
        %dma_start3A_122 = tpu.memref_slice %arg10[%dma_start3A_120, %dma_start3A_121] : memref<10240x128xf32, #tpu.memory_space<vmem_shared>> -> memref<10240x128xf32, #tpu.memory_space<vmem_shared>>
        tpu.enqueue_indirect_dma source(%arg9 : memref<128x128xf32, #tpu.memory_space<vmem>>) target(%dma_start3A_122 : memref<10240x128xf32, #tpu.memory_space<vmem_shared>>) offsets(%dma_start3A_119 : memref<128xi32, #tpu.memory_space<vmem>>) semaphore(%run_scoped3A_116 : memref<!tpu.dma_semaphore, #tpu.memory_space<semaphore_mem>>) {add = true}
        %dma_wait3A_123 = arith.constant 0 : i32
        %dma_wait3A_124 = tpu.memref_slice %arg8[%run_scoped3A, %dma_wait3A_123] : memref<1x128xi32, #tpu.memory_space<vmem>> -> memref<1x128xi32, #tpu.memory_space<vmem>>
        %dma_wait3A_125 = tpu.memref_squeeze %dma_wait3A_124 : memref<1x128xi32, #tpu.memory_space<vmem>> -> memref<128xi32, #tpu.memory_space<vmem>>
        %dma_wait3A_126 = arith.constant 0 : i32
        %dma_wait3A_127 = arith.constant 0 : i32
        %dma_wait3A_128 = tpu.memref_slice %arg10[%dma_wait3A_126, %dma_wait3A_127] : memref<10240x128xf32, #tpu.memory_space<vmem_shared>> -> memref<10240x128xf32, #tpu.memory_space<vmem_shared>>
        tpu.wait_indirect_dma semaphore(%run_scoped3A_116 : memref<!tpu.dma_semaphore, #tpu.memory_space<semaphore_mem>>) src(%arg9 : memref<128x128xf32, #tpu.memory_space<vmem>>) dst(%dma_wait3A_128 : memref<10240x128xf32, #tpu.memory_space<vmem_shared>>)
        tpu.yield
      }) : () -> ()
    }
    %barrier3A_64 = arith.constant 0 : index
    tpu.barrier barrier_id(%barrier3A_64)
    %add3A_65 = arith.constant 0 : i32
    %add3A_66 = arith.addi %mul3A_0, %add3A_65 : i32
    "tpu.region"() ({
      %run_scoped3A = tpu.sem_alloc : memref<!tpu.dma_semaphore, #tpu.memory_space<semaphore_mem>>
      %dma_start3A = arith.constant 0 : i32
      %dma_start3A_100 = tpu.memref_slice %arg10[%add3A_66, %dma_start3A] : memref<10240x128xf32, #tpu.memory_space<vmem_shared>> -> memref<128x128xf32, #tpu.memory_space<vmem_shared>>
      %dma_start3A_101 = arith.constant 0 : i32
      %dma_start3A_102 = tpu.memref_slice %arg10[%add3A_66, %dma_start3A_101] : memref<10240x128xf32, #tpu.memory_space<vmem_shared>> -> memref<128x128xf32, #tpu.memory_space<vmem_shared>>
      tpu.enqueue_dma source(%dma_start3A_102 : memref<128x128xf32, #tpu.memory_space<vmem_shared>>) target(%arg9 : memref<128x128xf32, #tpu.memory_space<vmem>>) target_semaphore(%run_scoped3A : memref<!tpu.dma_semaphore, #tpu.memory_space<semaphore_mem>>)
      %dma_wait3A = arith.constant 0 : i32
      %dma_wait3A_103 = tpu.memref_slice %arg10[%add3A_66, %dma_wait3A] : memref<10240x128xf32, #tpu.memory_space<vmem_shared>> -> memref<128x128xf32, #tpu.memory_space<vmem_shared>>
      %dma_wait3A_104 = arith.constant 0 : i32
      %dma_wait3A_105 = tpu.memref_slice %arg10[%add3A_66, %dma_wait3A_104] : memref<10240x128xf32, #tpu.memory_space<vmem_shared>> -> memref<128x128xf32, #tpu.memory_space<vmem_shared>>
      tpu.wait_dma2 semaphore(%run_scoped3A : memref<!tpu.dma_semaphore, #tpu.memory_space<semaphore_mem>>) src(%dma_wait3A_105 : memref<128x128xf32, #tpu.memory_space<vmem_shared>>) dst(%arg9 : memref<128x128xf32, #tpu.memory_space<vmem>>)
      tpu.yield
    }) : () -> ()
    %mul3A_67 = arith.constant 10240 : i32
    %mul3A_68 = arith.muli %arg0, %mul3A_67 : i32
    %add3A_69 = arith.addi %mul3A_68, %mul3A_0 : i32
    %add3A_70 = arith.constant 0 : i32
    %add3A_71 = arith.addi %add3A_69, %add3A_70 : i32
    "tpu.region"() ({
      %run_scoped3A = tpu.sem_alloc : memref<!tpu.dma_semaphore, #tpu.memory_space<semaphore_mem>>
      %dma_start3A = arith.constant 0 : i32
      %dma_start3A_100 = tpu.memref_slice %arg6[%add3A_71, %dma_start3A] : memref<20480x128xf32, #tpu.memory_space<hbm>> -> memref<128x128xf32, #tpu.memory_space<hbm>>
      %dma_start3A_101 = arith.constant 0 : i32
      %dma_start3A_102 = tpu.memref_slice %arg6[%add3A_71, %dma_start3A_101] : memref<20480x128xf32, #tpu.memory_space<hbm>> -> memref<128x128xf32, #tpu.memory_space<hbm>>
      tpu.enqueue_dma source(%arg9 : memref<128x128xf32, #tpu.memory_space<vmem>>) target(%dma_start3A_102 : memref<128x128xf32, #tpu.memory_space<hbm>>) target_semaphore(%run_scoped3A : memref<!tpu.dma_semaphore, #tpu.memory_space<semaphore_mem>>)
      %dma_wait3A = arith.constant 0 : i32
      %dma_wait3A_103 = tpu.memref_slice %arg6[%add3A_71, %dma_wait3A] : memref<20480x128xf32, #tpu.memory_space<hbm>> -> memref<128x128xf32, #tpu.memory_space<hbm>>
      %dma_wait3A_104 = arith.constant 0 : i32
      %dma_wait3A_105 = tpu.memref_slice %arg6[%add3A_71, %dma_wait3A_104] : memref<20480x128xf32, #tpu.memory_space<hbm>> -> memref<128x128xf32, #tpu.memory_space<hbm>>
      tpu.wait_dma2 semaphore(%run_scoped3A : memref<!tpu.dma_semaphore, #tpu.memory_space<semaphore_mem>>) src(%arg9 : memref<128x128xf32, #tpu.memory_space<vmem>>) dst(%dma_wait3A_105 : memref<128x128xf32, #tpu.memory_space<hbm>>)
      tpu.yield
    }) : () -> ()
    %add3A_72 = arith.constant 128 : i32
    %add3A_73 = arith.addi %mul3A_0, %add3A_72 : i32
    "tpu.region"() ({
      %run_scoped3A = tpu.sem_alloc : memref<!tpu.dma_semaphore, #tpu.memory_space<semaphore_mem>>
      %dma_start3A = arith.constant 0 : i32
      %dma_start3A_100 = tpu.memref_slice %arg10[%add3A_73, %dma_start3A] : memref<10240x128xf32, #tpu.memory_space<vmem_shared>> -> memref<128x128xf32, #tpu.memory_space<vmem_shared>>
      %dma_start3A_101 = arith.constant 0 : i32
      %dma_start3A_102 = tpu.memref_slice %arg10[%add3A_73, %dma_start3A_101] : memref<10240x128xf32, #tpu.memory_space<vmem_shared>> -> memref<128x128xf32, #tpu.memory_space<vmem_shared>>
      tpu.enqueue_dma source(%dma_start3A_102 : memref<128x128xf32, #tpu.memory_space<vmem_shared>>) target(%arg9 : memref<128x128xf32, #tpu.memory_space<vmem>>) target_semaphore(%run_scoped3A : memref<!tpu.dma_semaphore, #tpu.memory_space<semaphore_mem>>)
      %dma_wait3A = arith.constant 0 : i32
      %dma_wait3A_103 = tpu.memref_slice %arg10[%add3A_73, %dma_wait3A] : memref<10240x128xf32, #tpu.memory_space<vmem_shared>> -> memref<128x128xf32, #tpu.memory_space<vmem_shared>>
      %dma_wait3A_104 = arith.constant 0 : i32
      %dma_wait3A_105 = tpu.memref_slice %arg10[%add3A_73, %dma_wait3A_104] : memref<10240x128xf32, #tpu.memory_space<vmem_shared>> -> memref<128x128xf32, #tpu.memory_space<vmem_shared>>
      tpu.wait_dma2 semaphore(%run_scoped3A : memref<!tpu.dma_semaphore, #tpu.memory_space<semaphore_mem>>) src(%dma_wait3A_105 : memref<128x128xf32, #tpu.memory_space<vmem_shared>>) dst(%arg9 : memref<128x128xf32, #tpu.memory_space<vmem>>)
      tpu.yield
    }) : () -> ()
    %mul3A_74 = arith.constant 10240 : i32
    %mul3A_75 = arith.muli %arg0, %mul3A_74 : i32
    %add3A_76 = arith.addi %mul3A_75, %mul3A_0 : i32
    %add3A_77 = arith.constant 128 : i32
    %add3A_78 = arith.addi %add3A_76, %add3A_77 : i32
    "tpu.region"() ({
      %run_scoped3A = tpu.sem_alloc : memref<!tpu.dma_semaphore, #tpu.memory_space<semaphore_mem>>
      %dma_start3A = arith.constant 0 : i32
      %dma_start3A_100 = tpu.memref_slice %arg6[%add3A_78, %dma_start3A] : memref<20480x128xf32, #tpu.memory_space<hbm>> -> memref<128x128xf32, #tpu.memory_space<hbm>>
      %dma_start3A_101 = arith.constant 0 : i32
      %dma_start3A_102 = tpu.memref_slice %arg6[%add3A_78, %dma_start3A_101] : memref<20480x128xf32, #tpu.memory_space<hbm>> -> memref<128x128xf32, #tpu.memory_space<hbm>>
      tpu.enqueue_dma source(%arg9 : memref<128x128xf32, #tpu.memory_space<vmem>>) target(%dma_start3A_102 : memref<128x128xf32, #tpu.memory_space<hbm>>) target_semaphore(%run_scoped3A : memref<!tpu.dma_semaphore, #tpu.memory_space<semaphore_mem>>)
      %dma_wait3A = arith.constant 0 : i32
      %dma_wait3A_103 = tpu.memref_slice %arg6[%add3A_78, %dma_wait3A] : memref<20480x128xf32, #tpu.memory_space<hbm>> -> memref<128x128xf32, #tpu.memory_space<hbm>>
      %dma_wait3A_104 = arith.constant 0 : i32
      %dma_wait3A_105 = tpu.memref_slice %arg6[%add3A_78, %dma_wait3A_104] : memref<20480x128xf32, #tpu.memory_space<hbm>> -> memref<128x128xf32, #tpu.memory_space<hbm>>
      tpu.wait_dma2 semaphore(%run_scoped3A : memref<!tpu.dma_semaphore, #tpu.memory_space<semaphore_mem>>) src(%arg9 : memref<128x128xf32, #tpu.memory_space<vmem>>) dst(%dma_wait3A_105 : memref<128x128xf32, #tpu.memory_space<hbm>>)
      tpu.yield
    }) : () -> ()
    %add3A_79 = arith.constant 256 : i32
    %add3A_80 = arith.addi %mul3A_0, %add3A_79 : i32
    "tpu.region"() ({
      %run_scoped3A = tpu.sem_alloc : memref<!tpu.dma_semaphore, #tpu.memory_space<semaphore_mem>>
      %dma_start3A = arith.constant 0 : i32
      %dma_start3A_100 = tpu.memref_slice %arg10[%add3A_80, %dma_start3A] : memref<10240x128xf32, #tpu.memory_space<vmem_shared>> -> memref<128x128xf32, #tpu.memory_space<vmem_shared>>
      %dma_start3A_101 = arith.constant 0 : i32
      %dma_start3A_102 = tpu.memref_slice %arg10[%add3A_80, %dma_start3A_101] : memref<10240x128xf32, #tpu.memory_space<vmem_shared>> -> memref<128x128xf32, #tpu.memory_space<vmem_shared>>
      tpu.enqueue_dma source(%dma_start3A_102 : memref<128x128xf32, #tpu.memory_space<vmem_shared>>) target(%arg9 : memref<128x128xf32, #tpu.memory_space<vmem>>) target_semaphore(%run_scoped3A : memref<!tpu.dma_semaphore, #tpu.memory_space<semaphore_mem>>)
      %dma_wait3A = arith.constant 0 : i32
      %dma_wait3A_103 = tpu.memref_slice %arg10[%add3A_80, %dma_wait3A] : memref<10240x128xf32, #tpu.memory_space<vmem_shared>> -> memref<128x128xf32, #tpu.memory_space<vmem_shared>>
      %dma_wait3A_104 = arith.constant 0 : i32
      %dma_wait3A_105 = tpu.memref_slice %arg10[%add3A_80, %dma_wait3A_104] : memref<10240x128xf32, #tpu.memory_space<vmem_shared>> -> memref<128x128xf32, #tpu.memory_space<vmem_shared>>
      tpu.wait_dma2 semaphore(%run_scoped3A : memref<!tpu.dma_semaphore, #tpu.memory_space<semaphore_mem>>) src(%dma_wait3A_105 : memref<128x128xf32, #tpu.memory_space<vmem_shared>>) dst(%arg9 : memref<128x128xf32, #tpu.memory_space<vmem>>)
      tpu.yield
    }) : () -> ()
    %mul3A_81 = arith.constant 10240 : i32
    %mul3A_82 = arith.muli %arg0, %mul3A_81 : i32
    %add3A_83 = arith.addi %mul3A_82, %mul3A_0 : i32
    %add3A_84 = arith.constant 256 : i32
    %add3A_85 = arith.addi %add3A_83, %add3A_84 : i32
    "tpu.region"() ({
      %run_scoped3A = tpu.sem_alloc : memref<!tpu.dma_semaphore, #tpu.memory_space<semaphore_mem>>
      %dma_start3A = arith.constant 0 : i32
      %dma_start3A_100 = tpu.memref_slice %arg6[%add3A_85, %dma_start3A] : memref<20480x128xf32, #tpu.memory_space<hbm>> -> memref<128x128xf32, #tpu.memory_space<hbm>>
      %dma_start3A_101 = arith.constant 0 : i32
      %dma_start3A_102 = tpu.memref_slice %arg6[%add3A_85, %dma_start3A_101] : memref<20480x128xf32, #tpu.memory_space<hbm>> -> memref<128x128xf32, #tpu.memory_space<hbm>>
      tpu.enqueue_dma source(%arg9 : memref<128x128xf32, #tpu.memory_space<vmem>>) target(%dma_start3A_102 : memref<128x128xf32, #tpu.memory_space<hbm>>) target_semaphore(%run_scoped3A : memref<!tpu.dma_semaphore, #tpu.memory_space<semaphore_mem>>)
      %dma_wait3A = arith.constant 0 : i32
      %dma_wait3A_103 = tpu.memref_slice %arg6[%add3A_85, %dma_wait3A] : memref<20480x128xf32, #tpu.memory_space<hbm>> -> memref<128x128xf32, #tpu.memory_space<hbm>>
      %dma_wait3A_104 = arith.constant 0 : i32
      %dma_wait3A_105 = tpu.memref_slice %arg6[%add3A_85, %dma_wait3A_104] : memref<20480x128xf32, #tpu.memory_space<hbm>> -> memref<128x128xf32, #tpu.memory_space<hbm>>
      tpu.wait_dma2 semaphore(%run_scoped3A : memref<!tpu.dma_semaphore, #tpu.memory_space<semaphore_mem>>) src(%arg9 : memref<128x128xf32, #tpu.memory_space<vmem>>) dst(%dma_wait3A_105 : memref<128x128xf32, #tpu.memory_space<hbm>>)
      tpu.yield
    }) : () -> ()
    %add3A_86 = arith.constant 384 : i32
    %add3A_87 = arith.addi %mul3A_0, %add3A_86 : i32
    "tpu.region"() ({
      %run_scoped3A = tpu.sem_alloc : memref<!tpu.dma_semaphore, #tpu.memory_space<semaphore_mem>>
      %dma_start3A = arith.constant 0 : i32
      %dma_start3A_100 = tpu.memref_slice %arg10[%add3A_87, %dma_start3A] : memref<10240x128xf32, #tpu.memory_space<vmem_shared>> -> memref<128x128xf32, #tpu.memory_space<vmem_shared>>
      %dma_start3A_101 = arith.constant 0 : i32
      %dma_start3A_102 = tpu.memref_slice %arg10[%add3A_87, %dma_start3A_101] : memref<10240x128xf32, #tpu.memory_space<vmem_shared>> -> memref<128x128xf32, #tpu.memory_space<vmem_shared>>
      tpu.enqueue_dma source(%dma_start3A_102 : memref<128x128xf32, #tpu.memory_space<vmem_shared>>) target(%arg9 : memref<128x128xf32, #tpu.memory_space<vmem>>) target_semaphore(%run_scoped3A : memref<!tpu.dma_semaphore, #tpu.memory_space<semaphore_mem>>)
      %dma_wait3A = arith.constant 0 : i32
      %dma_wait3A_103 = tpu.memref_slice %arg10[%add3A_87, %dma_wait3A] : memref<10240x128xf32, #tpu.memory_space<vmem_shared>> -> memref<128x128xf32, #tpu.memory_space<vmem_shared>>
      %dma_wait3A_104 = arith.constant 0 : i32
      %dma_wait3A_105 = tpu.memref_slice %arg10[%add3A_87, %dma_wait3A_104] : memref<10240x128xf32, #tpu.memory_space<vmem_shared>> -> memref<128x128xf32, #tpu.memory_space<vmem_shared>>
      tpu.wait_dma2 semaphore(%run_scoped3A : memref<!tpu.dma_semaphore, #tpu.memory_space<semaphore_mem>>) src(%dma_wait3A_105 : memref<128x128xf32, #tpu.memory_space<vmem_shared>>) dst(%arg9 : memref<128x128xf32, #tpu.memory_space<vmem>>)
      tpu.yield
    }) : () -> ()
    %mul3A_88 = arith.constant 10240 : i32
    %mul3A_89 = arith.muli %arg0, %mul3A_88 : i32
    %add3A_90 = arith.addi %mul3A_89, %mul3A_0 : i32
    %add3A_91 = arith.constant 384 : i32
    %add3A_92 = arith.addi %add3A_90, %add3A_91 : i32
    "tpu.region"() ({
      %run_scoped3A = tpu.sem_alloc : memref<!tpu.dma_semaphore, #tpu.memory_space<semaphore_mem>>
      %dma_start3A = arith.constant 0 : i32
      %dma_start3A_100 = tpu.memref_slice %arg6[%add3A_92, %dma_start3A] : memref<20480x128xf32, #tpu.memory_space<hbm>> -> memref<128x128xf32, #tpu.memory_space<hbm>>
      %dma_start3A_101 = arith.constant 0 : i32
      %dma_start3A_102 = tpu.memref_slice %arg6[%add3A_92, %dma_start3A_101] : memref<20480x128xf32, #tpu.memory_space<hbm>> -> memref<128x128xf32, #tpu.memory_space<hbm>>
      tpu.enqueue_dma source(%arg9 : memref<128x128xf32, #tpu.memory_space<vmem>>) target(%dma_start3A_102 : memref<128x128xf32, #tpu.memory_space<hbm>>) target_semaphore(%run_scoped3A : memref<!tpu.dma_semaphore, #tpu.memory_space<semaphore_mem>>)
      %dma_wait3A = arith.constant 0 : i32
      %dma_wait3A_103 = tpu.memref_slice %arg6[%add3A_92, %dma_wait3A] : memref<20480x128xf32, #tpu.memory_space<hbm>> -> memref<128x128xf32, #tpu.memory_space<hbm>>
      %dma_wait3A_104 = arith.constant 0 : i32
      %dma_wait3A_105 = tpu.memref_slice %arg6[%add3A_92, %dma_wait3A_104] : memref<20480x128xf32, #tpu.memory_space<hbm>> -> memref<128x128xf32, #tpu.memory_space<hbm>>
      tpu.wait_dma2 semaphore(%run_scoped3A : memref<!tpu.dma_semaphore, #tpu.memory_space<semaphore_mem>>) src(%arg9 : memref<128x128xf32, #tpu.memory_space<vmem>>) dst(%dma_wait3A_105 : memref<128x128xf32, #tpu.memory_space<hbm>>)
      tpu.yield
    }) : () -> ()
    %add3A_93 = arith.constant 512 : i32
    %add3A_94 = arith.addi %mul3A_0, %add3A_93 : i32
    "tpu.region"() ({
      %run_scoped3A = tpu.sem_alloc : memref<!tpu.dma_semaphore, #tpu.memory_space<semaphore_mem>>
      %dma_start3A = arith.constant 0 : i32
      %dma_start3A_100 = tpu.memref_slice %arg10[%add3A_94, %dma_start3A] : memref<10240x128xf32, #tpu.memory_space<vmem_shared>> -> memref<128x128xf32, #tpu.memory_space<vmem_shared>>
      %dma_start3A_101 = arith.constant 0 : i32
      %dma_start3A_102 = tpu.memref_slice %arg10[%add3A_94, %dma_start3A_101] : memref<10240x128xf32, #tpu.memory_space<vmem_shared>> -> memref<128x128xf32, #tpu.memory_space<vmem_shared>>
      tpu.enqueue_dma source(%dma_start3A_102 : memref<128x128xf32, #tpu.memory_space<vmem_shared>>) target(%arg9 : memref<128x128xf32, #tpu.memory_space<vmem>>) target_semaphore(%run_scoped3A : memref<!tpu.dma_semaphore, #tpu.memory_space<semaphore_mem>>)
      %dma_wait3A = arith.constant 0 : i32
      %dma_wait3A_103 = tpu.memref_slice %arg10[%add3A_94, %dma_wait3A] : memref<10240x128xf32, #tpu.memory_space<vmem_shared>> -> memref<128x128xf32, #tpu.memory_space<vmem_shared>>
      %dma_wait3A_104 = arith.constant 0 : i32
      %dma_wait3A_105 = tpu.memref_slice %arg10[%add3A_94, %dma_wait3A_104] : memref<10240x128xf32, #tpu.memory_space<vmem_shared>> -> memref<128x128xf32, #tpu.memory_space<vmem_shared>>
      tpu.wait_dma2 semaphore(%run_scoped3A : memref<!tpu.dma_semaphore, #tpu.memory_space<semaphore_mem>>) src(%dma_wait3A_105 : memref<128x128xf32, #tpu.memory_space<vmem_shared>>) dst(%arg9 : memref<128x128xf32, #tpu.memory_space<vmem>>)
      tpu.yield
    }) : () -> ()
    %mul3A_95 = arith.constant 10240 : i32
    %mul3A_96 = arith.muli %arg0, %mul3A_95 : i32
    %add3A_97 = arith.addi %mul3A_96, %mul3A_0 : i32
    %add3A_98 = arith.constant 512 : i32
    %add3A_99 = arith.addi %add3A_97, %add3A_98 : i32
    "tpu.region"() ({
      %run_scoped3A = tpu.sem_alloc : memref<!tpu.dma_semaphore, #tpu.memory_space<semaphore_mem>>
      %dma_start3A = arith.constant 0 : i32
      %dma_start3A_100 = tpu.memref_slice %arg6[%add3A_99, %dma_start3A] : memref<20480x128xf32, #tpu.memory_space<hbm>> -> memref<128x128xf32, #tpu.memory_space<hbm>>
      %dma_start3A_101 = arith.constant 0 : i32
      %dma_start3A_102 = tpu.memref_slice %arg6[%add3A_99, %dma_start3A_101] : memref<20480x128xf32, #tpu.memory_space<hbm>> -> memref<128x128xf32, #tpu.memory_space<hbm>>
      tpu.enqueue_dma source(%arg9 : memref<128x128xf32, #tpu.memory_space<vmem>>) target(%dma_start3A_102 : memref<128x128xf32, #tpu.memory_space<hbm>>) target_semaphore(%run_scoped3A : memref<!tpu.dma_semaphore, #tpu.memory_space<semaphore_mem>>)
      %dma_wait3A = arith.constant 0 : i32
      %dma_wait3A_103 = tpu.memref_slice %arg6[%add3A_99, %dma_wait3A] : memref<20480x128xf32, #tpu.memory_space<hbm>> -> memref<128x128xf32, #tpu.memory_space<hbm>>
      %dma_wait3A_104 = arith.constant 0 : i32
      %dma_wait3A_105 = tpu.memref_slice %arg6[%add3A_99, %dma_wait3A_104] : memref<20480x128xf32, #tpu.memory_space<hbm>> -> memref<128x128xf32, #tpu.memory_space<hbm>>
      tpu.wait_dma2 semaphore(%run_scoped3A : memref<!tpu.dma_semaphore, #tpu.memory_space<semaphore_mem>>) src(%arg9 : memref<128x128xf32, #tpu.memory_space<vmem>>) dst(%dma_wait3A_105 : memref<128x128xf32, #tpu.memory_space<hbm>>)
      tpu.yield
    }) : () -> ()
    return
  }
}

#map = affine_map<(d0, d1) -> (0, 0, 0)>
#map1 = affine_map<(d0, d1) -> (0, 0)>
module attributes {stable_mosaic.version = 14 : i64} {
  func.func @body(%arg0: i32, %arg1: i32, %arg2: memref<2560x1x128xi32, #tpu.memory_space<hbm>>, %arg3: memref<10240x128xf32, #tpu.memory_space<hbm>>, %arg4: memref<128x128xf32, #tpu.memory_space<hbm>>, %arg5: memref<20480x128xf32, #tpu.memory_space<hbm>>, %arg6: memref<80x1x128xi32, #tpu.memory_space<vmem>>, %arg7: memref<128x128xf32, #tpu.memory_space<vmem>>, %arg8: memref<10240x128xf32, #tpu.memory_space<vmem_shared>>, %arg9: memref<!tpu.dma_semaphore, #tpu.memory_space<semaphore_mem>>) attributes {dimension_semantics = [#tpu.dimension_semantics<core_parallel>, #tpu.dimension_semantics<subcore_parallel>], iteration_bounds = array<i64: 2, 16>, scalar_prefetch = 0 : i64, scratch_operands = 4 : i64, tpu.core_type = #tpu.core_type<sc_vector_subcore>, window_params = [{transform_indices = #map}, {transform_indices = #map1}, {transform_indices = #map1}, {transform_indices = #map1}]} {
    %mul3A = arith.constant 640 : i32
    %mul3A_0 = arith.muli %arg1, %mul3A : i32
    %mul3A_1 = arith.constant 16 : i32
    %mul3A_2 = arith.muli %arg0, %mul3A_1 : i32
    %add3A = arith.addi %mul3A_2, %arg1 : i32
    %mul3A_3 = arith.constant 80 : i32
    %mul3A_4 = arith.muli %add3A, %mul3A_3 : i32
    "tpu.region"() ({
      %run_scoped3A = tpu.sem_alloc : memref<!tpu.dma_semaphore, #tpu.memory_space<semaphore_mem>>
      %dma_start3A = arith.constant 0 : i32
      %dma_start3A_56 = arith.constant 0 : i32
      %dma_start3A_57 = tpu.memref_slice %arg2[%mul3A_4, %dma_start3A, %dma_start3A_56] : memref<2560x1x128xi32, #tpu.memory_space<hbm>> -> memref<80x1x128xi32, #tpu.memory_space<hbm>>
      %dma_start3A_58 = arith.constant 0 : i32
      %dma_start3A_59 = arith.constant 0 : i32
      %dma_start3A_60 = tpu.memref_slice %arg2[%mul3A_4, %dma_start3A_58, %dma_start3A_59] : memref<2560x1x128xi32, #tpu.memory_space<hbm>> -> memref<80x1x128xi32, #tpu.memory_space<hbm>>
      tpu.enqueue_dma source(%dma_start3A_60 : memref<80x1x128xi32, #tpu.memory_space<hbm>>) target(%arg6 : memref<80x1x128xi32, #tpu.memory_space<vmem>>) target_semaphore(%run_scoped3A : memref<!tpu.dma_semaphore, #tpu.memory_space<semaphore_mem>>)
      %dma_wait3A = arith.constant 0 : i32
      %dma_wait3A_61 = arith.constant 0 : i32
      %dma_wait3A_62 = tpu.memref_slice %arg2[%mul3A_4, %dma_wait3A, %dma_wait3A_61] : memref<2560x1x128xi32, #tpu.memory_space<hbm>> -> memref<80x1x128xi32, #tpu.memory_space<hbm>>
      %dma_wait3A_63 = arith.constant 0 : i32
      %dma_wait3A_64 = arith.constant 0 : i32
      %dma_wait3A_65 = tpu.memref_slice %arg2[%mul3A_4, %dma_wait3A_63, %dma_wait3A_64] : memref<2560x1x128xi32, #tpu.memory_space<hbm>> -> memref<80x1x128xi32, #tpu.memory_space<hbm>>
      tpu.wait_dma2 semaphore(%run_scoped3A : memref<!tpu.dma_semaphore, #tpu.memory_space<semaphore_mem>>) src(%dma_wait3A_65 : memref<80x1x128xi32, #tpu.memory_space<hbm>>) dst(%arg6 : memref<80x1x128xi32, #tpu.memory_space<vmem>>)
      tpu.yield
    }) : () -> ()
    "tpu.region"() ({
      %run_scoped3A = tpu.sem_alloc : memref<!tpu.dma_semaphore, #tpu.memory_space<semaphore_mem>>
      %dma_start3A = arith.constant 0 : i32
      %dma_start3A_56 = arith.constant 0 : i32
      %dma_start3A_57 = tpu.memref_slice %arg3[%dma_start3A, %dma_start3A_56] : memref<10240x128xf32, #tpu.memory_space<hbm>> -> memref<128x128xf32, #tpu.memory_space<hbm>>
      %dma_start3A_58 = arith.constant 0 : i32
      %dma_start3A_59 = arith.constant 0 : i32
      %dma_start3A_60 = tpu.memref_slice %arg3[%dma_start3A_58, %dma_start3A_59] : memref<10240x128xf32, #tpu.memory_space<hbm>> -> memref<128x128xf32, #tpu.memory_space<hbm>>
      tpu.enqueue_dma source(%dma_start3A_60 : memref<128x128xf32, #tpu.memory_space<hbm>>) target(%arg7 : memref<128x128xf32, #tpu.memory_space<vmem>>) target_semaphore(%run_scoped3A : memref<!tpu.dma_semaphore, #tpu.memory_space<semaphore_mem>>)
      %dma_wait3A = arith.constant 0 : i32
      %dma_wait3A_61 = arith.constant 0 : i32
      %dma_wait3A_62 = tpu.memref_slice %arg3[%dma_wait3A, %dma_wait3A_61] : memref<10240x128xf32, #tpu.memory_space<hbm>> -> memref<128x128xf32, #tpu.memory_space<hbm>>
      %dma_wait3A_63 = arith.constant 0 : i32
      %dma_wait3A_64 = arith.constant 0 : i32
      %dma_wait3A_65 = tpu.memref_slice %arg3[%dma_wait3A_63, %dma_wait3A_64] : memref<10240x128xf32, #tpu.memory_space<hbm>> -> memref<128x128xf32, #tpu.memory_space<hbm>>
      tpu.wait_dma2 semaphore(%run_scoped3A : memref<!tpu.dma_semaphore, #tpu.memory_space<semaphore_mem>>) src(%dma_wait3A_65 : memref<128x128xf32, #tpu.memory_space<hbm>>) dst(%arg7 : memref<128x128xf32, #tpu.memory_space<vmem>>)
      tpu.yield
    }) : () -> ()
    %add3A_5 = arith.constant 0 : i32
    %add3A_6 = arith.addi %mul3A_0, %add3A_5 : i32
    "tpu.region"() ({
      %run_scoped3A = tpu.sem_alloc : memref<!tpu.dma_semaphore, #tpu.memory_space<semaphore_mem>>
      %dma_start3A = arith.constant 0 : i32
      %dma_start3A_56 = tpu.memref_slice %arg8[%add3A_6, %dma_start3A] : memref<10240x128xf32, #tpu.memory_space<vmem_shared>> -> memref<128x128xf32, #tpu.memory_space<vmem_shared>>
      %dma_start3A_57 = arith.constant 0 : i32
      %dma_start3A_58 = tpu.memref_slice %arg8[%add3A_6, %dma_start3A_57] : memref<10240x128xf32, #tpu.memory_space<vmem_shared>> -> memref<128x128xf32, #tpu.memory_space<vmem_shared>>
      tpu.enqueue_dma source(%arg7 : memref<128x128xf32, #tpu.memory_space<vmem>>) target(%dma_start3A_58 : memref<128x128xf32, #tpu.memory_space<vmem_shared>>) target_semaphore(%run_scoped3A : memref<!tpu.dma_semaphore, #tpu.memory_space<semaphore_mem>>)
      %dma_wait3A = arith.constant 0 : i32
      %dma_wait3A_59 = tpu.memref_slice %arg8[%add3A_6, %dma_wait3A] : memref<10240x128xf32, #tpu.memory_space<vmem_shared>> -> memref<128x128xf32, #tpu.memory_space<vmem_shared>>
      %dma_wait3A_60 = arith.constant 0 : i32
      %dma_wait3A_61 = tpu.memref_slice %arg8[%add3A_6, %dma_wait3A_60] : memref<10240x128xf32, #tpu.memory_space<vmem_shared>> -> memref<128x128xf32, #tpu.memory_space<vmem_shared>>
      tpu.wait_dma2 semaphore(%run_scoped3A : memref<!tpu.dma_semaphore, #tpu.memory_space<semaphore_mem>>) src(%arg7 : memref<128x128xf32, #tpu.memory_space<vmem>>) dst(%dma_wait3A_61 : memref<128x128xf32, #tpu.memory_space<vmem_shared>>)
      tpu.yield
    }) : () -> ()
    %add3A_7 = arith.constant 128 : i32
    %add3A_8 = arith.addi %mul3A_0, %add3A_7 : i32
    "tpu.region"() ({
      %run_scoped3A = tpu.sem_alloc : memref<!tpu.dma_semaphore, #tpu.memory_space<semaphore_mem>>
      %dma_start3A = arith.constant 0 : i32
      %dma_start3A_56 = tpu.memref_slice %arg8[%add3A_8, %dma_start3A] : memref<10240x128xf32, #tpu.memory_space<vmem_shared>> -> memref<128x128xf32, #tpu.memory_space<vmem_shared>>
      %dma_start3A_57 = arith.constant 0 : i32
      %dma_start3A_58 = tpu.memref_slice %arg8[%add3A_8, %dma_start3A_57] : memref<10240x128xf32, #tpu.memory_space<vmem_shared>> -> memref<128x128xf32, #tpu.memory_space<vmem_shared>>
      tpu.enqueue_dma source(%arg7 : memref<128x128xf32, #tpu.memory_space<vmem>>) target(%dma_start3A_58 : memref<128x128xf32, #tpu.memory_space<vmem_shared>>) target_semaphore(%run_scoped3A : memref<!tpu.dma_semaphore, #tpu.memory_space<semaphore_mem>>)
      %dma_wait3A = arith.constant 0 : i32
      %dma_wait3A_59 = tpu.memref_slice %arg8[%add3A_8, %dma_wait3A] : memref<10240x128xf32, #tpu.memory_space<vmem_shared>> -> memref<128x128xf32, #tpu.memory_space<vmem_shared>>
      %dma_wait3A_60 = arith.constant 0 : i32
      %dma_wait3A_61 = tpu.memref_slice %arg8[%add3A_8, %dma_wait3A_60] : memref<10240x128xf32, #tpu.memory_space<vmem_shared>> -> memref<128x128xf32, #tpu.memory_space<vmem_shared>>
      tpu.wait_dma2 semaphore(%run_scoped3A : memref<!tpu.dma_semaphore, #tpu.memory_space<semaphore_mem>>) src(%arg7 : memref<128x128xf32, #tpu.memory_space<vmem>>) dst(%dma_wait3A_61 : memref<128x128xf32, #tpu.memory_space<vmem_shared>>)
      tpu.yield
    }) : () -> ()
    %add3A_9 = arith.constant 256 : i32
    %add3A_10 = arith.addi %mul3A_0, %add3A_9 : i32
    "tpu.region"() ({
      %run_scoped3A = tpu.sem_alloc : memref<!tpu.dma_semaphore, #tpu.memory_space<semaphore_mem>>
      %dma_start3A = arith.constant 0 : i32
      %dma_start3A_56 = tpu.memref_slice %arg8[%add3A_10, %dma_start3A] : memref<10240x128xf32, #tpu.memory_space<vmem_shared>> -> memref<128x128xf32, #tpu.memory_space<vmem_shared>>
      %dma_start3A_57 = arith.constant 0 : i32
      %dma_start3A_58 = tpu.memref_slice %arg8[%add3A_10, %dma_start3A_57] : memref<10240x128xf32, #tpu.memory_space<vmem_shared>> -> memref<128x128xf32, #tpu.memory_space<vmem_shared>>
      tpu.enqueue_dma source(%arg7 : memref<128x128xf32, #tpu.memory_space<vmem>>) target(%dma_start3A_58 : memref<128x128xf32, #tpu.memory_space<vmem_shared>>) target_semaphore(%run_scoped3A : memref<!tpu.dma_semaphore, #tpu.memory_space<semaphore_mem>>)
      %dma_wait3A = arith.constant 0 : i32
      %dma_wait3A_59 = tpu.memref_slice %arg8[%add3A_10, %dma_wait3A] : memref<10240x128xf32, #tpu.memory_space<vmem_shared>> -> memref<128x128xf32, #tpu.memory_space<vmem_shared>>
      %dma_wait3A_60 = arith.constant 0 : i32
      %dma_wait3A_61 = tpu.memref_slice %arg8[%add3A_10, %dma_wait3A_60] : memref<10240x128xf32, #tpu.memory_space<vmem_shared>> -> memref<128x128xf32, #tpu.memory_space<vmem_shared>>
      tpu.wait_dma2 semaphore(%run_scoped3A : memref<!tpu.dma_semaphore, #tpu.memory_space<semaphore_mem>>) src(%arg7 : memref<128x128xf32, #tpu.memory_space<vmem>>) dst(%dma_wait3A_61 : memref<128x128xf32, #tpu.memory_space<vmem_shared>>)
      tpu.yield
    }) : () -> ()
    %add3A_11 = arith.constant 384 : i32
    %add3A_12 = arith.addi %mul3A_0, %add3A_11 : i32
    "tpu.region"() ({
      %run_scoped3A = tpu.sem_alloc : memref<!tpu.dma_semaphore, #tpu.memory_space<semaphore_mem>>
      %dma_start3A = arith.constant 0 : i32
      %dma_start3A_56 = tpu.memref_slice %arg8[%add3A_12, %dma_start3A] : memref<10240x128xf32, #tpu.memory_space<vmem_shared>> -> memref<128x128xf32, #tpu.memory_space<vmem_shared>>
      %dma_start3A_57 = arith.constant 0 : i32
      %dma_start3A_58 = tpu.memref_slice %arg8[%add3A_12, %dma_start3A_57] : memref<10240x128xf32, #tpu.memory_space<vmem_shared>> -> memref<128x128xf32, #tpu.memory_space<vmem_shared>>
      tpu.enqueue_dma source(%arg7 : memref<128x128xf32, #tpu.memory_space<vmem>>) target(%dma_start3A_58 : memref<128x128xf32, #tpu.memory_space<vmem_shared>>) target_semaphore(%run_scoped3A : memref<!tpu.dma_semaphore, #tpu.memory_space<semaphore_mem>>)
      %dma_wait3A = arith.constant 0 : i32
      %dma_wait3A_59 = tpu.memref_slice %arg8[%add3A_12, %dma_wait3A] : memref<10240x128xf32, #tpu.memory_space<vmem_shared>> -> memref<128x128xf32, #tpu.memory_space<vmem_shared>>
      %dma_wait3A_60 = arith.constant 0 : i32
      %dma_wait3A_61 = tpu.memref_slice %arg8[%add3A_12, %dma_wait3A_60] : memref<10240x128xf32, #tpu.memory_space<vmem_shared>> -> memref<128x128xf32, #tpu.memory_space<vmem_shared>>
      tpu.wait_dma2 semaphore(%run_scoped3A : memref<!tpu.dma_semaphore, #tpu.memory_space<semaphore_mem>>) src(%arg7 : memref<128x128xf32, #tpu.memory_space<vmem>>) dst(%dma_wait3A_61 : memref<128x128xf32, #tpu.memory_space<vmem_shared>>)
      tpu.yield
    }) : () -> ()
    %add3A_13 = arith.constant 512 : i32
    %add3A_14 = arith.addi %mul3A_0, %add3A_13 : i32
    "tpu.region"() ({
      %run_scoped3A = tpu.sem_alloc : memref<!tpu.dma_semaphore, #tpu.memory_space<semaphore_mem>>
      %dma_start3A = arith.constant 0 : i32
      %dma_start3A_56 = tpu.memref_slice %arg8[%add3A_14, %dma_start3A] : memref<10240x128xf32, #tpu.memory_space<vmem_shared>> -> memref<128x128xf32, #tpu.memory_space<vmem_shared>>
      %dma_start3A_57 = arith.constant 0 : i32
      %dma_start3A_58 = tpu.memref_slice %arg8[%add3A_14, %dma_start3A_57] : memref<10240x128xf32, #tpu.memory_space<vmem_shared>> -> memref<128x128xf32, #tpu.memory_space<vmem_shared>>
      tpu.enqueue_dma source(%arg7 : memref<128x128xf32, #tpu.memory_space<vmem>>) target(%dma_start3A_58 : memref<128x128xf32, #tpu.memory_space<vmem_shared>>) target_semaphore(%run_scoped3A : memref<!tpu.dma_semaphore, #tpu.memory_space<semaphore_mem>>)
      %dma_wait3A = arith.constant 0 : i32
      %dma_wait3A_59 = tpu.memref_slice %arg8[%add3A_14, %dma_wait3A] : memref<10240x128xf32, #tpu.memory_space<vmem_shared>> -> memref<128x128xf32, #tpu.memory_space<vmem_shared>>
      %dma_wait3A_60 = arith.constant 0 : i32
      %dma_wait3A_61 = tpu.memref_slice %arg8[%add3A_14, %dma_wait3A_60] : memref<10240x128xf32, #tpu.memory_space<vmem_shared>> -> memref<128x128xf32, #tpu.memory_space<vmem_shared>>
      tpu.wait_dma2 semaphore(%run_scoped3A : memref<!tpu.dma_semaphore, #tpu.memory_space<semaphore_mem>>) src(%arg7 : memref<128x128xf32, #tpu.memory_space<vmem>>) dst(%dma_wait3A_61 : memref<128x128xf32, #tpu.memory_space<vmem_shared>>)
      tpu.yield
    }) : () -> ()
    "tpu.region"() ({
      %run_scoped3A = tpu.sem_alloc : memref<!tpu.dma_semaphore, #tpu.memory_space<semaphore_mem>>
      tpu.enqueue_dma source(%arg4 : memref<128x128xf32, #tpu.memory_space<hbm>>) target(%arg7 : memref<128x128xf32, #tpu.memory_space<vmem>>) target_semaphore(%run_scoped3A : memref<!tpu.dma_semaphore, #tpu.memory_space<semaphore_mem>>)
      tpu.wait_dma2 semaphore(%run_scoped3A : memref<!tpu.dma_semaphore, #tpu.memory_space<semaphore_mem>>) src(%arg4 : memref<128x128xf32, #tpu.memory_space<hbm>>) dst(%arg7 : memref<128x128xf32, #tpu.memory_space<vmem>>)
      tpu.yield
    }) : () -> ()
    %barrier3A = arith.constant 0 : index
    tpu.barrier barrier_id(%barrier3A)
    %scan3A = arith.constant 0 : i32
    %scan3A_15 = arith.constant 0 : i32
    %scan3A_16 = arith.constant 10 : i32
    %scan3A_17 = arith.addi %scan3A_15, %scan3A_16 : i32
    %scan3A_18 = arith.constant 1 : i32
    scf.for %scan3A_56 = %scan3A_15 to %scan3A_17 step %scan3A_18  : i32 {
      %mul3A_57 = arith.constant 8 : i32
      %mul3A_58 = arith.muli %mul3A_57, %scan3A_56 : i32
      %add3A_59 = arith.constant 0 : i32
      %add3A_60 = arith.addi %mul3A_58, %add3A_59 : i32
      %dma_start3A = arith.constant 0 : i32
      %dma_start3A_61 = arith.constant 0 : i32
      %dma_start3A_62 = tpu.memref_slice %arg6[%add3A_60, %dma_start3A, %dma_start3A_61] : memref<80x1x128xi32, #tpu.memory_space<vmem>> -> memref<1x1x128xi32, #tpu.memory_space<vmem>>
      %dma_start3A_63 = tpu.memref_squeeze %dma_start3A_62 : memref<1x1x128xi32, #tpu.memory_space<vmem>> -> memref<128xi32, #tpu.memory_space<vmem>>
      %dma_start3A_64 = arith.constant 0 : i32
      %dma_start3A_65 = arith.constant 0 : i32
      %dma_start3A_66 = tpu.memref_slice %arg8[%dma_start3A_64, %dma_start3A_65] : memref<10240x128xf32, #tpu.memory_space<vmem_shared>> -> memref<10240x128xf32, #tpu.memory_space<vmem_shared>>
      tpu.enqueue_indirect_dma source(%arg7 : memref<128x128xf32, #tpu.memory_space<vmem>>) target(%dma_start3A_66 : memref<10240x128xf32, #tpu.memory_space<vmem_shared>>) offsets(%dma_start3A_63 : memref<128xi32, #tpu.memory_space<vmem>>) semaphore(%arg9 : memref<!tpu.dma_semaphore, #tpu.memory_space<semaphore_mem>>) {add = true}
      %mul3A_67 = arith.constant 8 : i32
      %mul3A_68 = arith.muli %mul3A_67, %scan3A_56 : i32
      %add3A_69 = arith.constant 1 : i32
      %add3A_70 = arith.addi %mul3A_68, %add3A_69 : i32
      %dma_start3A_71 = arith.constant 0 : i32
      %dma_start3A_72 = arith.constant 0 : i32
      %dma_start3A_73 = tpu.memref_slice %arg6[%add3A_70, %dma_start3A_71, %dma_start3A_72] : memref<80x1x128xi32, #tpu.memory_space<vmem>> -> memref<1x1x128xi32, #tpu.memory_space<vmem>>
      %dma_start3A_74 = tpu.memref_squeeze %dma_start3A_73 : memref<1x1x128xi32, #tpu.memory_space<vmem>> -> memref<128xi32, #tpu.memory_space<vmem>>
      %dma_start3A_75 = arith.constant 0 : i32
      %dma_start3A_76 = arith.constant 0 : i32
      %dma_start3A_77 = tpu.memref_slice %arg8[%dma_start3A_75, %dma_start3A_76] : memref<10240x128xf32, #tpu.memory_space<vmem_shared>> -> memref<10240x128xf32, #tpu.memory_space<vmem_shared>>
      tpu.enqueue_indirect_dma source(%arg7 : memref<128x128xf32, #tpu.memory_space<vmem>>) target(%dma_start3A_77 : memref<10240x128xf32, #tpu.memory_space<vmem_shared>>) offsets(%dma_start3A_74 : memref<128xi32, #tpu.memory_space<vmem>>) semaphore(%arg9 : memref<!tpu.dma_semaphore, #tpu.memory_space<semaphore_mem>>) {add = true}
      %mul3A_78 = arith.constant 8 : i32
      %mul3A_79 = arith.muli %mul3A_78, %scan3A_56 : i32
      %add3A_80 = arith.constant 2 : i32
      %add3A_81 = arith.addi %mul3A_79, %add3A_80 : i32
      %dma_start3A_82 = arith.constant 0 : i32
      %dma_start3A_83 = arith.constant 0 : i32
      %dma_start3A_84 = tpu.memref_slice %arg6[%add3A_81, %dma_start3A_82, %dma_start3A_83] : memref<80x1x128xi32, #tpu.memory_space<vmem>> -> memref<1x1x128xi32, #tpu.memory_space<vmem>>
      %dma_start3A_85 = tpu.memref_squeeze %dma_start3A_84 : memref<1x1x128xi32, #tpu.memory_space<vmem>> -> memref<128xi32, #tpu.memory_space<vmem>>
      %dma_start3A_86 = arith.constant 0 : i32
      %dma_start3A_87 = arith.constant 0 : i32
      %dma_start3A_88 = tpu.memref_slice %arg8[%dma_start3A_86, %dma_start3A_87] : memref<10240x128xf32, #tpu.memory_space<vmem_shared>> -> memref<10240x128xf32, #tpu.memory_space<vmem_shared>>
      tpu.enqueue_indirect_dma source(%arg7 : memref<128x128xf32, #tpu.memory_space<vmem>>) target(%dma_start3A_88 : memref<10240x128xf32, #tpu.memory_space<vmem_shared>>) offsets(%dma_start3A_85 : memref<128xi32, #tpu.memory_space<vmem>>) semaphore(%arg9 : memref<!tpu.dma_semaphore, #tpu.memory_space<semaphore_mem>>) {add = true}
      %mul3A_89 = arith.constant 8 : i32
      %mul3A_90 = arith.muli %mul3A_89, %scan3A_56 : i32
      %add3A_91 = arith.constant 3 : i32
      %add3A_92 = arith.addi %mul3A_90, %add3A_91 : i32
      %dma_start3A_93 = arith.constant 0 : i32
      %dma_start3A_94 = arith.constant 0 : i32
      %dma_start3A_95 = tpu.memref_slice %arg6[%add3A_92, %dma_start3A_93, %dma_start3A_94] : memref<80x1x128xi32, #tpu.memory_space<vmem>> -> memref<1x1x128xi32, #tpu.memory_space<vmem>>
      %dma_start3A_96 = tpu.memref_squeeze %dma_start3A_95 : memref<1x1x128xi32, #tpu.memory_space<vmem>> -> memref<128xi32, #tpu.memory_space<vmem>>
      %dma_start3A_97 = arith.constant 0 : i32
      %dma_start3A_98 = arith.constant 0 : i32
      %dma_start3A_99 = tpu.memref_slice %arg8[%dma_start3A_97, %dma_start3A_98] : memref<10240x128xf32, #tpu.memory_space<vmem_shared>> -> memref<10240x128xf32, #tpu.memory_space<vmem_shared>>
      tpu.enqueue_indirect_dma source(%arg7 : memref<128x128xf32, #tpu.memory_space<vmem>>) target(%dma_start3A_99 : memref<10240x128xf32, #tpu.memory_space<vmem_shared>>) offsets(%dma_start3A_96 : memref<128xi32, #tpu.memory_space<vmem>>) semaphore(%arg9 : memref<!tpu.dma_semaphore, #tpu.memory_space<semaphore_mem>>) {add = true}
      %mul3A_100 = arith.constant 8 : i32
      %mul3A_101 = arith.muli %mul3A_100, %scan3A_56 : i32
      %add3A_102 = arith.constant 4 : i32
      %add3A_103 = arith.addi %mul3A_101, %add3A_102 : i32
      %dma_start3A_104 = arith.constant 0 : i32
      %dma_start3A_105 = arith.constant 0 : i32
      %dma_start3A_106 = tpu.memref_slice %arg6[%add3A_103, %dma_start3A_104, %dma_start3A_105] : memref<80x1x128xi32, #tpu.memory_space<vmem>> -> memref<1x1x128xi32, #tpu.memory_space<vmem>>
      %dma_start3A_107 = tpu.memref_squeeze %dma_start3A_106 : memref<1x1x128xi32, #tpu.memory_space<vmem>> -> memref<128xi32, #tpu.memory_space<vmem>>
      %dma_start3A_108 = arith.constant 0 : i32
      %dma_start3A_109 = arith.constant 0 : i32
      %dma_start3A_110 = tpu.memref_slice %arg8[%dma_start3A_108, %dma_start3A_109] : memref<10240x128xf32, #tpu.memory_space<vmem_shared>> -> memref<10240x128xf32, #tpu.memory_space<vmem_shared>>
      tpu.enqueue_indirect_dma source(%arg7 : memref<128x128xf32, #tpu.memory_space<vmem>>) target(%dma_start3A_110 : memref<10240x128xf32, #tpu.memory_space<vmem_shared>>) offsets(%dma_start3A_107 : memref<128xi32, #tpu.memory_space<vmem>>) semaphore(%arg9 : memref<!tpu.dma_semaphore, #tpu.memory_space<semaphore_mem>>) {add = true}
      %mul3A_111 = arith.constant 8 : i32
      %mul3A_112 = arith.muli %mul3A_111, %scan3A_56 : i32
      %add3A_113 = arith.constant 5 : i32
      %add3A_114 = arith.addi %mul3A_112, %add3A_113 : i32
      %dma_start3A_115 = arith.constant 0 : i32
      %dma_start3A_116 = arith.constant 0 : i32
      %dma_start3A_117 = tpu.memref_slice %arg6[%add3A_114, %dma_start3A_115, %dma_start3A_116] : memref<80x1x128xi32, #tpu.memory_space<vmem>> -> memref<1x1x128xi32, #tpu.memory_space<vmem>>
      %dma_start3A_118 = tpu.memref_squeeze %dma_start3A_117 : memref<1x1x128xi32, #tpu.memory_space<vmem>> -> memref<128xi32, #tpu.memory_space<vmem>>
      %dma_start3A_119 = arith.constant 0 : i32
      %dma_start3A_120 = arith.constant 0 : i32
      %dma_start3A_121 = tpu.memref_slice %arg8[%dma_start3A_119, %dma_start3A_120] : memref<10240x128xf32, #tpu.memory_space<vmem_shared>> -> memref<10240x128xf32, #tpu.memory_space<vmem_shared>>
      tpu.enqueue_indirect_dma source(%arg7 : memref<128x128xf32, #tpu.memory_space<vmem>>) target(%dma_start3A_121 : memref<10240x128xf32, #tpu.memory_space<vmem_shared>>) offsets(%dma_start3A_118 : memref<128xi32, #tpu.memory_space<vmem>>) semaphore(%arg9 : memref<!tpu.dma_semaphore, #tpu.memory_space<semaphore_mem>>) {add = true}
      %mul3A_122 = arith.constant 8 : i32
      %mul3A_123 = arith.muli %mul3A_122, %scan3A_56 : i32
      %add3A_124 = arith.constant 6 : i32
      %add3A_125 = arith.addi %mul3A_123, %add3A_124 : i32
      %dma_start3A_126 = arith.constant 0 : i32
      %dma_start3A_127 = arith.constant 0 : i32
      %dma_start3A_128 = tpu.memref_slice %arg6[%add3A_125, %dma_start3A_126, %dma_start3A_127] : memref<80x1x128xi32, #tpu.memory_space<vmem>> -> memref<1x1x128xi32, #tpu.memory_space<vmem>>
      %dma_start3A_129 = tpu.memref_squeeze %dma_start3A_128 : memref<1x1x128xi32, #tpu.memory_space<vmem>> -> memref<128xi32, #tpu.memory_space<vmem>>
      %dma_start3A_130 = arith.constant 0 : i32
      %dma_start3A_131 = arith.constant 0 : i32
      %dma_start3A_132 = tpu.memref_slice %arg8[%dma_start3A_130, %dma_start3A_131] : memref<10240x128xf32, #tpu.memory_space<vmem_shared>> -> memref<10240x128xf32, #tpu.memory_space<vmem_shared>>
      tpu.enqueue_indirect_dma source(%arg7 : memref<128x128xf32, #tpu.memory_space<vmem>>) target(%dma_start3A_132 : memref<10240x128xf32, #tpu.memory_space<vmem_shared>>) offsets(%dma_start3A_129 : memref<128xi32, #tpu.memory_space<vmem>>) semaphore(%arg9 : memref<!tpu.dma_semaphore, #tpu.memory_space<semaphore_mem>>) {add = true}
      %mul3A_133 = arith.constant 8 : i32
      %mul3A_134 = arith.muli %mul3A_133, %scan3A_56 : i32
      %add3A_135 = arith.constant 7 : i32
      %add3A_136 = arith.addi %mul3A_134, %add3A_135 : i32
      %dma_start3A_137 = arith.constant 0 : i32
      %dma_start3A_138 = arith.constant 0 : i32
      %dma_start3A_139 = tpu.memref_slice %arg6[%add3A_136, %dma_start3A_137, %dma_start3A_138] : memref<80x1x128xi32, #tpu.memory_space<vmem>> -> memref<1x1x128xi32, #tpu.memory_space<vmem>>
      %dma_start3A_140 = tpu.memref_squeeze %dma_start3A_139 : memref<1x1x128xi32, #tpu.memory_space<vmem>> -> memref<128xi32, #tpu.memory_space<vmem>>
      %dma_start3A_141 = arith.constant 0 : i32
      %dma_start3A_142 = arith.constant 0 : i32
      %dma_start3A_143 = tpu.memref_slice %arg8[%dma_start3A_141, %dma_start3A_142] : memref<10240x128xf32, #tpu.memory_space<vmem_shared>> -> memref<10240x128xf32, #tpu.memory_space<vmem_shared>>
      tpu.enqueue_indirect_dma source(%arg7 : memref<128x128xf32, #tpu.memory_space<vmem>>) target(%dma_start3A_143 : memref<10240x128xf32, #tpu.memory_space<vmem_shared>>) offsets(%dma_start3A_140 : memref<128xi32, #tpu.memory_space<vmem>>) semaphore(%arg9 : memref<!tpu.dma_semaphore, #tpu.memory_space<semaphore_mem>>) {add = true}
      %dma_wait3A = arith.constant 0 : i32
      %dma_wait3A_144 = arith.constant 0 : i32
      %dma_wait3A_145 = tpu.memref_slice %arg8[%dma_wait3A, %dma_wait3A_144] : memref<10240x128xf32, #tpu.memory_space<vmem_shared>> -> memref<128x128xf32, #tpu.memory_space<vmem_shared>>
      %dma_wait3A_146 = arith.constant 0 : i32
      %dma_wait3A_147 = arith.constant 0 : i32
      %dma_wait3A_148 = tpu.memref_slice %arg8[%dma_wait3A_146, %dma_wait3A_147] : memref<10240x128xf32, #tpu.memory_space<vmem_shared>> -> memref<128x128xf32, #tpu.memory_space<vmem_shared>>
      tpu.wait_dma2 semaphore(%arg9 : memref<!tpu.dma_semaphore, #tpu.memory_space<semaphore_mem>>) src(%arg7 : memref<128x128xf32, #tpu.memory_space<vmem>>) dst(%dma_wait3A_148 : memref<128x128xf32, #tpu.memory_space<vmem_shared>>)
      %dma_wait3A_149 = arith.constant 0 : i32
      %dma_wait3A_150 = arith.constant 0 : i32
      %dma_wait3A_151 = tpu.memref_slice %arg8[%dma_wait3A_149, %dma_wait3A_150] : memref<10240x128xf32, #tpu.memory_space<vmem_shared>> -> memref<128x128xf32, #tpu.memory_space<vmem_shared>>
      %dma_wait3A_152 = arith.constant 0 : i32
      %dma_wait3A_153 = arith.constant 0 : i32
      %dma_wait3A_154 = tpu.memref_slice %arg8[%dma_wait3A_152, %dma_wait3A_153] : memref<10240x128xf32, #tpu.memory_space<vmem_shared>> -> memref<128x128xf32, #tpu.memory_space<vmem_shared>>
      tpu.wait_dma2 semaphore(%arg9 : memref<!tpu.dma_semaphore, #tpu.memory_space<semaphore_mem>>) src(%arg7 : memref<128x128xf32, #tpu.memory_space<vmem>>) dst(%dma_wait3A_154 : memref<128x128xf32, #tpu.memory_space<vmem_shared>>)
      %dma_wait3A_155 = arith.constant 0 : i32
      %dma_wait3A_156 = arith.constant 0 : i32
      %dma_wait3A_157 = tpu.memref_slice %arg8[%dma_wait3A_155, %dma_wait3A_156] : memref<10240x128xf32, #tpu.memory_space<vmem_shared>> -> memref<128x128xf32, #tpu.memory_space<vmem_shared>>
      %dma_wait3A_158 = arith.constant 0 : i32
      %dma_wait3A_159 = arith.constant 0 : i32
      %dma_wait3A_160 = tpu.memref_slice %arg8[%dma_wait3A_158, %dma_wait3A_159] : memref<10240x128xf32, #tpu.memory_space<vmem_shared>> -> memref<128x128xf32, #tpu.memory_space<vmem_shared>>
      tpu.wait_dma2 semaphore(%arg9 : memref<!tpu.dma_semaphore, #tpu.memory_space<semaphore_mem>>) src(%arg7 : memref<128x128xf32, #tpu.memory_space<vmem>>) dst(%dma_wait3A_160 : memref<128x128xf32, #tpu.memory_space<vmem_shared>>)
      %dma_wait3A_161 = arith.constant 0 : i32
      %dma_wait3A_162 = arith.constant 0 : i32
      %dma_wait3A_163 = tpu.memref_slice %arg8[%dma_wait3A_161, %dma_wait3A_162] : memref<10240x128xf32, #tpu.memory_space<vmem_shared>> -> memref<128x128xf32, #tpu.memory_space<vmem_shared>>
      %dma_wait3A_164 = arith.constant 0 : i32
      %dma_wait3A_165 = arith.constant 0 : i32
      %dma_wait3A_166 = tpu.memref_slice %arg8[%dma_wait3A_164, %dma_wait3A_165] : memref<10240x128xf32, #tpu.memory_space<vmem_shared>> -> memref<128x128xf32, #tpu.memory_space<vmem_shared>>
      tpu.wait_dma2 semaphore(%arg9 : memref<!tpu.dma_semaphore, #tpu.memory_space<semaphore_mem>>) src(%arg7 : memref<128x128xf32, #tpu.memory_space<vmem>>) dst(%dma_wait3A_166 : memref<128x128xf32, #tpu.memory_space<vmem_shared>>)
      %dma_wait3A_167 = arith.constant 0 : i32
      %dma_wait3A_168 = arith.constant 0 : i32
      %dma_wait3A_169 = tpu.memref_slice %arg8[%dma_wait3A_167, %dma_wait3A_168] : memref<10240x128xf32, #tpu.memory_space<vmem_shared>> -> memref<128x128xf32, #tpu.memory_space<vmem_shared>>
      %dma_wait3A_170 = arith.constant 0 : i32
      %dma_wait3A_171 = arith.constant 0 : i32
      %dma_wait3A_172 = tpu.memref_slice %arg8[%dma_wait3A_170, %dma_wait3A_171] : memref<10240x128xf32, #tpu.memory_space<vmem_shared>> -> memref<128x128xf32, #tpu.memory_space<vmem_shared>>
      tpu.wait_dma2 semaphore(%arg9 : memref<!tpu.dma_semaphore, #tpu.memory_space<semaphore_mem>>) src(%arg7 : memref<128x128xf32, #tpu.memory_space<vmem>>) dst(%dma_wait3A_172 : memref<128x128xf32, #tpu.memory_space<vmem_shared>>)
      %dma_wait3A_173 = arith.constant 0 : i32
      %dma_wait3A_174 = arith.constant 0 : i32
      %dma_wait3A_175 = tpu.memref_slice %arg8[%dma_wait3A_173, %dma_wait3A_174] : memref<10240x128xf32, #tpu.memory_space<vmem_shared>> -> memref<128x128xf32, #tpu.memory_space<vmem_shared>>
      %dma_wait3A_176 = arith.constant 0 : i32
      %dma_wait3A_177 = arith.constant 0 : i32
      %dma_wait3A_178 = tpu.memref_slice %arg8[%dma_wait3A_176, %dma_wait3A_177] : memref<10240x128xf32, #tpu.memory_space<vmem_shared>> -> memref<128x128xf32, #tpu.memory_space<vmem_shared>>
      tpu.wait_dma2 semaphore(%arg9 : memref<!tpu.dma_semaphore, #tpu.memory_space<semaphore_mem>>) src(%arg7 : memref<128x128xf32, #tpu.memory_space<vmem>>) dst(%dma_wait3A_178 : memref<128x128xf32, #tpu.memory_space<vmem_shared>>)
      %dma_wait3A_179 = arith.constant 0 : i32
      %dma_wait3A_180 = arith.constant 0 : i32
      %dma_wait3A_181 = tpu.memref_slice %arg8[%dma_wait3A_179, %dma_wait3A_180] : memref<10240x128xf32, #tpu.memory_space<vmem_shared>> -> memref<128x128xf32, #tpu.memory_space<vmem_shared>>
      %dma_wait3A_182 = arith.constant 0 : i32
      %dma_wait3A_183 = arith.constant 0 : i32
      %dma_wait3A_184 = tpu.memref_slice %arg8[%dma_wait3A_182, %dma_wait3A_183] : memref<10240x128xf32, #tpu.memory_space<vmem_shared>> -> memref<128x128xf32, #tpu.memory_space<vmem_shared>>
      tpu.wait_dma2 semaphore(%arg9 : memref<!tpu.dma_semaphore, #tpu.memory_space<semaphore_mem>>) src(%arg7 : memref<128x128xf32, #tpu.memory_space<vmem>>) dst(%dma_wait3A_184 : memref<128x128xf32, #tpu.memory_space<vmem_shared>>)
      %dma_wait3A_185 = arith.constant 0 : i32
      %dma_wait3A_186 = arith.constant 0 : i32
      %dma_wait3A_187 = tpu.memref_slice %arg8[%dma_wait3A_185, %dma_wait3A_186] : memref<10240x128xf32, #tpu.memory_space<vmem_shared>> -> memref<128x128xf32, #tpu.memory_space<vmem_shared>>
      %dma_wait3A_188 = arith.constant 0 : i32
      %dma_wait3A_189 = arith.constant 0 : i32
      %dma_wait3A_190 = tpu.memref_slice %arg8[%dma_wait3A_188, %dma_wait3A_189] : memref<10240x128xf32, #tpu.memory_space<vmem_shared>> -> memref<128x128xf32, #tpu.memory_space<vmem_shared>>
      tpu.wait_dma2 semaphore(%arg9 : memref<!tpu.dma_semaphore, #tpu.memory_space<semaphore_mem>>) src(%arg7 : memref<128x128xf32, #tpu.memory_space<vmem>>) dst(%dma_wait3A_190 : memref<128x128xf32, #tpu.memory_space<vmem_shared>>)
    }
    %scan3A_19 = arith.constant 10 : i32
    %barrier3A_20 = arith.constant 0 : index
    tpu.barrier barrier_id(%barrier3A_20)
    %add3A_21 = arith.constant 0 : i32
    %add3A_22 = arith.addi %mul3A_0, %add3A_21 : i32
    "tpu.region"() ({
      %run_scoped3A = tpu.sem_alloc : memref<!tpu.dma_semaphore, #tpu.memory_space<semaphore_mem>>
      %dma_start3A = arith.constant 0 : i32
      %dma_start3A_56 = tpu.memref_slice %arg8[%add3A_22, %dma_start3A] : memref<10240x128xf32, #tpu.memory_space<vmem_shared>> -> memref<128x128xf32, #tpu.memory_space<vmem_shared>>
      %dma_start3A_57 = arith.constant 0 : i32
      %dma_start3A_58 = tpu.memref_slice %arg8[%add3A_22, %dma_start3A_57] : memref<10240x128xf32, #tpu.memory_space<vmem_shared>> -> memref<128x128xf32, #tpu.memory_space<vmem_shared>>
      tpu.enqueue_dma source(%dma_start3A_58 : memref<128x128xf32, #tpu.memory_space<vmem_shared>>) target(%arg7 : memref<128x128xf32, #tpu.memory_space<vmem>>) target_semaphore(%run_scoped3A : memref<!tpu.dma_semaphore, #tpu.memory_space<semaphore_mem>>)
      %dma_wait3A = arith.constant 0 : i32
      %dma_wait3A_59 = tpu.memref_slice %arg8[%add3A_22, %dma_wait3A] : memref<10240x128xf32, #tpu.memory_space<vmem_shared>> -> memref<128x128xf32, #tpu.memory_space<vmem_shared>>
      %dma_wait3A_60 = arith.constant 0 : i32
      %dma_wait3A_61 = tpu.memref_slice %arg8[%add3A_22, %dma_wait3A_60] : memref<10240x128xf32, #tpu.memory_space<vmem_shared>> -> memref<128x128xf32, #tpu.memory_space<vmem_shared>>
      tpu.wait_dma2 semaphore(%run_scoped3A : memref<!tpu.dma_semaphore, #tpu.memory_space<semaphore_mem>>) src(%dma_wait3A_61 : memref<128x128xf32, #tpu.memory_space<vmem_shared>>) dst(%arg7 : memref<128x128xf32, #tpu.memory_space<vmem>>)
      tpu.yield
    }) : () -> ()
    %mul3A_23 = arith.constant 10240 : i32
    %mul3A_24 = arith.muli %arg0, %mul3A_23 : i32
    %add3A_25 = arith.addi %mul3A_24, %mul3A_0 : i32
    %add3A_26 = arith.constant 0 : i32
    %add3A_27 = arith.addi %add3A_25, %add3A_26 : i32
    "tpu.region"() ({
      %run_scoped3A = tpu.sem_alloc : memref<!tpu.dma_semaphore, #tpu.memory_space<semaphore_mem>>
      %dma_start3A = arith.constant 0 : i32
      %dma_start3A_56 = tpu.memref_slice %arg5[%add3A_27, %dma_start3A] : memref<20480x128xf32, #tpu.memory_space<hbm>> -> memref<128x128xf32, #tpu.memory_space<hbm>>
      %dma_start3A_57 = arith.constant 0 : i32
      %dma_start3A_58 = tpu.memref_slice %arg5[%add3A_27, %dma_start3A_57] : memref<20480x128xf32, #tpu.memory_space<hbm>> -> memref<128x128xf32, #tpu.memory_space<hbm>>
      tpu.enqueue_dma source(%arg7 : memref<128x128xf32, #tpu.memory_space<vmem>>) target(%dma_start3A_58 : memref<128x128xf32, #tpu.memory_space<hbm>>) target_semaphore(%run_scoped3A : memref<!tpu.dma_semaphore, #tpu.memory_space<semaphore_mem>>)
      %dma_wait3A = arith.constant 0 : i32
      %dma_wait3A_59 = tpu.memref_slice %arg5[%add3A_27, %dma_wait3A] : memref<20480x128xf32, #tpu.memory_space<hbm>> -> memref<128x128xf32, #tpu.memory_space<hbm>>
      %dma_wait3A_60 = arith.constant 0 : i32
      %dma_wait3A_61 = tpu.memref_slice %arg5[%add3A_27, %dma_wait3A_60] : memref<20480x128xf32, #tpu.memory_space<hbm>> -> memref<128x128xf32, #tpu.memory_space<hbm>>
      tpu.wait_dma2 semaphore(%run_scoped3A : memref<!tpu.dma_semaphore, #tpu.memory_space<semaphore_mem>>) src(%arg7 : memref<128x128xf32, #tpu.memory_space<vmem>>) dst(%dma_wait3A_61 : memref<128x128xf32, #tpu.memory_space<hbm>>)
      tpu.yield
    }) : () -> ()
    %add3A_28 = arith.constant 128 : i32
    %add3A_29 = arith.addi %mul3A_0, %add3A_28 : i32
    "tpu.region"() ({
      %run_scoped3A = tpu.sem_alloc : memref<!tpu.dma_semaphore, #tpu.memory_space<semaphore_mem>>
      %dma_start3A = arith.constant 0 : i32
      %dma_start3A_56 = tpu.memref_slice %arg8[%add3A_29, %dma_start3A] : memref<10240x128xf32, #tpu.memory_space<vmem_shared>> -> memref<128x128xf32, #tpu.memory_space<vmem_shared>>
      %dma_start3A_57 = arith.constant 0 : i32
      %dma_start3A_58 = tpu.memref_slice %arg8[%add3A_29, %dma_start3A_57] : memref<10240x128xf32, #tpu.memory_space<vmem_shared>> -> memref<128x128xf32, #tpu.memory_space<vmem_shared>>
      tpu.enqueue_dma source(%dma_start3A_58 : memref<128x128xf32, #tpu.memory_space<vmem_shared>>) target(%arg7 : memref<128x128xf32, #tpu.memory_space<vmem>>) target_semaphore(%run_scoped3A : memref<!tpu.dma_semaphore, #tpu.memory_space<semaphore_mem>>)
      %dma_wait3A = arith.constant 0 : i32
      %dma_wait3A_59 = tpu.memref_slice %arg8[%add3A_29, %dma_wait3A] : memref<10240x128xf32, #tpu.memory_space<vmem_shared>> -> memref<128x128xf32, #tpu.memory_space<vmem_shared>>
      %dma_wait3A_60 = arith.constant 0 : i32
      %dma_wait3A_61 = tpu.memref_slice %arg8[%add3A_29, %dma_wait3A_60] : memref<10240x128xf32, #tpu.memory_space<vmem_shared>> -> memref<128x128xf32, #tpu.memory_space<vmem_shared>>
      tpu.wait_dma2 semaphore(%run_scoped3A : memref<!tpu.dma_semaphore, #tpu.memory_space<semaphore_mem>>) src(%dma_wait3A_61 : memref<128x128xf32, #tpu.memory_space<vmem_shared>>) dst(%arg7 : memref<128x128xf32, #tpu.memory_space<vmem>>)
      tpu.yield
    }) : () -> ()
    %mul3A_30 = arith.constant 10240 : i32
    %mul3A_31 = arith.muli %arg0, %mul3A_30 : i32
    %add3A_32 = arith.addi %mul3A_31, %mul3A_0 : i32
    %add3A_33 = arith.constant 128 : i32
    %add3A_34 = arith.addi %add3A_32, %add3A_33 : i32
    "tpu.region"() ({
      %run_scoped3A = tpu.sem_alloc : memref<!tpu.dma_semaphore, #tpu.memory_space<semaphore_mem>>
      %dma_start3A = arith.constant 0 : i32
      %dma_start3A_56 = tpu.memref_slice %arg5[%add3A_34, %dma_start3A] : memref<20480x128xf32, #tpu.memory_space<hbm>> -> memref<128x128xf32, #tpu.memory_space<hbm>>
      %dma_start3A_57 = arith.constant 0 : i32
      %dma_start3A_58 = tpu.memref_slice %arg5[%add3A_34, %dma_start3A_57] : memref<20480x128xf32, #tpu.memory_space<hbm>> -> memref<128x128xf32, #tpu.memory_space<hbm>>
      tpu.enqueue_dma source(%arg7 : memref<128x128xf32, #tpu.memory_space<vmem>>) target(%dma_start3A_58 : memref<128x128xf32, #tpu.memory_space<hbm>>) target_semaphore(%run_scoped3A : memref<!tpu.dma_semaphore, #tpu.memory_space<semaphore_mem>>)
      %dma_wait3A = arith.constant 0 : i32
      %dma_wait3A_59 = tpu.memref_slice %arg5[%add3A_34, %dma_wait3A] : memref<20480x128xf32, #tpu.memory_space<hbm>> -> memref<128x128xf32, #tpu.memory_space<hbm>>
      %dma_wait3A_60 = arith.constant 0 : i32
      %dma_wait3A_61 = tpu.memref_slice %arg5[%add3A_34, %dma_wait3A_60] : memref<20480x128xf32, #tpu.memory_space<hbm>> -> memref<128x128xf32, #tpu.memory_space<hbm>>
      tpu.wait_dma2 semaphore(%run_scoped3A : memref<!tpu.dma_semaphore, #tpu.memory_space<semaphore_mem>>) src(%arg7 : memref<128x128xf32, #tpu.memory_space<vmem>>) dst(%dma_wait3A_61 : memref<128x128xf32, #tpu.memory_space<hbm>>)
      tpu.yield
    }) : () -> ()
    %add3A_35 = arith.constant 256 : i32
    %add3A_36 = arith.addi %mul3A_0, %add3A_35 : i32
    "tpu.region"() ({
      %run_scoped3A = tpu.sem_alloc : memref<!tpu.dma_semaphore, #tpu.memory_space<semaphore_mem>>
      %dma_start3A = arith.constant 0 : i32
      %dma_start3A_56 = tpu.memref_slice %arg8[%add3A_36, %dma_start3A] : memref<10240x128xf32, #tpu.memory_space<vmem_shared>> -> memref<128x128xf32, #tpu.memory_space<vmem_shared>>
      %dma_start3A_57 = arith.constant 0 : i32
      %dma_start3A_58 = tpu.memref_slice %arg8[%add3A_36, %dma_start3A_57] : memref<10240x128xf32, #tpu.memory_space<vmem_shared>> -> memref<128x128xf32, #tpu.memory_space<vmem_shared>>
      tpu.enqueue_dma source(%dma_start3A_58 : memref<128x128xf32, #tpu.memory_space<vmem_shared>>) target(%arg7 : memref<128x128xf32, #tpu.memory_space<vmem>>) target_semaphore(%run_scoped3A : memref<!tpu.dma_semaphore, #tpu.memory_space<semaphore_mem>>)
      %dma_wait3A = arith.constant 0 : i32
      %dma_wait3A_59 = tpu.memref_slice %arg8[%add3A_36, %dma_wait3A] : memref<10240x128xf32, #tpu.memory_space<vmem_shared>> -> memref<128x128xf32, #tpu.memory_space<vmem_shared>>
      %dma_wait3A_60 = arith.constant 0 : i32
      %dma_wait3A_61 = tpu.memref_slice %arg8[%add3A_36, %dma_wait3A_60] : memref<10240x128xf32, #tpu.memory_space<vmem_shared>> -> memref<128x128xf32, #tpu.memory_space<vmem_shared>>
      tpu.wait_dma2 semaphore(%run_scoped3A : memref<!tpu.dma_semaphore, #tpu.memory_space<semaphore_mem>>) src(%dma_wait3A_61 : memref<128x128xf32, #tpu.memory_space<vmem_shared>>) dst(%arg7 : memref<128x128xf32, #tpu.memory_space<vmem>>)
      tpu.yield
    }) : () -> ()
    %mul3A_37 = arith.constant 10240 : i32
    %mul3A_38 = arith.muli %arg0, %mul3A_37 : i32
    %add3A_39 = arith.addi %mul3A_38, %mul3A_0 : i32
    %add3A_40 = arith.constant 256 : i32
    %add3A_41 = arith.addi %add3A_39, %add3A_40 : i32
    "tpu.region"() ({
      %run_scoped3A = tpu.sem_alloc : memref<!tpu.dma_semaphore, #tpu.memory_space<semaphore_mem>>
      %dma_start3A = arith.constant 0 : i32
      %dma_start3A_56 = tpu.memref_slice %arg5[%add3A_41, %dma_start3A] : memref<20480x128xf32, #tpu.memory_space<hbm>> -> memref<128x128xf32, #tpu.memory_space<hbm>>
      %dma_start3A_57 = arith.constant 0 : i32
      %dma_start3A_58 = tpu.memref_slice %arg5[%add3A_41, %dma_start3A_57] : memref<20480x128xf32, #tpu.memory_space<hbm>> -> memref<128x128xf32, #tpu.memory_space<hbm>>
      tpu.enqueue_dma source(%arg7 : memref<128x128xf32, #tpu.memory_space<vmem>>) target(%dma_start3A_58 : memref<128x128xf32, #tpu.memory_space<hbm>>) target_semaphore(%run_scoped3A : memref<!tpu.dma_semaphore, #tpu.memory_space<semaphore_mem>>)
      %dma_wait3A = arith.constant 0 : i32
      %dma_wait3A_59 = tpu.memref_slice %arg5[%add3A_41, %dma_wait3A] : memref<20480x128xf32, #tpu.memory_space<hbm>> -> memref<128x128xf32, #tpu.memory_space<hbm>>
      %dma_wait3A_60 = arith.constant 0 : i32
      %dma_wait3A_61 = tpu.memref_slice %arg5[%add3A_41, %dma_wait3A_60] : memref<20480x128xf32, #tpu.memory_space<hbm>> -> memref<128x128xf32, #tpu.memory_space<hbm>>
      tpu.wait_dma2 semaphore(%run_scoped3A : memref<!tpu.dma_semaphore, #tpu.memory_space<semaphore_mem>>) src(%arg7 : memref<128x128xf32, #tpu.memory_space<vmem>>) dst(%dma_wait3A_61 : memref<128x128xf32, #tpu.memory_space<hbm>>)
      tpu.yield
    }) : () -> ()
    %add3A_42 = arith.constant 384 : i32
    %add3A_43 = arith.addi %mul3A_0, %add3A_42 : i32
    "tpu.region"() ({
      %run_scoped3A = tpu.sem_alloc : memref<!tpu.dma_semaphore, #tpu.memory_space<semaphore_mem>>
      %dma_start3A = arith.constant 0 : i32
      %dma_start3A_56 = tpu.memref_slice %arg8[%add3A_43, %dma_start3A] : memref<10240x128xf32, #tpu.memory_space<vmem_shared>> -> memref<128x128xf32, #tpu.memory_space<vmem_shared>>
      %dma_start3A_57 = arith.constant 0 : i32
      %dma_start3A_58 = tpu.memref_slice %arg8[%add3A_43, %dma_start3A_57] : memref<10240x128xf32, #tpu.memory_space<vmem_shared>> -> memref<128x128xf32, #tpu.memory_space<vmem_shared>>
      tpu.enqueue_dma source(%dma_start3A_58 : memref<128x128xf32, #tpu.memory_space<vmem_shared>>) target(%arg7 : memref<128x128xf32, #tpu.memory_space<vmem>>) target_semaphore(%run_scoped3A : memref<!tpu.dma_semaphore, #tpu.memory_space<semaphore_mem>>)
      %dma_wait3A = arith.constant 0 : i32
      %dma_wait3A_59 = tpu.memref_slice %arg8[%add3A_43, %dma_wait3A] : memref<10240x128xf32, #tpu.memory_space<vmem_shared>> -> memref<128x128xf32, #tpu.memory_space<vmem_shared>>
      %dma_wait3A_60 = arith.constant 0 : i32
      %dma_wait3A_61 = tpu.memref_slice %arg8[%add3A_43, %dma_wait3A_60] : memref<10240x128xf32, #tpu.memory_space<vmem_shared>> -> memref<128x128xf32, #tpu.memory_space<vmem_shared>>
      tpu.wait_dma2 semaphore(%run_scoped3A : memref<!tpu.dma_semaphore, #tpu.memory_space<semaphore_mem>>) src(%dma_wait3A_61 : memref<128x128xf32, #tpu.memory_space<vmem_shared>>) dst(%arg7 : memref<128x128xf32, #tpu.memory_space<vmem>>)
      tpu.yield
    }) : () -> ()
    %mul3A_44 = arith.constant 10240 : i32
    %mul3A_45 = arith.muli %arg0, %mul3A_44 : i32
    %add3A_46 = arith.addi %mul3A_45, %mul3A_0 : i32
    %add3A_47 = arith.constant 384 : i32
    %add3A_48 = arith.addi %add3A_46, %add3A_47 : i32
    "tpu.region"() ({
      %run_scoped3A = tpu.sem_alloc : memref<!tpu.dma_semaphore, #tpu.memory_space<semaphore_mem>>
      %dma_start3A = arith.constant 0 : i32
      %dma_start3A_56 = tpu.memref_slice %arg5[%add3A_48, %dma_start3A] : memref<20480x128xf32, #tpu.memory_space<hbm>> -> memref<128x128xf32, #tpu.memory_space<hbm>>
      %dma_start3A_57 = arith.constant 0 : i32
      %dma_start3A_58 = tpu.memref_slice %arg5[%add3A_48, %dma_start3A_57] : memref<20480x128xf32, #tpu.memory_space<hbm>> -> memref<128x128xf32, #tpu.memory_space<hbm>>
      tpu.enqueue_dma source(%arg7 : memref<128x128xf32, #tpu.memory_space<vmem>>) target(%dma_start3A_58 : memref<128x128xf32, #tpu.memory_space<hbm>>) target_semaphore(%run_scoped3A : memref<!tpu.dma_semaphore, #tpu.memory_space<semaphore_mem>>)
      %dma_wait3A = arith.constant 0 : i32
      %dma_wait3A_59 = tpu.memref_slice %arg5[%add3A_48, %dma_wait3A] : memref<20480x128xf32, #tpu.memory_space<hbm>> -> memref<128x128xf32, #tpu.memory_space<hbm>>
      %dma_wait3A_60 = arith.constant 0 : i32
      %dma_wait3A_61 = tpu.memref_slice %arg5[%add3A_48, %dma_wait3A_60] : memref<20480x128xf32, #tpu.memory_space<hbm>> -> memref<128x128xf32, #tpu.memory_space<hbm>>
      tpu.wait_dma2 semaphore(%run_scoped3A : memref<!tpu.dma_semaphore, #tpu.memory_space<semaphore_mem>>) src(%arg7 : memref<128x128xf32, #tpu.memory_space<vmem>>) dst(%dma_wait3A_61 : memref<128x128xf32, #tpu.memory_space<hbm>>)
      tpu.yield
    }) : () -> ()
    %add3A_49 = arith.constant 512 : i32
    %add3A_50 = arith.addi %mul3A_0, %add3A_49 : i32
    "tpu.region"() ({
      %run_scoped3A = tpu.sem_alloc : memref<!tpu.dma_semaphore, #tpu.memory_space<semaphore_mem>>
      %dma_start3A = arith.constant 0 : i32
      %dma_start3A_56 = tpu.memref_slice %arg8[%add3A_50, %dma_start3A] : memref<10240x128xf32, #tpu.memory_space<vmem_shared>> -> memref<128x128xf32, #tpu.memory_space<vmem_shared>>
      %dma_start3A_57 = arith.constant 0 : i32
      %dma_start3A_58 = tpu.memref_slice %arg8[%add3A_50, %dma_start3A_57] : memref<10240x128xf32, #tpu.memory_space<vmem_shared>> -> memref<128x128xf32, #tpu.memory_space<vmem_shared>>
      tpu.enqueue_dma source(%dma_start3A_58 : memref<128x128xf32, #tpu.memory_space<vmem_shared>>) target(%arg7 : memref<128x128xf32, #tpu.memory_space<vmem>>) target_semaphore(%run_scoped3A : memref<!tpu.dma_semaphore, #tpu.memory_space<semaphore_mem>>)
      %dma_wait3A = arith.constant 0 : i32
      %dma_wait3A_59 = tpu.memref_slice %arg8[%add3A_50, %dma_wait3A] : memref<10240x128xf32, #tpu.memory_space<vmem_shared>> -> memref<128x128xf32, #tpu.memory_space<vmem_shared>>
      %dma_wait3A_60 = arith.constant 0 : i32
      %dma_wait3A_61 = tpu.memref_slice %arg8[%add3A_50, %dma_wait3A_60] : memref<10240x128xf32, #tpu.memory_space<vmem_shared>> -> memref<128x128xf32, #tpu.memory_space<vmem_shared>>
      tpu.wait_dma2 semaphore(%run_scoped3A : memref<!tpu.dma_semaphore, #tpu.memory_space<semaphore_mem>>) src(%dma_wait3A_61 : memref<128x128xf32, #tpu.memory_space<vmem_shared>>) dst(%arg7 : memref<128x128xf32, #tpu.memory_space<vmem>>)
      tpu.yield
    }) : () -> ()
    %mul3A_51 = arith.constant 10240 : i32
    %mul3A_52 = arith.muli %arg0, %mul3A_51 : i32
    %add3A_53 = arith.addi %mul3A_52, %mul3A_0 : i32
    %add3A_54 = arith.constant 512 : i32
    %add3A_55 = arith.addi %add3A_53, %add3A_54 : i32
    "tpu.region"() ({
      %run_scoped3A = tpu.sem_alloc : memref<!tpu.dma_semaphore, #tpu.memory_space<semaphore_mem>>
      %dma_start3A = arith.constant 0 : i32
      %dma_start3A_56 = tpu.memref_slice %arg5[%add3A_55, %dma_start3A] : memref<20480x128xf32, #tpu.memory_space<hbm>> -> memref<128x128xf32, #tpu.memory_space<hbm>>
      %dma_start3A_57 = arith.constant 0 : i32
      %dma_start3A_58 = tpu.memref_slice %arg5[%add3A_55, %dma_start3A_57] : memref<20480x128xf32, #tpu.memory_space<hbm>> -> memref<128x128xf32, #tpu.memory_space<hbm>>
      tpu.enqueue_dma source(%arg7 : memref<128x128xf32, #tpu.memory_space<vmem>>) target(%dma_start3A_58 : memref<128x128xf32, #tpu.memory_space<hbm>>) target_semaphore(%run_scoped3A : memref<!tpu.dma_semaphore, #tpu.memory_space<semaphore_mem>>)
      %dma_wait3A = arith.constant 0 : i32
      %dma_wait3A_59 = tpu.memref_slice %arg5[%add3A_55, %dma_wait3A] : memref<20480x128xf32, #tpu.memory_space<hbm>> -> memref<128x128xf32, #tpu.memory_space<hbm>>
      %dma_wait3A_60 = arith.constant 0 : i32
      %dma_wait3A_61 = tpu.memref_slice %arg5[%add3A_55, %dma_wait3A_60] : memref<20480x128xf32, #tpu.memory_space<hbm>> -> memref<128x128xf32, #tpu.memory_space<hbm>>
      tpu.wait_dma2 semaphore(%run_scoped3A : memref<!tpu.dma_semaphore, #tpu.memory_space<semaphore_mem>>) src(%arg7 : memref<128x128xf32, #tpu.memory_space<vmem>>) dst(%dma_wait3A_61 : memref<128x128xf32, #tpu.memory_space<hbm>>)
      tpu.yield
    }) : () -> ()
    return
  }
}

#map = affine_map<(d0, d1) -> (0, 0, 0)>
#map1 = affine_map<(d0, d1) -> (0, 0)>
module attributes {stable_mosaic.version = 14 : i64} {
  func.func @body(%arg0: i32, %arg1: i32, %arg2: memref<2560x1x128xi32, #tpu.memory_space<hbm>>, %arg3: memref<2560x1x128xi32, #tpu.memory_space<hbm>>, %arg4: memref<20480x128xf32, #tpu.memory_space<hbm>>, %arg5: memref<10240x128xf32, #tpu.memory_space<hbm>>, %arg6: memref<20480x128xf32, #tpu.memory_space<hbm>>, %arg7: memref<1x128xi32, #tpu.memory_space<vmem>>, %arg8: memref<1x128xi32, #tpu.memory_space<vmem>>, %arg9: memref<128x128xf32, #tpu.memory_space<vmem>>, %arg10: memref<10240x128xf32, #tpu.memory_space<vmem_shared>>, %arg11: memref<!tpu.dma_semaphore, #tpu.memory_space<semaphore_mem>>) attributes {dimension_semantics = [#tpu.dimension_semantics<core_parallel>, #tpu.dimension_semantics<subcore_parallel>], iteration_bounds = array<i64: 2, 16>, scalar_prefetch = 0 : i64, scratch_operands = 5 : i64, tpu.core_type = #tpu.core_type<sc_vector_subcore>, window_params = [{transform_indices = #map}, {transform_indices = #map}, {transform_indices = #map1}, {transform_indices = #map1}, {transform_indices = #map1}]} {
    %mul3A = arith.constant 640 : i32
    %mul3A_0 = arith.muli %arg1, %mul3A : i32
    "tpu.region"() ({
      %run_scoped3A = tpu.sem_alloc : memref<!tpu.dma_semaphore, #tpu.memory_space<semaphore_mem>>
      %dma_start3A = arith.constant 0 : i32
      %dma_start3A_100 = arith.constant 0 : i32
      %dma_start3A_101 = tpu.memref_slice %arg5[%dma_start3A, %dma_start3A_100] : memref<10240x128xf32, #tpu.memory_space<hbm>> -> memref<128x128xf32, #tpu.memory_space<hbm>>
      %dma_start3A_102 = arith.constant 0 : i32
      %dma_start3A_103 = arith.constant 0 : i32
      %dma_start3A_104 = tpu.memref_slice %arg5[%dma_start3A_102, %dma_start3A_103] : memref<10240x128xf32, #tpu.memory_space<hbm>> -> memref<128x128xf32, #tpu.memory_space<hbm>>
      tpu.enqueue_dma source(%dma_start3A_104 : memref<128x128xf32, #tpu.memory_space<hbm>>) target(%arg9 : memref<128x128xf32, #tpu.memory_space<vmem>>) target_semaphore(%run_scoped3A : memref<!tpu.dma_semaphore, #tpu.memory_space<semaphore_mem>>)
      %dma_wait3A = arith.constant 0 : i32
      %dma_wait3A_105 = arith.constant 0 : i32
      %dma_wait3A_106 = tpu.memref_slice %arg5[%dma_wait3A, %dma_wait3A_105] : memref<10240x128xf32, #tpu.memory_space<hbm>> -> memref<128x128xf32, #tpu.memory_space<hbm>>
      %dma_wait3A_107 = arith.constant 0 : i32
      %dma_wait3A_108 = arith.constant 0 : i32
      %dma_wait3A_109 = tpu.memref_slice %arg5[%dma_wait3A_107, %dma_wait3A_108] : memref<10240x128xf32, #tpu.memory_space<hbm>> -> memref<128x128xf32, #tpu.memory_space<hbm>>
      tpu.wait_dma2 semaphore(%run_scoped3A : memref<!tpu.dma_semaphore, #tpu.memory_space<semaphore_mem>>) src(%dma_wait3A_109 : memref<128x128xf32, #tpu.memory_space<hbm>>) dst(%arg9 : memref<128x128xf32, #tpu.memory_space<vmem>>)
      tpu.yield
    }) : () -> ()
    %add3A = arith.constant 0 : i32
    %add3A_1 = arith.addi %mul3A_0, %add3A : i32
    "tpu.region"() ({
      %run_scoped3A = tpu.sem_alloc : memref<!tpu.dma_semaphore, #tpu.memory_space<semaphore_mem>>
      %dma_start3A = arith.constant 0 : i32
      %dma_start3A_100 = tpu.memref_slice %arg10[%add3A_1, %dma_start3A] : memref<10240x128xf32, #tpu.memory_space<vmem_shared>> -> memref<128x128xf32, #tpu.memory_space<vmem_shared>>
      %dma_start3A_101 = arith.constant 0 : i32
      %dma_start3A_102 = tpu.memref_slice %arg10[%add3A_1, %dma_start3A_101] : memref<10240x128xf32, #tpu.memory_space<vmem_shared>> -> memref<128x128xf32, #tpu.memory_space<vmem_shared>>
      tpu.enqueue_dma source(%arg9 : memref<128x128xf32, #tpu.memory_space<vmem>>) target(%dma_start3A_102 : memref<128x128xf32, #tpu.memory_space<vmem_shared>>) target_semaphore(%run_scoped3A : memref<!tpu.dma_semaphore, #tpu.memory_space<semaphore_mem>>)
      %dma_wait3A = arith.constant 0 : i32
      %dma_wait3A_103 = tpu.memref_slice %arg10[%add3A_1, %dma_wait3A] : memref<10240x128xf32, #tpu.memory_space<vmem_shared>> -> memref<128x128xf32, #tpu.memory_space<vmem_shared>>
      %dma_wait3A_104 = arith.constant 0 : i32
      %dma_wait3A_105 = tpu.memref_slice %arg10[%add3A_1, %dma_wait3A_104] : memref<10240x128xf32, #tpu.memory_space<vmem_shared>> -> memref<128x128xf32, #tpu.memory_space<vmem_shared>>
      tpu.wait_dma2 semaphore(%run_scoped3A : memref<!tpu.dma_semaphore, #tpu.memory_space<semaphore_mem>>) src(%arg9 : memref<128x128xf32, #tpu.memory_space<vmem>>) dst(%dma_wait3A_105 : memref<128x128xf32, #tpu.memory_space<vmem_shared>>)
      tpu.yield
    }) : () -> ()
    %add3A_2 = arith.constant 128 : i32
    %add3A_3 = arith.addi %mul3A_0, %add3A_2 : i32
    "tpu.region"() ({
      %run_scoped3A = tpu.sem_alloc : memref<!tpu.dma_semaphore, #tpu.memory_space<semaphore_mem>>
      %dma_start3A = arith.constant 0 : i32
      %dma_start3A_100 = tpu.memref_slice %arg10[%add3A_3, %dma_start3A] : memref<10240x128xf32, #tpu.memory_space<vmem_shared>> -> memref<128x128xf32, #tpu.memory_space<vmem_shared>>
      %dma_start3A_101 = arith.constant 0 : i32
      %dma_start3A_102 = tpu.memref_slice %arg10[%add3A_3, %dma_start3A_101] : memref<10240x128xf32, #tpu.memory_space<vmem_shared>> -> memref<128x128xf32, #tpu.memory_space<vmem_shared>>
      tpu.enqueue_dma source(%arg9 : memref<128x128xf32, #tpu.memory_space<vmem>>) target(%dma_start3A_102 : memref<128x128xf32, #tpu.memory_space<vmem_shared>>) target_semaphore(%run_scoped3A : memref<!tpu.dma_semaphore, #tpu.memory_space<semaphore_mem>>)
      %dma_wait3A = arith.constant 0 : i32
      %dma_wait3A_103 = tpu.memref_slice %arg10[%add3A_3, %dma_wait3A] : memref<10240x128xf32, #tpu.memory_space<vmem_shared>> -> memref<128x128xf32, #tpu.memory_space<vmem_shared>>
      %dma_wait3A_104 = arith.constant 0 : i32
      %dma_wait3A_105 = tpu.memref_slice %arg10[%add3A_3, %dma_wait3A_104] : memref<10240x128xf32, #tpu.memory_space<vmem_shared>> -> memref<128x128xf32, #tpu.memory_space<vmem_shared>>
      tpu.wait_dma2 semaphore(%run_scoped3A : memref<!tpu.dma_semaphore, #tpu.memory_space<semaphore_mem>>) src(%arg9 : memref<128x128xf32, #tpu.memory_space<vmem>>) dst(%dma_wait3A_105 : memref<128x128xf32, #tpu.memory_space<vmem_shared>>)
      tpu.yield
    }) : () -> ()
    %add3A_4 = arith.constant 256 : i32
    %add3A_5 = arith.addi %mul3A_0, %add3A_4 : i32
    "tpu.region"() ({
      %run_scoped3A = tpu.sem_alloc : memref<!tpu.dma_semaphore, #tpu.memory_space<semaphore_mem>>
      %dma_start3A = arith.constant 0 : i32
      %dma_start3A_100 = tpu.memref_slice %arg10[%add3A_5, %dma_start3A] : memref<10240x128xf32, #tpu.memory_space<vmem_shared>> -> memref<128x128xf32, #tpu.memory_space<vmem_shared>>
      %dma_start3A_101 = arith.constant 0 : i32
      %dma_start3A_102 = tpu.memref_slice %arg10[%add3A_5, %dma_start3A_101] : memref<10240x128xf32, #tpu.memory_space<vmem_shared>> -> memref<128x128xf32, #tpu.memory_space<vmem_shared>>
      tpu.enqueue_dma source(%arg9 : memref<128x128xf32, #tpu.memory_space<vmem>>) target(%dma_start3A_102 : memref<128x128xf32, #tpu.memory_space<vmem_shared>>) target_semaphore(%run_scoped3A : memref<!tpu.dma_semaphore, #tpu.memory_space<semaphore_mem>>)
      %dma_wait3A = arith.constant 0 : i32
      %dma_wait3A_103 = tpu.memref_slice %arg10[%add3A_5, %dma_wait3A] : memref<10240x128xf32, #tpu.memory_space<vmem_shared>> -> memref<128x128xf32, #tpu.memory_space<vmem_shared>>
      %dma_wait3A_104 = arith.constant 0 : i32
      %dma_wait3A_105 = tpu.memref_slice %arg10[%add3A_5, %dma_wait3A_104] : memref<10240x128xf32, #tpu.memory_space<vmem_shared>> -> memref<128x128xf32, #tpu.memory_space<vmem_shared>>
      tpu.wait_dma2 semaphore(%run_scoped3A : memref<!tpu.dma_semaphore, #tpu.memory_space<semaphore_mem>>) src(%arg9 : memref<128x128xf32, #tpu.memory_space<vmem>>) dst(%dma_wait3A_105 : memref<128x128xf32, #tpu.memory_space<vmem_shared>>)
      tpu.yield
    }) : () -> ()
    %add3A_6 = arith.constant 384 : i32
    %add3A_7 = arith.addi %mul3A_0, %add3A_6 : i32
    "tpu.region"() ({
      %run_scoped3A = tpu.sem_alloc : memref<!tpu.dma_semaphore, #tpu.memory_space<semaphore_mem>>
      %dma_start3A = arith.constant 0 : i32
      %dma_start3A_100 = tpu.memref_slice %arg10[%add3A_7, %dma_start3A] : memref<10240x128xf32, #tpu.memory_space<vmem_shared>> -> memref<128x128xf32, #tpu.memory_space<vmem_shared>>
      %dma_start3A_101 = arith.constant 0 : i32
      %dma_start3A_102 = tpu.memref_slice %arg10[%add3A_7, %dma_start3A_101] : memref<10240x128xf32, #tpu.memory_space<vmem_shared>> -> memref<128x128xf32, #tpu.memory_space<vmem_shared>>
      tpu.enqueue_dma source(%arg9 : memref<128x128xf32, #tpu.memory_space<vmem>>) target(%dma_start3A_102 : memref<128x128xf32, #tpu.memory_space<vmem_shared>>) target_semaphore(%run_scoped3A : memref<!tpu.dma_semaphore, #tpu.memory_space<semaphore_mem>>)
      %dma_wait3A = arith.constant 0 : i32
      %dma_wait3A_103 = tpu.memref_slice %arg10[%add3A_7, %dma_wait3A] : memref<10240x128xf32, #tpu.memory_space<vmem_shared>> -> memref<128x128xf32, #tpu.memory_space<vmem_shared>>
      %dma_wait3A_104 = arith.constant 0 : i32
      %dma_wait3A_105 = tpu.memref_slice %arg10[%add3A_7, %dma_wait3A_104] : memref<10240x128xf32, #tpu.memory_space<vmem_shared>> -> memref<128x128xf32, #tpu.memory_space<vmem_shared>>
      tpu.wait_dma2 semaphore(%run_scoped3A : memref<!tpu.dma_semaphore, #tpu.memory_space<semaphore_mem>>) src(%arg9 : memref<128x128xf32, #tpu.memory_space<vmem>>) dst(%dma_wait3A_105 : memref<128x128xf32, #tpu.memory_space<vmem_shared>>)
      tpu.yield
    }) : () -> ()
    %add3A_8 = arith.constant 512 : i32
    %add3A_9 = arith.addi %mul3A_0, %add3A_8 : i32
    "tpu.region"() ({
      %run_scoped3A = tpu.sem_alloc : memref<!tpu.dma_semaphore, #tpu.memory_space<semaphore_mem>>
      %dma_start3A = arith.constant 0 : i32
      %dma_start3A_100 = tpu.memref_slice %arg10[%add3A_9, %dma_start3A] : memref<10240x128xf32, #tpu.memory_space<vmem_shared>> -> memref<128x128xf32, #tpu.memory_space<vmem_shared>>
      %dma_start3A_101 = arith.constant 0 : i32
      %dma_start3A_102 = tpu.memref_slice %arg10[%add3A_9, %dma_start3A_101] : memref<10240x128xf32, #tpu.memory_space<vmem_shared>> -> memref<128x128xf32, #tpu.memory_space<vmem_shared>>
      tpu.enqueue_dma source(%arg9 : memref<128x128xf32, #tpu.memory_space<vmem>>) target(%dma_start3A_102 : memref<128x128xf32, #tpu.memory_space<vmem_shared>>) target_semaphore(%run_scoped3A : memref<!tpu.dma_semaphore, #tpu.memory_space<semaphore_mem>>)
      %dma_wait3A = arith.constant 0 : i32
      %dma_wait3A_103 = tpu.memref_slice %arg10[%add3A_9, %dma_wait3A] : memref<10240x128xf32, #tpu.memory_space<vmem_shared>> -> memref<128x128xf32, #tpu.memory_space<vmem_shared>>
      %dma_wait3A_104 = arith.constant 0 : i32
      %dma_wait3A_105 = tpu.memref_slice %arg10[%add3A_9, %dma_wait3A_104] : memref<10240x128xf32, #tpu.memory_space<vmem_shared>> -> memref<128x128xf32, #tpu.memory_space<vmem_shared>>
      tpu.wait_dma2 semaphore(%run_scoped3A : memref<!tpu.dma_semaphore, #tpu.memory_space<semaphore_mem>>) src(%arg9 : memref<128x128xf32, #tpu.memory_space<vmem>>) dst(%dma_wait3A_105 : memref<128x128xf32, #tpu.memory_space<vmem_shared>>)
      tpu.yield
    }) : () -> ()
    %barrier3A = arith.constant 0 : index
    tpu.barrier barrier_id(%barrier3A)
    %mul3A_10 = arith.constant 1250 : i32
    %mul3A_11 = arith.muli %mul3A_10, %arg1 : i32
    %jit3A = arith.constant 16 : i32
    %div3A = arith.divsi %mul3A_11, %jit3A : i32
    %sign3A = arith.constant 0 : i32
    %sign3A_12 = arith.cmpi sgt, %mul3A_11, %sign3A : i32
    %sign3A_13 = arith.extui %sign3A_12 : i1 to i32
    %sign3A_14 = arith.constant 0 : i32
    %sign3A_15 = arith.cmpi slt, %mul3A_11, %sign3A_14 : i32
    %sign3A_16 = arith.extui %sign3A_15 : i1 to i32
    %sign3A_17 = arith.subi %sign3A_13, %sign3A_16 : i32
    %sign3A_18 = arith.constant 0 : i32
    %sign3A_19 = arith.cmpi sgt, %jit3A, %sign3A_18 : i32
    %sign3A_20 = arith.extui %sign3A_19 : i1 to i32
    %sign3A_21 = arith.constant 0 : i32
    %sign3A_22 = arith.cmpi slt, %jit3A, %sign3A_21 : i32
    %sign3A_23 = arith.extui %sign3A_22 : i1 to i32
    %sign3A_24 = arith.subi %sign3A_20, %sign3A_23 : i32
    %ne3A = arith.cmpi ne, %sign3A_17, %sign3A_24 : i32
    %rem3A = arith.remsi %mul3A_11, %jit3A : i32
    %ne3A_25 = arith.constant 0 : i32
    %ne3A_26 = arith.cmpi ne, %rem3A, %ne3A_25 : i32
    %and3A = arith.andi %ne3A, %ne3A_26 : i1
    %sub3A = arith.constant 1 : i32
    %sub3A_27 = arith.subi %div3A, %sub3A : i32
    %select_n3A = arith.select %and3A, %sub3A_27, %div3A : i32
    %add3A_28 = arith.constant 1 : i32
    %add3A_29 = arith.addi %arg1, %add3A_28 : i32
    %mul3A_30 = arith.constant 1250 : i32
    %mul3A_31 = arith.muli %mul3A_30, %add3A_29 : i32
    %jit3A_32 = arith.constant 16 : i32
    %div3A_33 = arith.divsi %mul3A_31, %jit3A_32 : i32
    %sign3A_34 = arith.constant 0 : i32
    %sign3A_35 = arith.cmpi sgt, %mul3A_31, %sign3A_34 : i32
    %sign3A_36 = arith.extui %sign3A_35 : i1 to i32
    %sign3A_37 = arith.constant 0 : i32
    %sign3A_38 = arith.cmpi slt, %mul3A_31, %sign3A_37 : i32
    %sign3A_39 = arith.extui %sign3A_38 : i1 to i32
    %sign3A_40 = arith.subi %sign3A_36, %sign3A_39 : i32
    %sign3A_41 = arith.constant 0 : i32
    %sign3A_42 = arith.cmpi sgt, %jit3A_32, %sign3A_41 : i32
    %sign3A_43 = arith.extui %sign3A_42 : i1 to i32
    %sign3A_44 = arith.constant 0 : i32
    %sign3A_45 = arith.cmpi slt, %jit3A_32, %sign3A_44 : i32
    %sign3A_46 = arith.extui %sign3A_45 : i1 to i32
    %sign3A_47 = arith.subi %sign3A_43, %sign3A_46 : i32
    %ne3A_48 = arith.cmpi ne, %sign3A_40, %sign3A_47 : i32
    %rem3A_49 = arith.remsi %mul3A_31, %jit3A_32 : i32
    %ne3A_50 = arith.constant 0 : i32
    %ne3A_51 = arith.cmpi ne, %rem3A_49, %ne3A_50 : i32
    %and3A_52 = arith.andi %ne3A_48, %ne3A_51 : i1
    %sub3A_53 = arith.constant 1 : i32
    %sub3A_54 = arith.subi %div3A_33, %sub3A_53 : i32
    %select_n3A_55 = arith.select %and3A_52, %sub3A_54, %div3A_33 : i32
    %while3A = arith.constant 0 : i32
    %while3A_56 = arith.subi %select_n3A_55, %select_n3A : i32
    %while3A_57 = arith.addi %select_n3A, %while3A_56 : i32
    %while3A_58 = arith.constant 1 : i32
    %while3A_59 = arith.divsi %while3A_56, %while3A_58 : i32
    %while3A_60 = arith.muli %while3A_59, %while3A_58 : i32
    %while3A_61 = arith.addi %select_n3A, %while3A_60 : i32
    %while3A_62 = arith.constant 1 : i32
    scf.for %while3A_100 = %select_n3A to %while3A_61 step %while3A_62  : i32 {
      %mul3A_101 = arith.constant 1280 : i32
      %mul3A_102 = arith.muli %arg0, %mul3A_101 : i32
      %add3A_103 = arith.addi %mul3A_102, %while3A_100 : i32
      "tpu.region"() ({
        %run_scoped3A_116 = tpu.sem_alloc : memref<!tpu.dma_semaphore, #tpu.memory_space<semaphore_mem>>
        %dma_start3A_117 = arith.constant 0 : i32
        %dma_start3A_118 = arith.constant 0 : i32
        %dma_start3A_119 = tpu.memref_slice %arg2[%add3A_103, %dma_start3A_117, %dma_start3A_118] : memref<2560x1x128xi32, #tpu.memory_space<hbm>> -> memref<1x1x128xi32, #tpu.memory_space<hbm>>
        %dma_start3A_120 = tpu.memref_squeeze %dma_start3A_119 : memref<1x1x128xi32, #tpu.memory_space<hbm>> -> memref<1x128xi32, #tpu.memory_space<hbm>>
        %dma_start3A_121 = arith.constant 0 : i32
        %dma_start3A_122 = arith.constant 0 : i32
        %dma_start3A_123 = tpu.memref_slice %arg2[%add3A_103, %dma_start3A_121, %dma_start3A_122] : memref<2560x1x128xi32, #tpu.memory_space<hbm>> -> memref<1x1x128xi32, #tpu.memory_space<hbm>>
        %dma_start3A_124 = tpu.memref_squeeze %dma_start3A_123 : memref<1x1x128xi32, #tpu.memory_space<hbm>> -> memref<1x128xi32, #tpu.memory_space<hbm>>
        tpu.enqueue_dma source(%dma_start3A_124 : memref<1x128xi32, #tpu.memory_space<hbm>>) target(%arg7 : memref<1x128xi32, #tpu.memory_space<vmem>>) target_semaphore(%run_scoped3A_116 : memref<!tpu.dma_semaphore, #tpu.memory_space<semaphore_mem>>)
        %dma_wait3A_125 = arith.constant 0 : i32
        %dma_wait3A_126 = arith.constant 0 : i32
        %dma_wait3A_127 = tpu.memref_slice %arg2[%add3A_103, %dma_wait3A_125, %dma_wait3A_126] : memref<2560x1x128xi32, #tpu.memory_space<hbm>> -> memref<1x1x128xi32, #tpu.memory_space<hbm>>
        %dma_wait3A_128 = tpu.memref_squeeze %dma_wait3A_127 : memref<1x1x128xi32, #tpu.memory_space<hbm>> -> memref<1x128xi32, #tpu.memory_space<hbm>>
        %dma_wait3A_129 = arith.constant 0 : i32
        %dma_wait3A_130 = arith.constant 0 : i32
        %dma_wait3A_131 = tpu.memref_slice %arg2[%add3A_103, %dma_wait3A_129, %dma_wait3A_130] : memref<2560x1x128xi32, #tpu.memory_space<hbm>> -> memref<1x1x128xi32, #tpu.memory_space<hbm>>
        %dma_wait3A_132 = tpu.memref_squeeze %dma_wait3A_131 : memref<1x1x128xi32, #tpu.memory_space<hbm>> -> memref<1x128xi32, #tpu.memory_space<hbm>>
        tpu.wait_dma2 semaphore(%run_scoped3A_116 : memref<!tpu.dma_semaphore, #tpu.memory_space<semaphore_mem>>) src(%dma_wait3A_132 : memref<1x128xi32, #tpu.memory_space<hbm>>) dst(%arg7 : memref<1x128xi32, #tpu.memory_space<vmem>>)
        tpu.yield
      }) : () -> ()
      "tpu.region"() ({
        %run_scoped3A_116 = tpu.sem_alloc : memref<!tpu.dma_semaphore, #tpu.memory_space<semaphore_mem>>
        %dma_start3A_117 = arith.constant 0 : i32
        %dma_start3A_118 = arith.constant 0 : i32
        %dma_start3A_119 = tpu.memref_slice %arg3[%add3A_103, %dma_start3A_117, %dma_start3A_118] : memref<2560x1x128xi32, #tpu.memory_space<hbm>> -> memref<1x1x128xi32, #tpu.memory_space<hbm>>
        %dma_start3A_120 = tpu.memref_squeeze %dma_start3A_119 : memref<1x1x128xi32, #tpu.memory_space<hbm>> -> memref<1x128xi32, #tpu.memory_space<hbm>>
        %dma_start3A_121 = arith.constant 0 : i32
        %dma_start3A_122 = arith.constant 0 : i32
        %dma_start3A_123 = tpu.memref_slice %arg3[%add3A_103, %dma_start3A_121, %dma_start3A_122] : memref<2560x1x128xi32, #tpu.memory_space<hbm>> -> memref<1x1x128xi32, #tpu.memory_space<hbm>>
        %dma_start3A_124 = tpu.memref_squeeze %dma_start3A_123 : memref<1x1x128xi32, #tpu.memory_space<hbm>> -> memref<1x128xi32, #tpu.memory_space<hbm>>
        tpu.enqueue_dma source(%dma_start3A_124 : memref<1x128xi32, #tpu.memory_space<hbm>>) target(%arg8 : memref<1x128xi32, #tpu.memory_space<vmem>>) target_semaphore(%run_scoped3A_116 : memref<!tpu.dma_semaphore, #tpu.memory_space<semaphore_mem>>)
        %dma_wait3A_125 = arith.constant 0 : i32
        %dma_wait3A_126 = arith.constant 0 : i32
        %dma_wait3A_127 = tpu.memref_slice %arg3[%add3A_103, %dma_wait3A_125, %dma_wait3A_126] : memref<2560x1x128xi32, #tpu.memory_space<hbm>> -> memref<1x1x128xi32, #tpu.memory_space<hbm>>
        %dma_wait3A_128 = tpu.memref_squeeze %dma_wait3A_127 : memref<1x1x128xi32, #tpu.memory_space<hbm>> -> memref<1x128xi32, #tpu.memory_space<hbm>>
        %dma_wait3A_129 = arith.constant 0 : i32
        %dma_wait3A_130 = arith.constant 0 : i32
        %dma_wait3A_131 = tpu.memref_slice %arg3[%add3A_103, %dma_wait3A_129, %dma_wait3A_130] : memref<2560x1x128xi32, #tpu.memory_space<hbm>> -> memref<1x1x128xi32, #tpu.memory_space<hbm>>
        %dma_wait3A_132 = tpu.memref_squeeze %dma_wait3A_131 : memref<1x1x128xi32, #tpu.memory_space<hbm>> -> memref<1x128xi32, #tpu.memory_space<hbm>>
        tpu.wait_dma2 semaphore(%run_scoped3A_116 : memref<!tpu.dma_semaphore, #tpu.memory_space<semaphore_mem>>) src(%dma_wait3A_132 : memref<1x128xi32, #tpu.memory_space<hbm>>) dst(%arg8 : memref<1x128xi32, #tpu.memory_space<vmem>>)
        tpu.yield
      }) : () -> ()
      %dma_start3A = arith.constant 0 : i32
      %dma_start3A_104 = arith.constant 0 : i32
      %dma_start3A_105 = tpu.memref_slice %arg7[%dma_start3A, %dma_start3A_104] : memref<1x128xi32, #tpu.memory_space<vmem>> -> memref<1x128xi32, #tpu.memory_space<vmem>>
      %dma_start3A_106 = tpu.memref_squeeze %dma_start3A_105 : memref<1x128xi32, #tpu.memory_space<vmem>> -> memref<128xi32, #tpu.memory_space<vmem>>
      %dma_start3A_107 = arith.constant 0 : i32
      %dma_start3A_108 = arith.constant 0 : i32
      %dma_start3A_109 = tpu.memref_slice %arg4[%dma_start3A_107, %dma_start3A_108] : memref<20480x128xf32, #tpu.memory_space<hbm>> -> memref<20480x128xf32, #tpu.memory_space<hbm>>
      tpu.enqueue_indirect_dma source(%dma_start3A_109 : memref<20480x128xf32, #tpu.memory_space<hbm>>) target(%arg9 : memref<128x128xf32, #tpu.memory_space<vmem>>) offsets(%dma_start3A_106 : memref<128xi32, #tpu.memory_space<vmem>>) semaphore(%arg11 : memref<!tpu.dma_semaphore, #tpu.memory_space<semaphore_mem>>)
      %dma_wait3A = arith.constant 0 : i32
      %dma_wait3A_110 = arith.constant 0 : i32
      %dma_wait3A_111 = tpu.memref_slice %arg7[%dma_wait3A, %dma_wait3A_110] : memref<1x128xi32, #tpu.memory_space<vmem>> -> memref<1x128xi32, #tpu.memory_space<vmem>>
      %dma_wait3A_112 = tpu.memref_squeeze %dma_wait3A_111 : memref<1x128xi32, #tpu.memory_space<vmem>> -> memref<128xi32, #tpu.memory_space<vmem>>
      %dma_wait3A_113 = arith.constant 0 : i32
      %dma_wait3A_114 = arith.constant 0 : i32
      %dma_wait3A_115 = tpu.memref_slice %arg4[%dma_wait3A_113, %dma_wait3A_114] : memref<20480x128xf32, #tpu.memory_space<hbm>> -> memref<20480x128xf32, #tpu.memory_space<hbm>>
      tpu.wait_indirect_dma semaphore(%arg11 : memref<!tpu.dma_semaphore, #tpu.memory_space<semaphore_mem>>) src(%dma_wait3A_115 : memref<20480x128xf32, #tpu.memory_space<hbm>>) dst(%arg9 : memref<128x128xf32, #tpu.memory_space<vmem>>)
      %run_scoped3A = arith.constant 0 : i32
      "tpu.region"() ({
        %run_scoped3A_116 = tpu.sem_alloc : memref<!tpu.dma_semaphore, #tpu.memory_space<semaphore_mem>>
        %dma_start3A_117 = arith.constant 0 : i32
        %dma_start3A_118 = tpu.memref_slice %arg8[%run_scoped3A, %dma_start3A_117] : memref<1x128xi32, #tpu.memory_space<vmem>> -> memref<1x128xi32, #tpu.memory_space<vmem>>
        %dma_start3A_119 = tpu.memref_squeeze %dma_start3A_118 : memref<1x128xi32, #tpu.memory_space<vmem>> -> memref<128xi32, #tpu.memory_space<vmem>>
        %dma_start3A_120 = arith.constant 0 : i32
        %dma_start3A_121 = arith.constant 0 : i32
        %dma_start3A_122 = tpu.memref_slice %arg10[%dma_start3A_120, %dma_start3A_121] : memref<10240x128xf32, #tpu.memory_space<vmem_shared>> -> memref<10240x128xf32, #tpu.memory_space<vmem_shared>>
        tpu.enqueue_indirect_dma source(%arg9 : memref<128x128xf32, #tpu.memory_space<vmem>>) target(%dma_start3A_122 : memref<10240x128xf32, #tpu.memory_space<vmem_shared>>) offsets(%dma_start3A_119 : memref<128xi32, #tpu.memory_space<vmem>>) semaphore(%run_scoped3A_116 : memref<!tpu.dma_semaphore, #tpu.memory_space<semaphore_mem>>) {add = true}
        %dma_wait3A_123 = arith.constant 0 : i32
        %dma_wait3A_124 = tpu.memref_slice %arg8[%run_scoped3A, %dma_wait3A_123] : memref<1x128xi32, #tpu.memory_space<vmem>> -> memref<1x128xi32, #tpu.memory_space<vmem>>
        %dma_wait3A_125 = tpu.memref_squeeze %dma_wait3A_124 : memref<1x128xi32, #tpu.memory_space<vmem>> -> memref<128xi32, #tpu.memory_space<vmem>>
        %dma_wait3A_126 = arith.constant 0 : i32
        %dma_wait3A_127 = arith.constant 0 : i32
        %dma_wait3A_128 = tpu.memref_slice %arg10[%dma_wait3A_126, %dma_wait3A_127] : memref<10240x128xf32, #tpu.memory_space<vmem_shared>> -> memref<10240x128xf32, #tpu.memory_space<vmem_shared>>
        tpu.wait_indirect_dma semaphore(%run_scoped3A_116 : memref<!tpu.dma_semaphore, #tpu.memory_space<semaphore_mem>>) src(%arg9 : memref<128x128xf32, #tpu.memory_space<vmem>>) dst(%dma_wait3A_128 : memref<10240x128xf32, #tpu.memory_space<vmem_shared>>)
        tpu.yield
      }) : () -> ()
    }
    %while3A_63 = arith.constant 1 : i32
    scf.for %while3A_100 = %while3A_61 to %while3A_57 step %while3A_63  : i32 {
      %mul3A_101 = arith.constant 1280 : i32
      %mul3A_102 = arith.muli %arg0, %mul3A_101 : i32
      %add3A_103 = arith.addi %mul3A_102, %while3A_100 : i32
      "tpu.region"() ({
        %run_scoped3A_116 = tpu.sem_alloc : memref<!tpu.dma_semaphore, #tpu.memory_space<semaphore_mem>>
        %dma_start3A_117 = arith.constant 0 : i32
        %dma_start3A_118 = arith.constant 0 : i32
        %dma_start3A_119 = tpu.memref_slice %arg2[%add3A_103, %dma_start3A_117, %dma_start3A_118] : memref<2560x1x128xi32, #tpu.memory_space<hbm>> -> memref<1x1x128xi32, #tpu.memory_space<hbm>>
        %dma_start3A_120 = tpu.memref_squeeze %dma_start3A_119 : memref<1x1x128xi32, #tpu.memory_space<hbm>> -> memref<1x128xi32, #tpu.memory_space<hbm>>
        %dma_start3A_121 = arith.constant 0 : i32
        %dma_start3A_122 = arith.constant 0 : i32
        %dma_start3A_123 = tpu.memref_slice %arg2[%add3A_103, %dma_start3A_121, %dma_start3A_122] : memref<2560x1x128xi32, #tpu.memory_space<hbm>> -> memref<1x1x128xi32, #tpu.memory_space<hbm>>
        %dma_start3A_124 = tpu.memref_squeeze %dma_start3A_123 : memref<1x1x128xi32, #tpu.memory_space<hbm>> -> memref<1x128xi32, #tpu.memory_space<hbm>>
        tpu.enqueue_dma source(%dma_start3A_124 : memref<1x128xi32, #tpu.memory_space<hbm>>) target(%arg7 : memref<1x128xi32, #tpu.memory_space<vmem>>) target_semaphore(%run_scoped3A_116 : memref<!tpu.dma_semaphore, #tpu.memory_space<semaphore_mem>>)
        %dma_wait3A_125 = arith.constant 0 : i32
        %dma_wait3A_126 = arith.constant 0 : i32
        %dma_wait3A_127 = tpu.memref_slice %arg2[%add3A_103, %dma_wait3A_125, %dma_wait3A_126] : memref<2560x1x128xi32, #tpu.memory_space<hbm>> -> memref<1x1x128xi32, #tpu.memory_space<hbm>>
        %dma_wait3A_128 = tpu.memref_squeeze %dma_wait3A_127 : memref<1x1x128xi32, #tpu.memory_space<hbm>> -> memref<1x128xi32, #tpu.memory_space<hbm>>
        %dma_wait3A_129 = arith.constant 0 : i32
        %dma_wait3A_130 = arith.constant 0 : i32
        %dma_wait3A_131 = tpu.memref_slice %arg2[%add3A_103, %dma_wait3A_129, %dma_wait3A_130] : memref<2560x1x128xi32, #tpu.memory_space<hbm>> -> memref<1x1x128xi32, #tpu.memory_space<hbm>>
        %dma_wait3A_132 = tpu.memref_squeeze %dma_wait3A_131 : memref<1x1x128xi32, #tpu.memory_space<hbm>> -> memref<1x128xi32, #tpu.memory_space<hbm>>
        tpu.wait_dma2 semaphore(%run_scoped3A_116 : memref<!tpu.dma_semaphore, #tpu.memory_space<semaphore_mem>>) src(%dma_wait3A_132 : memref<1x128xi32, #tpu.memory_space<hbm>>) dst(%arg7 : memref<1x128xi32, #tpu.memory_space<vmem>>)
        tpu.yield
      }) : () -> ()
      "tpu.region"() ({
        %run_scoped3A_116 = tpu.sem_alloc : memref<!tpu.dma_semaphore, #tpu.memory_space<semaphore_mem>>
        %dma_start3A_117 = arith.constant 0 : i32
        %dma_start3A_118 = arith.constant 0 : i32
        %dma_start3A_119 = tpu.memref_slice %arg3[%add3A_103, %dma_start3A_117, %dma_start3A_118] : memref<2560x1x128xi32, #tpu.memory_space<hbm>> -> memref<1x1x128xi32, #tpu.memory_space<hbm>>
        %dma_start3A_120 = tpu.memref_squeeze %dma_start3A_119 : memref<1x1x128xi32, #tpu.memory_space<hbm>> -> memref<1x128xi32, #tpu.memory_space<hbm>>
        %dma_start3A_121 = arith.constant 0 : i32
        %dma_start3A_122 = arith.constant 0 : i32
        %dma_start3A_123 = tpu.memref_slice %arg3[%add3A_103, %dma_start3A_121, %dma_start3A_122] : memref<2560x1x128xi32, #tpu.memory_space<hbm>> -> memref<1x1x128xi32, #tpu.memory_space<hbm>>
        %dma_start3A_124 = tpu.memref_squeeze %dma_start3A_123 : memref<1x1x128xi32, #tpu.memory_space<hbm>> -> memref<1x128xi32, #tpu.memory_space<hbm>>
        tpu.enqueue_dma source(%dma_start3A_124 : memref<1x128xi32, #tpu.memory_space<hbm>>) target(%arg8 : memref<1x128xi32, #tpu.memory_space<vmem>>) target_semaphore(%run_scoped3A_116 : memref<!tpu.dma_semaphore, #tpu.memory_space<semaphore_mem>>)
        %dma_wait3A_125 = arith.constant 0 : i32
        %dma_wait3A_126 = arith.constant 0 : i32
        %dma_wait3A_127 = tpu.memref_slice %arg3[%add3A_103, %dma_wait3A_125, %dma_wait3A_126] : memref<2560x1x128xi32, #tpu.memory_space<hbm>> -> memref<1x1x128xi32, #tpu.memory_space<hbm>>
        %dma_wait3A_128 = tpu.memref_squeeze %dma_wait3A_127 : memref<1x1x128xi32, #tpu.memory_space<hbm>> -> memref<1x128xi32, #tpu.memory_space<hbm>>
        %dma_wait3A_129 = arith.constant 0 : i32
        %dma_wait3A_130 = arith.constant 0 : i32
        %dma_wait3A_131 = tpu.memref_slice %arg3[%add3A_103, %dma_wait3A_129, %dma_wait3A_130] : memref<2560x1x128xi32, #tpu.memory_space<hbm>> -> memref<1x1x128xi32, #tpu.memory_space<hbm>>
        %dma_wait3A_132 = tpu.memref_squeeze %dma_wait3A_131 : memref<1x1x128xi32, #tpu.memory_space<hbm>> -> memref<1x128xi32, #tpu.memory_space<hbm>>
        tpu.wait_dma2 semaphore(%run_scoped3A_116 : memref<!tpu.dma_semaphore, #tpu.memory_space<semaphore_mem>>) src(%dma_wait3A_132 : memref<1x128xi32, #tpu.memory_space<hbm>>) dst(%arg8 : memref<1x128xi32, #tpu.memory_space<vmem>>)
        tpu.yield
      }) : () -> ()
      %dma_start3A = arith.constant 0 : i32
      %dma_start3A_104 = arith.constant 0 : i32
      %dma_start3A_105 = tpu.memref_slice %arg7[%dma_start3A, %dma_start3A_104] : memref<1x128xi32, #tpu.memory_space<vmem>> -> memref<1x128xi32, #tpu.memory_space<vmem>>
      %dma_start3A_106 = tpu.memref_squeeze %dma_start3A_105 : memref<1x128xi32, #tpu.memory_space<vmem>> -> memref<128xi32, #tpu.memory_space<vmem>>
      %dma_start3A_107 = arith.constant 0 : i32
      %dma_start3A_108 = arith.constant 0 : i32
      %dma_start3A_109 = tpu.memref_slice %arg4[%dma_start3A_107, %dma_start3A_108] : memref<20480x128xf32, #tpu.memory_space<hbm>> -> memref<20480x128xf32, #tpu.memory_space<hbm>>
      tpu.enqueue_indirect_dma source(%dma_start3A_109 : memref<20480x128xf32, #tpu.memory_space<hbm>>) target(%arg9 : memref<128x128xf32, #tpu.memory_space<vmem>>) offsets(%dma_start3A_106 : memref<128xi32, #tpu.memory_space<vmem>>) semaphore(%arg11 : memref<!tpu.dma_semaphore, #tpu.memory_space<semaphore_mem>>)
      %dma_wait3A = arith.constant 0 : i32
      %dma_wait3A_110 = arith.constant 0 : i32
      %dma_wait3A_111 = tpu.memref_slice %arg7[%dma_wait3A, %dma_wait3A_110] : memref<1x128xi32, #tpu.memory_space<vmem>> -> memref<1x128xi32, #tpu.memory_space<vmem>>
      %dma_wait3A_112 = tpu.memref_squeeze %dma_wait3A_111 : memref<1x128xi32, #tpu.memory_space<vmem>> -> memref<128xi32, #tpu.memory_space<vmem>>
      %dma_wait3A_113 = arith.constant 0 : i32
      %dma_wait3A_114 = arith.constant 0 : i32
      %dma_wait3A_115 = tpu.memref_slice %arg4[%dma_wait3A_113, %dma_wait3A_114] : memref<20480x128xf32, #tpu.memory_space<hbm>> -> memref<20480x128xf32, #tpu.memory_space<hbm>>
      tpu.wait_indirect_dma semaphore(%arg11 : memref<!tpu.dma_semaphore, #tpu.memory_space<semaphore_mem>>) src(%dma_wait3A_115 : memref<20480x128xf32, #tpu.memory_space<hbm>>) dst(%arg9 : memref<128x128xf32, #tpu.memory_space<vmem>>)
      %run_scoped3A = arith.constant 0 : i32
      "tpu.region"() ({
        %run_scoped3A_116 = tpu.sem_alloc : memref<!tpu.dma_semaphore, #tpu.memory_space<semaphore_mem>>
        %dma_start3A_117 = arith.constant 0 : i32
        %dma_start3A_118 = tpu.memref_slice %arg8[%run_scoped3A, %dma_start3A_117] : memref<1x128xi32, #tpu.memory_space<vmem>> -> memref<1x128xi32, #tpu.memory_space<vmem>>
        %dma_start3A_119 = tpu.memref_squeeze %dma_start3A_118 : memref<1x128xi32, #tpu.memory_space<vmem>> -> memref<128xi32, #tpu.memory_space<vmem>>
        %dma_start3A_120 = arith.constant 0 : i32
        %dma_start3A_121 = arith.constant 0 : i32
        %dma_start3A_122 = tpu.memref_slice %arg10[%dma_start3A_120, %dma_start3A_121] : memref<10240x128xf32, #tpu.memory_space<vmem_shared>> -> memref<10240x128xf32, #tpu.memory_space<vmem_shared>>
        tpu.enqueue_indirect_dma source(%arg9 : memref<128x128xf32, #tpu.memory_space<vmem>>) target(%dma_start3A_122 : memref<10240x128xf32, #tpu.memory_space<vmem_shared>>) offsets(%dma_start3A_119 : memref<128xi32, #tpu.memory_space<vmem>>) semaphore(%run_scoped3A_116 : memref<!tpu.dma_semaphore, #tpu.memory_space<semaphore_mem>>) {add = true}
        %dma_wait3A_123 = arith.constant 0 : i32
        %dma_wait3A_124 = tpu.memref_slice %arg8[%run_scoped3A, %dma_wait3A_123] : memref<1x128xi32, #tpu.memory_space<vmem>> -> memref<1x128xi32, #tpu.memory_space<vmem>>
        %dma_wait3A_125 = tpu.memref_squeeze %dma_wait3A_124 : memref<1x128xi32, #tpu.memory_space<vmem>> -> memref<128xi32, #tpu.memory_space<vmem>>
        %dma_wait3A_126 = arith.constant 0 : i32
        %dma_wait3A_127 = arith.constant 0 : i32
        %dma_wait3A_128 = tpu.memref_slice %arg10[%dma_wait3A_126, %dma_wait3A_127] : memref<10240x128xf32, #tpu.memory_space<vmem_shared>> -> memref<10240x128xf32, #tpu.memory_space<vmem_shared>>
        tpu.wait_indirect_dma semaphore(%run_scoped3A_116 : memref<!tpu.dma_semaphore, #tpu.memory_space<semaphore_mem>>) src(%arg9 : memref<128x128xf32, #tpu.memory_space<vmem>>) dst(%dma_wait3A_128 : memref<10240x128xf32, #tpu.memory_space<vmem_shared>>)
        tpu.yield
      }) : () -> ()
    }
    %barrier3A_64 = arith.constant 0 : index
    tpu.barrier barrier_id(%barrier3A_64)
    %add3A_65 = arith.constant 0 : i32
    %add3A_66 = arith.addi %mul3A_0, %add3A_65 : i32
    "tpu.region"() ({
      %run_scoped3A = tpu.sem_alloc : memref<!tpu.dma_semaphore, #tpu.memory_space<semaphore_mem>>
      %dma_start3A = arith.constant 0 : i32
      %dma_start3A_100 = tpu.memref_slice %arg10[%add3A_66, %dma_start3A] : memref<10240x128xf32, #tpu.memory_space<vmem_shared>> -> memref<128x128xf32, #tpu.memory_space<vmem_shared>>
      %dma_start3A_101 = arith.constant 0 : i32
      %dma_start3A_102 = tpu.memref_slice %arg10[%add3A_66, %dma_start3A_101] : memref<10240x128xf32, #tpu.memory_space<vmem_shared>> -> memref<128x128xf32, #tpu.memory_space<vmem_shared>>
      tpu.enqueue_dma source(%dma_start3A_102 : memref<128x128xf32, #tpu.memory_space<vmem_shared>>) target(%arg9 : memref<128x128xf32, #tpu.memory_space<vmem>>) target_semaphore(%run_scoped3A : memref<!tpu.dma_semaphore, #tpu.memory_space<semaphore_mem>>)
      %dma_wait3A = arith.constant 0 : i32
      %dma_wait3A_103 = tpu.memref_slice %arg10[%add3A_66, %dma_wait3A] : memref<10240x128xf32, #tpu.memory_space<vmem_shared>> -> memref<128x128xf32, #tpu.memory_space<vmem_shared>>
      %dma_wait3A_104 = arith.constant 0 : i32
      %dma_wait3A_105 = tpu.memref_slice %arg10[%add3A_66, %dma_wait3A_104] : memref<10240x128xf32, #tpu.memory_space<vmem_shared>> -> memref<128x128xf32, #tpu.memory_space<vmem_shared>>
      tpu.wait_dma2 semaphore(%run_scoped3A : memref<!tpu.dma_semaphore, #tpu.memory_space<semaphore_mem>>) src(%dma_wait3A_105 : memref<128x128xf32, #tpu.memory_space<vmem_shared>>) dst(%arg9 : memref<128x128xf32, #tpu.memory_space<vmem>>)
      tpu.yield
    }) : () -> ()
    %mul3A_67 = arith.constant 10240 : i32
    %mul3A_68 = arith.muli %arg0, %mul3A_67 : i32
    %add3A_69 = arith.addi %mul3A_68, %mul3A_0 : i32
    %add3A_70 = arith.constant 0 : i32
    %add3A_71 = arith.addi %add3A_69, %add3A_70 : i32
    "tpu.region"() ({
      %run_scoped3A = tpu.sem_alloc : memref<!tpu.dma_semaphore, #tpu.memory_space<semaphore_mem>>
      %dma_start3A = arith.constant 0 : i32
      %dma_start3A_100 = tpu.memref_slice %arg6[%add3A_71, %dma_start3A] : memref<20480x128xf32, #tpu.memory_space<hbm>> -> memref<128x128xf32, #tpu.memory_space<hbm>>
      %dma_start3A_101 = arith.constant 0 : i32
      %dma_start3A_102 = tpu.memref_slice %arg6[%add3A_71, %dma_start3A_101] : memref<20480x128xf32, #tpu.memory_space<hbm>> -> memref<128x128xf32, #tpu.memory_space<hbm>>
      tpu.enqueue_dma source(%arg9 : memref<128x128xf32, #tpu.memory_space<vmem>>) target(%dma_start3A_102 : memref<128x128xf32, #tpu.memory_space<hbm>>) target_semaphore(%run_scoped3A : memref<!tpu.dma_semaphore, #tpu.memory_space<semaphore_mem>>)
      %dma_wait3A = arith.constant 0 : i32
      %dma_wait3A_103 = tpu.memref_slice %arg6[%add3A_71, %dma_wait3A] : memref<20480x128xf32, #tpu.memory_space<hbm>> -> memref<128x128xf32, #tpu.memory_space<hbm>>
      %dma_wait3A_104 = arith.constant 0 : i32
      %dma_wait3A_105 = tpu.memref_slice %arg6[%add3A_71, %dma_wait3A_104] : memref<20480x128xf32, #tpu.memory_space<hbm>> -> memref<128x128xf32, #tpu.memory_space<hbm>>
      tpu.wait_dma2 semaphore(%run_scoped3A : memref<!tpu.dma_semaphore, #tpu.memory_space<semaphore_mem>>) src(%arg9 : memref<128x128xf32, #tpu.memory_space<vmem>>) dst(%dma_wait3A_105 : memref<128x128xf32, #tpu.memory_space<hbm>>)
      tpu.yield
    }) : () -> ()
    %add3A_72 = arith.constant 128 : i32
    %add3A_73 = arith.addi %mul3A_0, %add3A_72 : i32
    "tpu.region"() ({
      %run_scoped3A = tpu.sem_alloc : memref<!tpu.dma_semaphore, #tpu.memory_space<semaphore_mem>>
      %dma_start3A = arith.constant 0 : i32
      %dma_start3A_100 = tpu.memref_slice %arg10[%add3A_73, %dma_start3A] : memref<10240x128xf32, #tpu.memory_space<vmem_shared>> -> memref<128x128xf32, #tpu.memory_space<vmem_shared>>
      %dma_start3A_101 = arith.constant 0 : i32
      %dma_start3A_102 = tpu.memref_slice %arg10[%add3A_73, %dma_start3A_101] : memref<10240x128xf32, #tpu.memory_space<vmem_shared>> -> memref<128x128xf32, #tpu.memory_space<vmem_shared>>
      tpu.enqueue_dma source(%dma_start3A_102 : memref<128x128xf32, #tpu.memory_space<vmem_shared>>) target(%arg9 : memref<128x128xf32, #tpu.memory_space<vmem>>) target_semaphore(%run_scoped3A : memref<!tpu.dma_semaphore, #tpu.memory_space<semaphore_mem>>)
      %dma_wait3A = arith.constant 0 : i32
      %dma_wait3A_103 = tpu.memref_slice %arg10[%add3A_73, %dma_wait3A] : memref<10240x128xf32, #tpu.memory_space<vmem_shared>> -> memref<128x128xf32, #tpu.memory_space<vmem_shared>>
      %dma_wait3A_104 = arith.constant 0 : i32
      %dma_wait3A_105 = tpu.memref_slice %arg10[%add3A_73, %dma_wait3A_104] : memref<10240x128xf32, #tpu.memory_space<vmem_shared>> -> memref<128x128xf32, #tpu.memory_space<vmem_shared>>
      tpu.wait_dma2 semaphore(%run_scoped3A : memref<!tpu.dma_semaphore, #tpu.memory_space<semaphore_mem>>) src(%dma_wait3A_105 : memref<128x128xf32, #tpu.memory_space<vmem_shared>>) dst(%arg9 : memref<128x128xf32, #tpu.memory_space<vmem>>)
      tpu.yield
    }) : () -> ()
    %mul3A_74 = arith.constant 10240 : i32
    %mul3A_75 = arith.muli %arg0, %mul3A_74 : i32
    %add3A_76 = arith.addi %mul3A_75, %mul3A_0 : i32
    %add3A_77 = arith.constant 128 : i32
    %add3A_78 = arith.addi %add3A_76, %add3A_77 : i32
    "tpu.region"() ({
      %run_scoped3A = tpu.sem_alloc : memref<!tpu.dma_semaphore, #tpu.memory_space<semaphore_mem>>
      %dma_start3A = arith.constant 0 : i32
      %dma_start3A_100 = tpu.memref_slice %arg6[%add3A_78, %dma_start3A] : memref<20480x128xf32, #tpu.memory_space<hbm>> -> memref<128x128xf32, #tpu.memory_space<hbm>>
      %dma_start3A_101 = arith.constant 0 : i32
      %dma_start3A_102 = tpu.memref_slice %arg6[%add3A_78, %dma_start3A_101] : memref<20480x128xf32, #tpu.memory_space<hbm>> -> memref<128x128xf32, #tpu.memory_space<hbm>>
      tpu.enqueue_dma source(%arg9 : memref<128x128xf32, #tpu.memory_space<vmem>>) target(%dma_start3A_102 : memref<128x128xf32, #tpu.memory_space<hbm>>) target_semaphore(%run_scoped3A : memref<!tpu.dma_semaphore, #tpu.memory_space<semaphore_mem>>)
      %dma_wait3A = arith.constant 0 : i32
      %dma_wait3A_103 = tpu.memref_slice %arg6[%add3A_78, %dma_wait3A] : memref<20480x128xf32, #tpu.memory_space<hbm>> -> memref<128x128xf32, #tpu.memory_space<hbm>>
      %dma_wait3A_104 = arith.constant 0 : i32
      %dma_wait3A_105 = tpu.memref_slice %arg6[%add3A_78, %dma_wait3A_104] : memref<20480x128xf32, #tpu.memory_space<hbm>> -> memref<128x128xf32, #tpu.memory_space<hbm>>
      tpu.wait_dma2 semaphore(%run_scoped3A : memref<!tpu.dma_semaphore, #tpu.memory_space<semaphore_mem>>) src(%arg9 : memref<128x128xf32, #tpu.memory_space<vmem>>) dst(%dma_wait3A_105 : memref<128x128xf32, #tpu.memory_space<hbm>>)
      tpu.yield
    }) : () -> ()
    %add3A_79 = arith.constant 256 : i32
    %add3A_80 = arith.addi %mul3A_0, %add3A_79 : i32
    "tpu.region"() ({
      %run_scoped3A = tpu.sem_alloc : memref<!tpu.dma_semaphore, #tpu.memory_space<semaphore_mem>>
      %dma_start3A = arith.constant 0 : i32
      %dma_start3A_100 = tpu.memref_slice %arg10[%add3A_80, %dma_start3A] : memref<10240x128xf32, #tpu.memory_space<vmem_shared>> -> memref<128x128xf32, #tpu.memory_space<vmem_shared>>
      %dma_start3A_101 = arith.constant 0 : i32
      %dma_start3A_102 = tpu.memref_slice %arg10[%add3A_80, %dma_start3A_101] : memref<10240x128xf32, #tpu.memory_space<vmem_shared>> -> memref<128x128xf32, #tpu.memory_space<vmem_shared>>
      tpu.enqueue_dma source(%dma_start3A_102 : memref<128x128xf32, #tpu.memory_space<vmem_shared>>) target(%arg9 : memref<128x128xf32, #tpu.memory_space<vmem>>) target_semaphore(%run_scoped3A : memref<!tpu.dma_semaphore, #tpu.memory_space<semaphore_mem>>)
      %dma_wait3A = arith.constant 0 : i32
      %dma_wait3A_103 = tpu.memref_slice %arg10[%add3A_80, %dma_wait3A] : memref<10240x128xf32, #tpu.memory_space<vmem_shared>> -> memref<128x128xf32, #tpu.memory_space<vmem_shared>>
      %dma_wait3A_104 = arith.constant 0 : i32
      %dma_wait3A_105 = tpu.memref_slice %arg10[%add3A_80, %dma_wait3A_104] : memref<10240x128xf32, #tpu.memory_space<vmem_shared>> -> memref<128x128xf32, #tpu.memory_space<vmem_shared>>
      tpu.wait_dma2 semaphore(%run_scoped3A : memref<!tpu.dma_semaphore, #tpu.memory_space<semaphore_mem>>) src(%dma_wait3A_105 : memref<128x128xf32, #tpu.memory_space<vmem_shared>>) dst(%arg9 : memref<128x128xf32, #tpu.memory_space<vmem>>)
      tpu.yield
    }) : () -> ()
    %mul3A_81 = arith.constant 10240 : i32
    %mul3A_82 = arith.muli %arg0, %mul3A_81 : i32
    %add3A_83 = arith.addi %mul3A_82, %mul3A_0 : i32
    %add3A_84 = arith.constant 256 : i32
    %add3A_85 = arith.addi %add3A_83, %add3A_84 : i32
    "tpu.region"() ({
      %run_scoped3A = tpu.sem_alloc : memref<!tpu.dma_semaphore, #tpu.memory_space<semaphore_mem>>
      %dma_start3A = arith.constant 0 : i32
      %dma_start3A_100 = tpu.memref_slice %arg6[%add3A_85, %dma_start3A] : memref<20480x128xf32, #tpu.memory_space<hbm>> -> memref<128x128xf32, #tpu.memory_space<hbm>>
      %dma_start3A_101 = arith.constant 0 : i32
      %dma_start3A_102 = tpu.memref_slice %arg6[%add3A_85, %dma_start3A_101] : memref<20480x128xf32, #tpu.memory_space<hbm>> -> memref<128x128xf32, #tpu.memory_space<hbm>>
      tpu.enqueue_dma source(%arg9 : memref<128x128xf32, #tpu.memory_space<vmem>>) target(%dma_start3A_102 : memref<128x128xf32, #tpu.memory_space<hbm>>) target_semaphore(%run_scoped3A : memref<!tpu.dma_semaphore, #tpu.memory_space<semaphore_mem>>)
      %dma_wait3A = arith.constant 0 : i32
      %dma_wait3A_103 = tpu.memref_slice %arg6[%add3A_85, %dma_wait3A] : memref<20480x128xf32, #tpu.memory_space<hbm>> -> memref<128x128xf32, #tpu.memory_space<hbm>>
      %dma_wait3A_104 = arith.constant 0 : i32
      %dma_wait3A_105 = tpu.memref_slice %arg6[%add3A_85, %dma_wait3A_104] : memref<20480x128xf32, #tpu.memory_space<hbm>> -> memref<128x128xf32, #tpu.memory_space<hbm>>
      tpu.wait_dma2 semaphore(%run_scoped3A : memref<!tpu.dma_semaphore, #tpu.memory_space<semaphore_mem>>) src(%arg9 : memref<128x128xf32, #tpu.memory_space<vmem>>) dst(%dma_wait3A_105 : memref<128x128xf32, #tpu.memory_space<hbm>>)
      tpu.yield
    }) : () -> ()
    %add3A_86 = arith.constant 384 : i32
    %add3A_87 = arith.addi %mul3A_0, %add3A_86 : i32
    "tpu.region"() ({
      %run_scoped3A = tpu.sem_alloc : memref<!tpu.dma_semaphore, #tpu.memory_space<semaphore_mem>>
      %dma_start3A = arith.constant 0 : i32
      %dma_start3A_100 = tpu.memref_slice %arg10[%add3A_87, %dma_start3A] : memref<10240x128xf32, #tpu.memory_space<vmem_shared>> -> memref<128x128xf32, #tpu.memory_space<vmem_shared>>
      %dma_start3A_101 = arith.constant 0 : i32
      %dma_start3A_102 = tpu.memref_slice %arg10[%add3A_87, %dma_start3A_101] : memref<10240x128xf32, #tpu.memory_space<vmem_shared>> -> memref<128x128xf32, #tpu.memory_space<vmem_shared>>
      tpu.enqueue_dma source(%dma_start3A_102 : memref<128x128xf32, #tpu.memory_space<vmem_shared>>) target(%arg9 : memref<128x128xf32, #tpu.memory_space<vmem>>) target_semaphore(%run_scoped3A : memref<!tpu.dma_semaphore, #tpu.memory_space<semaphore_mem>>)
      %dma_wait3A = arith.constant 0 : i32
      %dma_wait3A_103 = tpu.memref_slice %arg10[%add3A_87, %dma_wait3A] : memref<10240x128xf32, #tpu.memory_space<vmem_shared>> -> memref<128x128xf32, #tpu.memory_space<vmem_shared>>
      %dma_wait3A_104 = arith.constant 0 : i32
      %dma_wait3A_105 = tpu.memref_slice %arg10[%add3A_87, %dma_wait3A_104] : memref<10240x128xf32, #tpu.memory_space<vmem_shared>> -> memref<128x128xf32, #tpu.memory_space<vmem_shared>>
      tpu.wait_dma2 semaphore(%run_scoped3A : memref<!tpu.dma_semaphore, #tpu.memory_space<semaphore_mem>>) src(%dma_wait3A_105 : memref<128x128xf32, #tpu.memory_space<vmem_shared>>) dst(%arg9 : memref<128x128xf32, #tpu.memory_space<vmem>>)
      tpu.yield
    }) : () -> ()
    %mul3A_88 = arith.constant 10240 : i32
    %mul3A_89 = arith.muli %arg0, %mul3A_88 : i32
    %add3A_90 = arith.addi %mul3A_89, %mul3A_0 : i32
    %add3A_91 = arith.constant 384 : i32
    %add3A_92 = arith.addi %add3A_90, %add3A_91 : i32
    "tpu.region"() ({
      %run_scoped3A = tpu.sem_alloc : memref<!tpu.dma_semaphore, #tpu.memory_space<semaphore_mem>>
      %dma_start3A = arith.constant 0 : i32
      %dma_start3A_100 = tpu.memref_slice %arg6[%add3A_92, %dma_start3A] : memref<20480x128xf32, #tpu.memory_space<hbm>> -> memref<128x128xf32, #tpu.memory_space<hbm>>
      %dma_start3A_101 = arith.constant 0 : i32
      %dma_start3A_102 = tpu.memref_slice %arg6[%add3A_92, %dma_start3A_101] : memref<20480x128xf32, #tpu.memory_space<hbm>> -> memref<128x128xf32, #tpu.memory_space<hbm>>
      tpu.enqueue_dma source(%arg9 : memref<128x128xf32, #tpu.memory_space<vmem>>) target(%dma_start3A_102 : memref<128x128xf32, #tpu.memory_space<hbm>>) target_semaphore(%run_scoped3A : memref<!tpu.dma_semaphore, #tpu.memory_space<semaphore_mem>>)
      %dma_wait3A = arith.constant 0 : i32
      %dma_wait3A_103 = tpu.memref_slice %arg6[%add3A_92, %dma_wait3A] : memref<20480x128xf32, #tpu.memory_space<hbm>> -> memref<128x128xf32, #tpu.memory_space<hbm>>
      %dma_wait3A_104 = arith.constant 0 : i32
      %dma_wait3A_105 = tpu.memref_slice %arg6[%add3A_92, %dma_wait3A_104] : memref<20480x128xf32, #tpu.memory_space<hbm>> -> memref<128x128xf32, #tpu.memory_space<hbm>>
      tpu.wait_dma2 semaphore(%run_scoped3A : memref<!tpu.dma_semaphore, #tpu.memory_space<semaphore_mem>>) src(%arg9 : memref<128x128xf32, #tpu.memory_space<vmem>>) dst(%dma_wait3A_105 : memref<128x128xf32, #tpu.memory_space<hbm>>)
      tpu.yield
    }) : () -> ()
    %add3A_93 = arith.constant 512 : i32
    %add3A_94 = arith.addi %mul3A_0, %add3A_93 : i32
    "tpu.region"() ({
      %run_scoped3A = tpu.sem_alloc : memref<!tpu.dma_semaphore, #tpu.memory_space<semaphore_mem>>
      %dma_start3A = arith.constant 0 : i32
      %dma_start3A_100 = tpu.memref_slice %arg10[%add3A_94, %dma_start3A] : memref<10240x128xf32, #tpu.memory_space<vmem_shared>> -> memref<128x128xf32, #tpu.memory_space<vmem_shared>>
      %dma_start3A_101 = arith.constant 0 : i32
      %dma_start3A_102 = tpu.memref_slice %arg10[%add3A_94, %dma_start3A_101] : memref<10240x128xf32, #tpu.memory_space<vmem_shared>> -> memref<128x128xf32, #tpu.memory_space<vmem_shared>>
      tpu.enqueue_dma source(%dma_start3A_102 : memref<128x128xf32, #tpu.memory_space<vmem_shared>>) target(%arg9 : memref<128x128xf32, #tpu.memory_space<vmem>>) target_semaphore(%run_scoped3A : memref<!tpu.dma_semaphore, #tpu.memory_space<semaphore_mem>>)
      %dma_wait3A = arith.constant 0 : i32
      %dma_wait3A_103 = tpu.memref_slice %arg10[%add3A_94, %dma_wait3A] : memref<10240x128xf32, #tpu.memory_space<vmem_shared>> -> memref<128x128xf32, #tpu.memory_space<vmem_shared>>
      %dma_wait3A_104 = arith.constant 0 : i32
      %dma_wait3A_105 = tpu.memref_slice %arg10[%add3A_94, %dma_wait3A_104] : memref<10240x128xf32, #tpu.memory_space<vmem_shared>> -> memref<128x128xf32, #tpu.memory_space<vmem_shared>>
      tpu.wait_dma2 semaphore(%run_scoped3A : memref<!tpu.dma_semaphore, #tpu.memory_space<semaphore_mem>>) src(%dma_wait3A_105 : memref<128x128xf32, #tpu.memory_space<vmem_shared>>) dst(%arg9 : memref<128x128xf32, #tpu.memory_space<vmem>>)
      tpu.yield
    }) : () -> ()
    %mul3A_95 = arith.constant 10240 : i32
    %mul3A_96 = arith.muli %arg0, %mul3A_95 : i32
    %add3A_97 = arith.addi %mul3A_96, %mul3A_0 : i32
    %add3A_98 = arith.constant 512 : i32
    %add3A_99 = arith.addi %add3A_97, %add3A_98 : i32
    "tpu.region"() ({
      %run_scoped3A = tpu.sem_alloc : memref<!tpu.dma_semaphore, #tpu.memory_space<semaphore_mem>>
      %dma_start3A = arith.constant 0 : i32
      %dma_start3A_100 = tpu.memref_slice %arg6[%add3A_99, %dma_start3A] : memref<20480x128xf32, #tpu.memory_space<hbm>> -> memref<128x128xf32, #tpu.memory_space<hbm>>
      %dma_start3A_101 = arith.constant 0 : i32
      %dma_start3A_102 = tpu.memref_slice %arg6[%add3A_99, %dma_start3A_101] : memref<20480x128xf32, #tpu.memory_space<hbm>> -> memref<128x128xf32, #tpu.memory_space<hbm>>
      tpu.enqueue_dma source(%arg9 : memref<128x128xf32, #tpu.memory_space<vmem>>) target(%dma_start3A_102 : memref<128x128xf32, #tpu.memory_space<hbm>>) target_semaphore(%run_scoped3A : memref<!tpu.dma_semaphore, #tpu.memory_space<semaphore_mem>>)
      %dma_wait3A = arith.constant 0 : i32
      %dma_wait3A_103 = tpu.memref_slice %arg6[%add3A_99, %dma_wait3A] : memref<20480x128xf32, #tpu.memory_space<hbm>> -> memref<128x128xf32, #tpu.memory_space<hbm>>
      %dma_wait3A_104 = arith.constant 0 : i32
      %dma_wait3A_105 = tpu.memref_slice %arg6[%add3A_99, %dma_wait3A_104] : memref<20480x128xf32, #tpu.memory_space<hbm>> -> memref<128x128xf32, #tpu.memory_space<hbm>>
      tpu.wait_dma2 semaphore(%run_scoped3A : memref<!tpu.dma_semaphore, #tpu.memory_space<semaphore_mem>>) src(%arg9 : memref<128x128xf32, #tpu.memory_space<vmem>>) dst(%dma_wait3A_105 : memref<128x128xf32, #tpu.memory_space<hbm>>)
      tpu.yield
    }) : () -> ()
    return
  }
}

module attributes {stable_mosaic.version = 14 : i64} {
  func.func @_tc_first_body(%arg0: i32, %arg1: memref<512x128xf32, #tpu.memory_space<vmem>>, %arg2: memref<1x128x256xf32, #tpu.memory_space<vmem>>, %arg3: memref<1x1x128xf32, #tpu.memory_space<vmem>>, %arg4: memref<512x128xf32, #tpu.memory_space<vmem>>, %arg5: memref<512x128xf32, #tpu.memory_space<vmem>>) attributes {dimension_semantics = [#tpu.dimension_semantics<arbitrary>], iteration_bounds = array<i64: 40>, scalar_prefetch = 0 : i64, scratch_operands = 0 : i64, tpu.core_type = #tpu.core_type<tc>, window_params = [{transform_indices = @transform_0, window_bounds = array<i64: 512, 128>}, {transform_indices = @transform_1, window_bounds = array<i64: 1, 128, 256>}, {transform_indices = @transform_2, window_bounds = array<i64: 1, 1, 128>}, {transform_indices = @transform_3, window_bounds = array<i64: 512, 128>}, {transform_indices = @transform_4, window_bounds = array<i64: 512, 128>}]} {
    %get3A = arith.constant 0 : index
    %get3A_0 = arith.constant 0 : index
    %get3A_1 = vector.load %arg1[%get3A, %get3A_0] : memref<512x128xf32, #tpu.memory_space<vmem>>, vector<512x128xf32>
    %get3A_2 = arith.constant 0 : index
    %get3A_3 = arith.constant 0 : index
    %get3A_4 = arith.constant 0 : index
    %get3A_5 = vector.load %arg2[%get3A_2, %get3A_3, %get3A_4] : memref<1x128x256xf32, #tpu.memory_space<vmem>>, vector<1x128x256xf32>
    %get3A_6 = vector.shape_cast %get3A_5 : vector<1x128x256xf32> to vector<128x256xf32>
    %dot_general3A = arith.constant dense<0.000000e+00> : vector<512x256xf32>
    %dot_general3A_7 = tpu.matmul %get3A_1, %get3A_6, %dot_general3A {dimension_numbers = #tpu.dot_dimension_numbers<[1], [0], [0], [1], [0, 0, 1, 1], [], []>, transpose_lhs_hint = false} : vector<512x128xf32>, vector<128x256xf32>, vector<512x256xf32> -> vector<512x256xf32>
    %slice3A = vector.extract_strided_slice %dot_general3A_7 {offsets = [0, 0], sizes = [512, 128], strides = [1, 1]} : vector<512x256xf32> to vector<512x128xf32>
    %swap3A = arith.constant 0 : index
    %swap3A_8 = arith.constant 0 : index
    %swap3A_9 = vector.load %arg4[%swap3A, %swap3A_8] : memref<512x128xf32, #tpu.memory_space<vmem>>, vector<512x128xf32>
    tpu.vector_store %arg4[%swap3A, %swap3A_8], %slice3A {strides = array<i32>} : memref<512x128xf32, #tpu.memory_space<vmem>>, vector<512x128xf32>,
    %slice3A_10 = vector.extract_strided_slice %dot_general3A_7 {offsets = [0, 128], sizes = [512, 128], strides = [1, 1]} : vector<512x256xf32> to vector<512x128xf32>
    %get3A_11 = arith.constant 0 : index
    %get3A_12 = arith.constant 0 : index
    %get3A_13 = arith.constant 0 : index
    %get3A_14 = vector.load %arg3[%get3A_11, %get3A_12, %get3A_13] : memref<1x1x128xf32, #tpu.memory_space<vmem>>, vector<1x1x128xf32>
    %get3A_15 = vector.shape_cast %get3A_14 : vector<1x1x128xf32> to vector<1x128xf32>
    %add3A = vector.broadcast %get3A_15 : vector<1x128xf32> to vector<512x128xf32>
    %add3A_16 = arith.addf %slice3A_10, %add3A : vector<512x128xf32>
    %swap3A_17 = arith.constant 0 : index
    %swap3A_18 = arith.constant 0 : index
    %swap3A_19 = vector.load %arg5[%swap3A_17, %swap3A_18] : memref<512x128xf32, #tpu.memory_space<vmem>>, vector<512x128xf32>
    tpu.vector_store %arg5[%swap3A_17, %swap3A_18], %add3A_16 {strides = array<i32>} : memref<512x128xf32, #tpu.memory_space<vmem>>, vector<512x128xf32>,
    return
  }
  func.func @transform_0(%arg0: i32) -> (i32, i32) {
    %c0_i32 = arith.constant 0 : i32
    %c0_i32_0 = arith.constant 0 : i32
    return %arg0, %c0_i32 : i32, i32
  }
  func.func @transform_1(%arg0: i32) -> (i32, i32, i32) {
    %jit3A = arith.constant 20 : i32
    %div3A = arith.divsi %arg0, %jit3A : i32
    %sign3A = arith.constant 0 : i32
    %sign3A_0 = arith.cmpi sgt, %arg0, %sign3A : i32
    %sign3A_1 = arith.extui %sign3A_0 : i1 to i32
    %sign3A_2 = arith.constant 0 : i32
    %sign3A_3 = arith.cmpi slt, %arg0, %sign3A_2 : i32
    %sign3A_4 = arith.extui %sign3A_3 : i1 to i32
    %sign3A_5 = arith.subi %sign3A_1, %sign3A_4 : i32
    %sign3A_6 = arith.constant 0 : i32
    %sign3A_7 = arith.cmpi sgt, %jit3A, %sign3A_6 : i32
    %sign3A_8 = arith.extui %sign3A_7 : i1 to i32
    %sign3A_9 = arith.constant 0 : i32
    %sign3A_10 = arith.cmpi slt, %jit3A, %sign3A_9 : i32
    %sign3A_11 = arith.extui %sign3A_10 : i1 to i32
    %sign3A_12 = arith.subi %sign3A_8, %sign3A_11 : i32
    %ne3A = arith.cmpi ne, %sign3A_5, %sign3A_12 : i32
    %rem3A = arith.remsi %arg0, %jit3A : i32
    %ne3A_13 = arith.constant 0 : i32
    %ne3A_14 = arith.cmpi ne, %rem3A, %ne3A_13 : i32
    %and3A = arith.andi %ne3A, %ne3A_14 : i1
    %sub3A = arith.constant 1 : i32
    %sub3A_15 = arith.subi %div3A, %sub3A : i32
    %select_n3A = arith.select %and3A, %sub3A_15, %div3A : i32
    %c0_i32 = arith.constant 0 : i32
    %c0_i32_16 = arith.constant 0 : i32
    %c0_i32_17 = arith.constant 0 : i32
    return %select_n3A, %c0_i32, %c0_i32_16 : i32, i32, i32
  }
  func.func @transform_2(%arg0: i32) -> (i32, i32, i32) {
    %jit3A = arith.constant 20 : i32
    %div3A = arith.divsi %arg0, %jit3A : i32
    %sign3A = arith.constant 0 : i32
    %sign3A_0 = arith.cmpi sgt, %arg0, %sign3A : i32
    %sign3A_1 = arith.extui %sign3A_0 : i1 to i32
    %sign3A_2 = arith.constant 0 : i32
    %sign3A_3 = arith.cmpi slt, %arg0, %sign3A_2 : i32
    %sign3A_4 = arith.extui %sign3A_3 : i1 to i32
    %sign3A_5 = arith.subi %sign3A_1, %sign3A_4 : i32
    %sign3A_6 = arith.constant 0 : i32
    %sign3A_7 = arith.cmpi sgt, %jit3A, %sign3A_6 : i32
    %sign3A_8 = arith.extui %sign3A_7 : i1 to i32
    %sign3A_9 = arith.constant 0 : i32
    %sign3A_10 = arith.cmpi slt, %jit3A, %sign3A_9 : i32
    %sign3A_11 = arith.extui %sign3A_10 : i1 to i32
    %sign3A_12 = arith.subi %sign3A_8, %sign3A_11 : i32
    %ne3A = arith.cmpi ne, %sign3A_5, %sign3A_12 : i32
    %rem3A = arith.remsi %arg0, %jit3A : i32
    %ne3A_13 = arith.constant 0 : i32
    %ne3A_14 = arith.cmpi ne, %rem3A, %ne3A_13 : i32
    %and3A = arith.andi %ne3A, %ne3A_14 : i1
    %sub3A = arith.constant 1 : i32
    %sub3A_15 = arith.subi %div3A, %sub3A : i32
    %select_n3A = arith.select %and3A, %sub3A_15, %div3A : i32
    %c0_i32 = arith.constant 0 : i32
    %c0_i32_16 = arith.constant 0 : i32
    %c0_i32_17 = arith.constant 0 : i32
    return %select_n3A, %c0_i32, %c0_i32_16 : i32, i32, i32
  }
  func.func @transform_3(%arg0: i32) -> (i32, i32) {
    %c0_i32 = arith.constant 0 : i32
    %c0_i32_0 = arith.constant 0 : i32
    return %arg0, %c0_i32 : i32, i32
  }
  func.func @transform_4(%arg0: i32) -> (i32, i32) {
    %c0_i32 = arith.constant 0 : i32
    %c0_i32_0 = arith.constant 0 : i32
    return %arg0, %c0_i32 : i32, i32
  }
}

module attributes {stable_mosaic.version = 14 : i64} {
  func.func @_tc_mid_body(%arg0: i32, %arg1: memref<512x128xf32, #tpu.memory_space<vmem>>, %arg2: memref<512x128xf32, #tpu.memory_space<vmem>>, %arg3: memref<512x128xf32, #tpu.memory_space<vmem>>, %arg4: memref<1x128x256xf32, #tpu.memory_space<vmem>>, %arg5: memref<1x1x128xf32, #tpu.memory_space<vmem>>, %arg6: memref<512x128xf32, #tpu.memory_space<vmem>>, %arg7: memref<512x128xf32, #tpu.memory_space<vmem>>) attributes {dimension_semantics = [#tpu.dimension_semantics<arbitrary>], iteration_bounds = array<i64: 40>, scalar_prefetch = 0 : i64, scratch_operands = 0 : i64, tpu.core_type = #tpu.core_type<tc>, window_params = [{transform_indices = @transform_0, window_bounds = array<i64: 512, 128>}, {transform_indices = @transform_1, window_bounds = array<i64: 512, 128>}, {transform_indices = @transform_2, window_bounds = array<i64: 512, 128>}, {transform_indices = @transform_3, window_bounds = array<i64: 1, 128, 256>}, {transform_indices = @transform_4, window_bounds = array<i64: 1, 1, 128>}, {transform_indices = @transform_5, window_bounds = array<i64: 512, 128>}, {transform_indices = @transform_6, window_bounds = array<i64: 512, 128>}]} {
    %get3A = arith.constant 0 : index
    %get3A_0 = arith.constant 0 : index
    %get3A_1 = vector.load %arg2[%get3A, %get3A_0] : memref<512x128xf32, #tpu.memory_space<vmem>>, vector<512x128xf32>
    %slice3A = vector.extract_strided_slice %get3A_1 {offsets = [0, 0], sizes = [512, 1], strides = [1, 1]} : vector<512x128xf32> to vector<512x1xf32>
    %max3A = arith.constant 1.000000e+00 : f32
    %max3A_2 = vector.broadcast %max3A : f32 to vector<512x1xf32>
    %max3A_3 = arith.maximumf %slice3A, %max3A_2 : vector<512x1xf32>
    %get3A_4 = arith.constant 0 : index
    %get3A_5 = arith.constant 0 : index
    %get3A_6 = vector.load %arg1[%get3A_4, %get3A_5] : memref<512x128xf32, #tpu.memory_space<vmem>>, vector<512x128xf32>
    %div3A = vector.broadcast %max3A_3 : vector<512x1xf32> to vector<512x128xf32>
    %div3A_7 = arith.divf %get3A_6, %div3A : vector<512x128xf32>
    %get3A_8 = arith.constant 0 : index
    %get3A_9 = arith.constant 0 : index
    %get3A_10 = vector.load %arg3[%get3A_8, %get3A_9] : memref<512x128xf32, #tpu.memory_space<vmem>>, vector<512x128xf32>
    %add3A = arith.addf %div3A_7, %get3A_10 : vector<512x128xf32>
    %max3A_11 = arith.constant 0.000000e+00 : f32
    %max3A_12 = vector.broadcast %max3A_11 : f32 to vector<512x128xf32>
    %max3A_13 = arith.maximumf %add3A, %max3A_12 : vector<512x128xf32>
    %get3A_14 = arith.constant 0 : index
    %get3A_15 = arith.constant 0 : index
    %get3A_16 = arith.constant 0 : index
    %get3A_17 = vector.load %arg4[%get3A_14, %get3A_15, %get3A_16] : memref<1x128x256xf32, #tpu.memory_space<vmem>>, vector<1x128x256xf32>
    %get3A_18 = vector.shape_cast %get3A_17 : vector<1x128x256xf32> to vector<128x256xf32>
    %dot_general3A = arith.constant dense<0.000000e+00> : vector<512x256xf32>
    %dot_general3A_19 = tpu.matmul %max3A_13, %get3A_18, %dot_general3A {dimension_numbers = #tpu.dot_dimension_numbers<[1], [0], [0], [1], [0, 0, 1, 1], [], []>, transpose_lhs_hint = false} : vector<512x128xf32>, vector<128x256xf32>, vector<512x256xf32> -> vector<512x256xf32>
    %slice3A_20 = vector.extract_strided_slice %dot_general3A_19 {offsets = [0, 0], sizes = [512, 128], strides = [1, 1]} : vector<512x256xf32> to vector<512x128xf32>
    %swap3A = arith.constant 0 : index
    %swap3A_21 = arith.constant 0 : index
    %swap3A_22 = vector.load %arg6[%swap3A, %swap3A_21] : memref<512x128xf32, #tpu.memory_space<vmem>>, vector<512x128xf32>
    tpu.vector_store %arg6[%swap3A, %swap3A_21], %slice3A_20 {strides = array<i32>} : memref<512x128xf32, #tpu.memory_space<vmem>>, vector<512x128xf32>,
    %slice3A_23 = vector.extract_strided_slice %dot_general3A_19 {offsets = [0, 128], sizes = [512, 128], strides = [1, 1]} : vector<512x256xf32> to vector<512x128xf32>
    %get3A_24 = arith.constant 0 : index
    %get3A_25 = arith.constant 0 : index
    %get3A_26 = arith.constant 0 : index
    %get3A_27 = vector.load %arg5[%get3A_24, %get3A_25, %get3A_26] : memref<1x1x128xf32, #tpu.memory_space<vmem>>, vector<1x1x128xf32>
    %get3A_28 = vector.shape_cast %get3A_27 : vector<1x1x128xf32> to vector<1x128xf32>
    %add3A_29 = vector.broadcast %get3A_28 : vector<1x128xf32> to vector<512x128xf32>
    %add3A_30 = arith.addf %slice3A_23, %add3A_29 : vector<512x128xf32>
    %swap3A_31 = arith.constant 0 : index
    %swap3A_32 = arith.constant 0 : index
    %swap3A_33 = vector.load %arg7[%swap3A_31, %swap3A_32] : memref<512x128xf32, #tpu.memory_space<vmem>>, vector<512x128xf32>
    tpu.vector_store %arg7[%swap3A_31, %swap3A_32], %add3A_30 {strides = array<i32>} : memref<512x128xf32, #tpu.memory_space<vmem>>, vector<512x128xf32>,
    return
  }
  func.func @transform_0(%arg0: i32) -> (i32, i32) {
    %c0_i32 = arith.constant 0 : i32
    %c0_i32_0 = arith.constant 0 : i32
    return %arg0, %c0_i32 : i32, i32
  }
  func.func @transform_1(%arg0: i32) -> (i32, i32) {
    %c0_i32 = arith.constant 0 : i32
    %c0_i32_0 = arith.constant 0 : i32
    return %arg0, %c0_i32 : i32, i32
  }
  func.func @transform_2(%arg0: i32) -> (i32, i32) {
    %c0_i32 = arith.constant 0 : i32
    %c0_i32_0 = arith.constant 0 : i32
    return %arg0, %c0_i32 : i32, i32
  }
  func.func @transform_3(%arg0: i32) -> (i32, i32, i32) {
    %jit3A = arith.constant 20 : i32
    %div3A = arith.divsi %arg0, %jit3A : i32
    %sign3A = arith.constant 0 : i32
    %sign3A_0 = arith.cmpi sgt, %arg0, %sign3A : i32
    %sign3A_1 = arith.extui %sign3A_0 : i1 to i32
    %sign3A_2 = arith.constant 0 : i32
    %sign3A_3 = arith.cmpi slt, %arg0, %sign3A_2 : i32
    %sign3A_4 = arith.extui %sign3A_3 : i1 to i32
    %sign3A_5 = arith.subi %sign3A_1, %sign3A_4 : i32
    %sign3A_6 = arith.constant 0 : i32
    %sign3A_7 = arith.cmpi sgt, %jit3A, %sign3A_6 : i32
    %sign3A_8 = arith.extui %sign3A_7 : i1 to i32
    %sign3A_9 = arith.constant 0 : i32
    %sign3A_10 = arith.cmpi slt, %jit3A, %sign3A_9 : i32
    %sign3A_11 = arith.extui %sign3A_10 : i1 to i32
    %sign3A_12 = arith.subi %sign3A_8, %sign3A_11 : i32
    %ne3A = arith.cmpi ne, %sign3A_5, %sign3A_12 : i32
    %rem3A = arith.remsi %arg0, %jit3A : i32
    %ne3A_13 = arith.constant 0 : i32
    %ne3A_14 = arith.cmpi ne, %rem3A, %ne3A_13 : i32
    %and3A = arith.andi %ne3A, %ne3A_14 : i1
    %sub3A = arith.constant 1 : i32
    %sub3A_15 = arith.subi %div3A, %sub3A : i32
    %select_n3A = arith.select %and3A, %sub3A_15, %div3A : i32
    %c0_i32 = arith.constant 0 : i32
    %c0_i32_16 = arith.constant 0 : i32
    %c0_i32_17 = arith.constant 0 : i32
    return %select_n3A, %c0_i32, %c0_i32_16 : i32, i32, i32
  }
  func.func @transform_4(%arg0: i32) -> (i32, i32, i32) {
    %jit3A = arith.constant 20 : i32
    %div3A = arith.divsi %arg0, %jit3A : i32
    %sign3A = arith.constant 0 : i32
    %sign3A_0 = arith.cmpi sgt, %arg0, %sign3A : i32
    %sign3A_1 = arith.extui %sign3A_0 : i1 to i32
    %sign3A_2 = arith.constant 0 : i32
    %sign3A_3 = arith.cmpi slt, %arg0, %sign3A_2 : i32
    %sign3A_4 = arith.extui %sign3A_3 : i1 to i32
    %sign3A_5 = arith.subi %sign3A_1, %sign3A_4 : i32
    %sign3A_6 = arith.constant 0 : i32
    %sign3A_7 = arith.cmpi sgt, %jit3A, %sign3A_6 : i32
    %sign3A_8 = arith.extui %sign3A_7 : i1 to i32
    %sign3A_9 = arith.constant 0 : i32
    %sign3A_10 = arith.cmpi slt, %jit3A, %sign3A_9 : i32
    %sign3A_11 = arith.extui %sign3A_10 : i1 to i32
    %sign3A_12 = arith.subi %sign3A_8, %sign3A_11 : i32
    %ne3A = arith.cmpi ne, %sign3A_5, %sign3A_12 : i32
    %rem3A = arith.remsi %arg0, %jit3A : i32
    %ne3A_13 = arith.constant 0 : i32
    %ne3A_14 = arith.cmpi ne, %rem3A, %ne3A_13 : i32
    %and3A = arith.andi %ne3A, %ne3A_14 : i1
    %sub3A = arith.constant 1 : i32
    %sub3A_15 = arith.subi %div3A, %sub3A : i32
    %select_n3A = arith.select %and3A, %sub3A_15, %div3A : i32
    %c0_i32 = arith.constant 0 : i32
    %c0_i32_16 = arith.constant 0 : i32
    %c0_i32_17 = arith.constant 0 : i32
    return %select_n3A, %c0_i32, %c0_i32_16 : i32, i32, i32
  }
  func.func @transform_5(%arg0: i32) -> (i32, i32) {
    %c0_i32 = arith.constant 0 : i32
    %c0_i32_0 = arith.constant 0 : i32
    return %arg0, %c0_i32 : i32, i32
  }
  func.func @transform_6(%arg0: i32) -> (i32, i32) {
    %c0_i32 = arith.constant 0 : i32
    %c0_i32_0 = arith.constant 0 : i32
    return %arg0, %c0_i32 : i32, i32
  }
}

module attributes {stable_mosaic.version = 14 : i64} {
  func.func @_tc_mid_body(%arg0: i32, %arg1: memref<512x128xf32, #tpu.memory_space<vmem>>, %arg2: memref<512x128xf32, #tpu.memory_space<vmem>>, %arg3: memref<512x128xf32, #tpu.memory_space<vmem>>, %arg4: memref<1x128x128xf32, #tpu.memory_space<vmem>>, %arg5: memref<1x1x64xf32, #tpu.memory_space<vmem>>, %arg6: memref<512x128xf32, #tpu.memory_space<vmem>>, %arg7: memref<512x64xf32, #tpu.memory_space<vmem>>) attributes {dimension_semantics = [#tpu.dimension_semantics<arbitrary>], iteration_bounds = array<i64: 40>, scalar_prefetch = 0 : i64, scratch_operands = 0 : i64, tpu.core_type = #tpu.core_type<tc>, window_params = [{transform_indices = @transform_0, window_bounds = array<i64: 512, 128>}, {transform_indices = @transform_1, window_bounds = array<i64: 512, 128>}, {transform_indices = @transform_2, window_bounds = array<i64: 512, 128>}, {transform_indices = @transform_3, window_bounds = array<i64: 1, 128, 128>}, {transform_indices = @transform_4, window_bounds = array<i64: 1, 1, 64>}, {transform_indices = @transform_5, window_bounds = array<i64: 512, 128>}, {transform_indices = @transform_6, window_bounds = array<i64: 512, 64>}]} {
    %get3A = arith.constant 0 : index
    %get3A_0 = arith.constant 0 : index
    %get3A_1 = vector.load %arg2[%get3A, %get3A_0] : memref<512x128xf32, #tpu.memory_space<vmem>>, vector<512x128xf32>
    %slice3A = vector.extract_strided_slice %get3A_1 {offsets = [0, 0], sizes = [512, 1], strides = [1, 1]} : vector<512x128xf32> to vector<512x1xf32>
    %max3A = arith.constant 1.000000e+00 : f32
    %max3A_2 = vector.broadcast %max3A : f32 to vector<512x1xf32>
    %max3A_3 = arith.maximumf %slice3A, %max3A_2 : vector<512x1xf32>
    %get3A_4 = arith.constant 0 : index
    %get3A_5 = arith.constant 0 : index
    %get3A_6 = vector.load %arg1[%get3A_4, %get3A_5] : memref<512x128xf32, #tpu.memory_space<vmem>>, vector<512x128xf32>
    %div3A = vector.broadcast %max3A_3 : vector<512x1xf32> to vector<512x128xf32>
    %div3A_7 = arith.divf %get3A_6, %div3A : vector<512x128xf32>
    %get3A_8 = arith.constant 0 : index
    %get3A_9 = arith.constant 0 : index
    %get3A_10 = vector.load %arg3[%get3A_8, %get3A_9] : memref<512x128xf32, #tpu.memory_space<vmem>>, vector<512x128xf32>
    %add3A = arith.addf %div3A_7, %get3A_10 : vector<512x128xf32>
    %max3A_11 = arith.constant 0.000000e+00 : f32
    %max3A_12 = vector.broadcast %max3A_11 : f32 to vector<512x128xf32>
    %max3A_13 = arith.maximumf %add3A, %max3A_12 : vector<512x128xf32>
    %get3A_14 = arith.constant 0 : index
    %get3A_15 = arith.constant 0 : index
    %get3A_16 = arith.constant 0 : index
    %get3A_17 = vector.load %arg4[%get3A_14, %get3A_15, %get3A_16] : memref<1x128x128xf32, #tpu.memory_space<vmem>>, vector<1x128x128xf32>
    %get3A_18 = vector.shape_cast %get3A_17 : vector<1x128x128xf32> to vector<128x128xf32>
    %dot_general3A = arith.constant dense<0.000000e+00> : vector<512x128xf32>
    %dot_general3A_19 = tpu.matmul %max3A_13, %get3A_18, %dot_general3A {dimension_numbers = #tpu.dot_dimension_numbers<[1], [0], [0], [1], [0, 0, 1, 1], [], []>, transpose_lhs_hint = false} : vector<512x128xf32>, vector<128x128xf32>, vector<512x128xf32> -> vector<512x128xf32>
    %swap3A = arith.constant 0 : index
    %swap3A_20 = arith.constant 0 : index
    %swap3A_21 = vector.load %arg6[%swap3A, %swap3A_20] : memref<512x128xf32, #tpu.memory_space<vmem>>, vector<512x128xf32>
    tpu.vector_store %arg6[%swap3A, %swap3A_20], %dot_general3A_19 {strides = array<i32>} : memref<512x128xf32, #tpu.memory_space<vmem>>, vector<512x128xf32>,
    %slice3A_22 = vector.extract_strided_slice %dot_general3A_19 {offsets = [0, 64], sizes = [512, 64], strides = [1, 1]} : vector<512x128xf32> to vector<512x64xf32>
    %get3A_23 = arith.constant 0 : index
    %get3A_24 = arith.constant 0 : index
    %get3A_25 = arith.constant 0 : index
    %get3A_26 = vector.load %arg5[%get3A_23, %get3A_24, %get3A_25] : memref<1x1x64xf32, #tpu.memory_space<vmem>>, vector<1x1x64xf32>
    %get3A_27 = vector.shape_cast %get3A_26 : vector<1x1x64xf32> to vector<1x64xf32>
    %add3A_28 = vector.broadcast %get3A_27 : vector<1x64xf32> to vector<512x64xf32>
    %add3A_29 = arith.addf %slice3A_22, %add3A_28 : vector<512x64xf32>
    %swap3A_30 = arith.constant 0 : index
    %swap3A_31 = arith.constant 0 : index
    %swap3A_32 = vector.load %arg7[%swap3A_30, %swap3A_31] : memref<512x64xf32, #tpu.memory_space<vmem>>, vector<512x64xf32>
    tpu.vector_store %arg7[%swap3A_30, %swap3A_31], %add3A_29 {strides = array<i32>} : memref<512x64xf32, #tpu.memory_space<vmem>>, vector<512x64xf32>,
    return
  }
  func.func @transform_0(%arg0: i32) -> (i32, i32) {
    %c0_i32 = arith.constant 0 : i32
    %c0_i32_0 = arith.constant 0 : i32
    return %arg0, %c0_i32 : i32, i32
  }
  func.func @transform_1(%arg0: i32) -> (i32, i32) {
    %c0_i32 = arith.constant 0 : i32
    %c0_i32_0 = arith.constant 0 : i32
    return %arg0, %c0_i32 : i32, i32
  }
  func.func @transform_2(%arg0: i32) -> (i32, i32) {
    %c0_i32 = arith.constant 0 : i32
    %c0_i32_0 = arith.constant 0 : i32
    return %arg0, %c0_i32 : i32, i32
  }
  func.func @transform_3(%arg0: i32) -> (i32, i32, i32) {
    %jit3A = arith.constant 20 : i32
    %div3A = arith.divsi %arg0, %jit3A : i32
    %sign3A = arith.constant 0 : i32
    %sign3A_0 = arith.cmpi sgt, %arg0, %sign3A : i32
    %sign3A_1 = arith.extui %sign3A_0 : i1 to i32
    %sign3A_2 = arith.constant 0 : i32
    %sign3A_3 = arith.cmpi slt, %arg0, %sign3A_2 : i32
    %sign3A_4 = arith.extui %sign3A_3 : i1 to i32
    %sign3A_5 = arith.subi %sign3A_1, %sign3A_4 : i32
    %sign3A_6 = arith.constant 0 : i32
    %sign3A_7 = arith.cmpi sgt, %jit3A, %sign3A_6 : i32
    %sign3A_8 = arith.extui %sign3A_7 : i1 to i32
    %sign3A_9 = arith.constant 0 : i32
    %sign3A_10 = arith.cmpi slt, %jit3A, %sign3A_9 : i32
    %sign3A_11 = arith.extui %sign3A_10 : i1 to i32
    %sign3A_12 = arith.subi %sign3A_8, %sign3A_11 : i32
    %ne3A = arith.cmpi ne, %sign3A_5, %sign3A_12 : i32
    %rem3A = arith.remsi %arg0, %jit3A : i32
    %ne3A_13 = arith.constant 0 : i32
    %ne3A_14 = arith.cmpi ne, %rem3A, %ne3A_13 : i32
    %and3A = arith.andi %ne3A, %ne3A_14 : i1
    %sub3A = arith.constant 1 : i32
    %sub3A_15 = arith.subi %div3A, %sub3A : i32
    %select_n3A = arith.select %and3A, %sub3A_15, %div3A : i32
    %c0_i32 = arith.constant 0 : i32
    %c0_i32_16 = arith.constant 0 : i32
    %c0_i32_17 = arith.constant 0 : i32
    return %select_n3A, %c0_i32, %c0_i32_16 : i32, i32, i32
  }
  func.func @transform_4(%arg0: i32) -> (i32, i32, i32) {
    %jit3A = arith.constant 20 : i32
    %div3A = arith.divsi %arg0, %jit3A : i32
    %sign3A = arith.constant 0 : i32
    %sign3A_0 = arith.cmpi sgt, %arg0, %sign3A : i32
    %sign3A_1 = arith.extui %sign3A_0 : i1 to i32
    %sign3A_2 = arith.constant 0 : i32
    %sign3A_3 = arith.cmpi slt, %arg0, %sign3A_2 : i32
    %sign3A_4 = arith.extui %sign3A_3 : i1 to i32
    %sign3A_5 = arith.subi %sign3A_1, %sign3A_4 : i32
    %sign3A_6 = arith.constant 0 : i32
    %sign3A_7 = arith.cmpi sgt, %jit3A, %sign3A_6 : i32
    %sign3A_8 = arith.extui %sign3A_7 : i1 to i32
    %sign3A_9 = arith.constant 0 : i32
    %sign3A_10 = arith.cmpi slt, %jit3A, %sign3A_9 : i32
    %sign3A_11 = arith.extui %sign3A_10 : i1 to i32
    %sign3A_12 = arith.subi %sign3A_8, %sign3A_11 : i32
    %ne3A = arith.cmpi ne, %sign3A_5, %sign3A_12 : i32
    %rem3A = arith.remsi %arg0, %jit3A : i32
    %ne3A_13 = arith.constant 0 : i32
    %ne3A_14 = arith.cmpi ne, %rem3A, %ne3A_13 : i32
    %and3A = arith.andi %ne3A, %ne3A_14 : i1
    %sub3A = arith.constant 1 : i32
    %sub3A_15 = arith.subi %div3A, %sub3A : i32
    %select_n3A = arith.select %and3A, %sub3A_15, %div3A : i32
    %c0_i32 = arith.constant 0 : i32
    %c0_i32_16 = arith.constant 0 : i32
    %c0_i32_17 = arith.constant 0 : i32
    return %select_n3A, %c0_i32, %c0_i32_16 : i32, i32, i32
  }
  func.func @transform_5(%arg0: i32) -> (i32, i32) {
    %c0_i32 = arith.constant 0 : i32
    %c0_i32_0 = arith.constant 0 : i32
    return %arg0, %c0_i32 : i32, i32
  }
  func.func @transform_6(%arg0: i32) -> (i32, i32) {
    %c0_i32 = arith.constant 0 : i32
    %c0_i32_0 = arith.constant 0 : i32
    return %arg0, %c0_i32 : i32, i32
  }
}

module attributes {stable_mosaic.version = 14 : i64} {
  func.func @_tc_final_body(%arg0: i32, %arg1: memref<512x128xf32, #tpu.memory_space<vmem>>, %arg2: memref<512x128xf32, #tpu.memory_space<vmem>>, %arg3: memref<512x64xf32, #tpu.memory_space<vmem>>, %arg4: memref<512x64xf32, #tpu.memory_space<vmem>>) attributes {dimension_semantics = [#tpu.dimension_semantics<arbitrary>], iteration_bounds = array<i64: 40>, scalar_prefetch = 0 : i64, scratch_operands = 0 : i64, tpu.core_type = #tpu.core_type<tc>, window_params = [{transform_indices = @transform_0, window_bounds = array<i64: 512, 128>}, {transform_indices = @transform_1, window_bounds = array<i64: 512, 128>}, {transform_indices = @transform_2, window_bounds = array<i64: 512, 64>}, {transform_indices = @transform_3, window_bounds = array<i64: 512, 64>}]} {
    %get3A = arith.constant 0 : index
    %get3A_0 = arith.constant 0 : index
    %get3A_1 = vector.load %arg2[%get3A, %get3A_0] : memref<512x128xf32, #tpu.memory_space<vmem>>, vector<512x128xf32>
    %slice3A = vector.extract_strided_slice %get3A_1 {offsets = [0, 0], sizes = [512, 1], strides = [1, 1]} : vector<512x128xf32> to vector<512x1xf32>
    %max3A = arith.constant 1.000000e+00 : f32
    %max3A_2 = vector.broadcast %max3A : f32 to vector<512x1xf32>
    %max3A_3 = arith.maximumf %slice3A, %max3A_2 : vector<512x1xf32>
    %get3A_4 = arith.constant 0 : index
    %get3A_5 = arith.constant 0 : index
    %get3A_6 = vector.load %arg1[%get3A_4, %get3A_5] : memref<512x128xf32, #tpu.memory_space<vmem>>, vector<512x128xf32>
    %slice3A_7 = vector.extract_strided_slice %get3A_6 {offsets = [0, 0], sizes = [512, 64], strides = [1, 1]} : vector<512x128xf32> to vector<512x64xf32>
    %div3A = vector.broadcast %max3A_3 : vector<512x1xf32> to vector<512x64xf32>
    %div3A_8 = arith.divf %slice3A_7, %div3A : vector<512x64xf32>
    %get3A_9 = arith.constant 0 : index
    %get3A_10 = arith.constant 0 : index
    %get3A_11 = vector.load %arg3[%get3A_9, %get3A_10] : memref<512x64xf32, #tpu.memory_space<vmem>>, vector<512x64xf32>
    %add3A = arith.addf %div3A_8, %get3A_11 : vector<512x64xf32>
    %swap3A = arith.constant 0 : index
    %swap3A_12 = arith.constant 0 : index
    %swap3A_13 = vector.load %arg4[%swap3A, %swap3A_12] : memref<512x64xf32, #tpu.memory_space<vmem>>, vector<512x64xf32>
    tpu.vector_store %arg4[%swap3A, %swap3A_12], %add3A {strides = array<i32>} : memref<512x64xf32, #tpu.memory_space<vmem>>, vector<512x64xf32>,
    return
  }
  func.func @transform_0(%arg0: i32) -> (i32, i32) {
    %c0_i32 = arith.constant 0 : i32
    %c0_i32_0 = arith.constant 0 : i32
    return %arg0, %c0_i32 : i32, i32
  }
  func.func @transform_1(%arg0: i32) -> (i32, i32) {
    %c0_i32 = arith.constant 0 : i32
    %c0_i32_0 = arith.constant 0 : i32
    return %arg0, %c0_i32 : i32, i32
  }
  func.func @transform_2(%arg0: i32) -> (i32, i32) {
    %c0_i32 = arith.constant 0 : i32
    %c0_i32_0 = arith.constant 0 : i32
    return %arg0, %c0_i32 : i32, i32
  }
  func.func @transform_3(%arg0: i32) -> (i32, i32) {
    %c0_i32 = arith.constant 0 : i32
    %c0_i32_0 = arith.constant 0 : i32
    return %arg0, %c0_i32 : i32, i32
  }
}

</mosaic_0001>

<sc_bundles>
// kernel: kernel.10.cloned.1.call-start
scs
__scs_entry_jumppad:
0x0: {  	(pc) =	sbr.rel $0x88, $3  }
0x1: {  	(tag) =	ssettag $0x0;
	lr =	simm.s32 $0x1  }
0x2: {  	[smem:$0x3F7F] =	sst lr;
	_ =	strace $0xD0000000  }
0x3: {  	_ = 	snop  }
0x4: {  	_ = 	snop  }
0x5: {  	_ = 	snop  }
0x6: {  	_ = 	snop  }
0x7: {  	_ = 	snop  }
__scs_overlays_trampoline_lowered:
0x8: {  	[smem:$0x3F8E] =	sst s0  }
0x9: {  	[smem:$0x3F8F] =	sst s1  }
0xa: {  	[smem:$0x3F90] =	sst s2  }
0xb: {  	[smem:$0x3F91] =	sst s3  }
0xc: {  	[smem:$0x3F92] =	sst s4  }
0xd: {  	[smem:$0x3F93] =	sst s5  }
0xe: {  	[smem:$0x3F94] =	sst s6  }
0xf: {  	[smem:$0x3F95] =	sst s7  }
0x10: {  	[smem:$0x3F96] =	sst s8  }
0x11: {  	[smem:$0x3F97] =	sst s9;
	s0 =	simm.s32 @!p0 $0x0  }
0x12: {  	s1 =	sld [smem:$0x3F7D];
	s0 =	simm.s32 @p0 $0x1  }
0x13: {  	[smem:$0x3F98] =	sst s0;
	s0 =	simm.s32 @!p1 $0x0  }
0x14: {  	s2 =	sld [smem:$0x3F7C];
	s0 =	simm.s32 @p1 $0x1  }
0x15: {  	[smem:$0x3F99] =	sst s0;
	s0 =	simm.s32 @!p2 $0x0  }
0x16: {  	s3 =	sld [smem:$0x3FDB];
	s0 =	simm.s32 @p2 $0x1  }
0x17: {  	s4 =	simm.s32 $0x1BF5;
	[smem:$0x3F9B] =	sst s0  }
0x18: {  	s0 =	sld [smem:$0x3F7E];
	_ =	swait.ge [sflag:s4], $0x0  }
0x19: {  	s7 =	sld [smem:$0x3F7F]  }
0x1a: {  	s8 =	sadd.s32 $0xFFFFE003, lr  }
0x1b: {  	s9 =	sadd.s32 $0xFFFFFEF7, lr;
	s5 =	simm.s32 $0xFFFFFFFF;
	p2 =	slt.u32 s8, $0xFFFFF086  }
0x1c: {  	p1 =	slt.u32 s9, $0xF7A;
	s5 =	simm.s32 @!p2 $0x0  }
0x1d: {  	s5 =	simm.s32 @p1 $0x1;
	p0 =	seq.s32 s7, s2  }
0x1e: {  	s7 =	smul.u32 @!p0 $0xF7A, s2;
	p2 =	seq.s32 @!p0 s5, $0x0  }
0x1f: {  	s9 =	smul.u32 $0xF7A, s1;
	s8 =	simm.s32 @!p0 $0x1BF5;
	p2 =	por !p2, p0  }
0x20: {  	[sflag:s8] =	ssyncset.s32 @!p0 $0xFFFFF086;
	s6 =	sadd.s32 @!p0 s3, s7;
	s7 =	simm.s32 @!p0 $0x108  }
0x21: {  	s3 =	sadd.s32 s3, s9;
	s6 =	sadd.s32 @!p0 $0x88, s6;
	s7 =	simm.s32 @p2 $0x1082  }
0x22: {  	[simem:s7], [sflag:s8] =	dma.local @!p0 [hbm:s6], $0xF7A  }
0x23: {  	s9 =	sor.u32 $0xD0000000, s2;
	s6 =	simm.s32 $0x108;
	_ =	swait.ge @!p0 [sflag:s8], $0x0  }
0x24: {  	s3 =	sadd.s32 $0x88, s3;
	s6 =	simm.s32 @!p1 $0x1082;
	[sflag:s4] =	ssyncset.s32 $0xFFFFF086  }
0x25: {  	[simem:s6], [sflag:s4] =	dma.local [hbm:s3], $0xF7A  }
0x26: {  	[smem:$0x3F7F] =	sst s1;
	(tag) =	ssettag s2;
	_ =	strace s9  }
0x27: {  	s1 =	sld [smem:$0x3F8F]  }
0x28: {  	s2 =	sld [smem:$0x3F90]  }
0x29: {  	s4 =	sld [smem:$0x3F92]  }
0x2a: {  	p0 =	seq.s32 s5, $0x0;
	s5 =	sld [smem:$0x3F93]  }
0x2b: {  	s6 =	sld [smem:$0x3F94]  }
0x2c: {  	s7 =	sld [smem:$0x3F95]  }
0x2d: {  	s3 =	simm.s32 $0x108;
	s8 =	sld [smem:$0x3F96]  }
0x2e: {  	s3 =	simm.s32 @!p0 $0x1082;
	s9 =	sld [smem:$0x3F97]  }
0x2f: {  	lr =	sadd.s32 s0, s3;
	s0 =	sld [smem:$0x3F8E]  }
0x30: {  	s3 =	sld [smem:$0x3F91]  }
0x31: {  	[smem:$0x3F9A] =	sst s10  }
0x32: {  	s10 =	sld [smem:$0x3F98];
	_ =	sdelay $0x3  }
0x33: {  	p0 =	seq.s32 s10, $0x1;
	s10 =	sld [smem:$0x3F9A];
	_ =	sdelay $0x3  }
0x34: {  	[smem:$0x3F9A] =	sst s10  }
0x35: {  	s10 =	sld [smem:$0x3F99];
	_ =	sdelay $0x3  }
0x36: {  	p1 =	seq.s32 s10, $0x1;
	s10 =	sld [smem:$0x3F9A];
	_ =	sdelay $0x3  }
0x37: {  	[smem:$0x3F9A] =	sst s10  }
0x38: {  	s10 =	sld [smem:$0x3F9B]  }
0x39: {  	_ = 	snop;
	(pc) =	sbr.ind lr, $3  }
0x3a: {  	_ = 	snop  }
0x3b: {  	_ = 	snop  }
0x3c: {  	p2 =	seq.s32 s10, $0x1;
	s10 =	sld [smem:$0x3F9A]  }
0x3d: {  	_ =	shalt  }
0x3e: {  	_ =	shalt  }
0x3f: {  	_ =	shalt  }
0x40: {  	_ =	shalt  }
0x41: {  	_ =	shalt  }
0x42: {  	_ =	shalt  }
0x43: {  	_ =	shalt  }
0x44: {  	_ =	shalt  }
0x45: {  	_ =	shalt  }
0x46: {  	_ =	shalt  }
0x47: {  	_ =	shalt  }
0x48: {  	_ =	shalt  }
0x49: {  	_ =	shalt  }
0x4a: {  	_ =	shalt  }
0x4b: {  	_ =	shalt  }
0x4c: {  	_ =	shalt  }
0x4d: {  	_ =	shalt  }
0x4e: {  	_ =	shalt  }
0x4f: {  	_ =	shalt  }
0x50: {  	_ =	shalt  }
0x51: {  	_ =	shalt  }
0x52: {  	_ =	shalt  }
0x53: {  	_ =	shalt  }
0x54: {  	_ =	shalt  }
0x55: {  	_ =	shalt  }
0x56: {  	_ =	shalt  }
0x57: {  	_ =	shalt  }
0x58: {  	_ =	shalt  }
0x59: {  	_ =	shalt  }
0x5a: {  	_ =	shalt  }
0x5b: {  	_ =	shalt  }
0x5c: {  	_ =	shalt  }
0x5d: {  	_ =	shalt  }
0x5e: {  	_ =	shalt  }
0x5f: {  	_ =	shalt  }
0x60: {  	_ =	shalt  }
0x61: {  	_ =	shalt  }
0x62: {  	_ =	shalt  }
0x63: {  	_ =	shalt  }
0x64: {  	_ =	shalt  }
0x65: {  	_ =	shalt  }
0x66: {  	_ =	shalt  }
0x67: {  	_ =	shalt  }
0x68: {  	_ =	shalt  }
0x69: {  	_ =	shalt  }
0x6a: {  	_ =	shalt  }
0x6b: {  	_ =	shalt  }
0x6c: {  	_ =	shalt  }
0x6d: {  	_ =	shalt  }
0x6e: {  	_ =	shalt  }
0x6f: {  	_ =	shalt  }
0x70: {  	_ =	shalt  }
0x71: {  	_ =	shalt  }
0x72: {  	_ =	shalt  }
0x73: {  	_ =	shalt  }
0x74: {  	_ =	shalt  }
0x75: {  	_ =	shalt  }
0x76: {  	_ =	shalt  }
0x77: {  	_ =	shalt  }
0x78: {  	_ =	shalt  }
0x79: {  	_ =	shalt  }
0x7a: {  	_ =	shalt  }
0x7b: {  	_ =	shalt  }
0x7c: {  	_ =	shalt  }
0x7d: {  	_ =	shalt  }
0x7e: {  	_ =	shalt  }
0x7f: {  	_ =	shalt  }
0x80: {  	_ =	shalt  }
0x81: {  	_ =	shalt  }
0x82: {  	_ =	shalt  }
0x83: {  	_ =	shalt  }
0x84: {  	_ =	shalt  }
0x85: {  	_ =	shalt  }
0x86: {  	_ =	shalt  }
0x87: {  	_ =	shalt  }
.Lfunc_end0:
.L_simem_size_0:
called_computation_lowered:
.L_overlay_start_0:
0x88: {  	s2 =	sld [smem:$0x3FD9]  }
0x89: {  	s3 =	sld [smem:$0x3FFE];
	_ =	sdelay $0x1  }
0x8a: {  	s1 =	srdreg.scid  }
0x8b: {  	s0 =	sand.u32 $0x1, s1  }
0x8c: {  	s15 =	sshll.u32 s0, $0xA;
	s2 =	sadd.s32 s3, s2  }
0x8d: {  	s2 =	sadd.s32 s2, s15  }
0x8e: {  	[smem:$0x3FA6] =	sst s2  }
0x8f: {  	_ = 	snop  }
0x90: {  	s2 =	sld [smem:$0x3FD0];
	_ =	sdelay $0x2  }
0x91: {  	s16 =	simm.s32 $0xB;
	s4 =	simm.s32 $0x10  }
0x92: {  	[smem:s4], [sflag:s16] =	dma.local [hbm:s2], $0x1  }
0x93: {  	_ =	swait.eq [sflag:s16], $0x1  }
0x94: {  	[sflag:s16] =	ssyncset.done $0x0  }
0x95: {  	[sflag:s16] =	ssyncadd.s32 $0xFFFFFFFF  }
0x96: {  	s17 =	sld [smem:$0x10];
	(tm) =	ssettm $0x1  }
0x97: {  	s18 =	sld [smem:$0x3FFB];
	_ =	sdelay $0x3  }
0x98: {  	_ =	strace s18  }
0x99: {  	s2 =	sld [smem:$0x3FFC];
	_ =	sdelay $0x3  }
0x9a: {  	_ =	strace s2  }
0x9b: {  	s2 =	sld [smem:$0x3FFD];
	_ =	sdelay $0x3  }
0x9c: {  	_ =	strace s2  }
0x9d: {  	_ =	strace $0x8FFFFFFF  }
0x9e: {  	s19 =	sld [smem:$0x3FDB];
	_ =	sdelay $0x1  }
0x9f: {  	s20 =	simm.s32 $_scs_section_size  }
0xa0: {  	s5 =	simm.s32 $_size__tile_overlayer_lowered;
	s6 =	simm.s32 $_tile_overlayer_lowered  }
0xa1: {  	s7 =	simm.s32 $0x1BFF;
	s21 =	sshll.u32 s6, $0x1;
	s4 =	sadd.s32 s20, s19  }
0xa2: {  	s22 =	simm.s32 $0x0;
	s5 =	sshll.u32 s5, $0x1;
	s6 =	sadd.s32 s21, s4  }
0xa3: {  	[timem:s22], [sflag:s7] =	dma.local [hbm:s6], s5  }
0xa4: {  	_ =	swait.ge [sflag:s7], s5  }
0xa5: {  	s5 =	ssub.s32 $0x0, s5;
	[sflag:s7] =	ssyncset.done $0x0  }
0xa6: {  	[sflag:s7] =	ssyncadd.s32 s5;
	_ =	sdelay $0x1  }
0xa7: {  	s23 =	simm.s32 $0x1B8B  }
0xa8: {  	_ =	swait.ge [sflag:s23], $0x1  }
0xa9: {  	[sflag:s23] =	ssyncset.done $0x0  }
0xaa: {  	[sflag:s23] =	ssyncadd.s32 $0xFFFFFFFF  }
0xab: {  	s5 =	sld [smem:$0x0]  }
0xac: {  	s6 =	sand.u32 $0xFFFFFFFE, s1  }
0xad: {  	p0 =	sne.s32 s1, s6  }
0xae: {  	s6 =	sshll.u32 @p0 s6, $0xE  }
0xaf: {  	s6 =	sadd.s32 @p0 $0x11B8D, s6;
	s7 =	sshll.u32 @p0 s5, $0x11  }
0xb0: {  	s6 =	sor.u32 @p0 s7, s6  }
0xb1: {  	[sflag:s6] =	ssyncadd.remote.s32 @p0 $0x1;
	_ =	sdelay $0x1  }
0xb2: {  	s6 =	simm.s32 @p0 $0x1B8D  }
0xb3: {  	_ =	swait.eq @p0 [sflag:s6], $0x1  }
0xb4: {  	[sflag:s6] =	ssyncadd.s32 @p0 $0xFFFFFFFF  }
0xb5: {  	s7 =	sshll.u32 @!p0 s1, $0xE  }
0xb6: {  	s7 =	sor.u32 @!p0 $0x4000, s7;
	s6 =	simm.s32 @!p0 $0x1B8D  }
0xb7: {  	s5 =	sshll.u32 @!p0 s5, $0x11;
	s7 =	sadd.s32 @!p0 $0x11B8D, s7;
	_ =	swait.eq @!p0 [sflag:s6], $0x1  }
0xb8: {  	s5 =	sor.u32 @!p0 s5, s7;
	[sflag:s6] =	ssyncadd.s32 @!p0 $0xFFFFFFFF  }
0xb9: {  	s25 =	simm.s32 $0x1B8E;
	s24 =	sld [smem:$0x3FFE];
	[sflag:s5] =	ssyncadd.remote.s32 @!p0 $0x1  }
0xba: {  	s26 =	simm.s32 $execute0_lowered;
	[smem:$0x3FD2] =	sst s25  }
0xbb: {  	s6 =	sshll.u32 s26, $0x1;
	_ =	strace $0x80000049;
	[dreg:$0x1] =	wrdreg $0xFFFFFFFF  }
0xbc: {  	s28 =	simm.s32 $_size_execute0_lowered;
	s4 =	sadd.s32 s4, s6;
	[dreg:$0x0] =	wrdreg $0x0  }
0xbd: {  	s6 =	sshll.u32 s28, $0x1;
	[dreg:$0x2] =	wrdreg s4  }
0xbe: {  	[dreg:$0x3] =	wrdreg s6  }
0xbf: {  	[dreg:$0x4] =	wrdreg $0xC0  }
0xc0: {  	_ =	task [dreg:s22], $0x5FFFF  }
0xc1: {  	[dreg:$0x1] =	wrdreg $0xFFFFFFFF  }
0xc2: {  	[dreg:$0x0] =	wrdreg $0x60  }
0xc3: {  	[dreg:$0x2] =	wrdreg s17  }
0xc4: {  	[dreg:$0x3] =	wrdreg s24  }
0xc5: {  	[dreg:$0x4] =	wrdreg $0x68000  }
0xc6: {  	[dreg:$0x5] =	wrdreg $0x9  }
0xc7: {  	_ =	task.clear_ibuf [dreg:s22], $0x6FFFF;
	_ =	strace $0x90000049  }
0xc8: {  	s29 =	simm.s32 $0x9;
	_ =	strace $0x8000004B  }
0xc9: {  	_ =	swait.ge [sflag:s29], $0x1  }
0xca: {  	[sflag:s29] =	ssyncadd.s32 $0xFFFFFFFF  }
0xcb: {  	_ =	strace $0x9000004B  }
0xcc: {  	_ =	sfence  }
0xcd: {  	s30 =	sld [smem:$0x0];
	_ =	sdelay $0x2  }
0xce: {  	s31 =	sshll.u32 s1, $0xD;
	s1 =	sshrl.u32 s1, $0x2  }
0xcf: {  	s4 =	sand.u32 $0x4000, s31;
	s1 =	sadd.s32 s1, s30  }
0xd0: {  	s0 =	sor.u32 s4, s0;
	s1 =	sshll.u32 s1, $0x11  }
0xd1: {  	s0 =	sor.u32 s1, s0  }
0xd2: {  	s0 =	sadd.s32 $0x8F2B, s0  }
0xd3: {  	[sflag:s0] =	ssyncadd.remote.s32 $0x1  }
0xd4: {  	_ =	sfence.sel $0xFFFF  }
0xd5: {  	[dreg:$0x0] =	wrdreg $0xFFFFFFFF;
	(pc) =	sbr.abs _section_cstart, $3  }
0xd6: {  	[dreg:$0x1] =	wrdreg $0xFFFFFFFF  }
0xd7: {  	_ =	task.clear_ibuf [dreg:s22], $0x2FFFF;
	_ =	strace $0x9FFFFFFF  }
0xd8: {  	(tm) =	ssettm $0x7FFFFFFF  }
0xd9: {  	_ =	shalt  }
tec
execute0_lowered:
.L_overlay_start_1:
0x0: {  	(tag) =	ssettag $0x1  }
0x1: {  	s14 =	rddreg [dreg:$0x0]  }
0x2: {  	s1 =	srdreg.scid;
	s6 =	rddreg [dreg:$0x1]  }
0x3: {  	s0 =	stileid.u32;
	s2 =	rddreg [dreg:$0x2];
	s3 =	simm.s32 $0x0  }
0x4: {  	s18 =	simm.s32 $0x2;
	s19 =	simm.s32 $0x2800;
	s20 =	simm.s32 $0x80  }
0x5: {  	s21 =	simm.s32 $0x1;
	s22 =	simm.s32 $0x0;
	s4 =	smul.u32 $0x280, s0  }
0x6: {  	s7 =	sand.u32 $0x1, s1;
	[smem:$0x7FF] =	sst s3;
	s9 =	smul.u32 $0x50000, s0  }
0x7: {  	s1 =	rddreg [dreg:$0x3];
	s5 =	smul.u32 $0x2800, s7;
	_ =	strace $0x8000004A  }
0x8: {  	s12 =	ssub.s32 $0x2, s7;
	s29 =	sshll.u32 s7, $0x4;
	s30 =	sshrl.u32 s9, $0x2  }
0x9: {  	s13 =	sshrl.u32 s12, $0x1;
	s31 =	sor.u32 s0, s29;
	s4 =	sadd.s32 s4, s5  }
0xa: {  	s5 =	sadd.s32 $0x11DC00, s6;
	s15 =	smul.u32 $0x500, s31;
	s8 =	sshll.u32 s4, $0x4  }
0xb: {  	s4 =	sadd.s32 $0xA5C00, s6;
	s16 =	sadd.s32 s8, s6;
	s6 =	sadd.s32 s30, s2  }
0xc: {  	s17 =	ssub.s32 s12, s13;
	s7 =	sadd.s32 $0x4000, s6;
	s8 =	sadd.s32 $0x8000, s6  }
0xd: {  	s9 =	sadd.s32 $0xC000, s6;
	s10 =	sadd.s32 $0x10000, s6;
	s11 =	sadd.s32 $0x11E400, s16  }
0xe: {  	s17 =	smax.u32 s17, $0x1;
	s12 =	sadd.s32 $0x11EC00, s16;
	s13 =	sadd.s32 $0x11F400, s16  }
0xf: {  	s14 =	sadd.s32 s14, s15;
	s15 =	sadd.s32 $0x11FC00, s16;
	s16 =	sadd.s32 $0x120400, s16  }
.LBB2_1:
0x10: {  	[tilespmem:s3], [sflag:$0x2] =	stream.linear.gather [hbm4b:s14+s3], $0x2800, $0x38;
	[tilespmem:$0x1A800] =	vst v63  }
0x11: {  	_ =	swait.ge [sflag:s18], $0x2800  }
0x12: {  	[sflag:s18] =	ssyncset.done $0x0  }
0x13: {  	[sflag:s18] =	ssyncadd.s32 $0xFFFFD800  }
0x14: {  	[tilespmem:s19], [sflag:$0x2] =	stream.linear.gather [hbm4b:s4+s3], $0x4000, $0x38;
	[tilespmem:$0x1A800] =	vst v63  }
0x15: {  	_ =	swait.ge [sflag:s18], $0x4000  }
0x16: {  	[sflag:s18] =	ssyncset.done $0x0  }
0x17: {  	[sflag:s18] =	ssyncadd.s32 $0xFFFFC000  }
0x18: {  	[spmem:s6] =	stream.linear.scatter [tilespmem:s19], [sflag:$0x2], $0x4000, $0x38;
	[tilespmem:$0x1A800] =	vst v63  }
0x19: {  	_ =	swait.ge [sflag:s18], $0x4000  }
0x1a: {  	[sflag:s18] =	ssyncset.done $0x0  }
0x1b: {  	[sflag:s18] =	ssyncadd.s32 $0xFFFFC000  }
0x1c: {  	[spmem:s7] =	stream.linear.scatter [tilespmem:s19], [sflag:$0x2], $0x4000, $0x38;
	[tilespmem:$0x1A800] =	vst v63  }
0x1d: {  	_ =	swait.ge [sflag:s18], $0x4000  }
0x1e: {  	[sflag:s18] =	ssyncset.done $0x0  }
0x1f: {  	[sflag:s18] =	ssyncadd.s32 $0xFFFFC000  }
0x20: {  	[spmem:s8] =	stream.linear.scatter [tilespmem:s19], [sflag:$0x2], $0x4000, $0x38;
	[tilespmem:$0x1A800] =	vst v63  }
0x21: {  	_ =	swait.ge [sflag:s18], $0x4000  }
0x22: {  	[sflag:s18] =	ssyncset.done $0x0  }
0x23: {  	[sflag:s18] =	ssyncadd.s32 $0xFFFFC000  }
0x24: {  	[spmem:s9] =	stream.linear.scatter [tilespmem:s19], [sflag:$0x2], $0x4000, $0x38;
	[tilespmem:$0x1A800] =	vst v63  }
0x25: {  	_ =	swait.ge [sflag:s18], $0x4000  }
0x26: {  	[sflag:s18] =	ssyncset.done $0x0  }
0x27: {  	[sflag:s18] =	ssyncadd.s32 $0xFFFFC000  }
0x28: {  	[spmem:s10] =	stream.linear.scatter [tilespmem:s19], [sflag:$0x2], $0x4000, $0x38;
	[tilespmem:$0x1A800] =	vst v63  }
0x29: {  	_ =	swait.ge [sflag:s18], $0x4000  }
0x2a: {  	[sflag:s18] =	ssyncset.done $0x0  }
0x2b: {  	[sflag:s18] =	ssyncadd.s32 $0xFFFFC000  }
0x2c: {  	[tilespmem:s19], [sflag:$0x2] =	stream.linear.gather [hbm4b:s5+s3], $0x4000, $0x38;
	[tilespmem:$0x1A800] =	vst v63  }
0x2d: {  	_ =	swait.ge [sflag:s18], $0x4000  }
0x2e: {  	[sflag:s18] =	ssyncset.done $0x0  }
0x2f: {  	[sflag:s18] =	ssyncadd.s32 $0xFFFFC000  }
0x30: {  	s23 =	simm.s32 $0x0;
	[bflag:$0x0] =	sbarrier.arrive $0xFFFF  }
0x31: {  	[spmem:s2] =	stream.indirect.scatter.add.f32 [tilespmem:s19], [sflag:$0x1], $0x80, s23, s20, $0xb8;
	[tilespmem:$0x1A800] =	vst v63  }
0x32: {  	s24 =	simm.s32 $0x80  }
0x33: {  	[spmem:s2] =	stream.indirect.scatter.add.f32 [tilespmem:s19], [sflag:$0x1], $0x80, s24, s20, $0xb8;
	[tilespmem:$0x1A800] =	vst v63  }
0x34: {  	s25 =	simm.s32 $0x100  }
0x35: {  	[spmem:s2] =	stream.indirect.scatter.add.f32 [tilespmem:s19], [sflag:$0x1], $0x80, s25, s20, $0xb8;
	[tilespmem:$0x1A800] =	vst v63  }
0x36: {  	s26 =	simm.s32 $0x180  }
0x37: {  	[spmem:s2] =	stream.indirect.scatter.add.f32 [tilespmem:s19], [sflag:$0x1], $0x80, s26, s20, $0xb8;
	[tilespmem:$0x1A800] =	vst v63  }
0x38: {  	s28 =	simm.s32 $0x200  }
0x39: {  	[spmem:s2] =	stream.indirect.scatter.add.f32 [tilespmem:s19], [sflag:$0x1], $0x80, s28, s20, $0xb8;
	[tilespmem:$0x1A800] =	vst v63  }
0x3a: {  	s29 =	simm.s32 $0x280  }
0x3b: {  	[spmem:s2] =	stream.indirect.scatter.add.f32 [tilespmem:s19], [sflag:$0x1], $0x80, s29, s20, $0xb8;
	[tilespmem:$0x1A800] =	vst v63  }
0x3c: {  	s30 =	simm.s32 $0x300  }
0x3d: {  	[spmem:s2] =	stream.indirect.scatter.add.f32 [tilespmem:s19], [sflag:$0x1], $0x80, s30, s20, $0xb8;
	[tilespmem:$0x1A800] =	vst v63  }
0x3e: {  	s31 =	simm.s32 $0x380  }
0x3f: {  	[spmem:s2] =	stream.indirect.scatter.add.f32 [tilespmem:s19], [sflag:$0x1], $0x80, s31, s20, $0xb8;
	[tilespmem:$0x1A800] =	vst v63  }
0x40: {  	_ =	swait.ge [sflag:s21], $0x4000  }
0x41: {  	[sflag:s21] =	ssyncset.done $0x0  }
0x42: {  	[sflag:s21] =	ssyncadd.s32 $0xFFFFC000  }
0x43: {  	_ =	swait.ge [sflag:s21], $0x4000  }
0x44: {  	[sflag:s21] =	ssyncset.done $0x0  }
0x45: {  	[sflag:s21] =	ssyncadd.s32 $0xFFFFC000  }
0x46: {  	_ =	swait.ge [sflag:s21], $0x4000  }
0x47: {  	[sflag:s21] =	ssyncset.done $0x0  }
0x48: {  	[sflag:s21] =	ssyncadd.s32 $0xFFFFC000  }
0x49: {  	_ =	swait.ge [sflag:s21], $0x4000  }
0x4a: {  	[sflag:s21] =	ssyncset.done $0x0  }
0x4b: {  	[sflag:s21] =	ssyncadd.s32 $0xFFFFC000  }
0x4c: {  	_ =	swait.ge [sflag:s21], $0x4000  }
0x4d: {  	[sflag:s21] =	ssyncset.done $0x0  }
0x4e: {  	[sflag:s21] =	ssyncadd.s32 $0xFFFFC000  }
0x4f: {  	_ =	swait.ge [sflag:s21], $0x4000  }
0x50: {  	[sflag:s21] =	ssyncset.done $0x0  }
0x51: {  	[sflag:s21] =	ssyncadd.s32 $0xFFFFC000  }
0x52: {  	_ =	swait.ge [sflag:s21], $0x4000  }
0x53: {  	[sflag:s21] =	ssyncset.done $0x0  }
0x54: {  	[sflag:s21] =	ssyncadd.s32 $0xFFFFC000  }
0x55: {  	_ =	swait.ge [sflag:s21], $0x4000  }
0x56: {  	s23 =	simm.s32 $0x1000;
	s25 =	simm.s32 $0x2000;
	[sflag:s21] =	ssyncset.done $0x0  }
.LBB2_2:
0x57: {  	s26 =	sshra.s32 s23, $0x2  }
0x58: {  	[sflag:s21] =	ssyncadd.s32 $0xFFFFC000;
	s23 =	smov.u32 s25;
	s24 =	sadd.s32 $0x1000, s25  }
0x59: {  	[spmem:s2] =	stream.indirect.scatter.add.f32 [tilespmem:s19], [sflag:$0x1], $0x80, s26, s20, $0xb8;
	[tilespmem:$0x1A800] =	vst v63  }
0x5a: {  	p0 =	sne.s32 s25, $0x9000;
	s25 =	sadd.s32 $0x80, s26  }
0x5b: {  	[spmem:s2] =	stream.indirect.scatter.add.f32 [tilespmem:s19], [sflag:$0x1], $0x80, s25, s20, $0xb8;
	[tilespmem:$0x1A800] =	vst v63  }
0x5c: {  	s25 =	sadd.s32 $0x100, s26  }
0x5d: {  	[spmem:s2] =	stream.indirect.scatter.add.f32 [tilespmem:s19], [sflag:$0x1], $0x80, s25, s20, $0xb8;
	[tilespmem:$0x1A800] =	vst v63  }
0x5e: {  	s25 =	sadd.s32 $0x180, s26  }
0x5f: {  	[spmem:s2] =	stream.indirect.scatter.add.f32 [tilespmem:s19], [sflag:$0x1], $0x80, s25, s20, $0xb8;
	[tilespmem:$0x1A800] =	vst v63  }
0x60: {  	s25 =	sadd.s32 $0x200, s26  }
0x61: {  	[spmem:s2] =	stream.indirect.scatter.add.f32 [tilespmem:s19], [sflag:$0x1], $0x80, s25, s20, $0xb8;
	[tilespmem:$0x1A800] =	vst v63  }
0x62: {  	s25 =	sadd.s32 $0x280, s26  }
0x63: {  	[spmem:s2] =	stream.indirect.scatter.add.f32 [tilespmem:s19], [sflag:$0x1], $0x80, s25, s20, $0xb8;
	[tilespmem:$0x1A800] =	vst v63  }
0x64: {  	s25 =	sadd.s32 $0x300, s26  }
0x65: {  	[spmem:s2] =	stream.indirect.scatter.add.f32 [tilespmem:s19], [sflag:$0x1], $0x80, s25, s20, $0xb8;
	[tilespmem:$0x1A800] =	vst v63  }
0x66: {  	s25 =	sadd.s32 $0x380, s26  }
0x67: {  	[spmem:s2] =	stream.indirect.scatter.add.f32 [tilespmem:s19], [sflag:$0x1], $0x80, s25, s20, $0xb8;
	[tilespmem:$0x1A800] =	vst v63  }
0x68: {  	_ =	swait.ge [sflag:s21], $0x4000  }
0x69: {  	[sflag:s21] =	ssyncset.done $0x0  }
0x6a: {  	[sflag:s21] =	ssyncadd.s32 $0xFFFFC000  }
0x6b: {  	_ =	swait.ge [sflag:s21], $0x4000  }
0x6c: {  	[sflag:s21] =	ssyncset.done $0x0  }
0x6d: {  	[sflag:s21] =	ssyncadd.s32 $0xFFFFC000  }
0x6e: {  	_ =	swait.ge [sflag:s21], $0x4000  }
0x6f: {  	[sflag:s21] =	ssyncset.done $0x0  }
0x70: {  	[sflag:s21] =	ssyncadd.s32 $0xFFFFC000  }
0x71: {  	_ =	swait.ge [sflag:s21], $0x4000  }
0x72: {  	[sflag:s21] =	ssyncset.done $0x0  }
0x73: {  	[sflag:s21] =	ssyncadd.s32 $0xFFFFC000  }
0x74: {  	_ =	swait.ge [sflag:s21], $0x4000  }
0x75: {  	[sflag:s21] =	ssyncset.done $0x0  }
0x76: {  	[sflag:s21] =	ssyncadd.s32 $0xFFFFC000  }
0x77: {  	_ =	swait.ge [sflag:s21], $0x4000  }
0x78: {  	[sflag:s21] =	ssyncset.done $0x0  }
0x79: {  	[sflag:s21] =	ssyncadd.s32 $0xFFFFC000  }
.Ltmp0:
0x7a: {  	_ =	swait.ge [sflag:s21], $0x4000;
	(pc) =	sbr.rel @p0 .LBB2_2-.Ltmp0, $4  }
0x7b: {  	[sflag:s21] =	ssyncset.done $0x0  }
0x7c: {  	[sflag:s21] =	ssyncadd.s32 $0xFFFFC000  }
0x7d: {  	_ =	swait.ge [sflag:s21], $0x4000  }
0x7e: {  	s25 =	smov.u32 s24;
	[sflag:s21] =	ssyncset.done $0x0  }
0x7f: {  	s23 =	sshra.s32 s23, $0x2;
	[sflag:s21] =	ssyncadd.s32 $0xFFFFC000  }
0x80: {  	[spmem:s2] =	stream.indirect.scatter.add.f32 [tilespmem:s19], [sflag:$0x1], $0x80, s23, s20, $0xb8;
	[tilespmem:$0x1A800] =	vst v63  }
0x81: {  	s24 =	sadd.s32 $0x80, s23  }
0x82: {  	[spmem:s2] =	stream.indirect.scatter.add.f32 [tilespmem:s19], [sflag:$0x1], $0x80, s24, s20, $0xb8;
	[tilespmem:$0x1A800] =	vst v63  }
0x83: {  	s26 =	sadd.s32 $0x100, s23  }
0x84: {  	[spmem:s2] =	stream.indirect.scatter.add.f32 [tilespmem:s19], [sflag:$0x1], $0x80, s26, s20, $0xb8;
	[tilespmem:$0x1A800] =	vst v63  }
0x85: {  	s28 =	sadd.s32 $0x180, s23  }
0x86: {  	[spmem:s2] =	stream.indirect.scatter.add.f32 [tilespmem:s19], [sflag:$0x1], $0x80, s28, s20, $0xb8;
	[tilespmem:$0x1A800] =	vst v63  }
0x87: {  	s29 =	sadd.s32 $0x200, s23  }
0x88: {  	[spmem:s2] =	stream.indirect.scatter.add.f32 [tilespmem:s19], [sflag:$0x1], $0x80, s29, s20, $0xb8;
	[tilespmem:$0x1A800] =	vst v63  }
0x89: {  	s30 =	sadd.s32 $0x280, s23  }
0x8a: {  	[spmem:s2] =	stream.indirect.scatter.add.f32 [tilespmem:s19], [sflag:$0x1], $0x80, s30, s20, $0xb8;
	[tilespmem:$0x1A800] =	vst v63  }
0x8b: {  	s31 =	sadd.s32 $0x300, s23  }
0x8c: {  	[spmem:s2] =	stream.indirect.scatter.add.f32 [tilespmem:s19], [sflag:$0x1], $0x80, s31, s20, $0xb8;
	[tilespmem:$0x1A800] =	vst v63  }
0x8d: {  	s23 =	sadd.s32 $0x380, s23  }
0x8e: {  	[spmem:s2] =	stream.indirect.scatter.add.f32 [tilespmem:s19], [sflag:$0x1], $0x80, s23, s20, $0xb8;
	[tilespmem:$0x1A800] =	vst v63  }
0x8f: {  	_ =	swait.ge [sflag:s21], $0x4000  }
0x90: {  	[sflag:s21] =	ssyncset.done $0x0  }
0x91: {  	[sflag:s21] =	ssyncadd.s32 $0xFFFFC000  }
0x92: {  	_ =	swait.ge [sflag:s21], $0x4000  }
0x93: {  	[sflag:s21] =	ssyncset.done $0x0  }
0x94: {  	[sflag:s21] =	ssyncadd.s32 $0xFFFFC000  }
0x95: {  	_ =	swait.ge [sflag:s21], $0x4000  }
0x96: {  	[sflag:s21] =	ssyncset.done $0x0  }
0x97: {  	[sflag:s21] =	ssyncadd.s32 $0xFFFFC000  }
0x98: {  	_ =	swait.ge [sflag:s21], $0x4000  }
0x99: {  	[sflag:s21] =	ssyncset.done $0x0  }
0x9a: {  	[sflag:s21] =	ssyncadd.s32 $0xFFFFC000  }
0x9b: {  	_ =	swait.ge [sflag:s21], $0x4000  }
0x9c: {  	[sflag:s21] =	ssyncset.done $0x0  }
0x9d: {  	[sflag:s21] =	ssyncadd.s32 $0xFFFFC000  }
0x9e: {  	_ =	swait.ge [sflag:s21], $0x4000  }
0x9f: {  	[sflag:s21] =	ssyncset.done $0x0  }
0xa0: {  	[sflag:s21] =	ssyncadd.s32 $0xFFFFC000  }
0xa1: {  	_ =	swait.ge [sflag:s21], $0x4000  }
0xa2: {  	[sflag:s21] =	ssyncset.done $0x0  }
0xa3: {  	[sflag:s21] =	ssyncadd.s32 $0xFFFFC000  }
0xa4: {  	_ =	swait.ge [sflag:s21], $0x4000  }
0xa5: {  	[sflag:s21] =	ssyncset.done $0x0  }
0xa6: {  	[sflag:s21] =	ssyncadd.s32 $0xFFFFC000  }
0xa7: {  	[bflag:$0x0] =	sbarrier.arrive $0xFFFF  }
0xa8: {  	[tilespmem:s19], [sflag:$0x2] =	stream.linear.gather [spmem:s6], $0x4000, $0x38;
	[tilespmem:$0x1A800] =	vst v63  }
0xa9: {  	_ =	swait.ge [sflag:s18], $0x4000  }
0xaa: {  	[sflag:s18] =	ssyncset.done $0x0  }
0xab: {  	[sflag:s18] =	ssyncadd.s32 $0xFFFFC000  }
0xac: {  	[hbm4b:s11+s3] =	stream.linear.scatter [tilespmem:s19], [sflag:$0x2], $0x4000, $0x38;
	[tilespmem:$0x1A800] =	vst v63  }
0xad: {  	_ =	swait.ge [sflag:s18], $0x4000  }
0xae: {  	[sflag:s18] =	ssyncset.done $0x0  }
0xaf: {  	[sflag:s18] =	ssyncadd.s32 $0xFFFFC000  }
0xb0: {  	[tilespmem:s19], [sflag:$0x2] =	stream.linear.gather [spmem:s7], $0x4000, $0x38;
	[tilespmem:$0x1A800] =	vst v63  }
0xb1: {  	_ =	swait.ge [sflag:s18], $0x4000  }
0xb2: {  	[sflag:s18] =	ssyncset.done $0x0  }
0xb3: {  	[sflag:s18] =	ssyncadd.s32 $0xFFFFC000  }
0xb4: {  	[hbm4b:s12+s3] =	stream.linear.scatter [tilespmem:s19], [sflag:$0x2], $0x4000, $0x38;
	[tilespmem:$0x1A800] =	vst v63  }
0xb5: {  	_ =	swait.ge [sflag:s18], $0x4000  }
0xb6: {  	[sflag:s18] =	ssyncset.done $0x0  }
0xb7: {  	[sflag:s18] =	ssyncadd.s32 $0xFFFFC000  }
0xb8: {  	[tilespmem:s19], [sflag:$0x2] =	stream.linear.gather [spmem:s8], $0x4000, $0x38;
	[tilespmem:$0x1A800] =	vst v63  }
0xb9: {  	_ =	swait.ge [sflag:s18], $0x4000  }
0xba: {  	[sflag:s18] =	ssyncset.done $0x0  }
0xbb: {  	[sflag:s18] =	ssyncadd.s32 $0xFFFFC000  }
0xbc: {  	[hbm4b:s13+s3] =	stream.linear.scatter [tilespmem:s19], [sflag:$0x2], $0x4000, $0x38;
	[tilespmem:$0x1A800] =	vst v63  }
0xbd: {  	_ =	swait.ge [sflag:s18], $0x4000  }
0xbe: {  	[sflag:s18] =	ssyncset.done $0x0  }
0xbf: {  	[sflag:s18] =	ssyncadd.s32 $0xFFFFC000  }
0xc0: {  	[tilespmem:s19], [sflag:$0x2] =	stream.linear.gather [spmem:s9], $0x4000, $0x38;
	[tilespmem:$0x1A800] =	vst v63  }
0xc1: {  	_ =	swait.ge [sflag:s18], $0x4000  }
0xc2: {  	[sflag:s18] =	ssyncset.done $0x0  }
0xc3: {  	[sflag:s18] =	ssyncadd.s32 $0xFFFFC000  }
0xc4: {  	[hbm4b:s15+s3] =	stream.linear.scatter [tilespmem:s19], [sflag:$0x2], $0x4000, $0x38;
	[tilespmem:$0x1A800] =	vst v63  }
0xc5: {  	_ =	swait.ge [sflag:s18], $0x4000  }
0xc6: {  	[sflag:s18] =	ssyncset.done $0x0  }
0xc7: {  	[sflag:s18] =	ssyncadd.s32 $0xFFFFC000  }
0xc8: {  	[tilespmem:s19], [sflag:$0x2] =	stream.linear.gather [spmem:s10], $0x4000, $0x38;
	[tilespmem:$0x1A800] =	vst v63  }
0xc9: {  	s22 =	sadd.s32 $0x1, s22;
	_ =	swait.ge [sflag:s18], $0x4000  }
0xca: {  	p0 =	sne.s32 s22, s17;
	[sflag:s18] =	ssyncset.done $0x0  }
.Ltmp1:
0xcb: {  	[sflag:s18] =	ssyncadd.s32 $0xFFFFC000;
	(pc) =	sbr.rel @p0 .LBB2_1-.Ltmp1, $4  }
0xcc: {  	[hbm4b:s16+s3] =	stream.linear.scatter [tilespmem:s19], [sflag:$0x2], $0x4000, $0x38;
	[tilespmem:$0x1A800] =	vst v63  }
0xcd: {  	_ =	swait.ge [sflag:s18], $0x4000  }
0xce: {  	[sflag:s18] =	ssyncset.done $0x0  }
0xcf: {  	[sflag:s18] =	ssyncadd.s32 $0xFFFFC000  }
0xd0: {  	_ =	sfence.sel $0x180000  }
0xd1: {  	[bflag:$0x0] =	sbarrier.arrive $0xFFFF  }
0xd2: {  	p0 =	sne.s32 s0, $0x0;
	_ =	strace $0x9000004A  }
0xd3: {  	s0 =	sadd.s32 @!p0 $0x100000, s1;
	[bflag:$0x2] =	sbarrier.arrive $0xFFFF  }
0xd4: {  	[sflag:s0] =	ssyncadd.tile.s32 @!p0 $0x1;
	_ =	shalt  }
.Lfunc_end2:
_tile_overlayer_lowered:
.L_overlay_start_2:
0xd5: {  	(tag) =	ssettag $0x2  }
0xd6: {  	s0 =	rddreg [dreg:$0x0];
	s2 =	stileid.u32  }
0xd7: {  	s1 =	rddreg [dreg:$0x1];
	p0 =	sne.s32 s2, $0x0  }
0xd8: {  	s3 =	rddreg [dreg:$0x2];
	[bflag:$0x3] =	sbarrier.arrive $0xFFFF;
	s2 =	simm.s32 @!p0 $0x1C02  }
0xd9: {  	[timem:s3], [sflag:s2] =	dma.local @!p0 [hbm:s0], s1  }
0xda: {  	s0 =	simm.s32 @!p0 $0x2  }
0xdb: {  	_ =	swait.ge @!p0 [sflag:s0], s1  }
0xdc: {  	s1 =	ssub.s32 @!p0 $0x0, s1;
	[sflag:s0] =	ssyncset.done @!p0 $0x0  }
0xdd: {  	[sflag:s0] =	ssyncadd.s32 @!p0 s1  }
0xde: {  	[bflag:$0x3] =	sbarrier.arrive $0xFFFF  }
0xdf: {  	_ =	shalt  }

// kernel: kernel.13.cloned.1.call-start
scs
__scs_entry_jumppad:
0x0: {  	(pc) =	sbr.rel $0x88, $3  }
0x1: {  	(tag) =	ssettag $0x0;
	lr =	simm.s32 $0x1  }
0x2: {  	[smem:$0x3F7F] =	sst lr;
	_ =	strace $0xD0000000  }
0x3: {  	_ = 	snop  }
0x4: {  	_ = 	snop  }
0x5: {  	_ = 	snop  }
0x6: {  	_ = 	snop  }
0x7: {  	_ = 	snop  }
__scs_overlays_trampoline_lowered:
0x8: {  	[smem:$0x3F8E] =	sst s0  }
0x9: {  	[smem:$0x3F8F] =	sst s1  }
0xa: {  	[smem:$0x3F90] =	sst s2  }
0xb: {  	[smem:$0x3F91] =	sst s3  }
0xc: {  	[smem:$0x3F92] =	sst s4  }
0xd: {  	[smem:$0x3F93] =	sst s5  }
0xe: {  	[smem:$0x3F94] =	sst s6  }
0xf: {  	[smem:$0x3F95] =	sst s7  }
0x10: {  	[smem:$0x3F96] =	sst s8  }
0x11: {  	[smem:$0x3F97] =	sst s9;
	s0 =	simm.s32 @!p0 $0x0  }
0x12: {  	s1 =	sld [smem:$0x3F7D];
	s0 =	simm.s32 @p0 $0x1  }
0x13: {  	[smem:$0x3F98] =	sst s0;
	s0 =	simm.s32 @!p1 $0x0  }
0x14: {  	s2 =	sld [smem:$0x3F7C];
	s0 =	simm.s32 @p1 $0x1  }
0x15: {  	[smem:$0x3F99] =	sst s0;
	s0 =	simm.s32 @!p2 $0x0  }
0x16: {  	s3 =	sld [smem:$0x3FDB];
	s0 =	simm.s32 @p2 $0x1  }
0x17: {  	s4 =	simm.s32 $0x1BF5;
	[smem:$0x3F9B] =	sst s0  }
0x18: {  	s0 =	sld [smem:$0x3F7E];
	_ =	swait.ge [sflag:s4], $0x0  }
0x19: {  	s7 =	sld [smem:$0x3F7F]  }
0x1a: {  	s8 =	sadd.s32 $0xFFFFE003, lr  }
0x1b: {  	s9 =	sadd.s32 $0xFFFFFEF7, lr;
	s5 =	simm.s32 $0xFFFFFFFF;
	p2 =	slt.u32 s8, $0xFFFFF086  }
0x1c: {  	p1 =	slt.u32 s9, $0xF7A;
	s5 =	simm.s32 @!p2 $0x0  }
0x1d: {  	s5 =	simm.s32 @p1 $0x1;
	p0 =	seq.s32 s7, s2  }
0x1e: {  	s7 =	smul.u32 @!p0 $0xF7A, s2;
	p2 =	seq.s32 @!p0 s5, $0x0  }
0x1f: {  	s9 =	smul.u32 $0xF7A, s1;
	s8 =	simm.s32 @!p0 $0x1BF5;
	p2 =	por !p2, p0  }
0x20: {  	[sflag:s8] =	ssyncset.s32 @!p0 $0xFFFFF086;
	s6 =	sadd.s32 @!p0 s3, s7;
	s7 =	simm.s32 @!p0 $0x108  }
0x21: {  	s3 =	sadd.s32 s3, s9;
	s6 =	sadd.s32 @!p0 $0x88, s6;
	s7 =	simm.s32 @p2 $0x1082  }
0x22: {  	[simem:s7], [sflag:s8] =	dma.local @!p0 [hbm:s6], $0xF7A  }
0x23: {  	s9 =	sor.u32 $0xD0000000, s2;
	s6 =	simm.s32 $0x108;
	_ =	swait.ge @!p0 [sflag:s8], $0x0  }
0x24: {  	s3 =	sadd.s32 $0x88, s3;
	s6 =	simm.s32 @!p1 $0x1082;
	[sflag:s4] =	ssyncset.s32 $0xFFFFF086  }
0x25: {  	[simem:s6], [sflag:s4] =	dma.local [hbm:s3], $0xF7A  }
0x26: {  	[smem:$0x3F7F] =	sst s1;
	(tag) =	ssettag s2;
	_ =	strace s9  }
0x27: {  	s1 =	sld [smem:$0x3F8F]  }
0x28: {  	s2 =	sld [smem:$0x3F90]  }
0x29: {  	s4 =	sld [smem:$0x3F92]  }
0x2a: {  	p0 =	seq.s32 s5, $0x0;
	s5 =	sld [smem:$0x3F93]  }
0x2b: {  	s6 =	sld [smem:$0x3F94]  }
0x2c: {  	s7 =	sld [smem:$0x3F95]  }
0x2d: {  	s3 =	simm.s32 $0x108;
	s8 =	sld [smem:$0x3F96]  }
0x2e: {  	s3 =	simm.s32 @!p0 $0x1082;
	s9 =	sld [smem:$0x3F97]  }
0x2f: {  	lr =	sadd.s32 s0, s3;
	s0 =	sld [smem:$0x3F8E]  }
0x30: {  	s3 =	sld [smem:$0x3F91]  }
0x31: {  	[smem:$0x3F9A] =	sst s10  }
0x32: {  	s10 =	sld [smem:$0x3F98];
	_ =	sdelay $0x3  }
0x33: {  	p0 =	seq.s32 s10, $0x1;
	s10 =	sld [smem:$0x3F9A];
	_ =	sdelay $0x3  }
0x34: {  	[smem:$0x3F9A] =	sst s10  }
0x35: {  	s10 =	sld [smem:$0x3F99];
	_ =	sdelay $0x3  }
0x36: {  	p1 =	seq.s32 s10, $0x1;
	s10 =	sld [smem:$0x3F9A];
	_ =	sdelay $0x3  }
0x37: {  	[smem:$0x3F9A] =	sst s10  }
0x38: {  	s10 =	sld [smem:$0x3F9B]  }
0x39: {  	_ = 	snop;
	(pc) =	sbr.ind lr, $3  }
0x3a: {  	_ = 	snop  }
0x3b: {  	_ = 	snop  }
0x3c: {  	p2 =	seq.s32 s10, $0x1;
	s10 =	sld [smem:$0x3F9A]  }
0x3d: {  	_ =	shalt  }
0x3e: {  	_ =	shalt  }
0x3f: {  	_ =	shalt  }
0x40: {  	_ =	shalt  }
0x41: {  	_ =	shalt  }
0x42: {  	_ =	shalt  }
0x43: {  	_ =	shalt  }
0x44: {  	_ =	shalt  }
0x45: {  	_ =	shalt  }
0x46: {  	_ =	shalt  }
0x47: {  	_ =	shalt  }
0x48: {  	_ =	shalt  }
0x49: {  	_ =	shalt  }
0x4a: {  	_ =	shalt  }
0x4b: {  	_ =	shalt  }
0x4c: {  	_ =	shalt  }
0x4d: {  	_ =	shalt  }
0x4e: {  	_ =	shalt  }
0x4f: {  	_ =	shalt  }
0x50: {  	_ =	shalt  }
0x51: {  	_ =	shalt  }
0x52: {  	_ =	shalt  }
0x53: {  	_ =	shalt  }
0x54: {  	_ =	shalt  }
0x55: {  	_ =	shalt  }
0x56: {  	_ =	shalt  }
0x57: {  	_ =	shalt  }
0x58: {  	_ =	shalt  }
0x59: {  	_ =	shalt  }
0x5a: {  	_ =	shalt  }
0x5b: {  	_ =	shalt  }
0x5c: {  	_ =	shalt  }
0x5d: {  	_ =	shalt  }
0x5e: {  	_ =	shalt  }
0x5f: {  	_ =	shalt  }
0x60: {  	_ =	shalt  }
0x61: {  	_ =	shalt  }
0x62: {  	_ =	shalt  }
0x63: {  	_ =	shalt  }
0x64: {  	_ =	shalt  }
0x65: {  	_ =	shalt  }
0x66: {  	_ =	shalt  }
0x67: {  	_ =	shalt  }
0x68: {  	_ =	shalt  }
0x69: {  	_ =	shalt  }
0x6a: {  	_ =	shalt  }
0x6b: {  	_ =	shalt  }
0x6c: {  	_ =	shalt  }
0x6d: {  	_ =	shalt  }
0x6e: {  	_ =	shalt  }
0x6f: {  	_ =	shalt  }
0x70: {  	_ =	shalt  }
0x71: {  	_ =	shalt  }
0x72: {  	_ =	shalt  }
0x73: {  	_ =	shalt  }
0x74: {  	_ =	shalt  }
0x75: {  	_ =	shalt  }
0x76: {  	_ =	shalt  }
0x77: {  	_ =	shalt  }
0x78: {  	_ =	shalt  }
0x79: {  	_ =	shalt  }
0x7a: {  	_ =	shalt  }
0x7b: {  	_ =	shalt  }
0x7c: {  	_ =	shalt  }
0x7d: {  	_ =	shalt  }
0x7e: {  	_ =	shalt  }
0x7f: {  	_ =	shalt  }
0x80: {  	_ =	shalt  }
0x81: {  	_ =	shalt  }
0x82: {  	_ =	shalt  }
0x83: {  	_ =	shalt  }
0x84: {  	_ =	shalt  }
0x85: {  	_ =	shalt  }
0x86: {  	_ =	shalt  }
0x87: {  	_ =	shalt  }
.Lfunc_end0:
.L_simem_size_0:
called_computation.1_lowered:
.L_overlay_start_0:
0x88: {  	s2 =	sld [smem:$0x3FD9]  }
0x89: {  	s3 =	sld [smem:$0x3FFE];
	_ =	sdelay $0x1  }
0x8a: {  	s1 =	srdreg.scid  }
0x8b: {  	s0 =	sand.u32 $0x1, s1  }
0x8c: {  	s14 =	sshll.u32 s0, $0xA;
	s2 =	sadd.s32 s3, s2  }
0x8d: {  	s2 =	sadd.s32 s2, s14  }
0x8e: {  	[smem:$0x3FA6] =	sst s2  }
0x8f: {  	_ = 	snop  }
0x90: {  	s2 =	sld [smem:$0x3FD0];
	_ =	sdelay $0x2  }
0x91: {  	s15 =	simm.s32 $0xB;
	s4 =	simm.s32 $0x10  }
0x92: {  	[smem:s4], [sflag:s15] =	dma.local [hbm:s2], $0x1  }
0x93: {  	_ =	swait.eq [sflag:s15], $0x1  }
0x94: {  	[sflag:s15] =	ssyncset.done $0x0  }
0x95: {  	s16 =	sld [smem:$0x10];
	[sflag:s15] =	ssyncadd.s32 $0xFFFFFFFF  }
0x96: {  	s17 =	sld [smem:$0x11];
	(tm) =	ssettm $0x1  }
0x97: {  	s18 =	sld [smem:$0x3FFB];
	_ =	sdelay $0x3  }
0x98: {  	_ =	strace s18  }
0x99: {  	s4 =	sld [smem:$0x3FFC];
	_ =	sdelay $0x3  }
0x9a: {  	_ =	strace s4  }
0x9b: {  	s4 =	sld [smem:$0x3FFD];
	_ =	sdelay $0x3  }
0x9c: {  	_ =	strace s4  }
0x9d: {  	_ =	strace $0x8FFFFFFF  }
0x9e: {  	s19 =	sld [smem:$0x3FDB];
	_ =	sdelay $0x1  }
0x9f: {  	s5 =	simm.s32 $_scs_section_size  }
0xa0: {  	s6 =	simm.s32 $_size__tile_overlayer_lowered;
	s7 =	simm.s32 $_tile_overlayer_lowered  }
0xa1: {  	s22 =	simm.s32 $0x1BFF;
	s21 =	sshll.u32 s7, $0x1;
	s4 =	sadd.s32 s5, s19  }
0xa2: {  	s8 =	simm.s32 $0x0;
	s20 =	sshll.u32 s6, $0x1;
	s6 =	sadd.s32 s21, s4  }
0xa3: {  	[timem:s8], [sflag:s22] =	dma.local [hbm:s6], s20  }
0xa4: {  	_ =	swait.ge [sflag:s22], s20  }
0xa5: {  	s5 =	ssub.s32 $0x0, s20;
	[sflag:s22] =	ssyncset.done $0x0  }
0xa6: {  	[sflag:s22] =	ssyncadd.s32 s5;
	_ =	sdelay $0x1  }
0xa7: {  	s23 =	simm.s32 $0x1B8B  }
0xa8: {  	_ =	swait.ge [sflag:s23], $0x1  }
0xa9: {  	[sflag:s23] =	ssyncset.done $0x0  }
0xaa: {  	s25 =	simm.s32 $0x1B8E;
	s24 =	sld [smem:$0x3FFE];
	[sflag:s23] =	ssyncadd.s32 $0xFFFFFFFF  }
0xab: {  	s26 =	simm.s32 $execute0_lowered;
	[smem:$0x3FD2] =	sst s25  }
0xac: {  	s6 =	sshll.u32 s26, $0x1;
	_ =	strace $0x80000046;
	[dreg:$0x1] =	wrdreg $0xFFFFFFFF  }
0xad: {  	s28 =	simm.s32 $_size_execute0_lowered;
	s4 =	sadd.s32 s4, s6;
	[dreg:$0x0] =	wrdreg $0x0  }
0xae: {  	s6 =	sshll.u32 s28, $0x1;
	[dreg:$0x2] =	wrdreg s4  }
0xaf: {  	[dreg:$0x3] =	wrdreg s6  }
0xb0: {  	[dreg:$0x4] =	wrdreg $0xC0  }
0xb1: {  	_ =	task [dreg:s8], $0x5FFFF  }
0xb2: {  	[dreg:$0x1] =	wrdreg $0xFFFFFFFF  }
0xb3: {  	[dreg:$0x0] =	wrdreg $0x60  }
0xb4: {  	[dreg:$0x2] =	wrdreg s17  }
0xb5: {  	[dreg:$0x3] =	wrdreg s16  }
0xb6: {  	[dreg:$0x4] =	wrdreg s24  }
0xb7: {  	[dreg:$0x5] =	wrdreg $0x41000  }
0xb8: {  	[dreg:$0x6] =	wrdreg $0xA  }
0xb9: {  	_ =	task.clear_ibuf [dreg:s8], $0x7FFFF;
	_ =	strace $0x90000046  }
0xba: {  	s29 =	simm.s32 $0xA;
	_ =	strace $0x80000048  }
0xbb: {  	_ =	swait.ge [sflag:s29], $0x1  }
0xbc: {  	[sflag:s29] =	ssyncadd.s32 $0xFFFFFFFF  }
0xbd: {  	_ =	strace $0x90000048  }
0xbe: {  	_ =	sfence  }
0xbf: {  	s30 =	sld [smem:$0x0];
	_ =	sdelay $0x2  }
0xc0: {  	s31 =	sshll.u32 s1, $0xD;
	s1 =	sshrl.u32 s1, $0x2  }
0xc1: {  	s3 =	sand.u32 $0x4000, s31;
	s1 =	sadd.s32 s1, s30  }
0xc2: {  	s0 =	sor.u32 s3, s0;
	s1 =	sshll.u32 s1, $0x11  }
0xc3: {  	s0 =	sor.u32 s1, s0  }
0xc4: {  	s0 =	sadd.s32 $0x8F2B, s0  }
0xc5: {  	[sflag:s0] =	ssyncadd.remote.s32 $0x1  }
0xc6: {  	_ =	sfence.sel $0xFFFF  }
0xc7: {  	[dreg:$0x0] =	wrdreg $0xFFFFFFFF;
	(pc) =	sbr.abs _section_cstart, $3  }
0xc8: {  	[dreg:$0x1] =	wrdreg $0xFFFFFFFF  }
0xc9: {  	_ =	task.clear_ibuf [dreg:s8], $0x2FFFF;
	_ =	strace $0x9FFFFFFF  }
0xca: {  	(tm) =	ssettm $0x7FFFFFFF  }
0xcb: {  	_ =	shalt  }
tec
execute0_lowered:
.L_overlay_start_1:
0x0: {  	(tag) =	ssettag $0x1  }
0x1: {  	s17 =	rddreg [dreg:$0x0]  }
0x2: {  	s18 =	rddreg [dreg:$0x1]  }
0x3: {  	s6 =	rddreg [dreg:$0x2]  }
0x4: {  	s1 =	srdreg.scid;
	s0 =	stileid.u32  }
0x5: {  	s2 =	rddreg [dreg:$0x3];
	s4 =	smul.u32 $0x280, s0  }
0x6: {  	s3 =	simm.s32 $0x0;
	s23 =	simm.s32 $0x1;
	s8 =	smul.u32 $0x50000, s0  }
0x7: {  	s14 =	sand.u32 $0x1, s1;
	s1 =	rddreg [dreg:$0x4];
	s19 =	smul.u32 $0x4E2, s0  }
0x8: {  	s24 =	simm.s32 $0x0;
	[smem:$0x7FF] =	sst s3;
	s5 =	smul.u32 $0x2800, s14  }
0x9: {  	_ =	strace $0x80000047;
	s29 =	ssub.s32 $0x2, s14;
	s22 =	smul.u32 $0x5000, s14  }
0xa: {  	s30 =	sshrl.u32 s8, $0x2;
	s31 =	sshrl.u32 s29, $0x1;
	s11 =	sadd.s32 $0x4E2, s19  }
0xb: {  	s20 =	sshrl.u32 s19, $0x4;
	s19 =	sand.u32 $0x7FF0, s19;
	s7 =	sadd.s32 s4, s5  }
0xc: {  	s4 =	sadd.s32 $0x55C00, s6;
	s5 =	sadd.s32 $0xA5C00, s6;
	s16 =	ssub.s32 s29, s31  }
0xd: {  	s21 =	sshrl.u32 s11, $0x4;
	s18 =	sadd.s32 s22, s18;
	s22 =	sadd.s32 s22, s17  }
0xe: {  	s7 =	sshll.u32 s7, $0x4;
	s16 =	smax.u32 s16, $0x1;
	s17 =	ssub.s32 s21, s20  }
0xf: {  	s18 =	sadd.s32 s19, s18;
	s19 =	sadd.s32 s19, s22;
	p0 =	sle.u32 s21, s20  }
.Ltmp0:
0x10: {  	s20 =	simm.s32 $0x100;
	s21 =	simm.s32 $0x2;
	(pc) =	sbr.rel .LBB2_1-.Ltmp0, $4  }
0x11: {  	s22 =	simm.s32 $0x80;
	s15 =	sadd.s32 s7, s6;
	s6 =	sadd.s32 s30, s2  }
0x12: {  	s7 =	sadd.s32 $0x4000, s6;
	s8 =	sadd.s32 $0x8000, s6;
	s9 =	sadd.s32 $0xC000, s6  }
0x13: {  	s10 =	sadd.s32 $0x10000, s6;
	s11 =	sadd.s32 $0xCDC00, s15;
	s12 =	sadd.s32 $0xCE400, s15  }
0x14: {  	s13 =	sadd.s32 $0xCEC00, s15;
	s14 =	sadd.s32 $0xCF400, s15;
	s15 =	sadd.s32 $0xCFC00, s15  }
.LBB2_4:
0x15: {  	[sflag:s21] =	ssyncadd.s32 $0xFFFFC000  }
.LBB2_5:
0x16: {  	[bflag:$0x0] =	sbarrier.arrive $0xFFFF  }
0x17: {  	[tilespmem:s20], [sflag:$0x2] =	stream.linear.gather [spmem:s6], $0x4000, $0x38;
	[tilespmem:$0x18100] =	vst v63  }
0x18: {  	_ =	swait.ge [sflag:s21], $0x4000  }
0x19: {  	[sflag:s21] =	ssyncset.done $0x0  }
0x1a: {  	[sflag:s21] =	ssyncadd.s32 $0xFFFFC000  }
0x1b: {  	[hbm4b:s11+s3] =	stream.linear.scatter [tilespmem:s20], [sflag:$0x2], $0x4000, $0x38;
	[tilespmem:$0x18100] =	vst v63  }
0x1c: {  	_ =	swait.ge [sflag:s21], $0x4000  }
0x1d: {  	[sflag:s21] =	ssyncset.done $0x0  }
0x1e: {  	[sflag:s21] =	ssyncadd.s32 $0xFFFFC000  }
0x1f: {  	[tilespmem:s20], [sflag:$0x2] =	stream.linear.gather [spmem:s7], $0x4000, $0x38;
	[tilespmem:$0x18100] =	vst v63  }
0x20: {  	_ =	swait.ge [sflag:s21], $0x4000  }
0x21: {  	[sflag:s21] =	ssyncset.done $0x0  }
0x22: {  	[sflag:s21] =	ssyncadd.s32 $0xFFFFC000  }
0x23: {  	[hbm4b:s12+s3] =	stream.linear.scatter [tilespmem:s20], [sflag:$0x2], $0x4000, $0x38;
	[tilespmem:$0x18100] =	vst v63  }
0x24: {  	_ =	swait.ge [sflag:s21], $0x4000  }
0x25: {  	[sflag:s21] =	ssyncset.done $0x0  }
0x26: {  	[sflag:s21] =	ssyncadd.s32 $0xFFFFC000  }
0x27: {  	[tilespmem:s20], [sflag:$0x2] =	stream.linear.gather [spmem:s8], $0x4000, $0x38;
	[tilespmem:$0x18100] =	vst v63  }
0x28: {  	_ =	swait.ge [sflag:s21], $0x4000  }
0x29: {  	[sflag:s21] =	ssyncset.done $0x0  }
0x2a: {  	[sflag:s21] =	ssyncadd.s32 $0xFFFFC000  }
0x2b: {  	[hbm4b:s13+s3] =	stream.linear.scatter [tilespmem:s20], [sflag:$0x2], $0x4000, $0x38;
	[tilespmem:$0x18100] =	vst v63  }
0x2c: {  	_ =	swait.ge [sflag:s21], $0x4000  }
0x2d: {  	[sflag:s21] =	ssyncset.done $0x0  }
0x2e: {  	[sflag:s21] =	ssyncadd.s32 $0xFFFFC000  }
0x2f: {  	[tilespmem:s20], [sflag:$0x2] =	stream.linear.gather [spmem:s9], $0x4000, $0x38;
	[tilespmem:$0x18100] =	vst v63  }
0x30: {  	_ =	swait.ge [sflag:s21], $0x4000  }
0x31: {  	[sflag:s21] =	ssyncset.done $0x0  }
0x32: {  	[sflag:s21] =	ssyncadd.s32 $0xFFFFC000  }
0x33: {  	[hbm4b:s14+s3] =	stream.linear.scatter [tilespmem:s20], [sflag:$0x2], $0x4000, $0x38;
	[tilespmem:$0x18100] =	vst v63  }
0x34: {  	_ =	swait.ge [sflag:s21], $0x4000  }
0x35: {  	[sflag:s21] =	ssyncset.done $0x0  }
0x36: {  	[sflag:s21] =	ssyncadd.s32 $0xFFFFC000  }
0x37: {  	[tilespmem:s20], [sflag:$0x2] =	stream.linear.gather [spmem:s10], $0x4000, $0x38;
	[tilespmem:$0x18100] =	vst v63  }
0x38: {  	s24 =	sadd.s32 $0x1, s24;
	_ =	swait.ge [sflag:s21], $0x4000  }
0x39: {  	p1 =	sne.s32 s24, s16;
	[sflag:s21] =	ssyncset.done $0x0  }
.Ltmp1:
0x3a: {  	[sflag:s21] =	ssyncadd.s32 $0xFFFFC000;
	(pc) =	sbr.rel @!p1 .LBB2_6-.Ltmp1, $4  }
0x3b: {  	[hbm4b:s15+s3] =	stream.linear.scatter [tilespmem:s20], [sflag:$0x2], $0x4000, $0x38;
	[tilespmem:$0x18100] =	vst v63  }
0x3c: {  	_ =	swait.ge [sflag:s21], $0x4000  }
0x3d: {  	[sflag:s21] =	ssyncset.done $0x0  }
0x3e: {  	[sflag:s21] =	ssyncadd.s32 $0xFFFFC000  }
.LBB2_1:
0x3f: {  	[tilespmem:s20], [sflag:$0x2] =	stream.linear.gather [hbm4b:s5+s3], $0x4000, $0x38;
	[tilespmem:$0x18100] =	vst v63  }
0x40: {  	_ =	swait.ge [sflag:s21], $0x4000  }
0x41: {  	[sflag:s21] =	ssyncset.done $0x0  }
0x42: {  	[sflag:s21] =	ssyncadd.s32 $0xFFFFC000  }
0x43: {  	[spmem:s6] =	stream.linear.scatter [tilespmem:s20], [sflag:$0x2], $0x4000, $0x38;
	[tilespmem:$0x18100] =	vst v63  }
0x44: {  	_ =	swait.ge [sflag:s21], $0x4000  }
0x45: {  	[sflag:s21] =	ssyncset.done $0x0  }
0x46: {  	[sflag:s21] =	ssyncadd.s32 $0xFFFFC000  }
0x47: {  	[spmem:s7] =	stream.linear.scatter [tilespmem:s20], [sflag:$0x2], $0x4000, $0x38;
	[tilespmem:$0x18100] =	vst v63  }
0x48: {  	_ =	swait.ge [sflag:s21], $0x4000  }
0x49: {  	[sflag:s21] =	ssyncset.done $0x0  }
0x4a: {  	[sflag:s21] =	ssyncadd.s32 $0xFFFFC000  }
0x4b: {  	[spmem:s8] =	stream.linear.scatter [tilespmem:s20], [sflag:$0x2], $0x4000, $0x38;
	[tilespmem:$0x18100] =	vst v63  }
0x4c: {  	_ =	swait.ge [sflag:s21], $0x4000  }
0x4d: {  	[sflag:s21] =	ssyncset.done $0x0  }
0x4e: {  	[sflag:s21] =	ssyncadd.s32 $0xFFFFC000  }
0x4f: {  	[spmem:s9] =	stream.linear.scatter [tilespmem:s20], [sflag:$0x2], $0x4000, $0x38;
	[tilespmem:$0x18100] =	vst v63  }
0x50: {  	_ =	swait.ge [sflag:s21], $0x4000  }
0x51: {  	[sflag:s21] =	ssyncset.done $0x0  }
0x52: {  	[sflag:s21] =	ssyncadd.s32 $0xFFFFC000  }
0x53: {  	[spmem:s10] =	stream.linear.scatter [tilespmem:s20], [sflag:$0x2], $0x4000, $0x38;
	[tilespmem:$0x18100] =	vst v63  }
.Ltmp2:
0x54: {  	_ =	swait.ge [sflag:s21], $0x4000;
	(pc) =	sbr.rel @p0 .LBB2_5-.Ltmp2, $3  }
0x55: {  	[sflag:s21] =	ssyncset.done $0x0  }
0x56: {  	[sflag:s21] =	ssyncadd.s32 $0xFFFFC000  }
0x57: {  	[bflag:$0x0] =	sbarrier.arrive $0xFFFF;
	_ =	sdelay $0x1  }
0x58: {  	[tilespmem:s3], [sflag:$0x2] =	stream.linear.gather [hbm4b:s19+s3], $0x80, $0x38;
	[tilespmem:$0x18100] =	vst v63  }
0x59: {  	_ =	swait.ge [sflag:s21], $0x80  }
0x5a: {  	[sflag:s21] =	ssyncset.done $0x0  }
0x5b: {  	[sflag:s21] =	ssyncadd.s32 $0xFFFFFF80  }
0x5c: {  	[tilespmem:s22], [sflag:$0x2] =	stream.linear.gather [hbm4b:s18+s3], $0x80, $0x38;
	[tilespmem:$0x18100] =	vst v63  }
0x5d: {  	_ =	swait.ge [sflag:s21], $0x80  }
0x5e: {  	[sflag:s21] =	ssyncset.done $0x0  }
0x5f: {  	[sflag:s21] =	ssyncadd.s32 $0xFFFFFF80  }
0x60: {  	[tilespmem:s20], [sflag:$0x1] =	stream.indirect.gather [hbm4b:s4+s22], $0x80, s3, s22, $0xb8;
	[tilespmem:$0x18100] =	vst v63  }
0x61: {  	p1 =	sne.s32 s17, $0x1;
	_ =	swait.ge [sflag:s23], $0x4000  }
.Ltmp3:
0x62: {  	[sflag:s23] =	ssyncset.done $0x0;
	(pc) =	sbr.rel @!p1 .LBB2_4-.Ltmp3, $4  }
0x63: {  	[sflag:s23] =	ssyncadd.s32 $0xFFFFC000  }
0x64: {  	[spmem:s2] =	stream.indirect.scatter.add.f32 [tilespmem:s20], [sflag:$0x2], $0x80, s22, s22, $0xb8;
	[tilespmem:$0x18100] =	vst v63  }
0x65: {  	s25 =	sadd.s32 $0xFFFFFFFF, s17;
	_ =	swait.ge [sflag:s21], $0x4000  }
0x66: {  	s26 =	smov.u32 s18;
	s28 =	smov.u32 s19;
	[sflag:s21] =	ssyncset.done $0x0  }
.LBB2_3:
0x67: {  	[sflag:s21] =	ssyncadd.s32 $0xFFFFC000;
	s26 =	sadd.s32 $0x10, s26;
	s28 =	sadd.s32 $0x10, s28  }
0x68: {  	[tilespmem:s3], [sflag:$0x2] =	stream.linear.gather [hbm4b:s28+s3], $0x80, $0x38;
	[tilespmem:$0x18100] =	vst v63  }
0x69: {  	p1 =	sne.s32 s25, $0x1;
	s25 =	sadd.s32 $0xFFFFFFFF, s25;
	_ =	swait.ge [sflag:s21], $0x80  }
0x6a: {  	[sflag:s21] =	ssyncset.done $0x0  }
0x6b: {  	[sflag:s21] =	ssyncadd.s32 $0xFFFFFF80  }
0x6c: {  	[tilespmem:s22], [sflag:$0x2] =	stream.linear.gather [hbm4b:s26+s3], $0x80, $0x38;
	[tilespmem:$0x18100] =	vst v63  }
0x6d: {  	_ =	swait.ge [sflag:s21], $0x80  }
0x6e: {  	[sflag:s21] =	ssyncset.done $0x0  }
0x6f: {  	[sflag:s21] =	ssyncadd.s32 $0xFFFFFF80  }
0x70: {  	[tilespmem:s20], [sflag:$0x1] =	stream.indirect.gather [hbm4b:s4+s22], $0x80, s3, s22, $0xb8;
	[tilespmem:$0x18100] =	vst v63  }
0x71: {  	_ =	swait.ge [sflag:s23], $0x4000  }
.Ltmp4:
0x72: {  	[sflag:s23] =	ssyncset.done $0x0;
	(pc) =	sbr.rel @p1 .LBB2_3-.Ltmp4, $4  }
0x73: {  	[sflag:s23] =	ssyncadd.s32 $0xFFFFC000  }
0x74: {  	[spmem:s2] =	stream.indirect.scatter.add.f32 [tilespmem:s20], [sflag:$0x2], $0x80, s22, s22, $0xb8;
	[tilespmem:$0x18100] =	vst v63  }
0x75: {  	_ =	swait.ge [sflag:s21], $0x4000  }
0x76: {  	[sflag:s21] =	ssyncset.done $0x0  }
.Ltmp5:
0x77: {  	_ = 	snop;
	(pc) =	sbr.rel .LBB2_4-.Ltmp5, $1  }
0x78: {  	_ =	sdelay $0x3  }
.LBB2_6:
0x79: {  	_ =	sfence.sel $0x180000  }
0x7a: {  	[bflag:$0x0] =	sbarrier.arrive $0xFFFF  }
0x7b: {  	p0 =	sne.s32 s0, $0x0;
	_ =	strace $0x90000047  }
0x7c: {  	s0 =	sadd.s32 @!p0 $0x100000, s1;
	[bflag:$0x2] =	sbarrier.arrive $0xFFFF  }
0x7d: {  	[sflag:s0] =	ssyncadd.tile.s32 @!p0 $0x1;
	_ =	shalt  }
.Lfunc_end2:
_tile_overlayer_lowered:
.L_overlay_start_2:
0x7e: {  	(tag) =	ssettag $0x2  }
0x7f: {  	s0 =	rddreg [dreg:$0x0];
	s2 =	stileid.u32  }
0x80: {  	s1 =	rddreg [dreg:$0x1];
	p0 =	sne.s32 s2, $0x0  }
0x81: {  	s3 =	rddreg [dreg:$0x2];
	[bflag:$0x3] =	sbarrier.arrive $0xFFFF;
	s2 =	simm.s32 @!p0 $0x1C02  }
0x82: {  	[timem:s3], [sflag:s2] =	dma.local @!p0 [hbm:s0], s1  }
0x83: {  	s0 =	simm.s32 @!p0 $0x2  }
0x84: {  	_ =	swait.ge @!p0 [sflag:s0], s1  }
0x85: {  	s1 =	ssub.s32 @!p0 $0x0, s1;
	[sflag:s0] =	ssyncset.done @!p0 $0x0  }
0x86: {  	[sflag:s0] =	ssyncadd.s32 @!p0 s1  }
0x87: {  	[bflag:$0x3] =	sbarrier.arrive $0xFFFF  }
0x88: {  	_ =	shalt  }

// kernel: kernel.16.cloned.1.call-start
scs
__scs_entry_jumppad:
0x0: {  	(pc) =	sbr.rel $0x88, $3  }
0x1: {  	(tag) =	ssettag $0x0;
	lr =	simm.s32 $0x1  }
0x2: {  	[smem:$0x3F7F] =	sst lr;
	_ =	strace $0xD0000000  }
0x3: {  	_ = 	snop  }
0x4: {  	_ = 	snop  }
0x5: {  	_ = 	snop  }
0x6: {  	_ = 	snop  }
0x7: {  	_ = 	snop  }
__scs_overlays_trampoline_lowered:
0x8: {  	[smem:$0x3F8E] =	sst s0  }
0x9: {  	[smem:$0x3F8F] =	sst s1  }
0xa: {  	[smem:$0x3F90] =	sst s2  }
0xb: {  	[smem:$0x3F91] =	sst s3  }
0xc: {  	[smem:$0x3F92] =	sst s4  }
0xd: {  	[smem:$0x3F93] =	sst s5  }
0xe: {  	[smem:$0x3F94] =	sst s6  }
0xf: {  	[smem:$0x3F95] =	sst s7  }
0x10: {  	[smem:$0x3F96] =	sst s8  }
0x11: {  	[smem:$0x3F97] =	sst s9;
	s0 =	simm.s32 @!p0 $0x0  }
0x12: {  	s1 =	sld [smem:$0x3F7D];
	s0 =	simm.s32 @p0 $0x1  }
0x13: {  	[smem:$0x3F98] =	sst s0;
	s0 =	simm.s32 @!p1 $0x0  }
0x14: {  	s2 =	sld [smem:$0x3F7C];
	s0 =	simm.s32 @p1 $0x1  }
0x15: {  	[smem:$0x3F99] =	sst s0;
	s0 =	simm.s32 @!p2 $0x0  }
0x16: {  	s3 =	sld [smem:$0x3FDB];
	s0 =	simm.s32 @p2 $0x1  }
0x17: {  	s4 =	simm.s32 $0x1BF5;
	[smem:$0x3F9B] =	sst s0  }
0x18: {  	s0 =	sld [smem:$0x3F7E];
	_ =	swait.ge [sflag:s4], $0x0  }
0x19: {  	s7 =	sld [smem:$0x3F7F]  }
0x1a: {  	s8 =	sadd.s32 $0xFFFFE003, lr  }
0x1b: {  	s9 =	sadd.s32 $0xFFFFFEF7, lr;
	s5 =	simm.s32 $0xFFFFFFFF;
	p2 =	slt.u32 s8, $0xFFFFF086  }
0x1c: {  	p1 =	slt.u32 s9, $0xF7A;
	s5 =	simm.s32 @!p2 $0x0  }
0x1d: {  	s5 =	simm.s32 @p1 $0x1;
	p0 =	seq.s32 s7, s2  }
0x1e: {  	s7 =	smul.u32 @!p0 $0xF7A, s2;
	p2 =	seq.s32 @!p0 s5, $0x0  }
0x1f: {  	s9 =	smul.u32 $0xF7A, s1;
	s8 =	simm.s32 @!p0 $0x1BF5;
	p2 =	por !p2, p0  }
0x20: {  	[sflag:s8] =	ssyncset.s32 @!p0 $0xFFFFF086;
	s6 =	sadd.s32 @!p0 s3, s7;
	s7 =	simm.s32 @!p0 $0x108  }
0x21: {  	s3 =	sadd.s32 s3, s9;
	s6 =	sadd.s32 @!p0 $0x88, s6;
	s7 =	simm.s32 @p2 $0x1082  }
0x22: {  	[simem:s7], [sflag:s8] =	dma.local @!p0 [hbm:s6], $0xF7A  }
0x23: {  	s9 =	sor.u32 $0xD0000000, s2;
	s6 =	simm.s32 $0x108;
	_ =	swait.ge @!p0 [sflag:s8], $0x0  }
0x24: {  	s3 =	sadd.s32 $0x88, s3;
	s6 =	simm.s32 @!p1 $0x1082;
	[sflag:s4] =	ssyncset.s32 $0xFFFFF086  }
0x25: {  	[simem:s6], [sflag:s4] =	dma.local [hbm:s3], $0xF7A  }
0x26: {  	[smem:$0x3F7F] =	sst s1;
	(tag) =	ssettag s2;
	_ =	strace s9  }
0x27: {  	s1 =	sld [smem:$0x3F8F]  }
0x28: {  	s2 =	sld [smem:$0x3F90]  }
0x29: {  	s4 =	sld [smem:$0x3F92]  }
0x2a: {  	p0 =	seq.s32 s5, $0x0;
	s5 =	sld [smem:$0x3F93]  }
0x2b: {  	s6 =	sld [smem:$0x3F94]  }
0x2c: {  	s7 =	sld [smem:$0x3F95]  }
0x2d: {  	s3 =	simm.s32 $0x108;
	s8 =	sld [smem:$0x3F96]  }
0x2e: {  	s3 =	simm.s32 @!p0 $0x1082;
	s9 =	sld [smem:$0x3F97]  }
0x2f: {  	lr =	sadd.s32 s0, s3;
	s0 =	sld [smem:$0x3F8E]  }
0x30: {  	s3 =	sld [smem:$0x3F91]  }
0x31: {  	[smem:$0x3F9A] =	sst s10  }
0x32: {  	s10 =	sld [smem:$0x3F98];
	_ =	sdelay $0x3  }
0x33: {  	p0 =	seq.s32 s10, $0x1;
	s10 =	sld [smem:$0x3F9A];
	_ =	sdelay $0x3  }
0x34: {  	[smem:$0x3F9A] =	sst s10  }
0x35: {  	s10 =	sld [smem:$0x3F99];
	_ =	sdelay $0x3  }
0x36: {  	p1 =	seq.s32 s10, $0x1;
	s10 =	sld [smem:$0x3F9A];
	_ =	sdelay $0x3  }
0x37: {  	[smem:$0x3F9A] =	sst s10  }
0x38: {  	s10 =	sld [smem:$0x3F9B]  }
0x39: {  	_ = 	snop;
	(pc) =	sbr.ind lr, $3  }
0x3a: {  	_ = 	snop  }
0x3b: {  	_ = 	snop  }
0x3c: {  	p2 =	seq.s32 s10, $0x1;
	s10 =	sld [smem:$0x3F9A]  }
0x3d: {  	_ =	shalt  }
0x3e: {  	_ =	shalt  }
0x3f: {  	_ =	shalt  }
0x40: {  	_ =	shalt  }
0x41: {  	_ =	shalt  }
0x42: {  	_ =	shalt  }
0x43: {  	_ =	shalt  }
0x44: {  	_ =	shalt  }
0x45: {  	_ =	shalt  }
0x46: {  	_ =	shalt  }
0x47: {  	_ =	shalt  }
0x48: {  	_ =	shalt  }
0x49: {  	_ =	shalt  }
0x4a: {  	_ =	shalt  }
0x4b: {  	_ =	shalt  }
0x4c: {  	_ =	shalt  }
0x4d: {  	_ =	shalt  }
0x4e: {  	_ =	shalt  }
0x4f: {  	_ =	shalt  }
0x50: {  	_ =	shalt  }
0x51: {  	_ =	shalt  }
0x52: {  	_ =	shalt  }
0x53: {  	_ =	shalt  }
0x54: {  	_ =	shalt  }
0x55: {  	_ =	shalt  }
0x56: {  	_ =	shalt  }
0x57: {  	_ =	shalt  }
0x58: {  	_ =	shalt  }
0x59: {  	_ =	shalt  }
0x5a: {  	_ =	shalt  }
0x5b: {  	_ =	shalt  }
0x5c: {  	_ =	shalt  }
0x5d: {  	_ =	shalt  }
0x5e: {  	_ =	shalt  }
0x5f: {  	_ =	shalt  }
0x60: {  	_ =	shalt  }
0x61: {  	_ =	shalt  }
0x62: {  	_ =	shalt  }
0x63: {  	_ =	shalt  }
0x64: {  	_ =	shalt  }
0x65: {  	_ =	shalt  }
0x66: {  	_ =	shalt  }
0x67: {  	_ =	shalt  }
0x68: {  	_ =	shalt  }
0x69: {  	_ =	shalt  }
0x6a: {  	_ =	shalt  }
0x6b: {  	_ =	shalt  }
0x6c: {  	_ =	shalt  }
0x6d: {  	_ =	shalt  }
0x6e: {  	_ =	shalt  }
0x6f: {  	_ =	shalt  }
0x70: {  	_ =	shalt  }
0x71: {  	_ =	shalt  }
0x72: {  	_ =	shalt  }
0x73: {  	_ =	shalt  }
0x74: {  	_ =	shalt  }
0x75: {  	_ =	shalt  }
0x76: {  	_ =	shalt  }
0x77: {  	_ =	shalt  }
0x78: {  	_ =	shalt  }
0x79: {  	_ =	shalt  }
0x7a: {  	_ =	shalt  }
0x7b: {  	_ =	shalt  }
0x7c: {  	_ =	shalt  }
0x7d: {  	_ =	shalt  }
0x7e: {  	_ =	shalt  }
0x7f: {  	_ =	shalt  }
0x80: {  	_ =	shalt  }
0x81: {  	_ =	shalt  }
0x82: {  	_ =	shalt  }
0x83: {  	_ =	shalt  }
0x84: {  	_ =	shalt  }
0x85: {  	_ =	shalt  }
0x86: {  	_ =	shalt  }
0x87: {  	_ =	shalt  }
.Lfunc_end0:
.L_simem_size_0:
called_computation.2_lowered:
.L_overlay_start_0:
0x88: {  	s2 =	sld [smem:$0x3FD9]  }
0x89: {  	s3 =	sld [smem:$0x3FFE];
	_ =	sdelay $0x1  }
0x8a: {  	s1 =	srdreg.scid  }
0x8b: {  	s0 =	sand.u32 $0x1, s1  }
0x8c: {  	s14 =	sshll.u32 s0, $0xA;
	s2 =	sadd.s32 s3, s2  }
0x8d: {  	s2 =	sadd.s32 s2, s14  }
0x8e: {  	[smem:$0x3FA6] =	sst s2  }
0x8f: {  	_ = 	snop  }
0x90: {  	s2 =	sld [smem:$0x3FD0];
	_ =	sdelay $0x2  }
0x91: {  	s15 =	simm.s32 $0xB;
	s4 =	simm.s32 $0x10  }
0x92: {  	[smem:s4], [sflag:s15] =	dma.local [hbm:s2], $0x1  }
0x93: {  	_ =	swait.eq [sflag:s15], $0x1  }
0x94: {  	[sflag:s15] =	ssyncset.done $0x0  }
0x95: {  	s16 =	sld [smem:$0x10];
	[sflag:s15] =	ssyncadd.s32 $0xFFFFFFFF  }
0x96: {  	s17 =	sld [smem:$0x11];
	(tm) =	ssettm $0x1  }
0x97: {  	s18 =	sld [smem:$0x3FFB];
	_ =	sdelay $0x3  }
0x98: {  	_ =	strace s18  }
0x99: {  	s4 =	sld [smem:$0x3FFC];
	_ =	sdelay $0x3  }
0x9a: {  	_ =	strace s4  }
0x9b: {  	s4 =	sld [smem:$0x3FFD];
	_ =	sdelay $0x3  }
0x9c: {  	_ =	strace s4  }
0x9d: {  	_ =	strace $0x8FFFFFFF  }
0x9e: {  	s19 =	sld [smem:$0x3FDB];
	_ =	sdelay $0x1  }
0x9f: {  	s5 =	simm.s32 $_scs_section_size  }
0xa0: {  	s6 =	simm.s32 $_size__tile_overlayer_lowered;
	s7 =	simm.s32 $_tile_overlayer_lowered  }
0xa1: {  	s22 =	simm.s32 $0x1BFF;
	s21 =	sshll.u32 s7, $0x1;
	s4 =	sadd.s32 s5, s19  }
0xa2: {  	s8 =	simm.s32 $0x0;
	s20 =	sshll.u32 s6, $0x1;
	s6 =	sadd.s32 s21, s4  }
0xa3: {  	[timem:s8], [sflag:s22] =	dma.local [hbm:s6], s20  }
0xa4: {  	_ =	swait.ge [sflag:s22], s20  }
0xa5: {  	s5 =	ssub.s32 $0x0, s20;
	[sflag:s22] =	ssyncset.done $0x0  }
0xa6: {  	[sflag:s22] =	ssyncadd.s32 s5;
	_ =	sdelay $0x1  }
0xa7: {  	s23 =	simm.s32 $0x1B8B  }
0xa8: {  	_ =	swait.ge [sflag:s23], $0x1  }
0xa9: {  	[sflag:s23] =	ssyncset.done $0x0  }
0xaa: {  	s25 =	simm.s32 $0x1B8E;
	s24 =	sld [smem:$0x3FFE];
	[sflag:s23] =	ssyncadd.s32 $0xFFFFFFFF  }
0xab: {  	s26 =	simm.s32 $execute0_lowered;
	[smem:$0x3FD2] =	sst s25  }
0xac: {  	s6 =	sshll.u32 s26, $0x1;
	_ =	strace $0x8000004C;
	[dreg:$0x1] =	wrdreg $0xFFFFFFFF  }
0xad: {  	s28 =	simm.s32 $_size_execute0_lowered;
	s4 =	sadd.s32 s4, s6;
	[dreg:$0x0] =	wrdreg $0x0  }
0xae: {  	s6 =	sshll.u32 s28, $0x1;
	[dreg:$0x2] =	wrdreg s4  }
0xaf: {  	[dreg:$0x3] =	wrdreg s6  }
0xb0: {  	[dreg:$0x4] =	wrdreg $0xC0  }
0xb1: {  	_ =	task [dreg:s8], $0x5FFFF  }
0xb2: {  	[dreg:$0x1] =	wrdreg $0xFFFFFFFF  }
0xb3: {  	[dreg:$0x0] =	wrdreg $0x60  }
0xb4: {  	[dreg:$0x2] =	wrdreg s17  }
0xb5: {  	[dreg:$0x3] =	wrdreg s16  }
0xb6: {  	[dreg:$0x4] =	wrdreg s24  }
0xb7: {  	[dreg:$0x5] =	wrdreg $0x41000  }
0xb8: {  	[dreg:$0x6] =	wrdreg $0x9  }
0xb9: {  	_ =	task.clear_ibuf [dreg:s8], $0x7FFFF;
	_ =	strace $0x9000004C  }
0xba: {  	s29 =	simm.s32 $0x9;
	_ =	strace $0x8000004E  }
0xbb: {  	_ =	swait.ge [sflag:s29], $0x1  }
0xbc: {  	[sflag:s29] =	ssyncadd.s32 $0xFFFFFFFF  }
0xbd: {  	_ =	strace $0x9000004E  }
0xbe: {  	_ =	sfence  }
0xbf: {  	s30 =	sld [smem:$0x0];
	_ =	sdelay $0x2  }
0xc0: {  	s31 =	sshll.u32 s1, $0xD;
	s1 =	sshrl.u32 s1, $0x2  }
0xc1: {  	s3 =	sand.u32 $0x4000, s31;
	s1 =	sadd.s32 s1, s30  }
0xc2: {  	s0 =	sor.u32 s3, s0;
	s1 =	sshll.u32 s1, $0x11  }
0xc3: {  	s0 =	sor.u32 s1, s0  }
0xc4: {  	s0 =	sadd.s32 $0x8F2B, s0  }
0xc5: {  	[sflag:s0] =	ssyncadd.remote.s32 $0x1  }
0xc6: {  	_ =	sfence.sel $0xFFFF  }
0xc7: {  	[dreg:$0x0] =	wrdreg $0xFFFFFFFF;
	(pc) =	sbr.abs _section_cstart, $3  }
0xc8: {  	[dreg:$0x1] =	wrdreg $0xFFFFFFFF  }
0xc9: {  	_ =	task.clear_ibuf [dreg:s8], $0x2FFFF;
	_ =	strace $0x9FFFFFFF  }
0xca: {  	(tm) =	ssettm $0x7FFFFFFF  }
0xcb: {  	_ =	shalt  }
tec
execute0_lowered:
.L_overlay_start_1:
0x0: {  	(tag) =	ssettag $0x1  }
0x1: {  	s17 =	rddreg [dreg:$0x0]  }
0x2: {  	s18 =	rddreg [dreg:$0x1]  }
0x3: {  	s6 =	rddreg [dreg:$0x2]  }
0x4: {  	s1 =	srdreg.scid;
	s0 =	stileid.u32  }
0x5: {  	s2 =	rddreg [dreg:$0x3];
	s4 =	smul.u32 $0x280, s0  }
0x6: {  	s3 =	simm.s32 $0x0;
	s23 =	simm.s32 $0x1;
	s8 =	smul.u32 $0x50000, s0  }
0x7: {  	s14 =	sand.u32 $0x1, s1;
	s1 =	rddreg [dreg:$0x4];
	s19 =	smul.u32 $0x4E2, s0  }
0x8: {  	s24 =	simm.s32 $0x0;
	[smem:$0x7FF] =	sst s3;
	s5 =	smul.u32 $0x2800, s14  }
0x9: {  	_ =	strace $0x8000004D;
	s29 =	ssub.s32 $0x2, s14;
	s22 =	smul.u32 $0x5000, s14  }
0xa: {  	s30 =	sshrl.u32 s8, $0x2;
	s31 =	sshrl.u32 s29, $0x1;
	s11 =	sadd.s32 $0x4E2, s19  }
0xb: {  	s20 =	sshrl.u32 s19, $0x4;
	s19 =	sand.u32 $0x7FF0, s19;
	s7 =	sadd.s32 s4, s5  }
0xc: {  	s4 =	sadd.s32 $0xCDC00, s6;
	s5 =	sadd.s32 $0xA5C00, s6;
	s16 =	ssub.s32 s29, s31  }
0xd: {  	s21 =	sshrl.u32 s11, $0x4;
	s18 =	sadd.s32 s22, s18;
	s22 =	sadd.s32 s22, s17  }
0xe: {  	s7 =	sshll.u32 s7, $0x4;
	s16 =	smax.u32 s16, $0x1;
	s17 =	ssub.s32 s21, s20  }
0xf: {  	s18 =	sadd.s32 s19, s18;
	s19 =	sadd.s32 s19, s22;
	p0 =	sle.u32 s21, s20  }
.Ltmp0:
0x10: {  	s20 =	simm.s32 $0x100;
	s21 =	simm.s32 $0x2;
	(pc) =	sbr.rel .LBB2_1-.Ltmp0, $4  }
0x11: {  	s22 =	simm.s32 $0x80;
	s15 =	sadd.s32 s7, s6;
	s6 =	sadd.s32 s30, s2  }
0x12: {  	s7 =	sadd.s32 $0x4000, s6;
	s8 =	sadd.s32 $0x8000, s6;
	s9 =	sadd.s32 $0xC000, s6  }
0x13: {  	s10 =	sadd.s32 $0x10000, s6;
	s11 =	sadd.s32 $0x55C00, s15;
	s12 =	sadd.s32 $0x56400, s15  }
0x14: {  	s13 =	sadd.s32 $0x56C00, s15;
	s14 =	sadd.s32 $0x57400, s15;
	s15 =	sadd.s32 $0x57C00, s15  }
.LBB2_4:
0x15: {  	[sflag:s21] =	ssyncadd.s32 $0xFFFFC000  }
.LBB2_5:
0x16: {  	[bflag:$0x0] =	sbarrier.arrive $0xFFFF  }
0x17: {  	[tilespmem:s20], [sflag:$0x2] =	stream.linear.gather [spmem:s6], $0x4000, $0x38;
	[tilespmem:$0x18100] =	vst v63  }
0x18: {  	_ =	swait.ge [sflag:s21], $0x4000  }
0x19: {  	[sflag:s21] =	ssyncset.done $0x0  }
0x1a: {  	[sflag:s21] =	ssyncadd.s32 $0xFFFFC000  }
0x1b: {  	[hbm4b:s11+s3] =	stream.linear.scatter [tilespmem:s20], [sflag:$0x2], $0x4000, $0x38;
	[tilespmem:$0x18100] =	vst v63  }
0x1c: {  	_ =	swait.ge [sflag:s21], $0x4000  }
0x1d: {  	[sflag:s21] =	ssyncset.done $0x0  }
0x1e: {  	[sflag:s21] =	ssyncadd.s32 $0xFFFFC000  }
0x1f: {  	[tilespmem:s20], [sflag:$0x2] =	stream.linear.gather [spmem:s7], $0x4000, $0x38;
	[tilespmem:$0x18100] =	vst v63  }
0x20: {  	_ =	swait.ge [sflag:s21], $0x4000  }
0x21: {  	[sflag:s21] =	ssyncset.done $0x0  }
0x22: {  	[sflag:s21] =	ssyncadd.s32 $0xFFFFC000  }
0x23: {  	[hbm4b:s12+s3] =	stream.linear.scatter [tilespmem:s20], [sflag:$0x2], $0x4000, $0x38;
	[tilespmem:$0x18100] =	vst v63  }
0x24: {  	_ =	swait.ge [sflag:s21], $0x4000  }
0x25: {  	[sflag:s21] =	ssyncset.done $0x0  }
0x26: {  	[sflag:s21] =	ssyncadd.s32 $0xFFFFC000  }
0x27: {  	[tilespmem:s20], [sflag:$0x2] =	stream.linear.gather [spmem:s8], $0x4000, $0x38;
	[tilespmem:$0x18100] =	vst v63  }
0x28: {  	_ =	swait.ge [sflag:s21], $0x4000  }
0x29: {  	[sflag:s21] =	ssyncset.done $0x0  }
0x2a: {  	[sflag:s21] =	ssyncadd.s32 $0xFFFFC000  }
0x2b: {  	[hbm4b:s13+s3] =	stream.linear.scatter [tilespmem:s20], [sflag:$0x2], $0x4000, $0x38;
	[tilespmem:$0x18100] =	vst v63  }
0x2c: {  	_ =	swait.ge [sflag:s21], $0x4000  }
0x2d: {  	[sflag:s21] =	ssyncset.done $0x0  }
0x2e: {  	[sflag:s21] =	ssyncadd.s32 $0xFFFFC000  }
0x2f: {  	[tilespmem:s20], [sflag:$0x2] =	stream.linear.gather [spmem:s9], $0x4000, $0x38;
	[tilespmem:$0x18100] =	vst v63  }
0x30: {  	_ =	swait.ge [sflag:s21], $0x4000  }
0x31: {  	[sflag:s21] =	ssyncset.done $0x0  }
0x32: {  	[sflag:s21] =	ssyncadd.s32 $0xFFFFC000  }
0x33: {  	[hbm4b:s14+s3] =	stream.linear.scatter [tilespmem:s20], [sflag:$0x2], $0x4000, $0x38;
	[tilespmem:$0x18100] =	vst v63  }
0x34: {  	_ =	swait.ge [sflag:s21], $0x4000  }
0x35: {  	[sflag:s21] =	ssyncset.done $0x0  }
0x36: {  	[sflag:s21] =	ssyncadd.s32 $0xFFFFC000  }
0x37: {  	[tilespmem:s20], [sflag:$0x2] =	stream.linear.gather [spmem:s10], $0x4000, $0x38;
	[tilespmem:$0x18100] =	vst v63  }
0x38: {  	s24 =	sadd.s32 $0x1, s24;
	_ =	swait.ge [sflag:s21], $0x4000  }
0x39: {  	p1 =	sne.s32 s24, s16;
	[sflag:s21] =	ssyncset.done $0x0  }
.Ltmp1:
0x3a: {  	[sflag:s21] =	ssyncadd.s32 $0xFFFFC000;
	(pc) =	sbr.rel @!p1 .LBB2_6-.Ltmp1, $4  }
0x3b: {  	[hbm4b:s15+s3] =	stream.linear.scatter [tilespmem:s20], [sflag:$0x2], $0x4000, $0x38;
	[tilespmem:$0x18100] =	vst v63  }
0x3c: {  	_ =	swait.ge [sflag:s21], $0x4000  }
0x3d: {  	[sflag:s21] =	ssyncset.done $0x0  }
0x3e: {  	[sflag:s21] =	ssyncadd.s32 $0xFFFFC000  }
.LBB2_1:
0x3f: {  	[tilespmem:s20], [sflag:$0x2] =	stream.linear.gather [hbm4b:s5+s3], $0x4000, $0x38;
	[tilespmem:$0x18100] =	vst v63  }
0x40: {  	_ =	swait.ge [sflag:s21], $0x4000  }
0x41: {  	[sflag:s21] =	ssyncset.done $0x0  }
0x42: {  	[sflag:s21] =	ssyncadd.s32 $0xFFFFC000  }
0x43: {  	[spmem:s6] =	stream.linear.scatter [tilespmem:s20], [sflag:$0x2], $0x4000, $0x38;
	[tilespmem:$0x18100] =	vst v63  }
0x44: {  	_ =	swait.ge [sflag:s21], $0x4000  }
0x45: {  	[sflag:s21] =	ssyncset.done $0x0  }
0x46: {  	[sflag:s21] =	ssyncadd.s32 $0xFFFFC000  }
0x47: {  	[spmem:s7] =	stream.linear.scatter [tilespmem:s20], [sflag:$0x2], $0x4000, $0x38;
	[tilespmem:$0x18100] =	vst v63  }
0x48: {  	_ =	swait.ge [sflag:s21], $0x4000  }
0x49: {  	[sflag:s21] =	ssyncset.done $0x0  }
0x4a: {  	[sflag:s21] =	ssyncadd.s32 $0xFFFFC000  }
0x4b: {  	[spmem:s8] =	stream.linear.scatter [tilespmem:s20], [sflag:$0x2], $0x4000, $0x38;
	[tilespmem:$0x18100] =	vst v63  }
0x4c: {  	_ =	swait.ge [sflag:s21], $0x4000  }
0x4d: {  	[sflag:s21] =	ssyncset.done $0x0  }
0x4e: {  	[sflag:s21] =	ssyncadd.s32 $0xFFFFC000  }
0x4f: {  	[spmem:s9] =	stream.linear.scatter [tilespmem:s20], [sflag:$0x2], $0x4000, $0x38;
	[tilespmem:$0x18100] =	vst v63  }
0x50: {  	_ =	swait.ge [sflag:s21], $0x4000  }
0x51: {  	[sflag:s21] =	ssyncset.done $0x0  }
0x52: {  	[sflag:s21] =	ssyncadd.s32 $0xFFFFC000  }
0x53: {  	[spmem:s10] =	stream.linear.scatter [tilespmem:s20], [sflag:$0x2], $0x4000, $0x38;
	[tilespmem:$0x18100] =	vst v63  }
.Ltmp2:
0x54: {  	_ =	swait.ge [sflag:s21], $0x4000;
	(pc) =	sbr.rel @p0 .LBB2_5-.Ltmp2, $3  }
0x55: {  	[sflag:s21] =	ssyncset.done $0x0  }
0x56: {  	[sflag:s21] =	ssyncadd.s32 $0xFFFFC000  }
0x57: {  	[bflag:$0x0] =	sbarrier.arrive $0xFFFF;
	_ =	sdelay $0x1  }
0x58: {  	[tilespmem:s3], [sflag:$0x2] =	stream.linear.gather [hbm4b:s19+s3], $0x80, $0x38;
	[tilespmem:$0x18100] =	vst v63  }
0x59: {  	_ =	swait.ge [sflag:s21], $0x80  }
0x5a: {  	[sflag:s21] =	ssyncset.done $0x0  }
0x5b: {  	[sflag:s21] =	ssyncadd.s32 $0xFFFFFF80  }
0x5c: {  	[tilespmem:s22], [sflag:$0x2] =	stream.linear.gather [hbm4b:s18+s3], $0x80, $0x38;
	[tilespmem:$0x18100] =	vst v63  }
0x5d: {  	_ =	swait.ge [sflag:s21], $0x80  }
0x5e: {  	[sflag:s21] =	ssyncset.done $0x0  }
0x5f: {  	[sflag:s21] =	ssyncadd.s32 $0xFFFFFF80  }
0x60: {  	[tilespmem:s20], [sflag:$0x1] =	stream.indirect.gather [hbm4b:s4+s22], $0x80, s3, s22, $0xb8;
	[tilespmem:$0x18100] =	vst v63  }
0x61: {  	p1 =	sne.s32 s17, $0x1;
	_ =	swait.ge [sflag:s23], $0x4000  }
.Ltmp3:
0x62: {  	[sflag:s23] =	ssyncset.done $0x0;
	(pc) =	sbr.rel @!p1 .LBB2_4-.Ltmp3, $4  }
0x63: {  	[sflag:s23] =	ssyncadd.s32 $0xFFFFC000  }
0x64: {  	[spmem:s2] =	stream.indirect.scatter.add.f32 [tilespmem:s20], [sflag:$0x2], $0x80, s22, s22, $0xb8;
	[tilespmem:$0x18100] =	vst v63  }
0x65: {  	s25 =	sadd.s32 $0xFFFFFFFF, s17;
	_ =	swait.ge [sflag:s21], $0x4000  }
0x66: {  	s26 =	smov.u32 s18;
	s28 =	smov.u32 s19;
	[sflag:s21] =	ssyncset.done $0x0  }
.LBB2_3:
0x67: {  	[sflag:s21] =	ssyncadd.s32 $0xFFFFC000;
	s26 =	sadd.s32 $0x10, s26;
	s28 =	sadd.s32 $0x10, s28  }
0x68: {  	[tilespmem:s3], [sflag:$0x2] =	stream.linear.gather [hbm4b:s28+s3], $0x80, $0x38;
	[tilespmem:$0x18100] =	vst v63  }
0x69: {  	p1 =	sne.s32 s25, $0x1;
	s25 =	sadd.s32 $0xFFFFFFFF, s25;
	_ =	swait.ge [sflag:s21], $0x80  }
0x6a: {  	[sflag:s21] =	ssyncset.done $0x0  }
0x6b: {  	[sflag:s21] =	ssyncadd.s32 $0xFFFFFF80  }
0x6c: {  	[tilespmem:s22], [sflag:$0x2] =	stream.linear.gather [hbm4b:s26+s3], $0x80, $0x38;
	[tilespmem:$0x18100] =	vst v63  }
0x6d: {  	_ =	swait.ge [sflag:s21], $0x80  }
0x6e: {  	[sflag:s21] =	ssyncset.done $0x0  }
0x6f: {  	[sflag:s21] =	ssyncadd.s32 $0xFFFFFF80  }
0x70: {  	[tilespmem:s20], [sflag:$0x1] =	stream.indirect.gather [hbm4b:s4+s22], $0x80, s3, s22, $0xb8;
	[tilespmem:$0x18100] =	vst v63  }
0x71: {  	_ =	swait.ge [sflag:s23], $0x4000  }
.Ltmp4:
0x72: {  	[sflag:s23] =	ssyncset.done $0x0;
	(pc) =	sbr.rel @p1 .LBB2_3-.Ltmp4, $4  }
0x73: {  	[sflag:s23] =	ssyncadd.s32 $0xFFFFC000  }
0x74: {  	[spmem:s2] =	stream.indirect.scatter.add.f32 [tilespmem:s20], [sflag:$0x2], $0x80, s22, s22, $0xb8;
	[tilespmem:$0x18100] =	vst v63  }
0x75: {  	_ =	swait.ge [sflag:s21], $0x4000  }
0x76: {  	[sflag:s21] =	ssyncset.done $0x0  }
.Ltmp5:
0x77: {  	_ = 	snop;
	(pc) =	sbr.rel .LBB2_4-.Ltmp5, $1  }
0x78: {  	_ =	sdelay $0x3  }
.LBB2_6:
0x79: {  	_ =	sfence.sel $0x180000  }
0x7a: {  	[bflag:$0x0] =	sbarrier.arrive $0xFFFF  }
0x7b: {  	p0 =	sne.s32 s0, $0x0;
	_ =	strace $0x9000004D  }
0x7c: {  	s0 =	sadd.s32 @!p0 $0x100000, s1;
	[bflag:$0x2] =	sbarrier.arrive $0xFFFF  }
0x7d: {  	[sflag:s0] =	ssyncadd.tile.s32 @!p0 $0x1;
	_ =	shalt  }
.Lfunc_end2:
_tile_overlayer_lowered:
.L_overlay_start_2:
0x7e: {  	(tag) =	ssettag $0x2  }
0x7f: {  	s0 =	rddreg [dreg:$0x0];
	s2 =	stileid.u32  }
0x80: {  	s1 =	rddreg [dreg:$0x1];
	p0 =	sne.s32 s2, $0x0  }
0x81: {  	s3 =	rddreg [dreg:$0x2];
	[bflag:$0x3] =	sbarrier.arrive $0xFFFF;
	s2 =	simm.s32 @!p0 $0x1C02  }
0x82: {  	[timem:s3], [sflag:s2] =	dma.local @!p0 [hbm:s0], s1  }
0x83: {  	s0 =	simm.s32 @!p0 $0x2  }
0x84: {  	_ =	swait.ge @!p0 [sflag:s0], s1  }
0x85: {  	s1 =	ssub.s32 @!p0 $0x0, s1;
	[sflag:s0] =	ssyncset.done @!p0 $0x0  }
0x86: {  	[sflag:s0] =	ssyncadd.s32 @!p0 s1  }
0x87: {  	[bflag:$0x3] =	sbarrier.arrive $0xFFFF  }
0x88: {  	_ =	shalt  }

// kernel: kernel.19.cloned.1.call-start
scs
__scs_entry_jumppad:
0x0: {  	(pc) =	sbr.rel $0x88, $3  }
0x1: {  	(tag) =	ssettag $0x0;
	lr =	simm.s32 $0x1  }
0x2: {  	[smem:$0x3F7F] =	sst lr;
	_ =	strace $0xD0000000  }
0x3: {  	_ = 	snop  }
0x4: {  	_ = 	snop  }
0x5: {  	_ = 	snop  }
0x6: {  	_ = 	snop  }
0x7: {  	_ = 	snop  }
__scs_overlays_trampoline_lowered:
0x8: {  	[smem:$0x3F8E] =	sst s0  }
0x9: {  	[smem:$0x3F8F] =	sst s1  }
0xa: {  	[smem:$0x3F90] =	sst s2  }
0xb: {  	[smem:$0x3F91] =	sst s3  }
0xc: {  	[smem:$0x3F92] =	sst s4  }
0xd: {  	[smem:$0x3F93] =	sst s5  }
0xe: {  	[smem:$0x3F94] =	sst s6  }
0xf: {  	[smem:$0x3F95] =	sst s7  }
0x10: {  	[smem:$0x3F96] =	sst s8  }
0x11: {  	[smem:$0x3F97] =	sst s9;
	s0 =	simm.s32 @!p0 $0x0  }
0x12: {  	s1 =	sld [smem:$0x3F7D];
	s0 =	simm.s32 @p0 $0x1  }
0x13: {  	[smem:$0x3F98] =	sst s0;
	s0 =	simm.s32 @!p1 $0x0  }
0x14: {  	s2 =	sld [smem:$0x3F7C];
	s0 =	simm.s32 @p1 $0x1  }
0x15: {  	[smem:$0x3F99] =	sst s0;
	s0 =	simm.s32 @!p2 $0x0  }
0x16: {  	s3 =	sld [smem:$0x3FDB];
	s0 =	simm.s32 @p2 $0x1  }
0x17: {  	s4 =	simm.s32 $0x1BF5;
	[smem:$0x3F9B] =	sst s0  }
0x18: {  	s0 =	sld [smem:$0x3F7E];
	_ =	swait.ge [sflag:s4], $0x0  }
0x19: {  	s7 =	sld [smem:$0x3F7F]  }
0x1a: {  	s8 =	sadd.s32 $0xFFFFE003, lr  }
0x1b: {  	s9 =	sadd.s32 $0xFFFFFEF7, lr;
	s5 =	simm.s32 $0xFFFFFFFF;
	p2 =	slt.u32 s8, $0xFFFFF086  }
0x1c: {  	p1 =	slt.u32 s9, $0xF7A;
	s5 =	simm.s32 @!p2 $0x0  }
0x1d: {  	s5 =	simm.s32 @p1 $0x1;
	p0 =	seq.s32 s7, s2  }
0x1e: {  	s7 =	smul.u32 @!p0 $0xF7A, s2;
	p2 =	seq.s32 @!p0 s5, $0x0  }
0x1f: {  	s9 =	smul.u32 $0xF7A, s1;
	s8 =	simm.s32 @!p0 $0x1BF5;
	p2 =	por !p2, p0  }
0x20: {  	[sflag:s8] =	ssyncset.s32 @!p0 $0xFFFFF086;
	s6 =	sadd.s32 @!p0 s3, s7;
	s7 =	simm.s32 @!p0 $0x108  }
0x21: {  	s3 =	sadd.s32 s3, s9;
	s6 =	sadd.s32 @!p0 $0x88, s6;
	s7 =	simm.s32 @p2 $0x1082  }
0x22: {  	[simem:s7], [sflag:s8] =	dma.local @!p0 [hbm:s6], $0xF7A  }
0x23: {  	s9 =	sor.u32 $0xD0000000, s2;
	s6 =	simm.s32 $0x108;
	_ =	swait.ge @!p0 [sflag:s8], $0x0  }
0x24: {  	s3 =	sadd.s32 $0x88, s3;
	s6 =	simm.s32 @!p1 $0x1082;
	[sflag:s4] =	ssyncset.s32 $0xFFFFF086  }
0x25: {  	[simem:s6], [sflag:s4] =	dma.local [hbm:s3], $0xF7A  }
0x26: {  	[smem:$0x3F7F] =	sst s1;
	(tag) =	ssettag s2;
	_ =	strace s9  }
0x27: {  	s1 =	sld [smem:$0x3F8F]  }
0x28: {  	s2 =	sld [smem:$0x3F90]  }
0x29: {  	s4 =	sld [smem:$0x3F92]  }
0x2a: {  	p0 =	seq.s32 s5, $0x0;
	s5 =	sld [smem:$0x3F93]  }
0x2b: {  	s6 =	sld [smem:$0x3F94]  }
0x2c: {  	s7 =	sld [smem:$0x3F95]  }
0x2d: {  	s3 =	simm.s32 $0x108;
	s8 =	sld [smem:$0x3F96]  }
0x2e: {  	s3 =	simm.s32 @!p0 $0x1082;
	s9 =	sld [smem:$0x3F97]  }
0x2f: {  	lr =	sadd.s32 s0, s3;
	s0 =	sld [smem:$0x3F8E]  }
0x30: {  	s3 =	sld [smem:$0x3F91]  }
0x31: {  	[smem:$0x3F9A] =	sst s10  }
0x32: {  	s10 =	sld [smem:$0x3F98];
	_ =	sdelay $0x3  }
0x33: {  	p0 =	seq.s32 s10, $0x1;
	s10 =	sld [smem:$0x3F9A];
	_ =	sdelay $0x3  }
0x34: {  	[smem:$0x3F9A] =	sst s10  }
0x35: {  	s10 =	sld [smem:$0x3F99];
	_ =	sdelay $0x3  }
0x36: {  	p1 =	seq.s32 s10, $0x1;
	s10 =	sld [smem:$0x3F9A];
	_ =	sdelay $0x3  }
0x37: {  	[smem:$0x3F9A] =	sst s10  }
0x38: {  	s10 =	sld [smem:$0x3F9B]  }
0x39: {  	_ = 	snop;
	(pc) =	sbr.ind lr, $3  }
0x3a: {  	_ = 	snop  }
0x3b: {  	_ = 	snop  }
0x3c: {  	p2 =	seq.s32 s10, $0x1;
	s10 =	sld [smem:$0x3F9A]  }
0x3d: {  	_ =	shalt  }
0x3e: {  	_ =	shalt  }
0x3f: {  	_ =	shalt  }
0x40: {  	_ =	shalt  }
0x41: {  	_ =	shalt  }
0x42: {  	_ =	shalt  }
0x43: {  	_ =	shalt  }
0x44: {  	_ =	shalt  }
0x45: {  	_ =	shalt  }
0x46: {  	_ =	shalt  }
0x47: {  	_ =	shalt  }
0x48: {  	_ =	shalt  }
0x49: {  	_ =	shalt  }
0x4a: {  	_ =	shalt  }
0x4b: {  	_ =	shalt  }
0x4c: {  	_ =	shalt  }
0x4d: {  	_ =	shalt  }
0x4e: {  	_ =	shalt  }
0x4f: {  	_ =	shalt  }
0x50: {  	_ =	shalt  }
0x51: {  	_ =	shalt  }
0x52: {  	_ =	shalt  }
0x53: {  	_ =	shalt  }
0x54: {  	_ =	shalt  }
0x55: {  	_ =	shalt  }
0x56: {  	_ =	shalt  }
0x57: {  	_ =	shalt  }
0x58: {  	_ =	shalt  }
0x59: {  	_ =	shalt  }
0x5a: {  	_ =	shalt  }
0x5b: {  	_ =	shalt  }
0x5c: {  	_ =	shalt  }
0x5d: {  	_ =	shalt  }
0x5e: {  	_ =	shalt  }
0x5f: {  	_ =	shalt  }
0x60: {  	_ =	shalt  }
0x61: {  	_ =	shalt  }
0x62: {  	_ =	shalt  }
0x63: {  	_ =	shalt  }
0x64: {  	_ =	shalt  }
0x65: {  	_ =	shalt  }
0x66: {  	_ =	shalt  }
0x67: {  	_ =	shalt  }
0x68: {  	_ =	shalt  }
0x69: {  	_ =	shalt  }
0x6a: {  	_ =	shalt  }
0x6b: {  	_ =	shalt  }
0x6c: {  	_ =	shalt  }
0x6d: {  	_ =	shalt  }
0x6e: {  	_ =	shalt  }
0x6f: {  	_ =	shalt  }
0x70: {  	_ =	shalt  }
0x71: {  	_ =	shalt  }
0x72: {  	_ =	shalt  }
0x73: {  	_ =	shalt  }
0x74: {  	_ =	shalt  }
0x75: {  	_ =	shalt  }
0x76: {  	_ =	shalt  }
0x77: {  	_ =	shalt  }
0x78: {  	_ =	shalt  }
0x79: {  	_ =	shalt  }
0x7a: {  	_ =	shalt  }
0x7b: {  	_ =	shalt  }
0x7c: {  	_ =	shalt  }
0x7d: {  	_ =	shalt  }
0x7e: {  	_ =	shalt  }
0x7f: {  	_ =	shalt  }
0x80: {  	_ =	shalt  }
0x81: {  	_ =	shalt  }
0x82: {  	_ =	shalt  }
0x83: {  	_ =	shalt  }
0x84: {  	_ =	shalt  }
0x85: {  	_ =	shalt  }
0x86: {  	_ =	shalt  }
0x87: {  	_ =	shalt  }
.Lfunc_end0:
.L_simem_size_0:
called_computation.3_lowered:
.L_overlay_start_0:
0x88: {  	s2 =	sld [smem:$0x3FD9]  }
0x89: {  	s3 =	sld [smem:$0x3FFE];
	_ =	sdelay $0x1  }
0x8a: {  	s1 =	srdreg.scid  }
0x8b: {  	s0 =	sand.u32 $0x1, s1  }
0x8c: {  	s14 =	sshll.u32 s0, $0xA;
	s2 =	sadd.s32 s3, s2  }
0x8d: {  	s2 =	sadd.s32 s2, s14  }
0x8e: {  	[smem:$0x3FA6] =	sst s2  }
0x8f: {  	_ = 	snop  }
0x90: {  	s2 =	sld [smem:$0x3FD0];
	_ =	sdelay $0x2  }
0x91: {  	s15 =	simm.s32 $0xB;
	s4 =	simm.s32 $0x10  }
0x92: {  	[smem:s4], [sflag:s15] =	dma.local [hbm:s2], $0x1  }
0x93: {  	_ =	swait.eq [sflag:s15], $0x1  }
0x94: {  	[sflag:s15] =	ssyncset.done $0x0  }
0x95: {  	s16 =	sld [smem:$0x10];
	[sflag:s15] =	ssyncadd.s32 $0xFFFFFFFF  }
0x96: {  	s17 =	sld [smem:$0x11];
	(tm) =	ssettm $0x1  }
0x97: {  	s18 =	sld [smem:$0x3FFB];
	_ =	sdelay $0x3  }
0x98: {  	_ =	strace s18  }
0x99: {  	s4 =	sld [smem:$0x3FFC];
	_ =	sdelay $0x3  }
0x9a: {  	_ =	strace s4  }
0x9b: {  	s4 =	sld [smem:$0x3FFD];
	_ =	sdelay $0x3  }
0x9c: {  	_ =	strace s4  }
0x9d: {  	_ =	strace $0x8FFFFFFF  }
0x9e: {  	s19 =	sld [smem:$0x3FDB];
	_ =	sdelay $0x1  }
0x9f: {  	s5 =	simm.s32 $_scs_section_size  }
0xa0: {  	s6 =	simm.s32 $_size__tile_overlayer_lowered;
	s7 =	simm.s32 $_tile_overlayer_lowered  }
0xa1: {  	s22 =	simm.s32 $0x1BFF;
	s21 =	sshll.u32 s7, $0x1;
	s4 =	sadd.s32 s5, s19  }
0xa2: {  	s8 =	simm.s32 $0x0;
	s20 =	sshll.u32 s6, $0x1;
	s6 =	sadd.s32 s21, s4  }
0xa3: {  	[timem:s8], [sflag:s22] =	dma.local [hbm:s6], s20  }
0xa4: {  	_ =	swait.ge [sflag:s22], s20  }
0xa5: {  	s5 =	ssub.s32 $0x0, s20;
	[sflag:s22] =	ssyncset.done $0x0  }
0xa6: {  	[sflag:s22] =	ssyncadd.s32 s5;
	_ =	sdelay $0x1  }
0xa7: {  	s23 =	simm.s32 $0x1B8B  }
0xa8: {  	_ =	swait.ge [sflag:s23], $0x1  }
0xa9: {  	[sflag:s23] =	ssyncset.done $0x0  }
0xaa: {  	s25 =	simm.s32 $0x1B8E;
	s24 =	sld [smem:$0x3FFE];
	[sflag:s23] =	ssyncadd.s32 $0xFFFFFFFF  }
0xab: {  	s26 =	simm.s32 $execute0_lowered;
	[smem:$0x3FD2] =	sst s25  }
0xac: {  	s6 =	sshll.u32 s26, $0x1;
	_ =	strace $0x8000004F;
	[dreg:$0x1] =	wrdreg $0xFFFFFFFF  }
0xad: {  	s28 =	simm.s32 $_size_execute0_lowered;
	s4 =	sadd.s32 s4, s6;
	[dreg:$0x0] =	wrdreg $0x0  }
0xae: {  	s6 =	sshll.u32 s28, $0x1;
	[dreg:$0x2] =	wrdreg s4  }
0xaf: {  	[dreg:$0x3] =	wrdreg s6  }
0xb0: {  	[dreg:$0x4] =	wrdreg $0xC0  }
0xb1: {  	_ =	task [dreg:s8], $0x5FFFF  }
0xb2: {  	[dreg:$0x1] =	wrdreg $0xFFFFFFFF  }
0xb3: {  	[dreg:$0x0] =	wrdreg $0x60  }
0xb4: {  	[dreg:$0x2] =	wrdreg s17  }
0xb5: {  	[dreg:$0x3] =	wrdreg s16  }
0xb6: {  	[dreg:$0x4] =	wrdreg s24  }
0xb7: {  	[dreg:$0x5] =	wrdreg $0x41000  }
0xb8: {  	[dreg:$0x6] =	wrdreg $0x9  }
0xb9: {  	_ =	task.clear_ibuf [dreg:s8], $0x7FFFF;
	_ =	strace $0x9000004F  }
0xba: {  	s29 =	simm.s32 $0x9;
	_ =	strace $0x80000051  }
0xbb: {  	_ =	swait.ge [sflag:s29], $0x1  }
0xbc: {  	[sflag:s29] =	ssyncadd.s32 $0xFFFFFFFF  }
0xbd: {  	_ =	strace $0x90000051  }
0xbe: {  	_ =	sfence  }
0xbf: {  	s30 =	sld [smem:$0x0];
	_ =	sdelay $0x2  }
0xc0: {  	s31 =	sshll.u32 s1, $0xD;
	s1 =	sshrl.u32 s1, $0x2  }
0xc1: {  	s3 =	sand.u32 $0x4000, s31;
	s1 =	sadd.s32 s1, s30  }
0xc2: {  	s0 =	sor.u32 s3, s0;
	s1 =	sshll.u32 s1, $0x11  }
0xc3: {  	s0 =	sor.u32 s1, s0  }
0xc4: {  	s0 =	sadd.s32 $0x8F2B, s0  }
0xc5: {  	[sflag:s0] =	ssyncadd.remote.s32 $0x1  }
0xc6: {  	_ =	sfence.sel $0xFFFF  }
0xc7: {  	[dreg:$0x0] =	wrdreg $0xFFFFFFFF;
	(pc) =	sbr.abs _section_cstart, $3  }
0xc8: {  	[dreg:$0x1] =	wrdreg $0xFFFFFFFF  }
0xc9: {  	_ =	task.clear_ibuf [dreg:s8], $0x2FFFF;
	_ =	strace $0x9FFFFFFF  }
0xca: {  	(tm) =	ssettm $0x7FFFFFFF  }
0xcb: {  	_ =	shalt  }
tec
execute0_lowered:
.L_overlay_start_1:
0x0: {  	(tag) =	ssettag $0x1  }
0x1: {  	s17 =	rddreg [dreg:$0x0]  }
0x2: {  	s18 =	rddreg [dreg:$0x1]  }
0x3: {  	s6 =	rddreg [dreg:$0x2]  }
0x4: {  	s1 =	srdreg.scid;
	s0 =	stileid.u32  }
0x5: {  	s2 =	rddreg [dreg:$0x3];
	s4 =	smul.u32 $0x280, s0  }
0x6: {  	s3 =	simm.s32 $0x0;
	s23 =	simm.s32 $0x1;
	s8 =	smul.u32 $0x50000, s0  }
0x7: {  	s14 =	sand.u32 $0x1, s1;
	s1 =	rddreg [dreg:$0x4];
	s19 =	smul.u32 $0x4E2, s0  }
0x8: {  	s24 =	simm.s32 $0x0;
	[smem:$0x7FF] =	sst s3;
	s5 =	smul.u32 $0x2800, s14  }
0x9: {  	_ =	strace $0x80000050;
	s29 =	ssub.s32 $0x2, s14;
	s22 =	smul.u32 $0x5000, s14  }
0xa: {  	s30 =	sshrl.u32 s8, $0x2;
	s31 =	sshrl.u32 s29, $0x1;
	s11 =	sadd.s32 $0x4E2, s19  }
0xb: {  	s20 =	sshrl.u32 s19, $0x4;
	s19 =	sand.u32 $0x7FF0, s19;
	s7 =	sadd.s32 s4, s5  }
0xc: {  	s4 =	sadd.s32 $0xCDC00, s6;
	s5 =	sadd.s32 $0xA5C00, s6;
	s16 =	ssub.s32 s29, s31  }
0xd: {  	s21 =	sshrl.u32 s11, $0x4;
	s18 =	sadd.s32 s22, s18;
	s22 =	sadd.s32 s22, s17  }
0xe: {  	s7 =	sshll.u32 s7, $0x4;
	s16 =	smax.u32 s16, $0x1;
	s17 =	ssub.s32 s21, s20  }
0xf: {  	s18 =	sadd.s32 s19, s18;
	s19 =	sadd.s32 s19, s22;
	p0 =	sle.u32 s21, s20  }
.Ltmp0:
0x10: {  	s20 =	simm.s32 $0x100;
	s21 =	simm.s32 $0x2;
	(pc) =	sbr.rel .LBB2_1-.Ltmp0, $4  }
0x11: {  	s22 =	simm.s32 $0x80;
	s15 =	sadd.s32 s7, s6;
	s6 =	sadd.s32 s30, s2  }
0x12: {  	s7 =	sadd.s32 $0x4000, s6;
	s8 =	sadd.s32 $0x8000, s6;
	s9 =	sadd.s32 $0xC000, s6  }
0x13: {  	s10 =	sadd.s32 $0x10000, s6;
	s11 =	sadd.s32 $0x55C00, s15;
	s12 =	sadd.s32 $0x56400, s15  }
0x14: {  	s13 =	sadd.s32 $0x56C00, s15;
	s14 =	sadd.s32 $0x57400, s15;
	s15 =	sadd.s32 $0x57C00, s15  }
.LBB2_4:
0x15: {  	[sflag:s21] =	ssyncadd.s32 $0xFFFFC000  }
.LBB2_5:
0x16: {  	[bflag:$0x0] =	sbarrier.arrive $0xFFFF  }
0x17: {  	[tilespmem:s20], [sflag:$0x2] =	stream.linear.gather [spmem:s6], $0x4000, $0x38;
	[tilespmem:$0x18100] =	vst v63  }
0x18: {  	_ =	swait.ge [sflag:s21], $0x4000  }
0x19: {  	[sflag:s21] =	ssyncset.done $0x0  }
0x1a: {  	[sflag:s21] =	ssyncadd.s32 $0xFFFFC000  }
0x1b: {  	[hbm4b:s11+s3] =	stream.linear.scatter [tilespmem:s20], [sflag:$0x2], $0x4000, $0x38;
	[tilespmem:$0x18100] =	vst v63  }
0x1c: {  	_ =	swait.ge [sflag:s21], $0x4000  }
0x1d: {  	[sflag:s21] =	ssyncset.done $0x0  }
0x1e: {  	[sflag:s21] =	ssyncadd.s32 $0xFFFFC000  }
0x1f: {  	[tilespmem:s20], [sflag:$0x2] =	stream.linear.gather [spmem:s7], $0x4000, $0x38;
	[tilespmem:$0x18100] =	vst v63  }
0x20: {  	_ =	swait.ge [sflag:s21], $0x4000  }
0x21: {  	[sflag:s21] =	ssyncset.done $0x0  }
0x22: {  	[sflag:s21] =	ssyncadd.s32 $0xFFFFC000  }
0x23: {  	[hbm4b:s12+s3] =	stream.linear.scatter [tilespmem:s20], [sflag:$0x2], $0x4000, $0x38;
	[tilespmem:$0x18100] =	vst v63  }
0x24: {  	_ =	swait.ge [sflag:s21], $0x4000  }
0x25: {  	[sflag:s21] =	ssyncset.done $0x0  }
0x26: {  	[sflag:s21] =	ssyncadd.s32 $0xFFFFC000  }
0x27: {  	[tilespmem:s20], [sflag:$0x2] =	stream.linear.gather [spmem:s8], $0x4000, $0x38;
	[tilespmem:$0x18100] =	vst v63  }
0x28: {  	_ =	swait.ge [sflag:s21], $0x4000  }
0x29: {  	[sflag:s21] =	ssyncset.done $0x0  }
0x2a: {  	[sflag:s21] =	ssyncadd.s32 $0xFFFFC000  }
0x2b: {  	[hbm4b:s13+s3] =	stream.linear.scatter [tilespmem:s20], [sflag:$0x2], $0x4000, $0x38;
	[tilespmem:$0x18100] =	vst v63  }
0x2c: {  	_ =	swait.ge [sflag:s21], $0x4000  }
0x2d: {  	[sflag:s21] =	ssyncset.done $0x0  }
0x2e: {  	[sflag:s21] =	ssyncadd.s32 $0xFFFFC000  }
0x2f: {  	[tilespmem:s20], [sflag:$0x2] =	stream.linear.gather [spmem:s9], $0x4000, $0x38;
	[tilespmem:$0x18100] =	vst v63  }
0x30: {  	_ =	swait.ge [sflag:s21], $0x4000  }
0x31: {  	[sflag:s21] =	ssyncset.done $0x0  }
0x32: {  	[sflag:s21] =	ssyncadd.s32 $0xFFFFC000  }
0x33: {  	[hbm4b:s14+s3] =	stream.linear.scatter [tilespmem:s20], [sflag:$0x2], $0x4000, $0x38;
	[tilespmem:$0x18100] =	vst v63  }
0x34: {  	_ =	swait.ge [sflag:s21], $0x4000  }
0x35: {  	[sflag:s21] =	ssyncset.done $0x0  }
0x36: {  	[sflag:s21] =	ssyncadd.s32 $0xFFFFC000  }
0x37: {  	[tilespmem:s20], [sflag:$0x2] =	stream.linear.gather [spmem:s10], $0x4000, $0x38;
	[tilespmem:$0x18100] =	vst v63  }
0x38: {  	s24 =	sadd.s32 $0x1, s24;
	_ =	swait.ge [sflag:s21], $0x4000  }
0x39: {  	p1 =	sne.s32 s24, s16;
	[sflag:s21] =	ssyncset.done $0x0  }
.Ltmp1:
0x3a: {  	[sflag:s21] =	ssyncadd.s32 $0xFFFFC000;
	(pc) =	sbr.rel @!p1 .LBB2_6-.Ltmp1, $4  }
0x3b: {  	[hbm4b:s15+s3] =	stream.linear.scatter [tilespmem:s20], [sflag:$0x2], $0x4000, $0x38;
	[tilespmem:$0x18100] =	vst v63  }
0x3c: {  	_ =	swait.ge [sflag:s21], $0x4000  }
0x3d: {  	[sflag:s21] =	ssyncset.done $0x0  }
0x3e: {  	[sflag:s21] =	ssyncadd.s32 $0xFFFFC000  }
.LBB2_1:
0x3f: {  	[tilespmem:s20], [sflag:$0x2] =	stream.linear.gather [hbm4b:s5+s3], $0x4000, $0x38;
	[tilespmem:$0x18100] =	vst v63  }
0x40: {  	_ =	swait.ge [sflag:s21], $0x4000  }
0x41: {  	[sflag:s21] =	ssyncset.done $0x0  }
0x42: {  	[sflag:s21] =	ssyncadd.s32 $0xFFFFC000  }
0x43: {  	[spmem:s6] =	stream.linear.scatter [tilespmem:s20], [sflag:$0x2], $0x4000, $0x38;
	[tilespmem:$0x18100] =	vst v63  }
0x44: {  	_ =	swait.ge [sflag:s21], $0x4000  }
0x45: {  	[sflag:s21] =	ssyncset.done $0x0  }
0x46: {  	[sflag:s21] =	ssyncadd.s32 $0xFFFFC000  }
0x47: {  	[spmem:s7] =	stream.linear.scatter [tilespmem:s20], [sflag:$0x2], $0x4000, $0x38;
	[tilespmem:$0x18100] =	vst v63  }
0x48: {  	_ =	swait.ge [sflag:s21], $0x4000  }
0x49: {  	[sflag:s21] =	ssyncset.done $0x0  }
0x4a: {  	[sflag:s21] =	ssyncadd.s32 $0xFFFFC000  }
0x4b: {  	[spmem:s8] =	stream.linear.scatter [tilespmem:s20], [sflag:$0x2], $0x4000, $0x38;
	[tilespmem:$0x18100] =	vst v63  }
0x4c: {  	_ =	swait.ge [sflag:s21], $0x4000  }
0x4d: {  	[sflag:s21] =	ssyncset.done $0x0  }
0x4e: {  	[sflag:s21] =	ssyncadd.s32 $0xFFFFC000  }
0x4f: {  	[spmem:s9] =	stream.linear.scatter [tilespmem:s20], [sflag:$0x2], $0x4000, $0x38;
	[tilespmem:$0x18100] =	vst v63  }
0x50: {  	_ =	swait.ge [sflag:s21], $0x4000  }
0x51: {  	[sflag:s21] =	ssyncset.done $0x0  }
0x52: {  	[sflag:s21] =	ssyncadd.s32 $0xFFFFC000  }
0x53: {  	[spmem:s10] =	stream.linear.scatter [tilespmem:s20], [sflag:$0x2], $0x4000, $0x38;
	[tilespmem:$0x18100] =	vst v63  }
.Ltmp2:
0x54: {  	_ =	swait.ge [sflag:s21], $0x4000;
	(pc) =	sbr.rel @p0 .LBB2_5-.Ltmp2, $3  }
0x55: {  	[sflag:s21] =	ssyncset.done $0x0  }
0x56: {  	[sflag:s21] =	ssyncadd.s32 $0xFFFFC000  }
0x57: {  	[bflag:$0x0] =	sbarrier.arrive $0xFFFF;
	_ =	sdelay $0x1  }
0x58: {  	[tilespmem:s3], [sflag:$0x2] =	stream.linear.gather [hbm4b:s19+s3], $0x80, $0x38;
	[tilespmem:$0x18100] =	vst v63  }
0x59: {  	_ =	swait.ge [sflag:s21], $0x80  }
0x5a: {  	[sflag:s21] =	ssyncset.done $0x0  }
0x5b: {  	[sflag:s21] =	ssyncadd.s32 $0xFFFFFF80  }
0x5c: {  	[tilespmem:s22], [sflag:$0x2] =	stream.linear.gather [hbm4b:s18+s3], $0x80, $0x38;
	[tilespmem:$0x18100] =	vst v63  }
0x5d: {  	_ =	swait.ge [sflag:s21], $0x80  }
0x5e: {  	[sflag:s21] =	ssyncset.done $0x0  }
0x5f: {  	[sflag:s21] =	ssyncadd.s32 $0xFFFFFF80  }
0x60: {  	[tilespmem:s20], [sflag:$0x1] =	stream.indirect.gather [hbm4b:s4+s22], $0x80, s3, s22, $0xb8;
	[tilespmem:$0x18100] =	vst v63  }
0x61: {  	p1 =	sne.s32 s17, $0x1;
	_ =	swait.ge [sflag:s23], $0x4000  }
.Ltmp3:
0x62: {  	[sflag:s23] =	ssyncset.done $0x0;
	(pc) =	sbr.rel @!p1 .LBB2_4-.Ltmp3, $4  }
0x63: {  	[sflag:s23] =	ssyncadd.s32 $0xFFFFC000  }
0x64: {  	[spmem:s2] =	stream.indirect.scatter.add.f32 [tilespmem:s20], [sflag:$0x2], $0x80, s22, s22, $0xb8;
	[tilespmem:$0x18100] =	vst v63  }
0x65: {  	s25 =	sadd.s32 $0xFFFFFFFF, s17;
	_ =	swait.ge [sflag:s21], $0x4000  }
0x66: {  	s26 =	smov.u32 s18;
	s28 =	smov.u32 s19;
	[sflag:s21] =	ssyncset.done $0x0  }
.LBB2_3:
0x67: {  	[sflag:s21] =	ssyncadd.s32 $0xFFFFC000;
	s26 =	sadd.s32 $0x10, s26;
	s28 =	sadd.s32 $0x10, s28  }
0x68: {  	[tilespmem:s3], [sflag:$0x2] =	stream.linear.gather [hbm4b:s28+s3], $0x80, $0x38;
	[tilespmem:$0x18100] =	vst v63  }
0x69: {  	p1 =	sne.s32 s25, $0x1;
	s25 =	sadd.s32 $0xFFFFFFFF, s25;
	_ =	swait.ge [sflag:s21], $0x80  }
0x6a: {  	[sflag:s21] =	ssyncset.done $0x0  }
0x6b: {  	[sflag:s21] =	ssyncadd.s32 $0xFFFFFF80  }
0x6c: {  	[tilespmem:s22], [sflag:$0x2] =	stream.linear.gather [hbm4b:s26+s3], $0x80, $0x38;
	[tilespmem:$0x18100] =	vst v63  }
0x6d: {  	_ =	swait.ge [sflag:s21], $0x80  }
0x6e: {  	[sflag:s21] =	ssyncset.done $0x0  }
0x6f: {  	[sflag:s21] =	ssyncadd.s32 $0xFFFFFF80  }
0x70: {  	[tilespmem:s20], [sflag:$0x1] =	stream.indirect.gather [hbm4b:s4+s22], $0x80, s3, s22, $0xb8;
	[tilespmem:$0x18100] =	vst v63  }
0x71: {  	_ =	swait.ge [sflag:s23], $0x4000  }
.Ltmp4:
0x72: {  	[sflag:s23] =	ssyncset.done $0x0;
	(pc) =	sbr.rel @p1 .LBB2_3-.Ltmp4, $4  }
0x73: {  	[sflag:s23] =	ssyncadd.s32 $0xFFFFC000  }
0x74: {  	[spmem:s2] =	stream.indirect.scatter.add.f32 [tilespmem:s20], [sflag:$0x2], $0x80, s22, s22, $0xb8;
	[tilespmem:$0x18100] =	vst v63  }
0x75: {  	_ =	swait.ge [sflag:s21], $0x4000  }
0x76: {  	[sflag:s21] =	ssyncset.done $0x0  }
.Ltmp5:
0x77: {  	_ = 	snop;
	(pc) =	sbr.rel .LBB2_4-.Ltmp5, $1  }
0x78: {  	_ =	sdelay $0x3  }
.LBB2_6:
0x79: {  	_ =	sfence.sel $0x180000  }
0x7a: {  	[bflag:$0x0] =	sbarrier.arrive $0xFFFF  }
0x7b: {  	p0 =	sne.s32 s0, $0x0;
	_ =	strace $0x90000050  }
0x7c: {  	s0 =	sadd.s32 @!p0 $0x100000, s1;
	[bflag:$0x2] =	sbarrier.arrive $0xFFFF  }
0x7d: {  	[sflag:s0] =	ssyncadd.tile.s32 @!p0 $0x1;
	_ =	shalt  }
.Lfunc_end2:
_tile_overlayer_lowered:
.L_overlay_start_2:
0x7e: {  	(tag) =	ssettag $0x2  }
0x7f: {  	s0 =	rddreg [dreg:$0x0];
	s2 =	stileid.u32  }
0x80: {  	s1 =	rddreg [dreg:$0x1];
	p0 =	sne.s32 s2, $0x0  }
0x81: {  	s3 =	rddreg [dreg:$0x2];
	[bflag:$0x3] =	sbarrier.arrive $0xFFFF;
	s2 =	simm.s32 @!p0 $0x1C02  }
0x82: {  	[timem:s3], [sflag:s2] =	dma.local @!p0 [hbm:s0], s1  }
0x83: {  	s0 =	simm.s32 @!p0 $0x2  }
0x84: {  	_ =	swait.ge @!p0 [sflag:s0], s1  }
0x85: {  	s1 =	ssub.s32 @!p0 $0x0, s1;
	[sflag:s0] =	ssyncset.done @!p0 $0x0  }
0x86: {  	[sflag:s0] =	ssyncadd.s32 @!p0 s1  }
0x87: {  	[bflag:$0x3] =	sbarrier.arrive $0xFFFF  }
0x88: {  	_ =	shalt  }

</sc_bundles>
